<compile_context>
chip_gen: v7x
topology: tpu7x:2x2x1
jax: 0.10.2.dev20260603
libtpu: 0.0.44.dev20260713+nightly
codegen_flags: <defaults>
</compile_context>

<pallas_src>
import functools

import jax
import jax.numpy as jnp
from jax import lax
from jax.experimental import pallas as pl
from jax.experimental.pallas import tpu as pltpu
from jax.experimental.pallas import tpu_sc as plsc

N_NODES = 10000
N_EDGES = 320000
HID = 128
OUT_DIM = 10
N_LAYER = 3
N_GRAPHS = 128
EPS = 1e-5

NPAD = 10240
NW = 32
RPT = NPAD // 16
EPW = N_EDGES // NW
K = 80
NCH = EPW // K
NST = RPT // K

ROW_BLK = 1000
N_RB = N_NODES // ROW_BLK



@functools.cache
def _make_sc_degree():
    mesh = plsc.VectorSubcoreMesh(core_axis_name="c", subcore_axis_name="s")

    @functools.partial(
        pl.kernel,
        out_type=jax.ShapeDtypeStruct((2 * NPAD,), jnp.float32),
        mesh=mesh,
        scratch_types=[
            pltpu.VMEM((NCH, K), jnp.int32),
            pltpu.VMEM((K,), jnp.float32),
            pltpu.VMEM((RPT,), jnp.float32),
            pltpu.VMEM_SHARED((NPAD,), jnp.float32),
            pltpu.SemaphoreType.DMA,
        ],
    )
    def _sc_degree_impl(ei4_hbm, zeros1_hbm, ones_hbm, out_hbm,
                        dst_a, ones_v, zbuf, acc, sem):
        cid = lax.axis_index("c")
        sid = lax.axis_index("s")
        wid = cid * 16 + sid
        pltpu.sync_copy(ei4_hbm.at[1, wid], dst_a)
        pltpu.sync_copy(zeros1_hbm, zbuf)
        pltpu.sync_copy(zbuf, acc.at[pl.ds(sid * RPT, RPT)])
        pltpu.sync_copy(ones_hbm, ones_v)
        plsc.subcore_barrier()

        def body(j, carry):
            pltpu.async_copy(ones_v, acc.at[dst_a.at[j]], sem, add=True)
            return carry

        lax.fori_loop(0, NCH, body, 0)

        def drain(j, carry):
            pltpu.make_async_copy(ones_v, acc.at[dst_a.at[j]], sem).wait()
            return carry

        lax.fori_loop(0, NCH, drain, 0)
        plsc.subcore_barrier()
        pltpu.sync_copy(acc.at[pl.ds(sid * RPT, RPT)], zbuf)
        pltpu.sync_copy(zbuf,
                        out_hbm.at[pl.ds(cid * NPAD + sid * RPT, RPT)])

    return _sc_degree_impl


def _sc_degree(ei4, zeros1, ones_k):
    return _make_sc_degree()(ei4, zeros1, ones_k)


@functools.cache
def _make_sc_scatter():
    mesh = plsc.VectorSubcoreMesh(core_axis_name="c", subcore_axis_name="s")

    @functools.partial(
        pl.kernel,
        out_type=jax.ShapeDtypeStruct((2, NPAD, HID), jnp.float32),
        mesh=mesh,
        scratch_types=[
            pltpu.VMEM((EPW,), jnp.int32),
            pltpu.VMEM((NCH, K), jnp.int32),
            pltpu.VMEM((K, HID), jnp.float32),
            pltpu.VMEM((K, HID), jnp.float32),
            pltpu.VMEM_SHARED((NPAD, HID), jnp.float32),
            pltpu.SemaphoreType.DMA,
            pltpu.SemaphoreType.DMA,
            pltpu.SemaphoreType.DMA,
            pltpu.SemaphoreType.DMA,
        ],
    )
    def _sc_scatter_impl(y_hbm, ei2_hbm, ei4_hbm, zeros_hbm, out_hbm,
                         src_a, dst_a, rows0, rows1, acc,
                         gsem0, gsem1, ssem0, ssem1):
        cid = lax.axis_index("c")
        sid = lax.axis_index("s")
        wid = cid * 16 + sid
        pltpu.sync_copy(ei2_hbm.at[0, wid], src_a)
        pltpu.sync_copy(ei4_hbm.at[1, wid], dst_a)
        @pl.when(cid == 0)
        def _():
            for t in range(NST):
                r = pl.ds(sid * RPT + t * K, K)
                pltpu.sync_copy(y_hbm.at[r], rows0)
                pltpu.sync_copy(rows0, acc.at[r])

        @pl.when(cid == 1)
        def _():
            pltpu.sync_copy(zeros_hbm, rows0)
            for t in range(NST):
                pltpu.sync_copy(rows0, acc.at[pl.ds(sid * RPT + t * K, K)])

        plsc.subcore_barrier()

        def g(j, buf, sem):
            pltpu.async_copy(y_hbm.at[src_a.at[pl.ds(j * K, K)]], buf, sem)

        def gwait(j, buf, sem):
            pltpu.make_async_copy(y_hbm.at[src_a.at[pl.ds(j * K, K)]],
                                  buf, sem).wait()

        g(0, rows0, gsem0)

        def body(t, carry):
            j0 = 2 * t
            g(j0 + 1, rows1, gsem1)
            gwait(j0, rows0, gsem0)
            pltpu.sync_copy(rows0, acc.at[dst_a.at[j0]], add=True)
            g(j0 + 2, rows0, gsem0)
            gwait(j0 + 1, rows1, gsem1)
            pltpu.sync_copy(rows1, acc.at[dst_a.at[j0 + 1]], add=True)
            return carry

        lax.fori_loop(0, (NCH - 1) // 2, body, 0)
        gwait(NCH - 1, rows0, gsem0)
        pltpu.sync_copy(rows0, acc.at[dst_a.at[NCH - 1]], add=True)

        plsc.subcore_barrier()
        for t in range(NST):
            pltpu.sync_copy(acc.at[pl.ds(sid * RPT + t * K, K)], rows0)
            pltpu.sync_copy(rows0,
                            out_hbm.at[cid, pl.ds(sid * RPT + t * K, K)])

    return _sc_scatter_impl


def _sc_scatter(y, ei2, ei4, zeros2):
    return _make_sc_scatter()(y, ei2, ei4, zeros2)



def _t1_body(deg0, deg1, x, W_emb, b_emb, Wc0, h0_ref, y_ref, dinv_ref):
    d0 = deg0[...].reshape(ROW_BLK, 1)
    d1 = deg1[...].reshape(ROW_BLK, 1)
    dinv = lax.rsqrt(d0 + d1 + 1.0)
    h0 = jnp.dot(x[...], W_emb[...],
                 preferred_element_type=jnp.float32) + b_emb[...]
    h0_ref[...] = h0
    y_ref[...] = jnp.dot(h0, Wc0[...],
                         preferred_element_type=jnp.float32) * dinv
    dinv_ref[...] = dinv


def _tc_embed(deg3, x, W_emb, b_emb, Wc0):
    rb = lambda i: (i, 0)
    cb = lambda i: (0, 0)
    return pl.pallas_call(
        _t1_body,
        grid=(N_RB,),
        in_specs=[
            pl.BlockSpec((1, ROW_BLK, 1), lambda i: (0, i, 0)),
            pl.BlockSpec((1, ROW_BLK, 1), lambda i: (1, i, 0)),
            pl.BlockSpec((ROW_BLK, HID), rb),
            pl.BlockSpec((HID, HID), cb),
            pl.BlockSpec((1, HID), cb),
            pl.BlockSpec((HID, HID), cb),
        ],
        out_specs=[
            pl.BlockSpec((ROW_BLK, HID), rb),
            pl.BlockSpec((ROW_BLK, HID), rb),
            pl.BlockSpec((ROW_BLK, 1), rb),
        ],
        out_shape=[
            jax.ShapeDtypeStruct((N_NODES, HID), jnp.float32),
            jax.ShapeDtypeStruct((NPAD, HID), jnp.float32),
            jax.ShapeDtypeStruct((N_NODES, 1), jnp.float32),
        ],
    )(deg3, deg3, x, W_emb, b_emb, Wc0)


def _bn_relu_res(s, stats, g, b, h_old):
    n = jnp.float32(N_NODES)
    mu = stats[0:1, :] / n
    var = stats[1:2, :] / n - mu * mu
    z = g * (s - mu) * lax.rsqrt(var + EPS) + b
    return jnp.maximum(z, 0.0) + h_old


def _stats_phase(p0, p1, dinv, bci, s_buf, stats, i):
    @pl.when(i == 0)
    def _():
        stats[...] = jnp.zeros_like(stats)

    psum = p0[...].reshape(ROW_BLK, HID) + p1[...].reshape(ROW_BLK, HID)
    s = psum * dinv[...] + bci[...]
    s_buf[pl.ds(i * ROW_BLK, ROW_BLK), :] = s
    stats[0:1, :] += jnp.sum(s, axis=0, keepdims=True)
    stats[1:2, :] += jnp.sum(s * s, axis=0, keepdims=True)


def _postf_body(p0, p1, dinv, bci, g, b, h, Wn,
                h_ref, y_ref, s_buf, stats, h_buf, y_buf, semh, semy):
    ph = pl.program_id(0)
    i = pl.program_id(1)

    @pl.when(ph == 0)
    def _():
        _stats_phase(p0, p1, dinv, bci, s_buf, stats, i)

    @pl.when(ph == 1)
    def _():
        rows = pl.ds(i * ROW_BLK, ROW_BLK)
        s = s_buf[rows, :]
        h_new = _bn_relu_res(s, stats[...], g[...], b[...], h[...])
        h_buf[rows, :] = h_new
        y_buf[rows, :] = jnp.dot(h_new, Wn[...],
                                 preferred_element_type=jnp.float32) * dinv[...]
        pltpu.make_async_copy(h_buf.at[rows, :], h_ref.at[rows, :],
                              semh).start()
        pltpu.make_async_copy(y_buf.at[rows, :], y_ref.at[rows, :],
                              semy).start()

        @pl.when(i == N_RB - 1)
        def _():
            for t in range(N_RB):
                r = pl.ds(t * ROW_BLK, ROW_BLK)
                pltpu.make_async_copy(h_buf.at[r, :], h_ref.at[r, :],
                                      semh).wait()
                pltpu.make_async_copy(y_buf.at[r, :], y_ref.at[r, :],
                                      semy).wait()


def _tc_post(p, dinv, bci, g, b, h, Wn):
    rb = lambda p, i: (i, 0)
    cb = lambda p, i: (0, 0)
    hbm = pltpu.MemorySpace.HBM
    return pl.pallas_call(
        _postf_body,
        grid=(2, N_RB),
        in_specs=[
            pl.BlockSpec((1, ROW_BLK, HID), lambda p, i: (0, i, 0)),
            pl.BlockSpec((1, ROW_BLK, HID), lambda p, i: (1, i, 0)),
            pl.BlockSpec((ROW_BLK, 1), rb),
            pl.BlockSpec((1, HID), cb),
            pl.BlockSpec((1, HID), cb),
            pl.BlockSpec((1, HID), cb),
            pl.BlockSpec((ROW_BLK, HID), rb),
            pl.BlockSpec((HID, HID), cb),
        ],
        out_specs=[
            pl.BlockSpec(memory_space=hbm),
            pl.BlockSpec(memory_space=hbm),
        ],
        out_shape=[
            jax.ShapeDtypeStruct((N_NODES, HID), jnp.float32),
            jax.ShapeDtypeStruct((NPAD, HID), jnp.float32),
        ],
        scratch_shapes=[
            pltpu.VMEM((N_NODES, HID), jnp.float32),
            pltpu.VMEM((8, HID), jnp.float32),
            pltpu.VMEM((N_NODES, HID), jnp.float32),
            pltpu.VMEM((N_NODES, HID), jnp.float32),
            pltpu.SemaphoreType.DMA,
            pltpu.SemaphoreType.DMA,
        ],
    )(p, p, dinv, bci, g, b, h, Wn)


def _poolf_body(p0, p1, dinv, bci, g, b, h, batch, W1, b1, W2, b2, W3, b3,
                out_ref, s_buf, stats, sums_acc, cnt_acc):
    ph = pl.program_id(0)
    i = pl.program_id(1)

    @pl.when(ph == 0)
    def _():
        _stats_phase(p0, p1, dinv, bci, s_buf, stats, i)

    @pl.when(ph == 1)
    def _():
        @pl.when(i == 0)
        def _():
            sums_acc[...] = jnp.zeros_like(sums_acc)
            cnt_acc[...] = jnp.zeros_like(cnt_acc)

        s = s_buf[pl.ds(i * ROW_BLK, ROW_BLK), :]
        h_new = _bn_relu_res(s, stats[...], g[...], b[...], h[...])
        blane = batch[...].reshape(1, ROW_BLK)
        gids = lax.broadcasted_iota(jnp.int32, (N_GRAPHS, ROW_BLK), 0)
        onehot_t = (blane == gids).astype(jnp.float32)
        sums_acc[...] += lax.dot_general(
            onehot_t, h_new, (((1,), (0,)), ((), ())),
            preferred_element_type=jnp.float32)
        ones_col = jnp.ones((ROW_BLK, 1), jnp.float32)
        cnt_acc[...] += lax.dot_general(
            onehot_t, ones_col, (((1,), (0,)), ((), ())),
            preferred_element_type=jnp.float32)

        @pl.when(i == N_RB - 1)
        def _():
            pooled = sums_acc[...] / jnp.maximum(cnt_acc[...], 1.0)
            o = jnp.maximum(
                jnp.dot(pooled, W1[...],
                        preferred_element_type=jnp.float32) + b1[...], 0.0)
            o = jnp.maximum(
                jnp.dot(o, W2[...],
                        preferred_element_type=jnp.float32) + b2[...], 0.0)
            out_ref[...] = jnp.dot(o, W3[...],
                                   preferred_element_type=jnp.float32) + b3[...]


def _tc_pool(p, dinv, bci, g, b, h, batch,
             W1, b1, W2, b2, W3, b3):
    rb = lambda p, i: (i, 0)
    cb = lambda p, i: (0, 0)
    return pl.pallas_call(
        _poolf_body,
        grid=(2, N_RB),
        in_specs=[
            pl.BlockSpec((1, ROW_BLK, HID), lambda p, i: (0, i, 0)),
            pl.BlockSpec((1, ROW_BLK, HID), lambda p, i: (1, i, 0)),
            pl.BlockSpec((ROW_BLK, 1), rb),
            pl.BlockSpec((1, HID), cb),
            pl.BlockSpec((1, HID), cb),
            pl.BlockSpec((1, HID), cb),
            pl.BlockSpec((ROW_BLK, HID), rb),
            pl.BlockSpec((1, 1, ROW_BLK), lambda p, i: (i, 0, 0)),
            pl.BlockSpec((HID, HID), cb),
            pl.BlockSpec((1, HID), cb),
            pl.BlockSpec((HID, HID), cb),
            pl.BlockSpec((1, HID), cb),
            pl.BlockSpec((HID, OUT_DIM), cb),
            pl.BlockSpec((1, OUT_DIM), cb),
        ],
        out_specs=pl.BlockSpec((N_GRAPHS, OUT_DIM), cb),
        out_shape=jax.ShapeDtypeStruct((N_GRAPHS, OUT_DIM), jnp.float32),
        scratch_shapes=[
            pltpu.VMEM((N_NODES, HID), jnp.float32),
            pltpu.VMEM((8, HID), jnp.float32),
            pltpu.VMEM((N_GRAPHS, HID), jnp.float32),
            pltpu.VMEM((N_GRAPHS, 1), jnp.float32),
        ],
    )(p, p, dinv, bci, g, b, h, batch, W1, b1, W2, b2, W3, b3)



def kernel(x, edge_index, cycle_index, batch, W_emb, b_emb, Wc, bc,
           gamma, beta, W1, b1, W2, b2, W3, b3):
    del cycle_index
    ei2 = edge_index.reshape(2, NW, EPW)
    ei4 = edge_index.reshape(2, NW, NCH, K)
    zeros2 = jnp.zeros((K, HID), jnp.float32)
    zeros1 = jnp.zeros((RPT,), jnp.float32)
    ones_k = jnp.ones((K,), jnp.float32)

    deg_p = _sc_degree(ei4, zeros1, ones_k)

    h, y, dinv = _tc_embed(deg_p.reshape(2, NPAD, 1), x, W_emb,
                           b_emb.reshape(1, HID), Wc[0])

    batch3 = batch.reshape(N_RB, 1, ROW_BLK)
    for i in range(N_LAYER):
        p = _sc_scatter(y, ei2, ei4, zeros2)
        bci = bc[i].reshape(1, HID)
        gi = gamma[i].reshape(1, HID)
        bi = beta[i].reshape(1, HID)
        if i < N_LAYER - 1:
            h, y = _tc_post(p, dinv, bci, gi, bi, h, Wc[i + 1])
        else:
            out = _tc_pool(p, dinv, bci, gi, bi, h, batch3,
                           W1, b1.reshape(1, HID), W2, b2.reshape(1, HID),
                           W3, b3.reshape(1, OUT_DIM))
    return out

# --- scband reference (transcript-rebuilt; emitter-appended) ---
"""Pipeline reference for scband-gcn-30039001268365 (READ-ONLY COPY).

The authoritative reference and input builder live on the scoring server;
editing this copy changes nothing except your own understanding.
"""

import jax, jax.numpy as jnp
import numpy as np

N_NODES = 10000
N_EDGES = 320000
HID = 128
IN_DIM = 128
OUT_DIM = 10
N_LAYER = 3
N_GRAPHS = 128


def setup_inputs(seed: int = 0) -> dict:
    key = jax.random.key(seed)
    ks = jax.random.split(key, 32)
    inp = {}
    inp['x'] = jax.random.normal(ks[0], (N_NODES, IN_DIM), dtype=jnp.float32)
    inp['edge_index'] = jax.random.randint(ks[1], (2, N_EDGES), 0, N_NODES, dtype=jnp.int64 if jax.config.jax_enable_x64 else jnp.int32).astype(jnp.int32)
    inp['cycle_index'] = jax.random.randint(ks[2], (2, 1024), 0, N_NODES).astype(jnp.int32)
    inp['batch'] = jnp.sort(jax.random.randint(ks[3], (N_NODES,), 0, N_GRAPHS)).astype(jnp.int32)
    s = 1.0 / np.sqrt(HID)
    inp['W_emb'] = jax.random.uniform(ks[4], (IN_DIM, HID), minval=-s, maxval=s, dtype=jnp.float32)
    inp['b_emb'] = jnp.zeros((HID,), jnp.float32)
    inp['Wc'] = jax.random.uniform(ks[5], (N_LAYER, HID, HID), minval=-s, maxval=s, dtype=jnp.float32)
    inp['bc'] = jnp.zeros((N_LAYER, HID), jnp.float32)
    inp['gamma'] = jnp.ones((N_LAYER, HID), jnp.float32)
    inp['beta'] = jnp.zeros((N_LAYER, HID), jnp.float32)
    inp['W1'] = jax.random.uniform(ks[6], (HID, HID), minval=-s, maxval=s, dtype=jnp.float32)
    inp['b1'] = jnp.zeros((HID,), jnp.float32)
    inp['W2'] = jax.random.uniform(ks[7], (HID, HID), minval=-s, maxval=s, dtype=jnp.float32)
    inp['b2'] = jnp.zeros((HID,), jnp.float32)
    inp['W3'] = jax.random.uniform(ks[8], (HID, OUT_DIM), minval=-s, maxval=s, dtype=jnp.float32)
    inp['b3'] = jnp.zeros((OUT_DIM,), jnp.float32)
    return inp


def _gcn_conv(x, src, dst, W, b, n):
    xw = x @ W
    deg = jnp.zeros((n,), x.dtype).at[dst].add(1.0)
    dinv = jnp.where(deg > 0, deg ** -0.5, 0.0)
    norm = dinv[src] * dinv[dst]
    msg = xw[src] * norm[:, None]
    out = jnp.zeros_like(xw).at[dst].add(msg)
    return out + b


def _bn(h, g, bta):
    mu = jnp.mean(h, axis=0)
    var = jnp.mean((h - mu) ** 2, axis=0)
    return g * (h - mu) / jnp.sqrt(var + 1e-5) + bta


def reference(x, edge_index, cycle_index, batch, W_emb, b_emb, Wc, bc, gamma, beta, W1, b1, W2, b2, W3, b3):
    n = x.shape[0]
    loop = jnp.arange(n, dtype=edge_index.dtype)
    src = jnp.concatenate([edge_index[0], loop])
    dst = jnp.concatenate([edge_index[1], loop])
    h = x @ W_emb + b_emb  # emb; dropout(p=0) is identity
    for i in range(N_LAYER):
        xa = jax.nn.relu(_bn(_gcn_conv(h, src, dst, Wc[i], bc[i], n), gamma[i], beta[i]))
        h = xa + h  # dropout2(p=0) is identity
    sums = jax.ops.segment_sum(h, batch, num_segments=N_GRAPHS)
    cnt = jax.ops.segment_sum(jnp.ones((n,), h.dtype), batch, num_segments=N_GRAPHS)
    pooled = sums / jnp.clip(cnt, 1.0)[:, None]
    out = jax.nn.relu(pooled @ W1 + b1)
    out = jax.nn.relu(out @ W2 + b2)
    out = out @ W3 + b3
    return out

if __name__ == "__main__":
    import jax
    _d = setup_inputs()
    print(jax.jit(kernel)(*tuple(_d.values())))

</pallas_src>

<mosaic_0001>
#map = affine_map<(d0, d1) -> (0, 0, 0, 0)>
#map1 = affine_map<(d0, d1) -> (0)>
module attributes {stable_mosaic.version = 14 : i64} {
  func.func @_sc_degree_impl(%arg0: i32, %arg1: i32, %arg2: memref<2x32x125x80xi32, #tpu.memory_space<hbm>>, %arg3: memref<640xf32, #tpu.memory_space<hbm>>, %arg4: memref<80xf32, #tpu.memory_space<hbm>>, %arg5: memref<20480xf32, #tpu.memory_space<hbm>>, %arg6: memref<125x80xi32, #tpu.memory_space<vmem>>, %arg7: memref<80xf32, #tpu.memory_space<vmem>>, %arg8: memref<640xf32, #tpu.memory_space<vmem>>, %arg9: memref<10240xf32, #tpu.memory_space<vmem_shared>>, %arg10: memref<!tpu.dma_semaphore, #tpu.memory_space<semaphore_mem>>) attributes {dimension_semantics = [#tpu.dimension_semantics<core_parallel>, #tpu.dimension_semantics<subcore_parallel>], iteration_bounds = array<i64: 2, 16>, scalar_prefetch = 0 : i64, scratch_operands = 5 : i64, tpu.core_type = #tpu.core_type<sc_vector_subcore>, window_params = [{transform_indices = #map}, {transform_indices = #map1}, {transform_indices = #map1}, {transform_indices = #map1}]} {
    %mul3A = arith.constant 16 : i32
    %mul3A_0 = arith.muli %arg0, %mul3A : i32
    %add3A = arith.addi %mul3A_0, %arg1 : i32
    %run_scoped3A = arith.constant 1 : i32
    "tpu.region"() ({
      %run_scoped3A_22 = tpu.sem_alloc : memref<!tpu.dma_semaphore, #tpu.memory_space<semaphore_mem>>
      %dma_start3A = arith.constant 0 : i32
      %dma_start3A_23 = arith.constant 0 : i32
      %dma_start3A_24 = tpu.memref_slice %arg2[%run_scoped3A, %add3A, %dma_start3A, %dma_start3A_23] : memref<2x32x125x80xi32, #tpu.memory_space<hbm>> -> memref<1x1x125x80xi32, #tpu.memory_space<hbm>>
      %dma_start3A_25 = tpu.memref_squeeze %dma_start3A_24 : memref<1x1x125x80xi32, #tpu.memory_space<hbm>> -> memref<125x80xi32, #tpu.memory_space<hbm>>
      %dma_start3A_26 = arith.constant 0 : i32
      %dma_start3A_27 = arith.constant 0 : i32
      %dma_start3A_28 = tpu.memref_slice %arg2[%run_scoped3A, %add3A, %dma_start3A_26, %dma_start3A_27] : memref<2x32x125x80xi32, #tpu.memory_space<hbm>> -> memref<1x1x125x80xi32, #tpu.memory_space<hbm>>
      %dma_start3A_29 = tpu.memref_squeeze %dma_start3A_28 : memref<1x1x125x80xi32, #tpu.memory_space<hbm>> -> memref<125x80xi32, #tpu.memory_space<hbm>>
      tpu.enqueue_dma source(%dma_start3A_29 : memref<125x80xi32, #tpu.memory_space<hbm>>) target(%arg6 : memref<125x80xi32, #tpu.memory_space<vmem>>) target_semaphore(%run_scoped3A_22 : memref<!tpu.dma_semaphore, #tpu.memory_space<semaphore_mem>>)
      %dma_wait3A = arith.constant 0 : i32
      %dma_wait3A_30 = arith.constant 0 : i32
      %dma_wait3A_31 = tpu.memref_slice %arg2[%run_scoped3A, %add3A, %dma_wait3A, %dma_wait3A_30] : memref<2x32x125x80xi32, #tpu.memory_space<hbm>> -> memref<1x1x125x80xi32, #tpu.memory_space<hbm>>
      %dma_wait3A_32 = tpu.memref_squeeze %dma_wait3A_31 : memref<1x1x125x80xi32, #tpu.memory_space<hbm>> -> memref<125x80xi32, #tpu.memory_space<hbm>>
      %dma_wait3A_33 = arith.constant 0 : i32
      %dma_wait3A_34 = arith.constant 0 : i32
      %dma_wait3A_35 = tpu.memref_slice %arg2[%run_scoped3A, %add3A, %dma_wait3A_33, %dma_wait3A_34] : memref<2x32x125x80xi32, #tpu.memory_space<hbm>> -> memref<1x1x125x80xi32, #tpu.memory_space<hbm>>
      %dma_wait3A_36 = tpu.memref_squeeze %dma_wait3A_35 : memref<1x1x125x80xi32, #tpu.memory_space<hbm>> -> memref<125x80xi32, #tpu.memory_space<hbm>>
      tpu.wait_dma2 semaphore(%run_scoped3A_22 : memref<!tpu.dma_semaphore, #tpu.memory_space<semaphore_mem>>) src(%dma_wait3A_36 : memref<125x80xi32, #tpu.memory_space<hbm>>) dst(%arg6 : memref<125x80xi32, #tpu.memory_space<vmem>>)
      tpu.yield
    }) : () -> ()
    "tpu.region"() ({
      %run_scoped3A_22 = tpu.sem_alloc : memref<!tpu.dma_semaphore, #tpu.memory_space<semaphore_mem>>
      tpu.enqueue_dma source(%arg3 : memref<640xf32, #tpu.memory_space<hbm>>) target(%arg8 : memref<640xf32, #tpu.memory_space<vmem>>) target_semaphore(%run_scoped3A_22 : memref<!tpu.dma_semaphore, #tpu.memory_space<semaphore_mem>>)
      tpu.wait_dma2 semaphore(%run_scoped3A_22 : memref<!tpu.dma_semaphore, #tpu.memory_space<semaphore_mem>>) src(%arg3 : memref<640xf32, #tpu.memory_space<hbm>>) dst(%arg8 : memref<640xf32, #tpu.memory_space<vmem>>)
      tpu.yield
    }) : () -> ()
    %mul3A_1 = arith.constant 640 : i32
    %mul3A_2 = arith.muli %arg1, %mul3A_1 : i32
    "tpu.region"() ({
      %run_scoped3A_22 = tpu.sem_alloc : memref<!tpu.dma_semaphore, #tpu.memory_space<semaphore_mem>>
      %dma_start3A = tpu.memref_slice %arg9[%mul3A_2] : memref<10240xf32, #tpu.memory_space<vmem_shared>> -> memref<640xf32, #tpu.memory_space<vmem_shared>>
      %dma_start3A_23 = tpu.memref_slice %arg9[%mul3A_2] : memref<10240xf32, #tpu.memory_space<vmem_shared>> -> memref<640xf32, #tpu.memory_space<vmem_shared>>
      tpu.enqueue_dma source(%arg8 : memref<640xf32, #tpu.memory_space<vmem>>) target(%dma_start3A_23 : memref<640xf32, #tpu.memory_space<vmem_shared>>) target_semaphore(%run_scoped3A_22 : memref<!tpu.dma_semaphore, #tpu.memory_space<semaphore_mem>>)
      %dma_wait3A = tpu.memref_slice %arg9[%mul3A_2] : memref<10240xf32, #tpu.memory_space<vmem_shared>> -> memref<640xf32, #tpu.memory_space<vmem_shared>>
      %dma_wait3A_24 = tpu.memref_slice %arg9[%mul3A_2] : memref<10240xf32, #tpu.memory_space<vmem_shared>> -> memref<640xf32, #tpu.memory_space<vmem_shared>>
      tpu.wait_dma2 semaphore(%run_scoped3A_22 : memref<!tpu.dma_semaphore, #tpu.memory_space<semaphore_mem>>) src(%arg8 : memref<640xf32, #tpu.memory_space<vmem>>) dst(%dma_wait3A_24 : memref<640xf32, #tpu.memory_space<vmem_shared>>)
      tpu.yield
    }) : () -> ()
    "tpu.region"() ({
      %run_scoped3A_22 = tpu.sem_alloc : memref<!tpu.dma_semaphore, #tpu.memory_space<semaphore_mem>>
      tpu.enqueue_dma source(%arg4 : memref<80xf32, #tpu.memory_space<hbm>>) target(%arg7 : memref<80xf32, #tpu.memory_space<vmem>>) target_semaphore(%run_scoped3A_22 : memref<!tpu.dma_semaphore, #tpu.memory_space<semaphore_mem>>)
      tpu.wait_dma2 semaphore(%run_scoped3A_22 : memref<!tpu.dma_semaphore, #tpu.memory_space<semaphore_mem>>) src(%arg4 : memref<80xf32, #tpu.memory_space<hbm>>) dst(%arg7 : memref<80xf32, #tpu.memory_space<vmem>>)
      tpu.yield
    }) : () -> ()
    %barrier3A = arith.constant 0 : index
    tpu.barrier barrier_id(%barrier3A)
    %scan3A = arith.constant 0 : i32
    %scan3A_3 = arith.constant 0 : i32
    %scan3A_4 = arith.constant 125 : i32
    %scan3A_5 = arith.addi %scan3A_3, %scan3A_4 : i32
    %scan3A_6 = arith.constant 1 : i32
    scf.for %scan3A_22 = %scan3A_3 to %scan3A_5 step %scan3A_6  : i32 {
      %dma_start3A = arith.constant 0 : i32
      %dma_start3A_23 = tpu.memref_slice %arg6[%scan3A_22, %dma_start3A] : memref<125x80xi32, #tpu.memory_space<vmem>> -> memref<1x80xi32, #tpu.memory_space<vmem>>
      %dma_start3A_24 = tpu.memref_squeeze %dma_start3A_23 : memref<1x80xi32, #tpu.memory_space<vmem>> -> memref<80xi32, #tpu.memory_space<vmem>>
      %dma_start3A_25 = arith.constant 0 : i32
      %dma_start3A_26 = tpu.memref_slice %arg9[%dma_start3A_25] : memref<10240xf32, #tpu.memory_space<vmem_shared>> -> memref<10240xf32, #tpu.memory_space<vmem_shared>>
      tpu.enqueue_indirect_dma source(%arg7 : memref<80xf32, #tpu.memory_space<vmem>>) target(%dma_start3A_26 : memref<10240xf32, #tpu.memory_space<vmem_shared>>) offsets(%dma_start3A_24 : memref<80xi32, #tpu.memory_space<vmem>>) semaphore(%arg10 : memref<!tpu.dma_semaphore, #tpu.memory_space<semaphore_mem>>) {add = true}
    }
    %scan3A_7 = arith.constant 125 : i32
    %scan3A_8 = arith.constant 0 : i32
    %scan3A_9 = arith.constant 0 : i32
    %scan3A_10 = arith.constant 125 : i32
    %scan3A_11 = arith.addi %scan3A_9, %scan3A_10 : i32
    %scan3A_12 = arith.constant 1 : i32
    scf.for %scan3A_22 = %scan3A_9 to %scan3A_11 step %scan3A_12  : i32 {
      %dma_wait3A = arith.constant 0 : i32
      %dma_wait3A_23 = tpu.memref_slice %arg6[%scan3A_22, %dma_wait3A] : memref<125x80xi32, #tpu.memory_space<vmem>> -> memref<1x80xi32, #tpu.memory_space<vmem>>
      %dma_wait3A_24 = tpu.memref_squeeze %dma_wait3A_23 : memref<1x80xi32, #tpu.memory_space<vmem>> -> memref<80xi32, #tpu.memory_space<vmem>>
      %dma_wait3A_25 = arith.constant 0 : i32
      %dma_wait3A_26 = tpu.memref_slice %arg9[%dma_wait3A_25] : memref<10240xf32, #tpu.memory_space<vmem_shared>> -> memref<10240xf32, #tpu.memory_space<vmem_shared>>
      tpu.wait_indirect_dma semaphore(%arg10 : memref<!tpu.dma_semaphore, #tpu.memory_space<semaphore_mem>>) src(%arg7 : memref<80xf32, #tpu.memory_space<vmem>>) dst(%dma_wait3A_26 : memref<10240xf32, #tpu.memory_space<vmem_shared>>)
    }
    %scan3A_13 = arith.constant 125 : i32
    %barrier3A_14 = arith.constant 0 : index
    tpu.barrier barrier_id(%barrier3A_14)
    %mul3A_15 = arith.constant 640 : i32
    %mul3A_16 = arith.muli %arg1, %mul3A_15 : i32
    "tpu.region"() ({
      %run_scoped3A_22 = tpu.sem_alloc : memref<!tpu.dma_semaphore, #tpu.memory_space<semaphore_mem>>
      %dma_start3A = tpu.memref_slice %arg9[%mul3A_16] : memref<10240xf32, #tpu.memory_space<vmem_shared>> -> memref<640xf32, #tpu.memory_space<vmem_shared>>
      %dma_start3A_23 = tpu.memref_slice %arg9[%mul3A_16] : memref<10240xf32, #tpu.memory_space<vmem_shared>> -> memref<640xf32, #tpu.memory_space<vmem_shared>>
      tpu.enqueue_dma source(%dma_start3A_23 : memref<640xf32, #tpu.memory_space<vmem_shared>>) target(%arg8 : memref<640xf32, #tpu.memory_space<vmem>>) target_semaphore(%run_scoped3A_22 : memref<!tpu.dma_semaphore, #tpu.memory_space<semaphore_mem>>)
      %dma_wait3A = tpu.memref_slice %arg9[%mul3A_16] : memref<10240xf32, #tpu.memory_space<vmem_shared>> -> memref<640xf32, #tpu.memory_space<vmem_shared>>
      %dma_wait3A_24 = tpu.memref_slice %arg9[%mul3A_16] : memref<10240xf32, #tpu.memory_space<vmem_shared>> -> memref<640xf32, #tpu.memory_space<vmem_shared>>
      tpu.wait_dma2 semaphore(%run_scoped3A_22 : memref<!tpu.dma_semaphore, #tpu.memory_space<semaphore_mem>>) src(%dma_wait3A_24 : memref<640xf32, #tpu.memory_space<vmem_shared>>) dst(%arg8 : memref<640xf32, #tpu.memory_space<vmem>>)
      tpu.yield
    }) : () -> ()
    %mul3A_17 = arith.constant 10240 : i32
    %mul3A_18 = arith.muli %arg0, %mul3A_17 : i32
    %mul3A_19 = arith.constant 640 : i32
    %mul3A_20 = arith.muli %arg1, %mul3A_19 : i32
    %add3A_21 = arith.addi %mul3A_18, %mul3A_20 : i32
    "tpu.region"() ({
      %run_scoped3A_22 = tpu.sem_alloc : memref<!tpu.dma_semaphore, #tpu.memory_space<semaphore_mem>>
      %dma_start3A = tpu.memref_slice %arg5[%add3A_21] : memref<20480xf32, #tpu.memory_space<hbm>> -> memref<640xf32, #tpu.memory_space<hbm>>
      %dma_start3A_23 = tpu.memref_slice %arg5[%add3A_21] : memref<20480xf32, #tpu.memory_space<hbm>> -> memref<640xf32, #tpu.memory_space<hbm>>
      tpu.enqueue_dma source(%arg8 : memref<640xf32, #tpu.memory_space<vmem>>) target(%dma_start3A_23 : memref<640xf32, #tpu.memory_space<hbm>>) target_semaphore(%run_scoped3A_22 : memref<!tpu.dma_semaphore, #tpu.memory_space<semaphore_mem>>)
      %dma_wait3A = tpu.memref_slice %arg5[%add3A_21] : memref<20480xf32, #tpu.memory_space<hbm>> -> memref<640xf32, #tpu.memory_space<hbm>>
      %dma_wait3A_24 = tpu.memref_slice %arg5[%add3A_21] : memref<20480xf32, #tpu.memory_space<hbm>> -> memref<640xf32, #tpu.memory_space<hbm>>
      tpu.wait_dma2 semaphore(%run_scoped3A_22 : memref<!tpu.dma_semaphore, #tpu.memory_space<semaphore_mem>>) src(%arg8 : memref<640xf32, #tpu.memory_space<vmem>>) dst(%dma_wait3A_24 : memref<640xf32, #tpu.memory_space<hbm>>)
      tpu.yield
    }) : () -> ()
    return
  }
}

#map = affine_map<(d0, d1) -> (0, 0)>
#map1 = affine_map<(d0, d1) -> (0, 0, 0)>
#map2 = affine_map<(d0, d1) -> (0, 0, 0, 0)>
module attributes {stable_mosaic.version = 14 : i64} {
  func.func @_sc_scatter_impl(%arg0: i32, %arg1: i32, %arg2: memref<10240x128xf32, #tpu.memory_space<hbm>>, %arg3: memref<2x32x10000xi32, #tpu.memory_space<hbm>>, %arg4: memref<2x32x125x80xi32, #tpu.memory_space<hbm>>, %arg5: memref<80x128xf32, #tpu.memory_space<hbm>>, %arg6: memref<2x10240x128xf32, #tpu.memory_space<hbm>>, %arg7: memref<10000xi32, #tpu.memory_space<vmem>>, %arg8: memref<125x80xi32, #tpu.memory_space<vmem>>, %arg9: memref<80x128xf32, #tpu.memory_space<vmem>>, %arg10: memref<80x128xf32, #tpu.memory_space<vmem>>, %arg11: memref<10240x128xf32, #tpu.memory_space<vmem_shared>>, %arg12: memref<!tpu.dma_semaphore, #tpu.memory_space<semaphore_mem>>, %arg13: memref<!tpu.dma_semaphore, #tpu.memory_space<semaphore_mem>>, %arg14: memref<!tpu.dma_semaphore, #tpu.memory_space<semaphore_mem>>, %arg15: memref<!tpu.dma_semaphore, #tpu.memory_space<semaphore_mem>>) attributes {dimension_semantics = [#tpu.dimension_semantics<core_parallel>, #tpu.dimension_semantics<subcore_parallel>], iteration_bounds = array<i64: 2, 16>, scalar_prefetch = 0 : i64, scratch_operands = 9 : i64, tpu.core_type = #tpu.core_type<sc_vector_subcore>, window_params = [{transform_indices = #map}, {transform_indices = #map1}, {transform_indices = #map2}, {transform_indices = #map}, {transform_indices = #map1}]} {
    %mul3A = arith.constant 16 : i32
    %mul3A_0 = arith.muli %arg0, %mul3A : i32
    %add3A = arith.addi %mul3A_0, %arg1 : i32
    %run_scoped3A = arith.constant 0 : i32
    "tpu.region"() ({
      %run_scoped3A_88 = tpu.sem_alloc : memref<!tpu.dma_semaphore, #tpu.memory_space<semaphore_mem>>
      %dma_start3A_89 = arith.constant 0 : i32
      %dma_start3A_90 = tpu.memref_slice %arg3[%run_scoped3A, %add3A, %dma_start3A_89] : memref<2x32x10000xi32, #tpu.memory_space<hbm>> -> memref<1x1x10000xi32, #tpu.memory_space<hbm>>
      %dma_start3A_91 = tpu.memref_squeeze %dma_start3A_90 : memref<1x1x10000xi32, #tpu.memory_space<hbm>> -> memref<10000xi32, #tpu.memory_space<hbm>>
      %dma_start3A_92 = arith.constant 0 : i32
      %dma_start3A_93 = tpu.memref_slice %arg3[%run_scoped3A, %add3A, %dma_start3A_92] : memref<2x32x10000xi32, #tpu.memory_space<hbm>> -> memref<1x1x10000xi32, #tpu.memory_space<hbm>>
      %dma_start3A_94 = tpu.memref_squeeze %dma_start3A_93 : memref<1x1x10000xi32, #tpu.memory_space<hbm>> -> memref<10000xi32, #tpu.memory_space<hbm>>
      tpu.enqueue_dma source(%dma_start3A_94 : memref<10000xi32, #tpu.memory_space<hbm>>) target(%arg7 : memref<10000xi32, #tpu.memory_space<vmem>>) target_semaphore(%run_scoped3A_88 : memref<!tpu.dma_semaphore, #tpu.memory_space<semaphore_mem>>)
      %dma_wait3A_95 = arith.constant 0 : i32
      %dma_wait3A_96 = tpu.memref_slice %arg3[%run_scoped3A, %add3A, %dma_wait3A_95] : memref<2x32x10000xi32, #tpu.memory_space<hbm>> -> memref<1x1x10000xi32, #tpu.memory_space<hbm>>
      %dma_wait3A_97 = tpu.memref_squeeze %dma_wait3A_96 : memref<1x1x10000xi32, #tpu.memory_space<hbm>> -> memref<10000xi32, #tpu.memory_space<hbm>>
      %dma_wait3A_98 = arith.constant 0 : i32
      %dma_wait3A_99 = tpu.memref_slice %arg3[%run_scoped3A, %add3A, %dma_wait3A_98] : memref<2x32x10000xi32, #tpu.memory_space<hbm>> -> memref<1x1x10000xi32, #tpu.memory_space<hbm>>
      %dma_wait3A_100 = tpu.memref_squeeze %dma_wait3A_99 : memref<1x1x10000xi32, #tpu.memory_space<hbm>> -> memref<10000xi32, #tpu.memory_space<hbm>>
      tpu.wait_dma2 semaphore(%run_scoped3A_88 : memref<!tpu.dma_semaphore, #tpu.memory_space<semaphore_mem>>) src(%dma_wait3A_100 : memref<10000xi32, #tpu.memory_space<hbm>>) dst(%arg7 : memref<10000xi32, #tpu.memory_space<vmem>>)
      tpu.yield
    }) : () -> ()
    %run_scoped3A_1 = arith.constant 1 : i32
    "tpu.region"() ({
      %run_scoped3A_88 = tpu.sem_alloc : memref<!tpu.dma_semaphore, #tpu.memory_space<semaphore_mem>>
      %dma_start3A_89 = arith.constant 0 : i32
      %dma_start3A_90 = arith.constant 0 : i32
      %dma_start3A_91 = tpu.memref_slice %arg4[%run_scoped3A_1, %add3A, %dma_start3A_89, %dma_start3A_90] : memref<2x32x125x80xi32, #tpu.memory_space<hbm>> -> memref<1x1x125x80xi32, #tpu.memory_space<hbm>>
      %dma_start3A_92 = tpu.memref_squeeze %dma_start3A_91 : memref<1x1x125x80xi32, #tpu.memory_space<hbm>> -> memref<125x80xi32, #tpu.memory_space<hbm>>
      %dma_start3A_93 = arith.constant 0 : i32
      %dma_start3A_94 = arith.constant 0 : i32
      %dma_start3A_95 = tpu.memref_slice %arg4[%run_scoped3A_1, %add3A, %dma_start3A_93, %dma_start3A_94] : memref<2x32x125x80xi32, #tpu.memory_space<hbm>> -> memref<1x1x125x80xi32, #tpu.memory_space<hbm>>
      %dma_start3A_96 = tpu.memref_squeeze %dma_start3A_95 : memref<1x1x125x80xi32, #tpu.memory_space<hbm>> -> memref<125x80xi32, #tpu.memory_space<hbm>>
      tpu.enqueue_dma source(%dma_start3A_96 : memref<125x80xi32, #tpu.memory_space<hbm>>) target(%arg8 : memref<125x80xi32, #tpu.memory_space<vmem>>) target_semaphore(%run_scoped3A_88 : memref<!tpu.dma_semaphore, #tpu.memory_space<semaphore_mem>>)
      %dma_wait3A_97 = arith.constant 0 : i32
      %dma_wait3A_98 = arith.constant 0 : i32
      %dma_wait3A_99 = tpu.memref_slice %arg4[%run_scoped3A_1, %add3A, %dma_wait3A_97, %dma_wait3A_98] : memref<2x32x125x80xi32, #tpu.memory_space<hbm>> -> memref<1x1x125x80xi32, #tpu.memory_space<hbm>>
      %dma_wait3A_100 = tpu.memref_squeeze %dma_wait3A_99 : memref<1x1x125x80xi32, #tpu.memory_space<hbm>> -> memref<125x80xi32, #tpu.memory_space<hbm>>
      %dma_wait3A_101 = arith.constant 0 : i32
      %dma_wait3A_102 = arith.constant 0 : i32
      %dma_wait3A_103 = tpu.memref_slice %arg4[%run_scoped3A_1, %add3A, %dma_wait3A_101, %dma_wait3A_102] : memref<2x32x125x80xi32, #tpu.memory_space<hbm>> -> memref<1x1x125x80xi32, #tpu.memory_space<hbm>>
      %dma_wait3A_104 = tpu.memref_squeeze %dma_wait3A_103 : memref<1x1x125x80xi32, #tpu.memory_space<hbm>> -> memref<125x80xi32, #tpu.memory_space<hbm>>
      tpu.wait_dma2 semaphore(%run_scoped3A_88 : memref<!tpu.dma_semaphore, #tpu.memory_space<semaphore_mem>>) src(%dma_wait3A_104 : memref<125x80xi32, #tpu.memory_space<hbm>>) dst(%arg8 : memref<125x80xi32, #tpu.memory_space<vmem>>)
      tpu.yield
    }) : () -> ()
    %eq3A = arith.constant 0 : i32
    %eq3A_2 = arith.cmpi eq, %arg0, %eq3A : i32
    %convert_element_type3A = arith.extui %eq3A_2 : i1 to i32
    %cond3A = arith.constant 0 : i32
    %cond3A_3 = arith.cmpi ne, %convert_element_type3A, %cond3A : i32
    scf.if %cond3A_3 {
      %mul3A_88 = arith.constant 640 : i32
      %mul3A_89 = arith.muli %arg1, %mul3A_88 : i32
      %add3A_90 = arith.constant 0 : i32
      %add3A_91 = arith.addi %mul3A_89, %add3A_90 : i32
      "tpu.region"() ({
        %run_scoped3A_120 = tpu.sem_alloc : memref<!tpu.dma_semaphore, #tpu.memory_space<semaphore_mem>>
        %dma_start3A_121 = arith.constant 0 : i32
        %dma_start3A_122 = tpu.memref_slice %arg2[%add3A_91, %dma_start3A_121] : memref<10240x128xf32, #tpu.memory_space<hbm>> -> memref<80x128xf32, #tpu.memory_space<hbm>>
        %dma_start3A_123 = arith.constant 0 : i32
        %dma_start3A_124 = tpu.memref_slice %arg2[%add3A_91, %dma_start3A_123] : memref<10240x128xf32, #tpu.memory_space<hbm>> -> memref<80x128xf32, #tpu.memory_space<hbm>>
        tpu.enqueue_dma source(%dma_start3A_124 : memref<80x128xf32, #tpu.memory_space<hbm>>) target(%arg9 : memref<80x128xf32, #tpu.memory_space<vmem>>) target_semaphore(%run_scoped3A_120 : memref<!tpu.dma_semaphore, #tpu.memory_space<semaphore_mem>>)
        %dma_wait3A_125 = arith.constant 0 : i32
        %dma_wait3A_126 = tpu.memref_slice %arg2[%add3A_91, %dma_wait3A_125] : memref<10240x128xf32, #tpu.memory_space<hbm>> -> memref<80x128xf32, #tpu.memory_space<hbm>>
        %dma_wait3A_127 = arith.constant 0 : i32
        %dma_wait3A_128 = tpu.memref_slice %arg2[%add3A_91, %dma_wait3A_127] : memref<10240x128xf32, #tpu.memory_space<hbm>> -> memref<80x128xf32, #tpu.memory_space<hbm>>
        tpu.wait_dma2 semaphore(%run_scoped3A_120 : memref<!tpu.dma_semaphore, #tpu.memory_space<semaphore_mem>>) src(%dma_wait3A_128 : memref<80x128xf32, #tpu.memory_space<hbm>>) dst(%arg9 : memref<80x128xf32, #tpu.memory_space<vmem>>)
        tpu.yield
      }) : () -> ()
      "tpu.region"() ({
        %run_scoped3A_120 = tpu.sem_alloc : memref<!tpu.dma_semaphore, #tpu.memory_space<semaphore_mem>>
        %dma_start3A_121 = arith.constant 0 : i32
        %dma_start3A_122 = tpu.memref_slice %arg11[%add3A_91, %dma_start3A_121] : memref<10240x128xf32, #tpu.memory_space<vmem_shared>> -> memref<80x128xf32, #tpu.memory_space<vmem_shared>>
        %dma_start3A_123 = arith.constant 0 : i32
        %dma_start3A_124 = tpu.memref_slice %arg11[%add3A_91, %dma_start3A_123] : memref<10240x128xf32, #tpu.memory_space<vmem_shared>> -> memref<80x128xf32, #tpu.memory_space<vmem_shared>>
        tpu.enqueue_dma source(%arg9 : memref<80x128xf32, #tpu.memory_space<vmem>>) target(%dma_start3A_124 : memref<80x128xf32, #tpu.memory_space<vmem_shared>>) target_semaphore(%run_scoped3A_120 : memref<!tpu.dma_semaphore, #tpu.memory_space<semaphore_mem>>)
        %dma_wait3A_125 = arith.constant 0 : i32
        %dma_wait3A_126 = tpu.memref_slice %arg11[%add3A_91, %dma_wait3A_125] : memref<10240x128xf32, #tpu.memory_space<vmem_shared>> -> memref<80x128xf32, #tpu.memory_space<vmem_shared>>
        %dma_wait3A_127 = arith.constant 0 : i32
        %dma_wait3A_128 = tpu.memref_slice %arg11[%add3A_91, %dma_wait3A_127] : memref<10240x128xf32, #tpu.memory_space<vmem_shared>> -> memref<80x128xf32, #tpu.memory_space<vmem_shared>>
        tpu.wait_dma2 semaphore(%run_scoped3A_120 : memref<!tpu.dma_semaphore, #tpu.memory_space<semaphore_mem>>) src(%arg9 : memref<80x128xf32, #tpu.memory_space<vmem>>) dst(%dma_wait3A_128 : memref<80x128xf32, #tpu.memory_space<vmem_shared>>)
        tpu.yield
      }) : () -> ()
      %mul3A_92 = arith.constant 640 : i32
      %mul3A_93 = arith.muli %arg1, %mul3A_92 : i32
      %add3A_94 = arith.constant 80 : i32
      %add3A_95 = arith.addi %mul3A_93, %add3A_94 : i32
      "tpu.region"() ({
        %run_scoped3A_120 = tpu.sem_alloc : memref<!tpu.dma_semaphore, #tpu.memory_space<semaphore_mem>>
        %dma_start3A_121 = arith.constant 0 : i32
        %dma_start3A_122 = tpu.memref_slice %arg2[%add3A_95, %dma_start3A_121] : memref<10240x128xf32, #tpu.memory_space<hbm>> -> memref<80x128xf32, #tpu.memory_space<hbm>>
        %dma_start3A_123 = arith.constant 0 : i32
        %dma_start3A_124 = tpu.memref_slice %arg2[%add3A_95, %dma_start3A_123] : memref<10240x128xf32, #tpu.memory_space<hbm>> -> memref<80x128xf32, #tpu.memory_space<hbm>>
        tpu.enqueue_dma source(%dma_start3A_124 : memref<80x128xf32, #tpu.memory_space<hbm>>) target(%arg9 : memref<80x128xf32, #tpu.memory_space<vmem>>) target_semaphore(%run_scoped3A_120 : memref<!tpu.dma_semaphore, #tpu.memory_space<semaphore_mem>>)
        %dma_wait3A_125 = arith.constant 0 : i32
        %dma_wait3A_126 = tpu.memref_slice %arg2[%add3A_95, %dma_wait3A_125] : memref<10240x128xf32, #tpu.memory_space<hbm>> -> memref<80x128xf32, #tpu.memory_space<hbm>>
        %dma_wait3A_127 = arith.constant 0 : i32
        %dma_wait3A_128 = tpu.memref_slice %arg2[%add3A_95, %dma_wait3A_127] : memref<10240x128xf32, #tpu.memory_space<hbm>> -> memref<80x128xf32, #tpu.memory_space<hbm>>
        tpu.wait_dma2 semaphore(%run_scoped3A_120 : memref<!tpu.dma_semaphore, #tpu.memory_space<semaphore_mem>>) src(%dma_wait3A_128 : memref<80x128xf32, #tpu.memory_space<hbm>>) dst(%arg9 : memref<80x128xf32, #tpu.memory_space<vmem>>)
        tpu.yield
      }) : () -> ()
      "tpu.region"() ({
        %run_scoped3A_120 = tpu.sem_alloc : memref<!tpu.dma_semaphore, #tpu.memory_space<semaphore_mem>>
        %dma_start3A_121 = arith.constant 0 : i32
        %dma_start3A_122 = tpu.memref_slice %arg11[%add3A_95, %dma_start3A_121] : memref<10240x128xf32, #tpu.memory_space<vmem_shared>> -> memref<80x128xf32, #tpu.memory_space<vmem_shared>>
        %dma_start3A_123 = arith.constant 0 : i32
        %dma_start3A_124 = tpu.memref_slice %arg11[%add3A_95, %dma_start3A_123] : memref<10240x128xf32, #tpu.memory_space<vmem_shared>> -> memref<80x128xf32, #tpu.memory_space<vmem_shared>>
        tpu.enqueue_dma source(%arg9 : memref<80x128xf32, #tpu.memory_space<vmem>>) target(%dma_start3A_124 : memref<80x128xf32, #tpu.memory_space<vmem_shared>>) target_semaphore(%run_scoped3A_120 : memref<!tpu.dma_semaphore, #tpu.memory_space<semaphore_mem>>)
        %dma_wait3A_125 = arith.constant 0 : i32
        %dma_wait3A_126 = tpu.memref_slice %arg11[%add3A_95, %dma_wait3A_125] : memref<10240x128xf32, #tpu.memory_space<vmem_shared>> -> memref<80x128xf32, #tpu.memory_space<vmem_shared>>
        %dma_wait3A_127 = arith.constant 0 : i32
        %dma_wait3A_128 = tpu.memref_slice %arg11[%add3A_95, %dma_wait3A_127] : memref<10240x128xf32, #tpu.memory_space<vmem_shared>> -> memref<80x128xf32, #tpu.memory_space<vmem_shared>>
        tpu.wait_dma2 semaphore(%run_scoped3A_120 : memref<!tpu.dma_semaphore, #tpu.memory_space<semaphore_mem>>) src(%arg9 : memref<80x128xf32, #tpu.memory_space<vmem>>) dst(%dma_wait3A_128 : memref<80x128xf32, #tpu.memory_space<vmem_shared>>)
        tpu.yield
      }) : () -> ()
      %mul3A_96 = arith.constant 640 : i32
      %mul3A_97 = arith.muli %arg1, %mul3A_96 : i32
      %add3A_98 = arith.constant 160 : i32
      %add3A_99 = arith.addi %mul3A_97, %add3A_98 : i32
      "tpu.region"() ({
        %run_scoped3A_120 = tpu.sem_alloc : memref<!tpu.dma_semaphore, #tpu.memory_space<semaphore_mem>>
        %dma_start3A_121 = arith.constant 0 : i32
        %dma_start3A_122 = tpu.memref_slice %arg2[%add3A_99, %dma_start3A_121] : memref<10240x128xf32, #tpu.memory_space<hbm>> -> memref<80x128xf32, #tpu.memory_space<hbm>>
        %dma_start3A_123 = arith.constant 0 : i32
        %dma_start3A_124 = tpu.memref_slice %arg2[%add3A_99, %dma_start3A_123] : memref<10240x128xf32, #tpu.memory_space<hbm>> -> memref<80x128xf32, #tpu.memory_space<hbm>>
        tpu.enqueue_dma source(%dma_start3A_124 : memref<80x128xf32, #tpu.memory_space<hbm>>) target(%arg9 : memref<80x128xf32, #tpu.memory_space<vmem>>) target_semaphore(%run_scoped3A_120 : memref<!tpu.dma_semaphore, #tpu.memory_space<semaphore_mem>>)
        %dma_wait3A_125 = arith.constant 0 : i32
        %dma_wait3A_126 = tpu.memref_slice %arg2[%add3A_99, %dma_wait3A_125] : memref<10240x128xf32, #tpu.memory_space<hbm>> -> memref<80x128xf32, #tpu.memory_space<hbm>>
        %dma_wait3A_127 = arith.constant 0 : i32
        %dma_wait3A_128 = tpu.memref_slice %arg2[%add3A_99, %dma_wait3A_127] : memref<10240x128xf32, #tpu.memory_space<hbm>> -> memref<80x128xf32, #tpu.memory_space<hbm>>
        tpu.wait_dma2 semaphore(%run_scoped3A_120 : memref<!tpu.dma_semaphore, #tpu.memory_space<semaphore_mem>>) src(%dma_wait3A_128 : memref<80x128xf32, #tpu.memory_space<hbm>>) dst(%arg9 : memref<80x128xf32, #tpu.memory_space<vmem>>)
        tpu.yield
      }) : () -> ()
      "tpu.region"() ({
        %run_scoped3A_120 = tpu.sem_alloc : memref<!tpu.dma_semaphore, #tpu.memory_space<semaphore_mem>>
        %dma_start3A_121 = arith.constant 0 : i32
        %dma_start3A_122 = tpu.memref_slice %arg11[%add3A_99, %dma_start3A_121] : memref<10240x128xf32, #tpu.memory_space<vmem_shared>> -> memref<80x128xf32, #tpu.memory_space<vmem_shared>>
        %dma_start3A_123 = arith.constant 0 : i32
        %dma_start3A_124 = tpu.memref_slice %arg11[%add3A_99, %dma_start3A_123] : memref<10240x128xf32, #tpu.memory_space<vmem_shared>> -> memref<80x128xf32, #tpu.memory_space<vmem_shared>>
        tpu.enqueue_dma source(%arg9 : memref<80x128xf32, #tpu.memory_space<vmem>>) target(%dma_start3A_124 : memref<80x128xf32, #tpu.memory_space<vmem_shared>>) target_semaphore(%run_scoped3A_120 : memref<!tpu.dma_semaphore, #tpu.memory_space<semaphore_mem>>)
        %dma_wait3A_125 = arith.constant 0 : i32
        %dma_wait3A_126 = tpu.memref_slice %arg11[%add3A_99, %dma_wait3A_125] : memref<10240x128xf32, #tpu.memory_space<vmem_shared>> -> memref<80x128xf32, #tpu.memory_space<vmem_shared>>
        %dma_wait3A_127 = arith.constant 0 : i32
        %dma_wait3A_128 = tpu.memref_slice %arg11[%add3A_99, %dma_wait3A_127] : memref<10240x128xf32, #tpu.memory_space<vmem_shared>> -> memref<80x128xf32, #tpu.memory_space<vmem_shared>>
        tpu.wait_dma2 semaphore(%run_scoped3A_120 : memref<!tpu.dma_semaphore, #tpu.memory_space<semaphore_mem>>) src(%arg9 : memref<80x128xf32, #tpu.memory_space<vmem>>) dst(%dma_wait3A_128 : memref<80x128xf32, #tpu.memory_space<vmem_shared>>)
        tpu.yield
      }) : () -> ()
      %mul3A_100 = arith.constant 640 : i32
      %mul3A_101 = arith.muli %arg1, %mul3A_100 : i32
      %add3A_102 = arith.constant 240 : i32
      %add3A_103 = arith.addi %mul3A_101, %add3A_102 : i32
      "tpu.region"() ({
        %run_scoped3A_120 = tpu.sem_alloc : memref<!tpu.dma_semaphore, #tpu.memory_space<semaphore_mem>>
        %dma_start3A_121 = arith.constant 0 : i32
        %dma_start3A_122 = tpu.memref_slice %arg2[%add3A_103, %dma_start3A_121] : memref<10240x128xf32, #tpu.memory_space<hbm>> -> memref<80x128xf32, #tpu.memory_space<hbm>>
        %dma_start3A_123 = arith.constant 0 : i32
        %dma_start3A_124 = tpu.memref_slice %arg2[%add3A_103, %dma_start3A_123] : memref<10240x128xf32, #tpu.memory_space<hbm>> -> memref<80x128xf32, #tpu.memory_space<hbm>>
        tpu.enqueue_dma source(%dma_start3A_124 : memref<80x128xf32, #tpu.memory_space<hbm>>) target(%arg9 : memref<80x128xf32, #tpu.memory_space<vmem>>) target_semaphore(%run_scoped3A_120 : memref<!tpu.dma_semaphore, #tpu.memory_space<semaphore_mem>>)
        %dma_wait3A_125 = arith.constant 0 : i32
        %dma_wait3A_126 = tpu.memref_slice %arg2[%add3A_103, %dma_wait3A_125] : memref<10240x128xf32, #tpu.memory_space<hbm>> -> memref<80x128xf32, #tpu.memory_space<hbm>>
        %dma_wait3A_127 = arith.constant 0 : i32
        %dma_wait3A_128 = tpu.memref_slice %arg2[%add3A_103, %dma_wait3A_127] : memref<10240x128xf32, #tpu.memory_space<hbm>> -> memref<80x128xf32, #tpu.memory_space<hbm>>
        tpu.wait_dma2 semaphore(%run_scoped3A_120 : memref<!tpu.dma_semaphore, #tpu.memory_space<semaphore_mem>>) src(%dma_wait3A_128 : memref<80x128xf32, #tpu.memory_space<hbm>>) dst(%arg9 : memref<80x128xf32, #tpu.memory_space<vmem>>)
        tpu.yield
      }) : () -> ()
      "tpu.region"() ({
        %run_scoped3A_120 = tpu.sem_alloc : memref<!tpu.dma_semaphore, #tpu.memory_space<semaphore_mem>>
        %dma_start3A_121 = arith.constant 0 : i32
        %dma_start3A_122 = tpu.memref_slice %arg11[%add3A_103, %dma_start3A_121] : memref<10240x128xf32, #tpu.memory_space<vmem_shared>> -> memref<80x128xf32, #tpu.memory_space<vmem_shared>>
        %dma_start3A_123 = arith.constant 0 : i32
        %dma_start3A_124 = tpu.memref_slice %arg11[%add3A_103, %dma_start3A_123] : memref<10240x128xf32, #tpu.memory_space<vmem_shared>> -> memref<80x128xf32, #tpu.memory_space<vmem_shared>>
        tpu.enqueue_dma source(%arg9 : memref<80x128xf32, #tpu.memory_space<vmem>>) target(%dma_start3A_124 : memref<80x128xf32, #tpu.memory_space<vmem_shared>>) target_semaphore(%run_scoped3A_120 : memref<!tpu.dma_semaphore, #tpu.memory_space<semaphore_mem>>)
        %dma_wait3A_125 = arith.constant 0 : i32
        %dma_wait3A_126 = tpu.memref_slice %arg11[%add3A_103, %dma_wait3A_125] : memref<10240x128xf32, #tpu.memory_space<vmem_shared>> -> memref<80x128xf32, #tpu.memory_space<vmem_shared>>
        %dma_wait3A_127 = arith.constant 0 : i32
        %dma_wait3A_128 = tpu.memref_slice %arg11[%add3A_103, %dma_wait3A_127] : memref<10240x128xf32, #tpu.memory_space<vmem_shared>> -> memref<80x128xf32, #tpu.memory_space<vmem_shared>>
        tpu.wait_dma2 semaphore(%run_scoped3A_120 : memref<!tpu.dma_semaphore, #tpu.memory_space<semaphore_mem>>) src(%arg9 : memref<80x128xf32, #tpu.memory_space<vmem>>) dst(%dma_wait3A_128 : memref<80x128xf32, #tpu.memory_space<vmem_shared>>)
        tpu.yield
      }) : () -> ()
      %mul3A_104 = arith.constant 640 : i32
      %mul3A_105 = arith.muli %arg1, %mul3A_104 : i32
      %add3A_106 = arith.constant 320 : i32
      %add3A_107 = arith.addi %mul3A_105, %add3A_106 : i32
      "tpu.region"() ({
        %run_scoped3A_120 = tpu.sem_alloc : memref<!tpu.dma_semaphore, #tpu.memory_space<semaphore_mem>>
        %dma_start3A_121 = arith.constant 0 : i32
        %dma_start3A_122 = tpu.memref_slice %arg2[%add3A_107, %dma_start3A_121] : memref<10240x128xf32, #tpu.memory_space<hbm>> -> memref<80x128xf32, #tpu.memory_space<hbm>>
        %dma_start3A_123 = arith.constant 0 : i32
        %dma_start3A_124 = tpu.memref_slice %arg2[%add3A_107, %dma_start3A_123] : memref<10240x128xf32, #tpu.memory_space<hbm>> -> memref<80x128xf32, #tpu.memory_space<hbm>>
        tpu.enqueue_dma source(%dma_start3A_124 : memref<80x128xf32, #tpu.memory_space<hbm>>) target(%arg9 : memref<80x128xf32, #tpu.memory_space<vmem>>) target_semaphore(%run_scoped3A_120 : memref<!tpu.dma_semaphore, #tpu.memory_space<semaphore_mem>>)
        %dma_wait3A_125 = arith.constant 0 : i32
        %dma_wait3A_126 = tpu.memref_slice %arg2[%add3A_107, %dma_wait3A_125] : memref<10240x128xf32, #tpu.memory_space<hbm>> -> memref<80x128xf32, #tpu.memory_space<hbm>>
        %dma_wait3A_127 = arith.constant 0 : i32
        %dma_wait3A_128 = tpu.memref_slice %arg2[%add3A_107, %dma_wait3A_127] : memref<10240x128xf32, #tpu.memory_space<hbm>> -> memref<80x128xf32, #tpu.memory_space<hbm>>
        tpu.wait_dma2 semaphore(%run_scoped3A_120 : memref<!tpu.dma_semaphore, #tpu.memory_space<semaphore_mem>>) src(%dma_wait3A_128 : memref<80x128xf32, #tpu.memory_space<hbm>>) dst(%arg9 : memref<80x128xf32, #tpu.memory_space<vmem>>)
        tpu.yield
      }) : () -> ()
      "tpu.region"() ({
        %run_scoped3A_120 = tpu.sem_alloc : memref<!tpu.dma_semaphore, #tpu.memory_space<semaphore_mem>>
        %dma_start3A_121 = arith.constant 0 : i32
        %dma_start3A_122 = tpu.memref_slice %arg11[%add3A_107, %dma_start3A_121] : memref<10240x128xf32, #tpu.memory_space<vmem_shared>> -> memref<80x128xf32, #tpu.memory_space<vmem_shared>>
        %dma_start3A_123 = arith.constant 0 : i32
        %dma_start3A_124 = tpu.memref_slice %arg11[%add3A_107, %dma_start3A_123] : memref<10240x128xf32, #tpu.memory_space<vmem_shared>> -> memref<80x128xf32, #tpu.memory_space<vmem_shared>>
        tpu.enqueue_dma source(%arg9 : memref<80x128xf32, #tpu.memory_space<vmem>>) target(%dma_start3A_124 : memref<80x128xf32, #tpu.memory_space<vmem_shared>>) target_semaphore(%run_scoped3A_120 : memref<!tpu.dma_semaphore, #tpu.memory_space<semaphore_mem>>)
        %dma_wait3A_125 = arith.constant 0 : i32
        %dma_wait3A_126 = tpu.memref_slice %arg11[%add3A_107, %dma_wait3A_125] : memref<10240x128xf32, #tpu.memory_space<vmem_shared>> -> memref<80x128xf32, #tpu.memory_space<vmem_shared>>
        %dma_wait3A_127 = arith.constant 0 : i32
        %dma_wait3A_128 = tpu.memref_slice %arg11[%add3A_107, %dma_wait3A_127] : memref<10240x128xf32, #tpu.memory_space<vmem_shared>> -> memref<80x128xf32, #tpu.memory_space<vmem_shared>>
        tpu.wait_dma2 semaphore(%run_scoped3A_120 : memref<!tpu.dma_semaphore, #tpu.memory_space<semaphore_mem>>) src(%arg9 : memref<80x128xf32, #tpu.memory_space<vmem>>) dst(%dma_wait3A_128 : memref<80x128xf32, #tpu.memory_space<vmem_shared>>)
        tpu.yield
      }) : () -> ()
      %mul3A_108 = arith.constant 640 : i32
      %mul3A_109 = arith.muli %arg1, %mul3A_108 : i32
      %add3A_110 = arith.constant 400 : i32
      %add3A_111 = arith.addi %mul3A_109, %add3A_110 : i32
      "tpu.region"() ({
        %run_scoped3A_120 = tpu.sem_alloc : memref<!tpu.dma_semaphore, #tpu.memory_space<semaphore_mem>>
        %dma_start3A_121 = arith.constant 0 : i32
        %dma_start3A_122 = tpu.memref_slice %arg2[%add3A_111, %dma_start3A_121] : memref<10240x128xf32, #tpu.memory_space<hbm>> -> memref<80x128xf32, #tpu.memory_space<hbm>>
        %dma_start3A_123 = arith.constant 0 : i32
        %dma_start3A_124 = tpu.memref_slice %arg2[%add3A_111, %dma_start3A_123] : memref<10240x128xf32, #tpu.memory_space<hbm>> -> memref<80x128xf32, #tpu.memory_space<hbm>>
        tpu.enqueue_dma source(%dma_start3A_124 : memref<80x128xf32, #tpu.memory_space<hbm>>) target(%arg9 : memref<80x128xf32, #tpu.memory_space<vmem>>) target_semaphore(%run_scoped3A_120 : memref<!tpu.dma_semaphore, #tpu.memory_space<semaphore_mem>>)
        %dma_wait3A_125 = arith.constant 0 : i32
        %dma_wait3A_126 = tpu.memref_slice %arg2[%add3A_111, %dma_wait3A_125] : memref<10240x128xf32, #tpu.memory_space<hbm>> -> memref<80x128xf32, #tpu.memory_space<hbm>>
        %dma_wait3A_127 = arith.constant 0 : i32
        %dma_wait3A_128 = tpu.memref_slice %arg2[%add3A_111, %dma_wait3A_127] : memref<10240x128xf32, #tpu.memory_space<hbm>> -> memref<80x128xf32, #tpu.memory_space<hbm>>
        tpu.wait_dma2 semaphore(%run_scoped3A_120 : memref<!tpu.dma_semaphore, #tpu.memory_space<semaphore_mem>>) src(%dma_wait3A_128 : memref<80x128xf32, #tpu.memory_space<hbm>>) dst(%arg9 : memref<80x128xf32, #tpu.memory_space<vmem>>)
        tpu.yield
      }) : () -> ()
      "tpu.region"() ({
        %run_scoped3A_120 = tpu.sem_alloc : memref<!tpu.dma_semaphore, #tpu.memory_space<semaphore_mem>>
        %dma_start3A_121 = arith.constant 0 : i32
        %dma_start3A_122 = tpu.memref_slice %arg11[%add3A_111, %dma_start3A_121] : memref<10240x128xf32, #tpu.memory_space<vmem_shared>> -> memref<80x128xf32, #tpu.memory_space<vmem_shared>>
        %dma_start3A_123 = arith.constant 0 : i32
        %dma_start3A_124 = tpu.memref_slice %arg11[%add3A_111, %dma_start3A_123] : memref<10240x128xf32, #tpu.memory_space<vmem_shared>> -> memref<80x128xf32, #tpu.memory_space<vmem_shared>>
        tpu.enqueue_dma source(%arg9 : memref<80x128xf32, #tpu.memory_space<vmem>>) target(%dma_start3A_124 : memref<80x128xf32, #tpu.memory_space<vmem_shared>>) target_semaphore(%run_scoped3A_120 : memref<!tpu.dma_semaphore, #tpu.memory_space<semaphore_mem>>)
        %dma_wait3A_125 = arith.constant 0 : i32
        %dma_wait3A_126 = tpu.memref_slice %arg11[%add3A_111, %dma_wait3A_125] : memref<10240x128xf32, #tpu.memory_space<vmem_shared>> -> memref<80x128xf32, #tpu.memory_space<vmem_shared>>
        %dma_wait3A_127 = arith.constant 0 : i32
        %dma_wait3A_128 = tpu.memref_slice %arg11[%add3A_111, %dma_wait3A_127] : memref<10240x128xf32, #tpu.memory_space<vmem_shared>> -> memref<80x128xf32, #tpu.memory_space<vmem_shared>>
        tpu.wait_dma2 semaphore(%run_scoped3A_120 : memref<!tpu.dma_semaphore, #tpu.memory_space<semaphore_mem>>) src(%arg9 : memref<80x128xf32, #tpu.memory_space<vmem>>) dst(%dma_wait3A_128 : memref<80x128xf32, #tpu.memory_space<vmem_shared>>)
        tpu.yield
      }) : () -> ()
      %mul3A_112 = arith.constant 640 : i32
      %mul3A_113 = arith.muli %arg1, %mul3A_112 : i32
      %add3A_114 = arith.constant 480 : i32
      %add3A_115 = arith.addi %mul3A_113, %add3A_114 : i32
      "tpu.region"() ({
        %run_scoped3A_120 = tpu.sem_alloc : memref<!tpu.dma_semaphore, #tpu.memory_space<semaphore_mem>>
        %dma_start3A_121 = arith.constant 0 : i32
        %dma_start3A_122 = tpu.memref_slice %arg2[%add3A_115, %dma_start3A_121] : memref<10240x128xf32, #tpu.memory_space<hbm>> -> memref<80x128xf32, #tpu.memory_space<hbm>>
        %dma_start3A_123 = arith.constant 0 : i32
        %dma_start3A_124 = tpu.memref_slice %arg2[%add3A_115, %dma_start3A_123] : memref<10240x128xf32, #tpu.memory_space<hbm>> -> memref<80x128xf32, #tpu.memory_space<hbm>>
        tpu.enqueue_dma source(%dma_start3A_124 : memref<80x128xf32, #tpu.memory_space<hbm>>) target(%arg9 : memref<80x128xf32, #tpu.memory_space<vmem>>) target_semaphore(%run_scoped3A_120 : memref<!tpu.dma_semaphore, #tpu.memory_space<semaphore_mem>>)
        %dma_wait3A_125 = arith.constant 0 : i32
        %dma_wait3A_126 = tpu.memref_slice %arg2[%add3A_115, %dma_wait3A_125] : memref<10240x128xf32, #tpu.memory_space<hbm>> -> memref<80x128xf32, #tpu.memory_space<hbm>>
        %dma_wait3A_127 = arith.constant 0 : i32
        %dma_wait3A_128 = tpu.memref_slice %arg2[%add3A_115, %dma_wait3A_127] : memref<10240x128xf32, #tpu.memory_space<hbm>> -> memref<80x128xf32, #tpu.memory_space<hbm>>
        tpu.wait_dma2 semaphore(%run_scoped3A_120 : memref<!tpu.dma_semaphore, #tpu.memory_space<semaphore_mem>>) src(%dma_wait3A_128 : memref<80x128xf32, #tpu.memory_space<hbm>>) dst(%arg9 : memref<80x128xf32, #tpu.memory_space<vmem>>)
        tpu.yield
      }) : () -> ()
      "tpu.region"() ({
        %run_scoped3A_120 = tpu.sem_alloc : memref<!tpu.dma_semaphore, #tpu.memory_space<semaphore_mem>>
        %dma_start3A_121 = arith.constant 0 : i32
        %dma_start3A_122 = tpu.memref_slice %arg11[%add3A_115, %dma_start3A_121] : memref<10240x128xf32, #tpu.memory_space<vmem_shared>> -> memref<80x128xf32, #tpu.memory_space<vmem_shared>>
        %dma_start3A_123 = arith.constant 0 : i32
        %dma_start3A_124 = tpu.memref_slice %arg11[%add3A_115, %dma_start3A_123] : memref<10240x128xf32, #tpu.memory_space<vmem_shared>> -> memref<80x128xf32, #tpu.memory_space<vmem_shared>>
        tpu.enqueue_dma source(%arg9 : memref<80x128xf32, #tpu.memory_space<vmem>>) target(%dma_start3A_124 : memref<80x128xf32, #tpu.memory_space<vmem_shared>>) target_semaphore(%run_scoped3A_120 : memref<!tpu.dma_semaphore, #tpu.memory_space<semaphore_mem>>)
        %dma_wait3A_125 = arith.constant 0 : i32
        %dma_wait3A_126 = tpu.memref_slice %arg11[%add3A_115, %dma_wait3A_125] : memref<10240x128xf32, #tpu.memory_space<vmem_shared>> -> memref<80x128xf32, #tpu.memory_space<vmem_shared>>
        %dma_wait3A_127 = arith.constant 0 : i32
        %dma_wait3A_128 = tpu.memref_slice %arg11[%add3A_115, %dma_wait3A_127] : memref<10240x128xf32, #tpu.memory_space<vmem_shared>> -> memref<80x128xf32, #tpu.memory_space<vmem_shared>>
        tpu.wait_dma2 semaphore(%run_scoped3A_120 : memref<!tpu.dma_semaphore, #tpu.memory_space<semaphore_mem>>) src(%arg9 : memref<80x128xf32, #tpu.memory_space<vmem>>) dst(%dma_wait3A_128 : memref<80x128xf32, #tpu.memory_space<vmem_shared>>)
        tpu.yield
      }) : () -> ()
      %mul3A_116 = arith.constant 640 : i32
      %mul3A_117 = arith.muli %arg1, %mul3A_116 : i32
      %add3A_118 = arith.constant 560 : i32
      %add3A_119 = arith.addi %mul3A_117, %add3A_118 : i32
      "tpu.region"() ({
        %run_scoped3A_120 = tpu.sem_alloc : memref<!tpu.dma_semaphore, #tpu.memory_space<semaphore_mem>>
        %dma_start3A_121 = arith.constant 0 : i32
        %dma_start3A_122 = tpu.memref_slice %arg2[%add3A_119, %dma_start3A_121] : memref<10240x128xf32, #tpu.memory_space<hbm>> -> memref<80x128xf32, #tpu.memory_space<hbm>>
        %dma_start3A_123 = arith.constant 0 : i32
        %dma_start3A_124 = tpu.memref_slice %arg2[%add3A_119, %dma_start3A_123] : memref<10240x128xf32, #tpu.memory_space<hbm>> -> memref<80x128xf32, #tpu.memory_space<hbm>>
        tpu.enqueue_dma source(%dma_start3A_124 : memref<80x128xf32, #tpu.memory_space<hbm>>) target(%arg9 : memref<80x128xf32, #tpu.memory_space<vmem>>) target_semaphore(%run_scoped3A_120 : memref<!tpu.dma_semaphore, #tpu.memory_space<semaphore_mem>>)
        %dma_wait3A_125 = arith.constant 0 : i32
        %dma_wait3A_126 = tpu.memref_slice %arg2[%add3A_119, %dma_wait3A_125] : memref<10240x128xf32, #tpu.memory_space<hbm>> -> memref<80x128xf32, #tpu.memory_space<hbm>>
        %dma_wait3A_127 = arith.constant 0 : i32
        %dma_wait3A_128 = tpu.memref_slice %arg2[%add3A_119, %dma_wait3A_127] : memref<10240x128xf32, #tpu.memory_space<hbm>> -> memref<80x128xf32, #tpu.memory_space<hbm>>
        tpu.wait_dma2 semaphore(%run_scoped3A_120 : memref<!tpu.dma_semaphore, #tpu.memory_space<semaphore_mem>>) src(%dma_wait3A_128 : memref<80x128xf32, #tpu.memory_space<hbm>>) dst(%arg9 : memref<80x128xf32, #tpu.memory_space<vmem>>)
        tpu.yield
      }) : () -> ()
      "tpu.region"() ({
        %run_scoped3A_120 = tpu.sem_alloc : memref<!tpu.dma_semaphore, #tpu.memory_space<semaphore_mem>>
        %dma_start3A_121 = arith.constant 0 : i32
        %dma_start3A_122 = tpu.memref_slice %arg11[%add3A_119, %dma_start3A_121] : memref<10240x128xf32, #tpu.memory_space<vmem_shared>> -> memref<80x128xf32, #tpu.memory_space<vmem_shared>>
        %dma_start3A_123 = arith.constant 0 : i32
        %dma_start3A_124 = tpu.memref_slice %arg11[%add3A_119, %dma_start3A_123] : memref<10240x128xf32, #tpu.memory_space<vmem_shared>> -> memref<80x128xf32, #tpu.memory_space<vmem_shared>>
        tpu.enqueue_dma source(%arg9 : memref<80x128xf32, #tpu.memory_space<vmem>>) target(%dma_start3A_124 : memref<80x128xf32, #tpu.memory_space<vmem_shared>>) target_semaphore(%run_scoped3A_120 : memref<!tpu.dma_semaphore, #tpu.memory_space<semaphore_mem>>)
        %dma_wait3A_125 = arith.constant 0 : i32
        %dma_wait3A_126 = tpu.memref_slice %arg11[%add3A_119, %dma_wait3A_125] : memref<10240x128xf32, #tpu.memory_space<vmem_shared>> -> memref<80x128xf32, #tpu.memory_space<vmem_shared>>
        %dma_wait3A_127 = arith.constant 0 : i32
        %dma_wait3A_128 = tpu.memref_slice %arg11[%add3A_119, %dma_wait3A_127] : memref<10240x128xf32, #tpu.memory_space<vmem_shared>> -> memref<80x128xf32, #tpu.memory_space<vmem_shared>>
        tpu.wait_dma2 semaphore(%run_scoped3A_120 : memref<!tpu.dma_semaphore, #tpu.memory_space<semaphore_mem>>) src(%arg9 : memref<80x128xf32, #tpu.memory_space<vmem>>) dst(%dma_wait3A_128 : memref<80x128xf32, #tpu.memory_space<vmem_shared>>)
        tpu.yield
      }) : () -> ()
    } else {
    }
    %eq3A_4 = arith.constant 1 : i32
    %eq3A_5 = arith.cmpi eq, %arg0, %eq3A_4 : i32
    %convert_element_type3A_6 = arith.extui %eq3A_5 : i1 to i32
    %cond3A_7 = arith.constant 0 : i32
    %cond3A_8 = arith.cmpi ne, %convert_element_type3A_6, %cond3A_7 : i32
    scf.if %cond3A_8 {
      "tpu.region"() ({
        %run_scoped3A_120 = tpu.sem_alloc : memref<!tpu.dma_semaphore, #tpu.memory_space<semaphore_mem>>
        tpu.enqueue_dma source(%arg5 : memref<80x128xf32, #tpu.memory_space<hbm>>) target(%arg9 : memref<80x128xf32, #tpu.memory_space<vmem>>) target_semaphore(%run_scoped3A_120 : memref<!tpu.dma_semaphore, #tpu.memory_space<semaphore_mem>>)
        tpu.wait_dma2 semaphore(%run_scoped3A_120 : memref<!tpu.dma_semaphore, #tpu.memory_space<semaphore_mem>>) src(%arg5 : memref<80x128xf32, #tpu.memory_space<hbm>>) dst(%arg9 : memref<80x128xf32, #tpu.memory_space<vmem>>)
        tpu.yield
      }) : () -> ()
      %mul3A_88 = arith.constant 640 : i32
      %mul3A_89 = arith.muli %arg1, %mul3A_88 : i32
      %add3A_90 = arith.constant 0 : i32
      %add3A_91 = arith.addi %mul3A_89, %add3A_90 : i32
      "tpu.region"() ({
        %run_scoped3A_120 = tpu.sem_alloc : memref<!tpu.dma_semaphore, #tpu.memory_space<semaphore_mem>>
        %dma_start3A_121 = arith.constant 0 : i32
        %dma_start3A_122 = tpu.memref_slice %arg11[%add3A_91, %dma_start3A_121] : memref<10240x128xf32, #tpu.memory_space<vmem_shared>> -> memref<80x128xf32, #tpu.memory_space<vmem_shared>>
        %dma_start3A_123 = arith.constant 0 : i32
        %dma_start3A_124 = tpu.memref_slice %arg11[%add3A_91, %dma_start3A_123] : memref<10240x128xf32, #tpu.memory_space<vmem_shared>> -> memref<80x128xf32, #tpu.memory_space<vmem_shared>>
        tpu.enqueue_dma source(%arg9 : memref<80x128xf32, #tpu.memory_space<vmem>>) target(%dma_start3A_124 : memref<80x128xf32, #tpu.memory_space<vmem_shared>>) target_semaphore(%run_scoped3A_120 : memref<!tpu.dma_semaphore, #tpu.memory_space<semaphore_mem>>)
        %dma_wait3A_125 = arith.constant 0 : i32
        %dma_wait3A_126 = tpu.memref_slice %arg11[%add3A_91, %dma_wait3A_125] : memref<10240x128xf32, #tpu.memory_space<vmem_shared>> -> memref<80x128xf32, #tpu.memory_space<vmem_shared>>
        %dma_wait3A_127 = arith.constant 0 : i32
        %dma_wait3A_128 = tpu.memref_slice %arg11[%add3A_91, %dma_wait3A_127] : memref<10240x128xf32, #tpu.memory_space<vmem_shared>> -> memref<80x128xf32, #tpu.memory_space<vmem_shared>>
        tpu.wait_dma2 semaphore(%run_scoped3A_120 : memref<!tpu.dma_semaphore, #tpu.memory_space<semaphore_mem>>) src(%arg9 : memref<80x128xf32, #tpu.memory_space<vmem>>) dst(%dma_wait3A_128 : memref<80x128xf32, #tpu.memory_space<vmem_shared>>)
        tpu.yield
      }) : () -> ()
      %mul3A_92 = arith.constant 640 : i32
      %mul3A_93 = arith.muli %arg1, %mul3A_92 : i32
      %add3A_94 = arith.constant 80 : i32
      %add3A_95 = arith.addi %mul3A_93, %add3A_94 : i32
      "tpu.region"() ({
        %run_scoped3A_120 = tpu.sem_alloc : memref<!tpu.dma_semaphore, #tpu.memory_space<semaphore_mem>>
        %dma_start3A_121 = arith.constant 0 : i32
        %dma_start3A_122 = tpu.memref_slice %arg11[%add3A_95, %dma_start3A_121] : memref<10240x128xf32, #tpu.memory_space<vmem_shared>> -> memref<80x128xf32, #tpu.memory_space<vmem_shared>>
        %dma_start3A_123 = arith.constant 0 : i32
        %dma_start3A_124 = tpu.memref_slice %arg11[%add3A_95, %dma_start3A_123] : memref<10240x128xf32, #tpu.memory_space<vmem_shared>> -> memref<80x128xf32, #tpu.memory_space<vmem_shared>>
        tpu.enqueue_dma source(%arg9 : memref<80x128xf32, #tpu.memory_space<vmem>>) target(%dma_start3A_124 : memref<80x128xf32, #tpu.memory_space<vmem_shared>>) target_semaphore(%run_scoped3A_120 : memref<!tpu.dma_semaphore, #tpu.memory_space<semaphore_mem>>)
        %dma_wait3A_125 = arith.constant 0 : i32
        %dma_wait3A_126 = tpu.memref_slice %arg11[%add3A_95, %dma_wait3A_125] : memref<10240x128xf32, #tpu.memory_space<vmem_shared>> -> memref<80x128xf32, #tpu.memory_space<vmem_shared>>
        %dma_wait3A_127 = arith.constant 0 : i32
        %dma_wait3A_128 = tpu.memref_slice %arg11[%add3A_95, %dma_wait3A_127] : memref<10240x128xf32, #tpu.memory_space<vmem_shared>> -> memref<80x128xf32, #tpu.memory_space<vmem_shared>>
        tpu.wait_dma2 semaphore(%run_scoped3A_120 : memref<!tpu.dma_semaphore, #tpu.memory_space<semaphore_mem>>) src(%arg9 : memref<80x128xf32, #tpu.memory_space<vmem>>) dst(%dma_wait3A_128 : memref<80x128xf32, #tpu.memory_space<vmem_shared>>)
        tpu.yield
      }) : () -> ()
      %mul3A_96 = arith.constant 640 : i32
      %mul3A_97 = arith.muli %arg1, %mul3A_96 : i32
      %add3A_98 = arith.constant 160 : i32
      %add3A_99 = arith.addi %mul3A_97, %add3A_98 : i32
      "tpu.region"() ({
        %run_scoped3A_120 = tpu.sem_alloc : memref<!tpu.dma_semaphore, #tpu.memory_space<semaphore_mem>>
        %dma_start3A_121 = arith.constant 0 : i32
        %dma_start3A_122 = tpu.memref_slice %arg11[%add3A_99, %dma_start3A_121] : memref<10240x128xf32, #tpu.memory_space<vmem_shared>> -> memref<80x128xf32, #tpu.memory_space<vmem_shared>>
        %dma_start3A_123 = arith.constant 0 : i32
        %dma_start3A_124 = tpu.memref_slice %arg11[%add3A_99, %dma_start3A_123] : memref<10240x128xf32, #tpu.memory_space<vmem_shared>> -> memref<80x128xf32, #tpu.memory_space<vmem_shared>>
        tpu.enqueue_dma source(%arg9 : memref<80x128xf32, #tpu.memory_space<vmem>>) target(%dma_start3A_124 : memref<80x128xf32, #tpu.memory_space<vmem_shared>>) target_semaphore(%run_scoped3A_120 : memref<!tpu.dma_semaphore, #tpu.memory_space<semaphore_mem>>)
        %dma_wait3A_125 = arith.constant 0 : i32
        %dma_wait3A_126 = tpu.memref_slice %arg11[%add3A_99, %dma_wait3A_125] : memref<10240x128xf32, #tpu.memory_space<vmem_shared>> -> memref<80x128xf32, #tpu.memory_space<vmem_shared>>
        %dma_wait3A_127 = arith.constant 0 : i32
        %dma_wait3A_128 = tpu.memref_slice %arg11[%add3A_99, %dma_wait3A_127] : memref<10240x128xf32, #tpu.memory_space<vmem_shared>> -> memref<80x128xf32, #tpu.memory_space<vmem_shared>>
        tpu.wait_dma2 semaphore(%run_scoped3A_120 : memref<!tpu.dma_semaphore, #tpu.memory_space<semaphore_mem>>) src(%arg9 : memref<80x128xf32, #tpu.memory_space<vmem>>) dst(%dma_wait3A_128 : memref<80x128xf32, #tpu.memory_space<vmem_shared>>)
        tpu.yield
      }) : () -> ()
      %mul3A_100 = arith.constant 640 : i32
      %mul3A_101 = arith.muli %arg1, %mul3A_100 : i32
      %add3A_102 = arith.constant 240 : i32
      %add3A_103 = arith.addi %mul3A_101, %add3A_102 : i32
      "tpu.region"() ({
        %run_scoped3A_120 = tpu.sem_alloc : memref<!tpu.dma_semaphore, #tpu.memory_space<semaphore_mem>>
        %dma_start3A_121 = arith.constant 0 : i32
        %dma_start3A_122 = tpu.memref_slice %arg11[%add3A_103, %dma_start3A_121] : memref<10240x128xf32, #tpu.memory_space<vmem_shared>> -> memref<80x128xf32, #tpu.memory_space<vmem_shared>>
        %dma_start3A_123 = arith.constant 0 : i32
        %dma_start3A_124 = tpu.memref_slice %arg11[%add3A_103, %dma_start3A_123] : memref<10240x128xf32, #tpu.memory_space<vmem_shared>> -> memref<80x128xf32, #tpu.memory_space<vmem_shared>>
        tpu.enqueue_dma source(%arg9 : memref<80x128xf32, #tpu.memory_space<vmem>>) target(%dma_start3A_124 : memref<80x128xf32, #tpu.memory_space<vmem_shared>>) target_semaphore(%run_scoped3A_120 : memref<!tpu.dma_semaphore, #tpu.memory_space<semaphore_mem>>)
        %dma_wait3A_125 = arith.constant 0 : i32
        %dma_wait3A_126 = tpu.memref_slice %arg11[%add3A_103, %dma_wait3A_125] : memref<10240x128xf32, #tpu.memory_space<vmem_shared>> -> memref<80x128xf32, #tpu.memory_space<vmem_shared>>
        %dma_wait3A_127 = arith.constant 0 : i32
        %dma_wait3A_128 = tpu.memref_slice %arg11[%add3A_103, %dma_wait3A_127] : memref<10240x128xf32, #tpu.memory_space<vmem_shared>> -> memref<80x128xf32, #tpu.memory_space<vmem_shared>>
        tpu.wait_dma2 semaphore(%run_scoped3A_120 : memref<!tpu.dma_semaphore, #tpu.memory_space<semaphore_mem>>) src(%arg9 : memref<80x128xf32, #tpu.memory_space<vmem>>) dst(%dma_wait3A_128 : memref<80x128xf32, #tpu.memory_space<vmem_shared>>)
        tpu.yield
      }) : () -> ()
      %mul3A_104 = arith.constant 640 : i32
      %mul3A_105 = arith.muli %arg1, %mul3A_104 : i32
      %add3A_106 = arith.constant 320 : i32
      %add3A_107 = arith.addi %mul3A_105, %add3A_106 : i32
      "tpu.region"() ({
        %run_scoped3A_120 = tpu.sem_alloc : memref<!tpu.dma_semaphore, #tpu.memory_space<semaphore_mem>>
        %dma_start3A_121 = arith.constant 0 : i32
        %dma_start3A_122 = tpu.memref_slice %arg11[%add3A_107, %dma_start3A_121] : memref<10240x128xf32, #tpu.memory_space<vmem_shared>> -> memref<80x128xf32, #tpu.memory_space<vmem_shared>>
        %dma_start3A_123 = arith.constant 0 : i32
        %dma_start3A_124 = tpu.memref_slice %arg11[%add3A_107, %dma_start3A_123] : memref<10240x128xf32, #tpu.memory_space<vmem_shared>> -> memref<80x128xf32, #tpu.memory_space<vmem_shared>>
        tpu.enqueue_dma source(%arg9 : memref<80x128xf32, #tpu.memory_space<vmem>>) target(%dma_start3A_124 : memref<80x128xf32, #tpu.memory_space<vmem_shared>>) target_semaphore(%run_scoped3A_120 : memref<!tpu.dma_semaphore, #tpu.memory_space<semaphore_mem>>)
        %dma_wait3A_125 = arith.constant 0 : i32
        %dma_wait3A_126 = tpu.memref_slice %arg11[%add3A_107, %dma_wait3A_125] : memref<10240x128xf32, #tpu.memory_space<vmem_shared>> -> memref<80x128xf32, #tpu.memory_space<vmem_shared>>
        %dma_wait3A_127 = arith.constant 0 : i32
        %dma_wait3A_128 = tpu.memref_slice %arg11[%add3A_107, %dma_wait3A_127] : memref<10240x128xf32, #tpu.memory_space<vmem_shared>> -> memref<80x128xf32, #tpu.memory_space<vmem_shared>>
        tpu.wait_dma2 semaphore(%run_scoped3A_120 : memref<!tpu.dma_semaphore, #tpu.memory_space<semaphore_mem>>) src(%arg9 : memref<80x128xf32, #tpu.memory_space<vmem>>) dst(%dma_wait3A_128 : memref<80x128xf32, #tpu.memory_space<vmem_shared>>)
        tpu.yield
      }) : () -> ()
      %mul3A_108 = arith.constant 640 : i32
      %mul3A_109 = arith.muli %arg1, %mul3A_108 : i32
      %add3A_110 = arith.constant 400 : i32
      %add3A_111 = arith.addi %mul3A_109, %add3A_110 : i32
      "tpu.region"() ({
        %run_scoped3A_120 = tpu.sem_alloc : memref<!tpu.dma_semaphore, #tpu.memory_space<semaphore_mem>>
        %dma_start3A_121 = arith.constant 0 : i32
        %dma_start3A_122 = tpu.memref_slice %arg11[%add3A_111, %dma_start3A_121] : memref<10240x128xf32, #tpu.memory_space<vmem_shared>> -> memref<80x128xf32, #tpu.memory_space<vmem_shared>>
        %dma_start3A_123 = arith.constant 0 : i32
        %dma_start3A_124 = tpu.memref_slice %arg11[%add3A_111, %dma_start3A_123] : memref<10240x128xf32, #tpu.memory_space<vmem_shared>> -> memref<80x128xf32, #tpu.memory_space<vmem_shared>>
        tpu.enqueue_dma source(%arg9 : memref<80x128xf32, #tpu.memory_space<vmem>>) target(%dma_start3A_124 : memref<80x128xf32, #tpu.memory_space<vmem_shared>>) target_semaphore(%run_scoped3A_120 : memref<!tpu.dma_semaphore, #tpu.memory_space<semaphore_mem>>)
        %dma_wait3A_125 = arith.constant 0 : i32
        %dma_wait3A_126 = tpu.memref_slice %arg11[%add3A_111, %dma_wait3A_125] : memref<10240x128xf32, #tpu.memory_space<vmem_shared>> -> memref<80x128xf32, #tpu.memory_space<vmem_shared>>
        %dma_wait3A_127 = arith.constant 0 : i32
        %dma_wait3A_128 = tpu.memref_slice %arg11[%add3A_111, %dma_wait3A_127] : memref<10240x128xf32, #tpu.memory_space<vmem_shared>> -> memref<80x128xf32, #tpu.memory_space<vmem_shared>>
        tpu.wait_dma2 semaphore(%run_scoped3A_120 : memref<!tpu.dma_semaphore, #tpu.memory_space<semaphore_mem>>) src(%arg9 : memref<80x128xf32, #tpu.memory_space<vmem>>) dst(%dma_wait3A_128 : memref<80x128xf32, #tpu.memory_space<vmem_shared>>)
        tpu.yield
      }) : () -> ()
      %mul3A_112 = arith.constant 640 : i32
      %mul3A_113 = arith.muli %arg1, %mul3A_112 : i32
      %add3A_114 = arith.constant 480 : i32
      %add3A_115 = arith.addi %mul3A_113, %add3A_114 : i32
      "tpu.region"() ({
        %run_scoped3A_120 = tpu.sem_alloc : memref<!tpu.dma_semaphore, #tpu.memory_space<semaphore_mem>>
        %dma_start3A_121 = arith.constant 0 : i32
        %dma_start3A_122 = tpu.memref_slice %arg11[%add3A_115, %dma_start3A_121] : memref<10240x128xf32, #tpu.memory_space<vmem_shared>> -> memref<80x128xf32, #tpu.memory_space<vmem_shared>>
        %dma_start3A_123 = arith.constant 0 : i32
        %dma_start3A_124 = tpu.memref_slice %arg11[%add3A_115, %dma_start3A_123] : memref<10240x128xf32, #tpu.memory_space<vmem_shared>> -> memref<80x128xf32, #tpu.memory_space<vmem_shared>>
        tpu.enqueue_dma source(%arg9 : memref<80x128xf32, #tpu.memory_space<vmem>>) target(%dma_start3A_124 : memref<80x128xf32, #tpu.memory_space<vmem_shared>>) target_semaphore(%run_scoped3A_120 : memref<!tpu.dma_semaphore, #tpu.memory_space<semaphore_mem>>)
        %dma_wait3A_125 = arith.constant 0 : i32
        %dma_wait3A_126 = tpu.memref_slice %arg11[%add3A_115, %dma_wait3A_125] : memref<10240x128xf32, #tpu.memory_space<vmem_shared>> -> memref<80x128xf32, #tpu.memory_space<vmem_shared>>
        %dma_wait3A_127 = arith.constant 0 : i32
        %dma_wait3A_128 = tpu.memref_slice %arg11[%add3A_115, %dma_wait3A_127] : memref<10240x128xf32, #tpu.memory_space<vmem_shared>> -> memref<80x128xf32, #tpu.memory_space<vmem_shared>>
        tpu.wait_dma2 semaphore(%run_scoped3A_120 : memref<!tpu.dma_semaphore, #tpu.memory_space<semaphore_mem>>) src(%arg9 : memref<80x128xf32, #tpu.memory_space<vmem>>) dst(%dma_wait3A_128 : memref<80x128xf32, #tpu.memory_space<vmem_shared>>)
        tpu.yield
      }) : () -> ()
      %mul3A_116 = arith.constant 640 : i32
      %mul3A_117 = arith.muli %arg1, %mul3A_116 : i32
      %add3A_118 = arith.constant 560 : i32
      %add3A_119 = arith.addi %mul3A_117, %add3A_118 : i32
      "tpu.region"() ({
        %run_scoped3A_120 = tpu.sem_alloc : memref<!tpu.dma_semaphore, #tpu.memory_space<semaphore_mem>>
        %dma_start3A_121 = arith.constant 0 : i32
        %dma_start3A_122 = tpu.memref_slice %arg11[%add3A_119, %dma_start3A_121] : memref<10240x128xf32, #tpu.memory_space<vmem_shared>> -> memref<80x128xf32, #tpu.memory_space<vmem_shared>>
        %dma_start3A_123 = arith.constant 0 : i32
        %dma_start3A_124 = tpu.memref_slice %arg11[%add3A_119, %dma_start3A_123] : memref<10240x128xf32, #tpu.memory_space<vmem_shared>> -> memref<80x128xf32, #tpu.memory_space<vmem_shared>>
        tpu.enqueue_dma source(%arg9 : memref<80x128xf32, #tpu.memory_space<vmem>>) target(%dma_start3A_124 : memref<80x128xf32, #tpu.memory_space<vmem_shared>>) target_semaphore(%run_scoped3A_120 : memref<!tpu.dma_semaphore, #tpu.memory_space<semaphore_mem>>)
        %dma_wait3A_125 = arith.constant 0 : i32
        %dma_wait3A_126 = tpu.memref_slice %arg11[%add3A_119, %dma_wait3A_125] : memref<10240x128xf32, #tpu.memory_space<vmem_shared>> -> memref<80x128xf32, #tpu.memory_space<vmem_shared>>
        %dma_wait3A_127 = arith.constant 0 : i32
        %dma_wait3A_128 = tpu.memref_slice %arg11[%add3A_119, %dma_wait3A_127] : memref<10240x128xf32, #tpu.memory_space<vmem_shared>> -> memref<80x128xf32, #tpu.memory_space<vmem_shared>>
        tpu.wait_dma2 semaphore(%run_scoped3A_120 : memref<!tpu.dma_semaphore, #tpu.memory_space<semaphore_mem>>) src(%arg9 : memref<80x128xf32, #tpu.memory_space<vmem>>) dst(%dma_wait3A_128 : memref<80x128xf32, #tpu.memory_space<vmem_shared>>)
        tpu.yield
      }) : () -> ()
    } else {
    }
    %barrier3A = arith.constant 0 : index
    tpu.barrier barrier_id(%barrier3A)
    %dma_start3A = arith.constant 0 : i32
    %dma_start3A_9 = tpu.memref_slice %arg7[%dma_start3A] : memref<10000xi32, #tpu.memory_space<vmem>> -> memref<80xi32, #tpu.memory_space<vmem>>
    %dma_start3A_10 = arith.constant 0 : i32
    %dma_start3A_11 = arith.constant 0 : i32
    %dma_start3A_12 = tpu.memref_slice %arg2[%dma_start3A_10, %dma_start3A_11] : memref<10240x128xf32, #tpu.memory_space<hbm>> -> memref<10240x128xf32, #tpu.memory_space<hbm>>
    tpu.enqueue_indirect_dma source(%dma_start3A_12 : memref<10240x128xf32, #tpu.memory_space<hbm>>) target(%arg9 : memref<80x128xf32, #tpu.memory_space<vmem>>) offsets(%dma_start3A_9 : memref<80xi32, #tpu.memory_space<vmem>>) semaphore(%arg12 : memref<!tpu.dma_semaphore, #tpu.memory_space<semaphore_mem>>)
    %scan3A = arith.constant 0 : i32
    %scan3A_13 = arith.constant 0 : i32
    %scan3A_14 = arith.constant 62 : i32
    %scan3A_15 = arith.addi %scan3A_13, %scan3A_14 : i32
    %scan3A_16 = arith.constant 1 : i32
    scf.for %scan3A_88 = %scan3A_13 to %scan3A_15 step %scan3A_16  : i32 {
      %mul3A_89 = arith.constant 2 : i32
      %mul3A_90 = arith.muli %mul3A_89, %scan3A_88 : i32
      %add3A_91 = arith.constant 1 : i32
      %add3A_92 = arith.addi %mul3A_90, %add3A_91 : i32
      %mul3A_93 = arith.constant 80 : i32
      %mul3A_94 = arith.muli %add3A_92, %mul3A_93 : i32
      %dma_start3A_95 = tpu.memref_slice %arg7[%mul3A_94] : memref<10000xi32, #tpu.memory_space<vmem>> -> memref<80xi32, #tpu.memory_space<vmem>>
      %dma_start3A_96 = arith.constant 0 : i32
      %dma_start3A_97 = arith.constant 0 : i32
      %dma_start3A_98 = tpu.memref_slice %arg2[%dma_start3A_96, %dma_start3A_97] : memref<10240x128xf32, #tpu.memory_space<hbm>> -> memref<10240x128xf32, #tpu.memory_space<hbm>>
      tpu.enqueue_indirect_dma source(%dma_start3A_98 : memref<10240x128xf32, #tpu.memory_space<hbm>>) target(%arg10 : memref<80x128xf32, #tpu.memory_space<vmem>>) offsets(%dma_start3A_95 : memref<80xi32, #tpu.memory_space<vmem>>) semaphore(%arg13 : memref<!tpu.dma_semaphore, #tpu.memory_space<semaphore_mem>>)
      %mul3A_99 = arith.constant 80 : i32
      %mul3A_100 = arith.muli %mul3A_90, %mul3A_99 : i32
      %dma_wait3A_101 = tpu.memref_slice %arg7[%mul3A_100] : memref<10000xi32, #tpu.memory_space<vmem>> -> memref<80xi32, #tpu.memory_space<vmem>>
      %dma_wait3A_102 = arith.constant 0 : i32
      %dma_wait3A_103 = arith.constant 0 : i32
      %dma_wait3A_104 = tpu.memref_slice %arg2[%dma_wait3A_102, %dma_wait3A_103] : memref<10240x128xf32, #tpu.memory_space<hbm>> -> memref<10240x128xf32, #tpu.memory_space<hbm>>
      tpu.wait_indirect_dma semaphore(%arg12 : memref<!tpu.dma_semaphore, #tpu.memory_space<semaphore_mem>>) src(%dma_wait3A_104 : memref<10240x128xf32, #tpu.memory_space<hbm>>) dst(%arg9 : memref<80x128xf32, #tpu.memory_space<vmem>>)
      "tpu.region"() ({
        %run_scoped3A_123 = tpu.sem_alloc : memref<!tpu.dma_semaphore, #tpu.memory_space<semaphore_mem>>
        %dma_start3A_124 = arith.constant 0 : i32
        %dma_start3A_125 = tpu.memref_slice %arg8[%mul3A_90, %dma_start3A_124] : memref<125x80xi32, #tpu.memory_space<vmem>> -> memref<1x80xi32, #tpu.memory_space<vmem>>
        %dma_start3A_126 = tpu.memref_squeeze %dma_start3A_125 : memref<1x80xi32, #tpu.memory_space<vmem>> -> memref<80xi32, #tpu.memory_space<vmem>>
        %dma_start3A_127 = arith.constant 0 : i32
        %dma_start3A_128 = arith.constant 0 : i32
        %dma_start3A_129 = tpu.memref_slice %arg11[%dma_start3A_127, %dma_start3A_128] : memref<10240x128xf32, #tpu.memory_space<vmem_shared>> -> memref<10240x128xf32, #tpu.memory_space<vmem_shared>>
        tpu.enqueue_indirect_dma source(%arg9 : memref<80x128xf32, #tpu.memory_space<vmem>>) target(%dma_start3A_129 : memref<10240x128xf32, #tpu.memory_space<vmem_shared>>) offsets(%dma_start3A_126 : memref<80xi32, #tpu.memory_space<vmem>>) semaphore(%run_scoped3A_123 : memref<!tpu.dma_semaphore, #tpu.memory_space<semaphore_mem>>) {add = true}
        %dma_wait3A_130 = arith.constant 0 : i32
        %dma_wait3A_131 = tpu.memref_slice %arg8[%mul3A_90, %dma_wait3A_130] : memref<125x80xi32, #tpu.memory_space<vmem>> -> memref<1x80xi32, #tpu.memory_space<vmem>>
        %dma_wait3A_132 = tpu.memref_squeeze %dma_wait3A_131 : memref<1x80xi32, #tpu.memory_space<vmem>> -> memref<80xi32, #tpu.memory_space<vmem>>
        %dma_wait3A_133 = arith.constant 0 : i32
        %dma_wait3A_134 = arith.constant 0 : i32
        %dma_wait3A_135 = tpu.memref_slice %arg11[%dma_wait3A_133, %dma_wait3A_134] : memref<10240x128xf32, #tpu.memory_space<vmem_shared>> -> memref<10240x128xf32, #tpu.memory_space<vmem_shared>>
        tpu.wait_indirect_dma semaphore(%run_scoped3A_123 : memref<!tpu.dma_semaphore, #tpu.memory_space<semaphore_mem>>) src(%arg9 : memref<80x128xf32, #tpu.memory_space<vmem>>) dst(%dma_wait3A_135 : memref<10240x128xf32, #tpu.memory_space<vmem_shared>>)
        tpu.yield
      }) : () -> ()
      %add3A_105 = arith.constant 2 : i32
      %add3A_106 = arith.addi %mul3A_90, %add3A_105 : i32
      %mul3A_107 = arith.constant 80 : i32
      %mul3A_108 = arith.muli %add3A_106, %mul3A_107 : i32
      %dma_start3A_109 = tpu.memref_slice %arg7[%mul3A_108] : memref<10000xi32, #tpu.memory_space<vmem>> -> memref<80xi32, #tpu.memory_space<vmem>>
      %dma_start3A_110 = arith.constant 0 : i32
      %dma_start3A_111 = arith.constant 0 : i32
      %dma_start3A_112 = tpu.memref_slice %arg2[%dma_start3A_110, %dma_start3A_111] : memref<10240x128xf32, #tpu.memory_space<hbm>> -> memref<10240x128xf32, #tpu.memory_space<hbm>>
      tpu.enqueue_indirect_dma source(%dma_start3A_112 : memref<10240x128xf32, #tpu.memory_space<hbm>>) target(%arg9 : memref<80x128xf32, #tpu.memory_space<vmem>>) offsets(%dma_start3A_109 : memref<80xi32, #tpu.memory_space<vmem>>) semaphore(%arg12 : memref<!tpu.dma_semaphore, #tpu.memory_space<semaphore_mem>>)
      %add3A_113 = arith.constant 1 : i32
      %add3A_114 = arith.addi %mul3A_90, %add3A_113 : i32
      %mul3A_115 = arith.constant 80 : i32
      %mul3A_116 = arith.muli %add3A_114, %mul3A_115 : i32
      %dma_wait3A_117 = tpu.memref_slice %arg7[%mul3A_116] : memref<10000xi32, #tpu.memory_space<vmem>> -> memref<80xi32, #tpu.memory_space<vmem>>
      %dma_wait3A_118 = arith.constant 0 : i32
      %dma_wait3A_119 = arith.constant 0 : i32
      %dma_wait3A_120 = tpu.memref_slice %arg2[%dma_wait3A_118, %dma_wait3A_119] : memref<10240x128xf32, #tpu.memory_space<hbm>> -> memref<10240x128xf32, #tpu.memory_space<hbm>>
      tpu.wait_indirect_dma semaphore(%arg13 : memref<!tpu.dma_semaphore, #tpu.memory_space<semaphore_mem>>) src(%dma_wait3A_120 : memref<10240x128xf32, #tpu.memory_space<hbm>>) dst(%arg10 : memref<80x128xf32, #tpu.memory_space<vmem>>)
      %add3A_121 = arith.constant 1 : i32
      %add3A_122 = arith.addi %mul3A_90, %add3A_121 : i32
      "tpu.region"() ({
        %run_scoped3A_123 = tpu.sem_alloc : memref<!tpu.dma_semaphore, #tpu.memory_space<semaphore_mem>>
        %dma_start3A_124 = arith.constant 0 : i32
        %dma_start3A_125 = tpu.memref_slice %arg8[%add3A_122, %dma_start3A_124] : memref<125x80xi32, #tpu.memory_space<vmem>> -> memref<1x80xi32, #tpu.memory_space<vmem>>
        %dma_start3A_126 = tpu.memref_squeeze %dma_start3A_125 : memref<1x80xi32, #tpu.memory_space<vmem>> -> memref<80xi32, #tpu.memory_space<vmem>>
        %dma_start3A_127 = arith.constant 0 : i32
        %dma_start3A_128 = arith.constant 0 : i32
        %dma_start3A_129 = tpu.memref_slice %arg11[%dma_start3A_127, %dma_start3A_128] : memref<10240x128xf32, #tpu.memory_space<vmem_shared>> -> memref<10240x128xf32, #tpu.memory_space<vmem_shared>>
        tpu.enqueue_indirect_dma source(%arg10 : memref<80x128xf32, #tpu.memory_space<vmem>>) target(%dma_start3A_129 : memref<10240x128xf32, #tpu.memory_space<vmem_shared>>) offsets(%dma_start3A_126 : memref<80xi32, #tpu.memory_space<vmem>>) semaphore(%run_scoped3A_123 : memref<!tpu.dma_semaphore, #tpu.memory_space<semaphore_mem>>) {add = true}
        %dma_wait3A_130 = arith.constant 0 : i32
        %dma_wait3A_131 = tpu.memref_slice %arg8[%add3A_122, %dma_wait3A_130] : memref<125x80xi32, #tpu.memory_space<vmem>> -> memref<1x80xi32, #tpu.memory_space<vmem>>
        %dma_wait3A_132 = tpu.memref_squeeze %dma_wait3A_131 : memref<1x80xi32, #tpu.memory_space<vmem>> -> memref<80xi32, #tpu.memory_space<vmem>>
        %dma_wait3A_133 = arith.constant 0 : i32
        %dma_wait3A_134 = arith.constant 0 : i32
        %dma_wait3A_135 = tpu.memref_slice %arg11[%dma_wait3A_133, %dma_wait3A_134] : memref<10240x128xf32, #tpu.memory_space<vmem_shared>> -> memref<10240x128xf32, #tpu.memory_space<vmem_shared>>
        tpu.wait_indirect_dma semaphore(%run_scoped3A_123 : memref<!tpu.dma_semaphore, #tpu.memory_space<semaphore_mem>>) src(%arg10 : memref<80x128xf32, #tpu.memory_space<vmem>>) dst(%dma_wait3A_135 : memref<10240x128xf32, #tpu.memory_space<vmem_shared>>)
        tpu.yield
      }) : () -> ()
    }
    %scan3A_17 = arith.constant 62 : i32
    %dma_wait3A = arith.constant 9920 : i32
    %dma_wait3A_18 = tpu.memref_slice %arg7[%dma_wait3A] : memref<10000xi32, #tpu.memory_space<vmem>> -> memref<80xi32, #tpu.memory_space<vmem>>
    %dma_wait3A_19 = arith.constant 0 : i32
    %dma_wait3A_20 = arith.constant 0 : i32
    %dma_wait3A_21 = tpu.memref_slice %arg2[%dma_wait3A_19, %dma_wait3A_20] : memref<10240x128xf32, #tpu.memory_space<hbm>> -> memref<10240x128xf32, #tpu.memory_space<hbm>>
    tpu.wait_indirect_dma semaphore(%arg12 : memref<!tpu.dma_semaphore, #tpu.memory_space<semaphore_mem>>) src(%dma_wait3A_21 : memref<10240x128xf32, #tpu.memory_space<hbm>>) dst(%arg9 : memref<80x128xf32, #tpu.memory_space<vmem>>)
    %run_scoped3A_22 = arith.constant 124 : i32
    "tpu.region"() ({
      %run_scoped3A_88 = tpu.sem_alloc : memref<!tpu.dma_semaphore, #tpu.memory_space<semaphore_mem>>
      %dma_start3A_89 = arith.constant 0 : i32
      %dma_start3A_90 = tpu.memref_slice %arg8[%run_scoped3A_22, %dma_start3A_89] : memref<125x80xi32, #tpu.memory_space<vmem>> -> memref<1x80xi32, #tpu.memory_space<vmem>>
      %dma_start3A_91 = tpu.memref_squeeze %dma_start3A_90 : memref<1x80xi32, #tpu.memory_space<vmem>> -> memref<80xi32, #tpu.memory_space<vmem>>
      %dma_start3A_92 = arith.constant 0 : i32
      %dma_start3A_93 = arith.constant 0 : i32
      %dma_start3A_94 = tpu.memref_slice %arg11[%dma_start3A_92, %dma_start3A_93] : memref<10240x128xf32, #tpu.memory_space<vmem_shared>> -> memref<10240x128xf32, #tpu.memory_space<vmem_shared>>
      tpu.enqueue_indirect_dma source(%arg9 : memref<80x128xf32, #tpu.memory_space<vmem>>) target(%dma_start3A_94 : memref<10240x128xf32, #tpu.memory_space<vmem_shared>>) offsets(%dma_start3A_91 : memref<80xi32, #tpu.memory_space<vmem>>) semaphore(%run_scoped3A_88 : memref<!tpu.dma_semaphore, #tpu.memory_space<semaphore_mem>>) {add = true}
      %dma_wait3A_95 = arith.constant 0 : i32
      %dma_wait3A_96 = tpu.memref_slice %arg8[%run_scoped3A_22, %dma_wait3A_95] : memref<125x80xi32, #tpu.memory_space<vmem>> -> memref<1x80xi32, #tpu.memory_space<vmem>>
      %dma_wait3A_97 = tpu.memref_squeeze %dma_wait3A_96 : memref<1x80xi32, #tpu.memory_space<vmem>> -> memref<80xi32, #tpu.memory_space<vmem>>
      %dma_wait3A_98 = arith.constant 0 : i32
      %dma_wait3A_99 = arith.constant 0 : i32
      %dma_wait3A_100 = tpu.memref_slice %arg11[%dma_wait3A_98, %dma_wait3A_99] : memref<10240x128xf32, #tpu.memory_space<vmem_shared>> -> memref<10240x128xf32, #tpu.memory_space<vmem_shared>>
      tpu.wait_indirect_dma semaphore(%run_scoped3A_88 : memref<!tpu.dma_semaphore, #tpu.memory_space<semaphore_mem>>) src(%arg9 : memref<80x128xf32, #tpu.memory_space<vmem>>) dst(%dma_wait3A_100 : memref<10240x128xf32, #tpu.memory_space<vmem_shared>>)
      tpu.yield
    }) : () -> ()
    %barrier3A_23 = arith.constant 0 : index
    tpu.barrier barrier_id(%barrier3A_23)
    %mul3A_24 = arith.constant 640 : i32
    %mul3A_25 = arith.muli %arg1, %mul3A_24 : i32
    %add3A_26 = arith.constant 0 : i32
    %add3A_27 = arith.addi %mul3A_25, %add3A_26 : i32
    "tpu.region"() ({
      %run_scoped3A_88 = tpu.sem_alloc : memref<!tpu.dma_semaphore, #tpu.memory_space<semaphore_mem>>
      %dma_start3A_89 = arith.constant 0 : i32
      %dma_start3A_90 = tpu.memref_slice %arg11[%add3A_27, %dma_start3A_89] : memref<10240x128xf32, #tpu.memory_space<vmem_shared>> -> memref<80x128xf32, #tpu.memory_space<vmem_shared>>
      %dma_start3A_91 = arith.constant 0 : i32
      %dma_start3A_92 = tpu.memref_slice %arg11[%add3A_27, %dma_start3A_91] : memref<10240x128xf32, #tpu.memory_space<vmem_shared>> -> memref<80x128xf32, #tpu.memory_space<vmem_shared>>
      tpu.enqueue_dma source(%dma_start3A_92 : memref<80x128xf32, #tpu.memory_space<vmem_shared>>) target(%arg9 : memref<80x128xf32, #tpu.memory_space<vmem>>) target_semaphore(%run_scoped3A_88 : memref<!tpu.dma_semaphore, #tpu.memory_space<semaphore_mem>>)
      %dma_wait3A_93 = arith.constant 0 : i32
      %dma_wait3A_94 = tpu.memref_slice %arg11[%add3A_27, %dma_wait3A_93] : memref<10240x128xf32, #tpu.memory_space<vmem_shared>> -> memref<80x128xf32, #tpu.memory_space<vmem_shared>>
      %dma_wait3A_95 = arith.constant 0 : i32
      %dma_wait3A_96 = tpu.memref_slice %arg11[%add3A_27, %dma_wait3A_95] : memref<10240x128xf32, #tpu.memory_space<vmem_shared>> -> memref<80x128xf32, #tpu.memory_space<vmem_shared>>
      tpu.wait_dma2 semaphore(%run_scoped3A_88 : memref<!tpu.dma_semaphore, #tpu.memory_space<semaphore_mem>>) src(%dma_wait3A_96 : memref<80x128xf32, #tpu.memory_space<vmem_shared>>) dst(%arg9 : memref<80x128xf32, #tpu.memory_space<vmem>>)
      tpu.yield
    }) : () -> ()
    %mul3A_28 = arith.constant 640 : i32
    %mul3A_29 = arith.muli %arg1, %mul3A_28 : i32
    %add3A_30 = arith.constant 0 : i32
    %add3A_31 = arith.addi %mul3A_29, %add3A_30 : i32
    "tpu.region"() ({
      %run_scoped3A_88 = tpu.sem_alloc : memref<!tpu.dma_semaphore, #tpu.memory_space<semaphore_mem>>
      %dma_start3A_89 = arith.constant 0 : i32
      %dma_start3A_90 = tpu.memref_slice %arg6[%arg0, %add3A_31, %dma_start3A_89] : memref<2x10240x128xf32, #tpu.memory_space<hbm>> -> memref<1x80x128xf32, #tpu.memory_space<hbm>>
      %dma_start3A_91 = tpu.memref_squeeze %dma_start3A_90 : memref<1x80x128xf32, #tpu.memory_space<hbm>> -> memref<80x128xf32, #tpu.memory_space<hbm>>
      %dma_start3A_92 = arith.constant 0 : i32
      %dma_start3A_93 = tpu.memref_slice %arg6[%arg0, %add3A_31, %dma_start3A_92] : memref<2x10240x128xf32, #tpu.memory_space<hbm>> -> memref<1x80x128xf32, #tpu.memory_space<hbm>>
      %dma_start3A_94 = tpu.memref_squeeze %dma_start3A_93 : memref<1x80x128xf32, #tpu.memory_space<hbm>> -> memref<80x128xf32, #tpu.memory_space<hbm>>
      tpu.enqueue_dma source(%arg9 : memref<80x128xf32, #tpu.memory_space<vmem>>) target(%dma_start3A_94 : memref<80x128xf32, #tpu.memory_space<hbm>>) target_semaphore(%run_scoped3A_88 : memref<!tpu.dma_semaphore, #tpu.memory_space<semaphore_mem>>)
      %dma_wait3A_95 = arith.constant 0 : i32
      %dma_wait3A_96 = tpu.memref_slice %arg6[%arg0, %add3A_31, %dma_wait3A_95] : memref<2x10240x128xf32, #tpu.memory_space<hbm>> -> memref<1x80x128xf32, #tpu.memory_space<hbm>>
      %dma_wait3A_97 = tpu.memref_squeeze %dma_wait3A_96 : memref<1x80x128xf32, #tpu.memory_space<hbm>> -> memref<80x128xf32, #tpu.memory_space<hbm>>
      %dma_wait3A_98 = arith.constant 0 : i32
      %dma_wait3A_99 = tpu.memref_slice %arg6[%arg0, %add3A_31, %dma_wait3A_98] : memref<2x10240x128xf32, #tpu.memory_space<hbm>> -> memref<1x80x128xf32, #tpu.memory_space<hbm>>
      %dma_wait3A_100 = tpu.memref_squeeze %dma_wait3A_99 : memref<1x80x128xf32, #tpu.memory_space<hbm>> -> memref<80x128xf32, #tpu.memory_space<hbm>>
      tpu.wait_dma2 semaphore(%run_scoped3A_88 : memref<!tpu.dma_semaphore, #tpu.memory_space<semaphore_mem>>) src(%arg9 : memref<80x128xf32, #tpu.memory_space<vmem>>) dst(%dma_wait3A_100 : memref<80x128xf32, #tpu.memory_space<hbm>>)
      tpu.yield
    }) : () -> ()
    %mul3A_32 = arith.constant 640 : i32
    %mul3A_33 = arith.muli %arg1, %mul3A_32 : i32
    %add3A_34 = arith.constant 80 : i32
    %add3A_35 = arith.addi %mul3A_33, %add3A_34 : i32
    "tpu.region"() ({
      %run_scoped3A_88 = tpu.sem_alloc : memref<!tpu.dma_semaphore, #tpu.memory_space<semaphore_mem>>
      %dma_start3A_89 = arith.constant 0 : i32
      %dma_start3A_90 = tpu.memref_slice %arg11[%add3A_35, %dma_start3A_89] : memref<10240x128xf32, #tpu.memory_space<vmem_shared>> -> memref<80x128xf32, #tpu.memory_space<vmem_shared>>
      %dma_start3A_91 = arith.constant 0 : i32
      %dma_start3A_92 = tpu.memref_slice %arg11[%add3A_35, %dma_start3A_91] : memref<10240x128xf32, #tpu.memory_space<vmem_shared>> -> memref<80x128xf32, #tpu.memory_space<vmem_shared>>
      tpu.enqueue_dma source(%dma_start3A_92 : memref<80x128xf32, #tpu.memory_space<vmem_shared>>) target(%arg9 : memref<80x128xf32, #tpu.memory_space<vmem>>) target_semaphore(%run_scoped3A_88 : memref<!tpu.dma_semaphore, #tpu.memory_space<semaphore_mem>>)
      %dma_wait3A_93 = arith.constant 0 : i32
      %dma_wait3A_94 = tpu.memref_slice %arg11[%add3A_35, %dma_wait3A_93] : memref<10240x128xf32, #tpu.memory_space<vmem_shared>> -> memref<80x128xf32, #tpu.memory_space<vmem_shared>>
      %dma_wait3A_95 = arith.constant 0 : i32
      %dma_wait3A_96 = tpu.memref_slice %arg11[%add3A_35, %dma_wait3A_95] : memref<10240x128xf32, #tpu.memory_space<vmem_shared>> -> memref<80x128xf32, #tpu.memory_space<vmem_shared>>
      tpu.wait_dma2 semaphore(%run_scoped3A_88 : memref<!tpu.dma_semaphore, #tpu.memory_space<semaphore_mem>>) src(%dma_wait3A_96 : memref<80x128xf32, #tpu.memory_space<vmem_shared>>) dst(%arg9 : memref<80x128xf32, #tpu.memory_space<vmem>>)
      tpu.yield
    }) : () -> ()
    %mul3A_36 = arith.constant 640 : i32
    %mul3A_37 = arith.muli %arg1, %mul3A_36 : i32
    %add3A_38 = arith.constant 80 : i32
    %add3A_39 = arith.addi %mul3A_37, %add3A_38 : i32
    "tpu.region"() ({
      %run_scoped3A_88 = tpu.sem_alloc : memref<!tpu.dma_semaphore, #tpu.memory_space<semaphore_mem>>
      %dma_start3A_89 = arith.constant 0 : i32
      %dma_start3A_90 = tpu.memref_slice %arg6[%arg0, %add3A_39, %dma_start3A_89] : memref<2x10240x128xf32, #tpu.memory_space<hbm>> -> memref<1x80x128xf32, #tpu.memory_space<hbm>>
      %dma_start3A_91 = tpu.memref_squeeze %dma_start3A_90 : memref<1x80x128xf32, #tpu.memory_space<hbm>> -> memref<80x128xf32, #tpu.memory_space<hbm>>
      %dma_start3A_92 = arith.constant 0 : i32
      %dma_start3A_93 = tpu.memref_slice %arg6[%arg0, %add3A_39, %dma_start3A_92] : memref<2x10240x128xf32, #tpu.memory_space<hbm>> -> memref<1x80x128xf32, #tpu.memory_space<hbm>>
      %dma_start3A_94 = tpu.memref_squeeze %dma_start3A_93 : memref<1x80x128xf32, #tpu.memory_space<hbm>> -> memref<80x128xf32, #tpu.memory_space<hbm>>
      tpu.enqueue_dma source(%arg9 : memref<80x128xf32, #tpu.memory_space<vmem>>) target(%dma_start3A_94 : memref<80x128xf32, #tpu.memory_space<hbm>>) target_semaphore(%run_scoped3A_88 : memref<!tpu.dma_semaphore, #tpu.memory_space<semaphore_mem>>)
      %dma_wait3A_95 = arith.constant 0 : i32
      %dma_wait3A_96 = tpu.memref_slice %arg6[%arg0, %add3A_39, %dma_wait3A_95] : memref<2x10240x128xf32, #tpu.memory_space<hbm>> -> memref<1x80x128xf32, #tpu.memory_space<hbm>>
      %dma_wait3A_97 = tpu.memref_squeeze %dma_wait3A_96 : memref<1x80x128xf32, #tpu.memory_space<hbm>> -> memref<80x128xf32, #tpu.memory_space<hbm>>
      %dma_wait3A_98 = arith.constant 0 : i32
      %dma_wait3A_99 = tpu.memref_slice %arg6[%arg0, %add3A_39, %dma_wait3A_98] : memref<2x10240x128xf32, #tpu.memory_space<hbm>> -> memref<1x80x128xf32, #tpu.memory_space<hbm>>
      %dma_wait3A_100 = tpu.memref_squeeze %dma_wait3A_99 : memref<1x80x128xf32, #tpu.memory_space<hbm>> -> memref<80x128xf32, #tpu.memory_space<hbm>>
      tpu.wait_dma2 semaphore(%run_scoped3A_88 : memref<!tpu.dma_semaphore, #tpu.memory_space<semaphore_mem>>) src(%arg9 : memref<80x128xf32, #tpu.memory_space<vmem>>) dst(%dma_wait3A_100 : memref<80x128xf32, #tpu.memory_space<hbm>>)
      tpu.yield
    }) : () -> ()
    %mul3A_40 = arith.constant 640 : i32
    %mul3A_41 = arith.muli %arg1, %mul3A_40 : i32
    %add3A_42 = arith.constant 160 : i32
    %add3A_43 = arith.addi %mul3A_41, %add3A_42 : i32
    "tpu.region"() ({
      %run_scoped3A_88 = tpu.sem_alloc : memref<!tpu.dma_semaphore, #tpu.memory_space<semaphore_mem>>
      %dma_start3A_89 = arith.constant 0 : i32
      %dma_start3A_90 = tpu.memref_slice %arg11[%add3A_43, %dma_start3A_89] : memref<10240x128xf32, #tpu.memory_space<vmem_shared>> -> memref<80x128xf32, #tpu.memory_space<vmem_shared>>
      %dma_start3A_91 = arith.constant 0 : i32
      %dma_start3A_92 = tpu.memref_slice %arg11[%add3A_43, %dma_start3A_91] : memref<10240x128xf32, #tpu.memory_space<vmem_shared>> -> memref<80x128xf32, #tpu.memory_space<vmem_shared>>
      tpu.enqueue_dma source(%dma_start3A_92 : memref<80x128xf32, #tpu.memory_space<vmem_shared>>) target(%arg9 : memref<80x128xf32, #tpu.memory_space<vmem>>) target_semaphore(%run_scoped3A_88 : memref<!tpu.dma_semaphore, #tpu.memory_space<semaphore_mem>>)
      %dma_wait3A_93 = arith.constant 0 : i32
      %dma_wait3A_94 = tpu.memref_slice %arg11[%add3A_43, %dma_wait3A_93] : memref<10240x128xf32, #tpu.memory_space<vmem_shared>> -> memref<80x128xf32, #tpu.memory_space<vmem_shared>>
      %dma_wait3A_95 = arith.constant 0 : i32
      %dma_wait3A_96 = tpu.memref_slice %arg11[%add3A_43, %dma_wait3A_95] : memref<10240x128xf32, #tpu.memory_space<vmem_shared>> -> memref<80x128xf32, #tpu.memory_space<vmem_shared>>
      tpu.wait_dma2 semaphore(%run_scoped3A_88 : memref<!tpu.dma_semaphore, #tpu.memory_space<semaphore_mem>>) src(%dma_wait3A_96 : memref<80x128xf32, #tpu.memory_space<vmem_shared>>) dst(%arg9 : memref<80x128xf32, #tpu.memory_space<vmem>>)
      tpu.yield
    }) : () -> ()
    %mul3A_44 = arith.constant 640 : i32
    %mul3A_45 = arith.muli %arg1, %mul3A_44 : i32
    %add3A_46 = arith.constant 160 : i32
    %add3A_47 = arith.addi %mul3A_45, %add3A_46 : i32
    "tpu.region"() ({
      %run_scoped3A_88 = tpu.sem_alloc : memref<!tpu.dma_semaphore, #tpu.memory_space<semaphore_mem>>
      %dma_start3A_89 = arith.constant 0 : i32
      %dma_start3A_90 = tpu.memref_slice %arg6[%arg0, %add3A_47, %dma_start3A_89] : memref<2x10240x128xf32, #tpu.memory_space<hbm>> -> memref<1x80x128xf32, #tpu.memory_space<hbm>>
      %dma_start3A_91 = tpu.memref_squeeze %dma_start3A_90 : memref<1x80x128xf32, #tpu.memory_space<hbm>> -> memref<80x128xf32, #tpu.memory_space<hbm>>
      %dma_start3A_92 = arith.constant 0 : i32
      %dma_start3A_93 = tpu.memref_slice %arg6[%arg0, %add3A_47, %dma_start3A_92] : memref<2x10240x128xf32, #tpu.memory_space<hbm>> -> memref<1x80x128xf32, #tpu.memory_space<hbm>>
      %dma_start3A_94 = tpu.memref_squeeze %dma_start3A_93 : memref<1x80x128xf32, #tpu.memory_space<hbm>> -> memref<80x128xf32, #tpu.memory_space<hbm>>
      tpu.enqueue_dma source(%arg9 : memref<80x128xf32, #tpu.memory_space<vmem>>) target(%dma_start3A_94 : memref<80x128xf32, #tpu.memory_space<hbm>>) target_semaphore(%run_scoped3A_88 : memref<!tpu.dma_semaphore, #tpu.memory_space<semaphore_mem>>)
      %dma_wait3A_95 = arith.constant 0 : i32
      %dma_wait3A_96 = tpu.memref_slice %arg6[%arg0, %add3A_47, %dma_wait3A_95] : memref<2x10240x128xf32, #tpu.memory_space<hbm>> -> memref<1x80x128xf32, #tpu.memory_space<hbm>>
      %dma_wait3A_97 = tpu.memref_squeeze %dma_wait3A_96 : memref<1x80x128xf32, #tpu.memory_space<hbm>> -> memref<80x128xf32, #tpu.memory_space<hbm>>
      %dma_wait3A_98 = arith.constant 0 : i32
      %dma_wait3A_99 = tpu.memref_slice %arg6[%arg0, %add3A_47, %dma_wait3A_98] : memref<2x10240x128xf32, #tpu.memory_space<hbm>> -> memref<1x80x128xf32, #tpu.memory_space<hbm>>
      %dma_wait3A_100 = tpu.memref_squeeze %dma_wait3A_99 : memref<1x80x128xf32, #tpu.memory_space<hbm>> -> memref<80x128xf32, #tpu.memory_space<hbm>>
      tpu.wait_dma2 semaphore(%run_scoped3A_88 : memref<!tpu.dma_semaphore, #tpu.memory_space<semaphore_mem>>) src(%arg9 : memref<80x128xf32, #tpu.memory_space<vmem>>) dst(%dma_wait3A_100 : memref<80x128xf32, #tpu.memory_space<hbm>>)
      tpu.yield
    }) : () -> ()
    %mul3A_48 = arith.constant 640 : i32
    %mul3A_49 = arith.muli %arg1, %mul3A_48 : i32
    %add3A_50 = arith.constant 240 : i32
    %add3A_51 = arith.addi %mul3A_49, %add3A_50 : i32
    "tpu.region"() ({
      %run_scoped3A_88 = tpu.sem_alloc : memref<!tpu.dma_semaphore, #tpu.memory_space<semaphore_mem>>
      %dma_start3A_89 = arith.constant 0 : i32
      %dma_start3A_90 = tpu.memref_slice %arg11[%add3A_51, %dma_start3A_89] : memref<10240x128xf32, #tpu.memory_space<vmem_shared>> -> memref<80x128xf32, #tpu.memory_space<vmem_shared>>
      %dma_start3A_91 = arith.constant 0 : i32
      %dma_start3A_92 = tpu.memref_slice %arg11[%add3A_51, %dma_start3A_91] : memref<10240x128xf32, #tpu.memory_space<vmem_shared>> -> memref<80x128xf32, #tpu.memory_space<vmem_shared>>
      tpu.enqueue_dma source(%dma_start3A_92 : memref<80x128xf32, #tpu.memory_space<vmem_shared>>) target(%arg9 : memref<80x128xf32, #tpu.memory_space<vmem>>) target_semaphore(%run_scoped3A_88 : memref<!tpu.dma_semaphore, #tpu.memory_space<semaphore_mem>>)
      %dma_wait3A_93 = arith.constant 0 : i32
      %dma_wait3A_94 = tpu.memref_slice %arg11[%add3A_51, %dma_wait3A_93] : memref<10240x128xf32, #tpu.memory_space<vmem_shared>> -> memref<80x128xf32, #tpu.memory_space<vmem_shared>>
      %dma_wait3A_95 = arith.constant 0 : i32
      %dma_wait3A_96 = tpu.memref_slice %arg11[%add3A_51, %dma_wait3A_95] : memref<10240x128xf32, #tpu.memory_space<vmem_shared>> -> memref<80x128xf32, #tpu.memory_space<vmem_shared>>
      tpu.wait_dma2 semaphore(%run_scoped3A_88 : memref<!tpu.dma_semaphore, #tpu.memory_space<semaphore_mem>>) src(%dma_wait3A_96 : memref<80x128xf32, #tpu.memory_space<vmem_shared>>) dst(%arg9 : memref<80x128xf32, #tpu.memory_space<vmem>>)
      tpu.yield
    }) : () -> ()
    %mul3A_52 = arith.constant 640 : i32
    %mul3A_53 = arith.muli %arg1, %mul3A_52 : i32
    %add3A_54 = arith.constant 240 : i32
    %add3A_55 = arith.addi %mul3A_53, %add3A_54 : i32
    "tpu.region"() ({
      %run_scoped3A_88 = tpu.sem_alloc : memref<!tpu.dma_semaphore, #tpu.memory_space<semaphore_mem>>
      %dma_start3A_89 = arith.constant 0 : i32
      %dma_start3A_90 = tpu.memref_slice %arg6[%arg0, %add3A_55, %dma_start3A_89] : memref<2x10240x128xf32, #tpu.memory_space<hbm>> -> memref<1x80x128xf32, #tpu.memory_space<hbm>>
      %dma_start3A_91 = tpu.memref_squeeze %dma_start3A_90 : memref<1x80x128xf32, #tpu.memory_space<hbm>> -> memref<80x128xf32, #tpu.memory_space<hbm>>
      %dma_start3A_92 = arith.constant 0 : i32
      %dma_start3A_93 = tpu.memref_slice %arg6[%arg0, %add3A_55, %dma_start3A_92] : memref<2x10240x128xf32, #tpu.memory_space<hbm>> -> memref<1x80x128xf32, #tpu.memory_space<hbm>>
      %dma_start3A_94 = tpu.memref_squeeze %dma_start3A_93 : memref<1x80x128xf32, #tpu.memory_space<hbm>> -> memref<80x128xf32, #tpu.memory_space<hbm>>
      tpu.enqueue_dma source(%arg9 : memref<80x128xf32, #tpu.memory_space<vmem>>) target(%dma_start3A_94 : memref<80x128xf32, #tpu.memory_space<hbm>>) target_semaphore(%run_scoped3A_88 : memref<!tpu.dma_semaphore, #tpu.memory_space<semaphore_mem>>)
      %dma_wait3A_95 = arith.constant 0 : i32
      %dma_wait3A_96 = tpu.memref_slice %arg6[%arg0, %add3A_55, %dma_wait3A_95] : memref<2x10240x128xf32, #tpu.memory_space<hbm>> -> memref<1x80x128xf32, #tpu.memory_space<hbm>>
      %dma_wait3A_97 = tpu.memref_squeeze %dma_wait3A_96 : memref<1x80x128xf32, #tpu.memory_space<hbm>> -> memref<80x128xf32, #tpu.memory_space<hbm>>
      %dma_wait3A_98 = arith.constant 0 : i32
      %dma_wait3A_99 = tpu.memref_slice %arg6[%arg0, %add3A_55, %dma_wait3A_98] : memref<2x10240x128xf32, #tpu.memory_space<hbm>> -> memref<1x80x128xf32, #tpu.memory_space<hbm>>
      %dma_wait3A_100 = tpu.memref_squeeze %dma_wait3A_99 : memref<1x80x128xf32, #tpu.memory_space<hbm>> -> memref<80x128xf32, #tpu.memory_space<hbm>>
      tpu.wait_dma2 semaphore(%run_scoped3A_88 : memref<!tpu.dma_semaphore, #tpu.memory_space<semaphore_mem>>) src(%arg9 : memref<80x128xf32, #tpu.memory_space<vmem>>) dst(%dma_wait3A_100 : memref<80x128xf32, #tpu.memory_space<hbm>>)
      tpu.yield
    }) : () -> ()
    %mul3A_56 = arith.constant 640 : i32
    %mul3A_57 = arith.muli %arg1, %mul3A_56 : i32
    %add3A_58 = arith.constant 320 : i32
    %add3A_59 = arith.addi %mul3A_57, %add3A_58 : i32
    "tpu.region"() ({
      %run_scoped3A_88 = tpu.sem_alloc : memref<!tpu.dma_semaphore, #tpu.memory_space<semaphore_mem>>
      %dma_start3A_89 = arith.constant 0 : i32
      %dma_start3A_90 = tpu.memref_slice %arg11[%add3A_59, %dma_start3A_89] : memref<10240x128xf32, #tpu.memory_space<vmem_shared>> -> memref<80x128xf32, #tpu.memory_space<vmem_shared>>
      %dma_start3A_91 = arith.constant 0 : i32
      %dma_start3A_92 = tpu.memref_slice %arg11[%add3A_59, %dma_start3A_91] : memref<10240x128xf32, #tpu.memory_space<vmem_shared>> -> memref<80x128xf32, #tpu.memory_space<vmem_shared>>
      tpu.enqueue_dma source(%dma_start3A_92 : memref<80x128xf32, #tpu.memory_space<vmem_shared>>) target(%arg9 : memref<80x128xf32, #tpu.memory_space<vmem>>) target_semaphore(%run_scoped3A_88 : memref<!tpu.dma_semaphore, #tpu.memory_space<semaphore_mem>>)
      %dma_wait3A_93 = arith.constant 0 : i32
      %dma_wait3A_94 = tpu.memref_slice %arg11[%add3A_59, %dma_wait3A_93] : memref<10240x128xf32, #tpu.memory_space<vmem_shared>> -> memref<80x128xf32, #tpu.memory_space<vmem_shared>>
      %dma_wait3A_95 = arith.constant 0 : i32
      %dma_wait3A_96 = tpu.memref_slice %arg11[%add3A_59, %dma_wait3A_95] : memref<10240x128xf32, #tpu.memory_space<vmem_shared>> -> memref<80x128xf32, #tpu.memory_space<vmem_shared>>
      tpu.wait_dma2 semaphore(%run_scoped3A_88 : memref<!tpu.dma_semaphore, #tpu.memory_space<semaphore_mem>>) src(%dma_wait3A_96 : memref<80x128xf32, #tpu.memory_space<vmem_shared>>) dst(%arg9 : memref<80x128xf32, #tpu.memory_space<vmem>>)
      tpu.yield
    }) : () -> ()
    %mul3A_60 = arith.constant 640 : i32
    %mul3A_61 = arith.muli %arg1, %mul3A_60 : i32
    %add3A_62 = arith.constant 320 : i32
    %add3A_63 = arith.addi %mul3A_61, %add3A_62 : i32
    "tpu.region"() ({
      %run_scoped3A_88 = tpu.sem_alloc : memref<!tpu.dma_semaphore, #tpu.memory_space<semaphore_mem>>
      %dma_start3A_89 = arith.constant 0 : i32
      %dma_start3A_90 = tpu.memref_slice %arg6[%arg0, %add3A_63, %dma_start3A_89] : memref<2x10240x128xf32, #tpu.memory_space<hbm>> -> memref<1x80x128xf32, #tpu.memory_space<hbm>>
      %dma_start3A_91 = tpu.memref_squeeze %dma_start3A_90 : memref<1x80x128xf32, #tpu.memory_space<hbm>> -> memref<80x128xf32, #tpu.memory_space<hbm>>
      %dma_start3A_92 = arith.constant 0 : i32
      %dma_start3A_93 = tpu.memref_slice %arg6[%arg0, %add3A_63, %dma_start3A_92] : memref<2x10240x128xf32, #tpu.memory_space<hbm>> -> memref<1x80x128xf32, #tpu.memory_space<hbm>>
      %dma_start3A_94 = tpu.memref_squeeze %dma_start3A_93 : memref<1x80x128xf32, #tpu.memory_space<hbm>> -> memref<80x128xf32, #tpu.memory_space<hbm>>
      tpu.enqueue_dma source(%arg9 : memref<80x128xf32, #tpu.memory_space<vmem>>) target(%dma_start3A_94 : memref<80x128xf32, #tpu.memory_space<hbm>>) target_semaphore(%run_scoped3A_88 : memref<!tpu.dma_semaphore, #tpu.memory_space<semaphore_mem>>)
      %dma_wait3A_95 = arith.constant 0 : i32
      %dma_wait3A_96 = tpu.memref_slice %arg6[%arg0, %add3A_63, %dma_wait3A_95] : memref<2x10240x128xf32, #tpu.memory_space<hbm>> -> memref<1x80x128xf32, #tpu.memory_space<hbm>>
      %dma_wait3A_97 = tpu.memref_squeeze %dma_wait3A_96 : memref<1x80x128xf32, #tpu.memory_space<hbm>> -> memref<80x128xf32, #tpu.memory_space<hbm>>
      %dma_wait3A_98 = arith.constant 0 : i32
      %dma_wait3A_99 = tpu.memref_slice %arg6[%arg0, %add3A_63, %dma_wait3A_98] : memref<2x10240x128xf32, #tpu.memory_space<hbm>> -> memref<1x80x128xf32, #tpu.memory_space<hbm>>
      %dma_wait3A_100 = tpu.memref_squeeze %dma_wait3A_99 : memref<1x80x128xf32, #tpu.memory_space<hbm>> -> memref<80x128xf32, #tpu.memory_space<hbm>>
      tpu.wait_dma2 semaphore(%run_scoped3A_88 : memref<!tpu.dma_semaphore, #tpu.memory_space<semaphore_mem>>) src(%arg9 : memref<80x128xf32, #tpu.memory_space<vmem>>) dst(%dma_wait3A_100 : memref<80x128xf32, #tpu.memory_space<hbm>>)
      tpu.yield
    }) : () -> ()
    %mul3A_64 = arith.constant 640 : i32
    %mul3A_65 = arith.muli %arg1, %mul3A_64 : i32
    %add3A_66 = arith.constant 400 : i32
    %add3A_67 = arith.addi %mul3A_65, %add3A_66 : i32
    "tpu.region"() ({
      %run_scoped3A_88 = tpu.sem_alloc : memref<!tpu.dma_semaphore, #tpu.memory_space<semaphore_mem>>
      %dma_start3A_89 = arith.constant 0 : i32
      %dma_start3A_90 = tpu.memref_slice %arg11[%add3A_67, %dma_start3A_89] : memref<10240x128xf32, #tpu.memory_space<vmem_shared>> -> memref<80x128xf32, #tpu.memory_space<vmem_shared>>
      %dma_start3A_91 = arith.constant 0 : i32
      %dma_start3A_92 = tpu.memref_slice %arg11[%add3A_67, %dma_start3A_91] : memref<10240x128xf32, #tpu.memory_space<vmem_shared>> -> memref<80x128xf32, #tpu.memory_space<vmem_shared>>
      tpu.enqueue_dma source(%dma_start3A_92 : memref<80x128xf32, #tpu.memory_space<vmem_shared>>) target(%arg9 : memref<80x128xf32, #tpu.memory_space<vmem>>) target_semaphore(%run_scoped3A_88 : memref<!tpu.dma_semaphore, #tpu.memory_space<semaphore_mem>>)
      %dma_wait3A_93 = arith.constant 0 : i32
      %dma_wait3A_94 = tpu.memref_slice %arg11[%add3A_67, %dma_wait3A_93] : memref<10240x128xf32, #tpu.memory_space<vmem_shared>> -> memref<80x128xf32, #tpu.memory_space<vmem_shared>>
      %dma_wait3A_95 = arith.constant 0 : i32
      %dma_wait3A_96 = tpu.memref_slice %arg11[%add3A_67, %dma_wait3A_95] : memref<10240x128xf32, #tpu.memory_space<vmem_shared>> -> memref<80x128xf32, #tpu.memory_space<vmem_shared>>
      tpu.wait_dma2 semaphore(%run_scoped3A_88 : memref<!tpu.dma_semaphore, #tpu.memory_space<semaphore_mem>>) src(%dma_wait3A_96 : memref<80x128xf32, #tpu.memory_space<vmem_shared>>) dst(%arg9 : memref<80x128xf32, #tpu.memory_space<vmem>>)
      tpu.yield
    }) : () -> ()
    %mul3A_68 = arith.constant 640 : i32
    %mul3A_69 = arith.muli %arg1, %mul3A_68 : i32
    %add3A_70 = arith.constant 400 : i32
    %add3A_71 = arith.addi %mul3A_69, %add3A_70 : i32
    "tpu.region"() ({
      %run_scoped3A_88 = tpu.sem_alloc : memref<!tpu.dma_semaphore, #tpu.memory_space<semaphore_mem>>
      %dma_start3A_89 = arith.constant 0 : i32
      %dma_start3A_90 = tpu.memref_slice %arg6[%arg0, %add3A_71, %dma_start3A_89] : memref<2x10240x128xf32, #tpu.memory_space<hbm>> -> memref<1x80x128xf32, #tpu.memory_space<hbm>>
      %dma_start3A_91 = tpu.memref_squeeze %dma_start3A_90 : memref<1x80x128xf32, #tpu.memory_space<hbm>> -> memref<80x128xf32, #tpu.memory_space<hbm>>
      %dma_start3A_92 = arith.constant 0 : i32
      %dma_start3A_93 = tpu.memref_slice %arg6[%arg0, %add3A_71, %dma_start3A_92] : memref<2x10240x128xf32, #tpu.memory_space<hbm>> -> memref<1x80x128xf32, #tpu.memory_space<hbm>>
      %dma_start3A_94 = tpu.memref_squeeze %dma_start3A_93 : memref<1x80x128xf32, #tpu.memory_space<hbm>> -> memref<80x128xf32, #tpu.memory_space<hbm>>
      tpu.enqueue_dma source(%arg9 : memref<80x128xf32, #tpu.memory_space<vmem>>) target(%dma_start3A_94 : memref<80x128xf32, #tpu.memory_space<hbm>>) target_semaphore(%run_scoped3A_88 : memref<!tpu.dma_semaphore, #tpu.memory_space<semaphore_mem>>)
      %dma_wait3A_95 = arith.constant 0 : i32
      %dma_wait3A_96 = tpu.memref_slice %arg6[%arg0, %add3A_71, %dma_wait3A_95] : memref<2x10240x128xf32, #tpu.memory_space<hbm>> -> memref<1x80x128xf32, #tpu.memory_space<hbm>>
      %dma_wait3A_97 = tpu.memref_squeeze %dma_wait3A_96 : memref<1x80x128xf32, #tpu.memory_space<hbm>> -> memref<80x128xf32, #tpu.memory_space<hbm>>
      %dma_wait3A_98 = arith.constant 0 : i32
      %dma_wait3A_99 = tpu.memref_slice %arg6[%arg0, %add3A_71, %dma_wait3A_98] : memref<2x10240x128xf32, #tpu.memory_space<hbm>> -> memref<1x80x128xf32, #tpu.memory_space<hbm>>
      %dma_wait3A_100 = tpu.memref_squeeze %dma_wait3A_99 : memref<1x80x128xf32, #tpu.memory_space<hbm>> -> memref<80x128xf32, #tpu.memory_space<hbm>>
      tpu.wait_dma2 semaphore(%run_scoped3A_88 : memref<!tpu.dma_semaphore, #tpu.memory_space<semaphore_mem>>) src(%arg9 : memref<80x128xf32, #tpu.memory_space<vmem>>) dst(%dma_wait3A_100 : memref<80x128xf32, #tpu.memory_space<hbm>>)
      tpu.yield
    }) : () -> ()
    %mul3A_72 = arith.constant 640 : i32
    %mul3A_73 = arith.muli %arg1, %mul3A_72 : i32
    %add3A_74 = arith.constant 480 : i32
    %add3A_75 = arith.addi %mul3A_73, %add3A_74 : i32
    "tpu.region"() ({
      %run_scoped3A_88 = tpu.sem_alloc : memref<!tpu.dma_semaphore, #tpu.memory_space<semaphore_mem>>
      %dma_start3A_89 = arith.constant 0 : i32
      %dma_start3A_90 = tpu.memref_slice %arg11[%add3A_75, %dma_start3A_89] : memref<10240x128xf32, #tpu.memory_space<vmem_shared>> -> memref<80x128xf32, #tpu.memory_space<vmem_shared>>
      %dma_start3A_91 = arith.constant 0 : i32
      %dma_start3A_92 = tpu.memref_slice %arg11[%add3A_75, %dma_start3A_91] : memref<10240x128xf32, #tpu.memory_space<vmem_shared>> -> memref<80x128xf32, #tpu.memory_space<vmem_shared>>
      tpu.enqueue_dma source(%dma_start3A_92 : memref<80x128xf32, #tpu.memory_space<vmem_shared>>) target(%arg9 : memref<80x128xf32, #tpu.memory_space<vmem>>) target_semaphore(%run_scoped3A_88 : memref<!tpu.dma_semaphore, #tpu.memory_space<semaphore_mem>>)
      %dma_wait3A_93 = arith.constant 0 : i32
      %dma_wait3A_94 = tpu.memref_slice %arg11[%add3A_75, %dma_wait3A_93] : memref<10240x128xf32, #tpu.memory_space<vmem_shared>> -> memref<80x128xf32, #tpu.memory_space<vmem_shared>>
      %dma_wait3A_95 = arith.constant 0 : i32
      %dma_wait3A_96 = tpu.memref_slice %arg11[%add3A_75, %dma_wait3A_95] : memref<10240x128xf32, #tpu.memory_space<vmem_shared>> -> memref<80x128xf32, #tpu.memory_space<vmem_shared>>
      tpu.wait_dma2 semaphore(%run_scoped3A_88 : memref<!tpu.dma_semaphore, #tpu.memory_space<semaphore_mem>>) src(%dma_wait3A_96 : memref<80x128xf32, #tpu.memory_space<vmem_shared>>) dst(%arg9 : memref<80x128xf32, #tpu.memory_space<vmem>>)
      tpu.yield
    }) : () -> ()
    %mul3A_76 = arith.constant 640 : i32
    %mul3A_77 = arith.muli %arg1, %mul3A_76 : i32
    %add3A_78 = arith.constant 480 : i32
    %add3A_79 = arith.addi %mul3A_77, %add3A_78 : i32
    "tpu.region"() ({
      %run_scoped3A_88 = tpu.sem_alloc : memref<!tpu.dma_semaphore, #tpu.memory_space<semaphore_mem>>
      %dma_start3A_89 = arith.constant 0 : i32
      %dma_start3A_90 = tpu.memref_slice %arg6[%arg0, %add3A_79, %dma_start3A_89] : memref<2x10240x128xf32, #tpu.memory_space<hbm>> -> memref<1x80x128xf32, #tpu.memory_space<hbm>>
      %dma_start3A_91 = tpu.memref_squeeze %dma_start3A_90 : memref<1x80x128xf32, #tpu.memory_space<hbm>> -> memref<80x128xf32, #tpu.memory_space<hbm>>
      %dma_start3A_92 = arith.constant 0 : i32
      %dma_start3A_93 = tpu.memref_slice %arg6[%arg0, %add3A_79, %dma_start3A_92] : memref<2x10240x128xf32, #tpu.memory_space<hbm>> -> memref<1x80x128xf32, #tpu.memory_space<hbm>>
      %dma_start3A_94 = tpu.memref_squeeze %dma_start3A_93 : memref<1x80x128xf32, #tpu.memory_space<hbm>> -> memref<80x128xf32, #tpu.memory_space<hbm>>
      tpu.enqueue_dma source(%arg9 : memref<80x128xf32, #tpu.memory_space<vmem>>) target(%dma_start3A_94 : memref<80x128xf32, #tpu.memory_space<hbm>>) target_semaphore(%run_scoped3A_88 : memref<!tpu.dma_semaphore, #tpu.memory_space<semaphore_mem>>)
      %dma_wait3A_95 = arith.constant 0 : i32
      %dma_wait3A_96 = tpu.memref_slice %arg6[%arg0, %add3A_79, %dma_wait3A_95] : memref<2x10240x128xf32, #tpu.memory_space<hbm>> -> memref<1x80x128xf32, #tpu.memory_space<hbm>>
      %dma_wait3A_97 = tpu.memref_squeeze %dma_wait3A_96 : memref<1x80x128xf32, #tpu.memory_space<hbm>> -> memref<80x128xf32, #tpu.memory_space<hbm>>
      %dma_wait3A_98 = arith.constant 0 : i32
      %dma_wait3A_99 = tpu.memref_slice %arg6[%arg0, %add3A_79, %dma_wait3A_98] : memref<2x10240x128xf32, #tpu.memory_space<hbm>> -> memref<1x80x128xf32, #tpu.memory_space<hbm>>
      %dma_wait3A_100 = tpu.memref_squeeze %dma_wait3A_99 : memref<1x80x128xf32, #tpu.memory_space<hbm>> -> memref<80x128xf32, #tpu.memory_space<hbm>>
      tpu.wait_dma2 semaphore(%run_scoped3A_88 : memref<!tpu.dma_semaphore, #tpu.memory_space<semaphore_mem>>) src(%arg9 : memref<80x128xf32, #tpu.memory_space<vmem>>) dst(%dma_wait3A_100 : memref<80x128xf32, #tpu.memory_space<hbm>>)
      tpu.yield
    }) : () -> ()
    %mul3A_80 = arith.constant 640 : i32
    %mul3A_81 = arith.muli %arg1, %mul3A_80 : i32
    %add3A_82 = arith.constant 560 : i32
    %add3A_83 = arith.addi %mul3A_81, %add3A_82 : i32
    "tpu.region"() ({
      %run_scoped3A_88 = tpu.sem_alloc : memref<!tpu.dma_semaphore, #tpu.memory_space<semaphore_mem>>
      %dma_start3A_89 = arith.constant 0 : i32
      %dma_start3A_90 = tpu.memref_slice %arg11[%add3A_83, %dma_start3A_89] : memref<10240x128xf32, #tpu.memory_space<vmem_shared>> -> memref<80x128xf32, #tpu.memory_space<vmem_shared>>
      %dma_start3A_91 = arith.constant 0 : i32
      %dma_start3A_92 = tpu.memref_slice %arg11[%add3A_83, %dma_start3A_91] : memref<10240x128xf32, #tpu.memory_space<vmem_shared>> -> memref<80x128xf32, #tpu.memory_space<vmem_shared>>
      tpu.enqueue_dma source(%dma_start3A_92 : memref<80x128xf32, #tpu.memory_space<vmem_shared>>) target(%arg9 : memref<80x128xf32, #tpu.memory_space<vmem>>) target_semaphore(%run_scoped3A_88 : memref<!tpu.dma_semaphore, #tpu.memory_space<semaphore_mem>>)
      %dma_wait3A_93 = arith.constant 0 : i32
      %dma_wait3A_94 = tpu.memref_slice %arg11[%add3A_83, %dma_wait3A_93] : memref<10240x128xf32, #tpu.memory_space<vmem_shared>> -> memref<80x128xf32, #tpu.memory_space<vmem_shared>>
      %dma_wait3A_95 = arith.constant 0 : i32
      %dma_wait3A_96 = tpu.memref_slice %arg11[%add3A_83, %dma_wait3A_95] : memref<10240x128xf32, #tpu.memory_space<vmem_shared>> -> memref<80x128xf32, #tpu.memory_space<vmem_shared>>
      tpu.wait_dma2 semaphore(%run_scoped3A_88 : memref<!tpu.dma_semaphore, #tpu.memory_space<semaphore_mem>>) src(%dma_wait3A_96 : memref<80x128xf32, #tpu.memory_space<vmem_shared>>) dst(%arg9 : memref<80x128xf32, #tpu.memory_space<vmem>>)
      tpu.yield
    }) : () -> ()
    %mul3A_84 = arith.constant 640 : i32
    %mul3A_85 = arith.muli %arg1, %mul3A_84 : i32
    %add3A_86 = arith.constant 560 : i32
    %add3A_87 = arith.addi %mul3A_85, %add3A_86 : i32
    "tpu.region"() ({
      %run_scoped3A_88 = tpu.sem_alloc : memref<!tpu.dma_semaphore, #tpu.memory_space<semaphore_mem>>
      %dma_start3A_89 = arith.constant 0 : i32
      %dma_start3A_90 = tpu.memref_slice %arg6[%arg0, %add3A_87, %dma_start3A_89] : memref<2x10240x128xf32, #tpu.memory_space<hbm>> -> memref<1x80x128xf32, #tpu.memory_space<hbm>>
      %dma_start3A_91 = tpu.memref_squeeze %dma_start3A_90 : memref<1x80x128xf32, #tpu.memory_space<hbm>> -> memref<80x128xf32, #tpu.memory_space<hbm>>
      %dma_start3A_92 = arith.constant 0 : i32
      %dma_start3A_93 = tpu.memref_slice %arg6[%arg0, %add3A_87, %dma_start3A_92] : memref<2x10240x128xf32, #tpu.memory_space<hbm>> -> memref<1x80x128xf32, #tpu.memory_space<hbm>>
      %dma_start3A_94 = tpu.memref_squeeze %dma_start3A_93 : memref<1x80x128xf32, #tpu.memory_space<hbm>> -> memref<80x128xf32, #tpu.memory_space<hbm>>
      tpu.enqueue_dma source(%arg9 : memref<80x128xf32, #tpu.memory_space<vmem>>) target(%dma_start3A_94 : memref<80x128xf32, #tpu.memory_space<hbm>>) target_semaphore(%run_scoped3A_88 : memref<!tpu.dma_semaphore, #tpu.memory_space<semaphore_mem>>)
      %dma_wait3A_95 = arith.constant 0 : i32
      %dma_wait3A_96 = tpu.memref_slice %arg6[%arg0, %add3A_87, %dma_wait3A_95] : memref<2x10240x128xf32, #tpu.memory_space<hbm>> -> memref<1x80x128xf32, #tpu.memory_space<hbm>>
      %dma_wait3A_97 = tpu.memref_squeeze %dma_wait3A_96 : memref<1x80x128xf32, #tpu.memory_space<hbm>> -> memref<80x128xf32, #tpu.memory_space<hbm>>
      %dma_wait3A_98 = arith.constant 0 : i32
      %dma_wait3A_99 = tpu.memref_slice %arg6[%arg0, %add3A_87, %dma_wait3A_98] : memref<2x10240x128xf32, #tpu.memory_space<hbm>> -> memref<1x80x128xf32, #tpu.memory_space<hbm>>
      %dma_wait3A_100 = tpu.memref_squeeze %dma_wait3A_99 : memref<1x80x128xf32, #tpu.memory_space<hbm>> -> memref<80x128xf32, #tpu.memory_space<hbm>>
      tpu.wait_dma2 semaphore(%run_scoped3A_88 : memref<!tpu.dma_semaphore, #tpu.memory_space<semaphore_mem>>) src(%arg9 : memref<80x128xf32, #tpu.memory_space<vmem>>) dst(%dma_wait3A_100 : memref<80x128xf32, #tpu.memory_space<hbm>>)
      tpu.yield
    }) : () -> ()
    return
  }
}

#map = affine_map<(d0, d1) -> (0, 0)>
#map1 = affine_map<(d0, d1) -> (0, 0, 0)>
#map2 = affine_map<(d0, d1) -> (0, 0, 0, 0)>
module attributes {stable_mosaic.version = 14 : i64} {
  func.func @_sc_scatter_impl(%arg0: i32, %arg1: i32, %arg2: memref<10240x128xf32, #tpu.memory_space<hbm>>, %arg3: memref<2x32x10000xi32, #tpu.memory_space<hbm>>, %arg4: memref<2x32x125x80xi32, #tpu.memory_space<hbm>>, %arg5: memref<80x128xf32, #tpu.memory_space<hbm>>, %arg6: memref<2x10240x128xf32, #tpu.memory_space<hbm>>, %arg7: memref<10000xi32, #tpu.memory_space<vmem>>, %arg8: memref<125x80xi32, #tpu.memory_space<vmem>>, %arg9: memref<80x128xf32, #tpu.memory_space<vmem>>, %arg10: memref<80x128xf32, #tpu.memory_space<vmem>>, %arg11: memref<10240x128xf32, #tpu.memory_space<vmem_shared>>, %arg12: memref<!tpu.dma_semaphore, #tpu.memory_space<semaphore_mem>>, %arg13: memref<!tpu.dma_semaphore, #tpu.memory_space<semaphore_mem>>, %arg14: memref<!tpu.dma_semaphore, #tpu.memory_space<semaphore_mem>>, %arg15: memref<!tpu.dma_semaphore, #tpu.memory_space<semaphore_mem>>) attributes {dimension_semantics = [#tpu.dimension_semantics<core_parallel>, #tpu.dimension_semantics<subcore_parallel>], iteration_bounds = array<i64: 2, 16>, scalar_prefetch = 0 : i64, scratch_operands = 9 : i64, tpu.core_type = #tpu.core_type<sc_vector_subcore>, window_params = [{transform_indices = #map}, {transform_indices = #map1}, {transform_indices = #map2}, {transform_indices = #map}, {transform_indices = #map1}]} {
    %mul3A = arith.constant 16 : i32
    %mul3A_0 = arith.muli %arg0, %mul3A : i32
    %add3A = arith.addi %mul3A_0, %arg1 : i32
    %run_scoped3A = arith.constant 0 : i32
    "tpu.region"() ({
      %run_scoped3A_88 = tpu.sem_alloc : memref<!tpu.dma_semaphore, #tpu.memory_space<semaphore_mem>>
      %dma_start3A_89 = arith.constant 0 : i32
      %dma_start3A_90 = tpu.memref_slice %arg3[%run_scoped3A, %add3A, %dma_start3A_89] : memref<2x32x10000xi32, #tpu.memory_space<hbm>> -> memref<1x1x10000xi32, #tpu.memory_space<hbm>>
      %dma_start3A_91 = tpu.memref_squeeze %dma_start3A_90 : memref<1x1x10000xi32, #tpu.memory_space<hbm>> -> memref<10000xi32, #tpu.memory_space<hbm>>
      %dma_start3A_92 = arith.constant 0 : i32
      %dma_start3A_93 = tpu.memref_slice %arg3[%run_scoped3A, %add3A, %dma_start3A_92] : memref<2x32x10000xi32, #tpu.memory_space<hbm>> -> memref<1x1x10000xi32, #tpu.memory_space<hbm>>
      %dma_start3A_94 = tpu.memref_squeeze %dma_start3A_93 : memref<1x1x10000xi32, #tpu.memory_space<hbm>> -> memref<10000xi32, #tpu.memory_space<hbm>>
      tpu.enqueue_dma source(%dma_start3A_94 : memref<10000xi32, #tpu.memory_space<hbm>>) target(%arg7 : memref<10000xi32, #tpu.memory_space<vmem>>) target_semaphore(%run_scoped3A_88 : memref<!tpu.dma_semaphore, #tpu.memory_space<semaphore_mem>>)
      %dma_wait3A_95 = arith.constant 0 : i32
      %dma_wait3A_96 = tpu.memref_slice %arg3[%run_scoped3A, %add3A, %dma_wait3A_95] : memref<2x32x10000xi32, #tpu.memory_space<hbm>> -> memref<1x1x10000xi32, #tpu.memory_space<hbm>>
      %dma_wait3A_97 = tpu.memref_squeeze %dma_wait3A_96 : memref<1x1x10000xi32, #tpu.memory_space<hbm>> -> memref<10000xi32, #tpu.memory_space<hbm>>
      %dma_wait3A_98 = arith.constant 0 : i32
      %dma_wait3A_99 = tpu.memref_slice %arg3[%run_scoped3A, %add3A, %dma_wait3A_98] : memref<2x32x10000xi32, #tpu.memory_space<hbm>> -> memref<1x1x10000xi32, #tpu.memory_space<hbm>>
      %dma_wait3A_100 = tpu.memref_squeeze %dma_wait3A_99 : memref<1x1x10000xi32, #tpu.memory_space<hbm>> -> memref<10000xi32, #tpu.memory_space<hbm>>
      tpu.wait_dma2 semaphore(%run_scoped3A_88 : memref<!tpu.dma_semaphore, #tpu.memory_space<semaphore_mem>>) src(%dma_wait3A_100 : memref<10000xi32, #tpu.memory_space<hbm>>) dst(%arg7 : memref<10000xi32, #tpu.memory_space<vmem>>)
      tpu.yield
    }) : () -> ()
    %run_scoped3A_1 = arith.constant 1 : i32
    "tpu.region"() ({
      %run_scoped3A_88 = tpu.sem_alloc : memref<!tpu.dma_semaphore, #tpu.memory_space<semaphore_mem>>
      %dma_start3A_89 = arith.constant 0 : i32
      %dma_start3A_90 = arith.constant 0 : i32
      %dma_start3A_91 = tpu.memref_slice %arg4[%run_scoped3A_1, %add3A, %dma_start3A_89, %dma_start3A_90] : memref<2x32x125x80xi32, #tpu.memory_space<hbm>> -> memref<1x1x125x80xi32, #tpu.memory_space<hbm>>
      %dma_start3A_92 = tpu.memref_squeeze %dma_start3A_91 : memref<1x1x125x80xi32, #tpu.memory_space<hbm>> -> memref<125x80xi32, #tpu.memory_space<hbm>>
      %dma_start3A_93 = arith.constant 0 : i32
      %dma_start3A_94 = arith.constant 0 : i32
      %dma_start3A_95 = tpu.memref_slice %arg4[%run_scoped3A_1, %add3A, %dma_start3A_93, %dma_start3A_94] : memref<2x32x125x80xi32, #tpu.memory_space<hbm>> -> memref<1x1x125x80xi32, #tpu.memory_space<hbm>>
      %dma_start3A_96 = tpu.memref_squeeze %dma_start3A_95 : memref<1x1x125x80xi32, #tpu.memory_space<hbm>> -> memref<125x80xi32, #tpu.memory_space<hbm>>
      tpu.enqueue_dma source(%dma_start3A_96 : memref<125x80xi32, #tpu.memory_space<hbm>>) target(%arg8 : memref<125x80xi32, #tpu.memory_space<vmem>>) target_semaphore(%run_scoped3A_88 : memref<!tpu.dma_semaphore, #tpu.memory_space<semaphore_mem>>)
      %dma_wait3A_97 = arith.constant 0 : i32
      %dma_wait3A_98 = arith.constant 0 : i32
      %dma_wait3A_99 = tpu.memref_slice %arg4[%run_scoped3A_1, %add3A, %dma_wait3A_97, %dma_wait3A_98] : memref<2x32x125x80xi32, #tpu.memory_space<hbm>> -> memref<1x1x125x80xi32, #tpu.memory_space<hbm>>
      %dma_wait3A_100 = tpu.memref_squeeze %dma_wait3A_99 : memref<1x1x125x80xi32, #tpu.memory_space<hbm>> -> memref<125x80xi32, #tpu.memory_space<hbm>>
      %dma_wait3A_101 = arith.constant 0 : i32
      %dma_wait3A_102 = arith.constant 0 : i32
      %dma_wait3A_103 = tpu.memref_slice %arg4[%run_scoped3A_1, %add3A, %dma_wait3A_101, %dma_wait3A_102] : memref<2x32x125x80xi32, #tpu.memory_space<hbm>> -> memref<1x1x125x80xi32, #tpu.memory_space<hbm>>
      %dma_wait3A_104 = tpu.memref_squeeze %dma_wait3A_103 : memref<1x1x125x80xi32, #tpu.memory_space<hbm>> -> memref<125x80xi32, #tpu.memory_space<hbm>>
      tpu.wait_dma2 semaphore(%run_scoped3A_88 : memref<!tpu.dma_semaphore, #tpu.memory_space<semaphore_mem>>) src(%dma_wait3A_104 : memref<125x80xi32, #tpu.memory_space<hbm>>) dst(%arg8 : memref<125x80xi32, #tpu.memory_space<vmem>>)
      tpu.yield
    }) : () -> ()
    %eq3A = arith.constant 0 : i32
    %eq3A_2 = arith.cmpi eq, %arg0, %eq3A : i32
    %convert_element_type3A = arith.extui %eq3A_2 : i1 to i32
    %cond3A = arith.constant 0 : i32
    %cond3A_3 = arith.cmpi ne, %convert_element_type3A, %cond3A : i32
    scf.if %cond3A_3 {
      %mul3A_88 = arith.constant 640 : i32
      %mul3A_89 = arith.muli %arg1, %mul3A_88 : i32
      %add3A_90 = arith.constant 0 : i32
      %add3A_91 = arith.addi %mul3A_89, %add3A_90 : i32
      "tpu.region"() ({
        %run_scoped3A_120 = tpu.sem_alloc : memref<!tpu.dma_semaphore, #tpu.memory_space<semaphore_mem>>
        %dma_start3A_121 = arith.constant 0 : i32
        %dma_start3A_122 = tpu.memref_slice %arg2[%add3A_91, %dma_start3A_121] : memref<10240x128xf32, #tpu.memory_space<hbm>> -> memref<80x128xf32, #tpu.memory_space<hbm>>
        %dma_start3A_123 = arith.constant 0 : i32
        %dma_start3A_124 = tpu.memref_slice %arg2[%add3A_91, %dma_start3A_123] : memref<10240x128xf32, #tpu.memory_space<hbm>> -> memref<80x128xf32, #tpu.memory_space<hbm>>
        tpu.enqueue_dma source(%dma_start3A_124 : memref<80x128xf32, #tpu.memory_space<hbm>>) target(%arg9 : memref<80x128xf32, #tpu.memory_space<vmem>>) target_semaphore(%run_scoped3A_120 : memref<!tpu.dma_semaphore, #tpu.memory_space<semaphore_mem>>)
        %dma_wait3A_125 = arith.constant 0 : i32
        %dma_wait3A_126 = tpu.memref_slice %arg2[%add3A_91, %dma_wait3A_125] : memref<10240x128xf32, #tpu.memory_space<hbm>> -> memref<80x128xf32, #tpu.memory_space<hbm>>
        %dma_wait3A_127 = arith.constant 0 : i32
        %dma_wait3A_128 = tpu.memref_slice %arg2[%add3A_91, %dma_wait3A_127] : memref<10240x128xf32, #tpu.memory_space<hbm>> -> memref<80x128xf32, #tpu.memory_space<hbm>>
        tpu.wait_dma2 semaphore(%run_scoped3A_120 : memref<!tpu.dma_semaphore, #tpu.memory_space<semaphore_mem>>) src(%dma_wait3A_128 : memref<80x128xf32, #tpu.memory_space<hbm>>) dst(%arg9 : memref<80x128xf32, #tpu.memory_space<vmem>>)
        tpu.yield
      }) : () -> ()
      "tpu.region"() ({
        %run_scoped3A_120 = tpu.sem_alloc : memref<!tpu.dma_semaphore, #tpu.memory_space<semaphore_mem>>
        %dma_start3A_121 = arith.constant 0 : i32
        %dma_start3A_122 = tpu.memref_slice %arg11[%add3A_91, %dma_start3A_121] : memref<10240x128xf32, #tpu.memory_space<vmem_shared>> -> memref<80x128xf32, #tpu.memory_space<vmem_shared>>
        %dma_start3A_123 = arith.constant 0 : i32
        %dma_start3A_124 = tpu.memref_slice %arg11[%add3A_91, %dma_start3A_123] : memref<10240x128xf32, #tpu.memory_space<vmem_shared>> -> memref<80x128xf32, #tpu.memory_space<vmem_shared>>
        tpu.enqueue_dma source(%arg9 : memref<80x128xf32, #tpu.memory_space<vmem>>) target(%dma_start3A_124 : memref<80x128xf32, #tpu.memory_space<vmem_shared>>) target_semaphore(%run_scoped3A_120 : memref<!tpu.dma_semaphore, #tpu.memory_space<semaphore_mem>>)
        %dma_wait3A_125 = arith.constant 0 : i32
        %dma_wait3A_126 = tpu.memref_slice %arg11[%add3A_91, %dma_wait3A_125] : memref<10240x128xf32, #tpu.memory_space<vmem_shared>> -> memref<80x128xf32, #tpu.memory_space<vmem_shared>>
        %dma_wait3A_127 = arith.constant 0 : i32
        %dma_wait3A_128 = tpu.memref_slice %arg11[%add3A_91, %dma_wait3A_127] : memref<10240x128xf32, #tpu.memory_space<vmem_shared>> -> memref<80x128xf32, #tpu.memory_space<vmem_shared>>
        tpu.wait_dma2 semaphore(%run_scoped3A_120 : memref<!tpu.dma_semaphore, #tpu.memory_space<semaphore_mem>>) src(%arg9 : memref<80x128xf32, #tpu.memory_space<vmem>>) dst(%dma_wait3A_128 : memref<80x128xf32, #tpu.memory_space<vmem_shared>>)
        tpu.yield
      }) : () -> ()
      %mul3A_92 = arith.constant 640 : i32
      %mul3A_93 = arith.muli %arg1, %mul3A_92 : i32
      %add3A_94 = arith.constant 80 : i32
      %add3A_95 = arith.addi %mul3A_93, %add3A_94 : i32
      "tpu.region"() ({
        %run_scoped3A_120 = tpu.sem_alloc : memref<!tpu.dma_semaphore, #tpu.memory_space<semaphore_mem>>
        %dma_start3A_121 = arith.constant 0 : i32
        %dma_start3A_122 = tpu.memref_slice %arg2[%add3A_95, %dma_start3A_121] : memref<10240x128xf32, #tpu.memory_space<hbm>> -> memref<80x128xf32, #tpu.memory_space<hbm>>
        %dma_start3A_123 = arith.constant 0 : i32
        %dma_start3A_124 = tpu.memref_slice %arg2[%add3A_95, %dma_start3A_123] : memref<10240x128xf32, #tpu.memory_space<hbm>> -> memref<80x128xf32, #tpu.memory_space<hbm>>
        tpu.enqueue_dma source(%dma_start3A_124 : memref<80x128xf32, #tpu.memory_space<hbm>>) target(%arg9 : memref<80x128xf32, #tpu.memory_space<vmem>>) target_semaphore(%run_scoped3A_120 : memref<!tpu.dma_semaphore, #tpu.memory_space<semaphore_mem>>)
        %dma_wait3A_125 = arith.constant 0 : i32
        %dma_wait3A_126 = tpu.memref_slice %arg2[%add3A_95, %dma_wait3A_125] : memref<10240x128xf32, #tpu.memory_space<hbm>> -> memref<80x128xf32, #tpu.memory_space<hbm>>
        %dma_wait3A_127 = arith.constant 0 : i32
        %dma_wait3A_128 = tpu.memref_slice %arg2[%add3A_95, %dma_wait3A_127] : memref<10240x128xf32, #tpu.memory_space<hbm>> -> memref<80x128xf32, #tpu.memory_space<hbm>>
        tpu.wait_dma2 semaphore(%run_scoped3A_120 : memref<!tpu.dma_semaphore, #tpu.memory_space<semaphore_mem>>) src(%dma_wait3A_128 : memref<80x128xf32, #tpu.memory_space<hbm>>) dst(%arg9 : memref<80x128xf32, #tpu.memory_space<vmem>>)
        tpu.yield
      }) : () -> ()
      "tpu.region"() ({
        %run_scoped3A_120 = tpu.sem_alloc : memref<!tpu.dma_semaphore, #tpu.memory_space<semaphore_mem>>
        %dma_start3A_121 = arith.constant 0 : i32
        %dma_start3A_122 = tpu.memref_slice %arg11[%add3A_95, %dma_start3A_121] : memref<10240x128xf32, #tpu.memory_space<vmem_shared>> -> memref<80x128xf32, #tpu.memory_space<vmem_shared>>
        %dma_start3A_123 = arith.constant 0 : i32
        %dma_start3A_124 = tpu.memref_slice %arg11[%add3A_95, %dma_start3A_123] : memref<10240x128xf32, #tpu.memory_space<vmem_shared>> -> memref<80x128xf32, #tpu.memory_space<vmem_shared>>
        tpu.enqueue_dma source(%arg9 : memref<80x128xf32, #tpu.memory_space<vmem>>) target(%dma_start3A_124 : memref<80x128xf32, #tpu.memory_space<vmem_shared>>) target_semaphore(%run_scoped3A_120 : memref<!tpu.dma_semaphore, #tpu.memory_space<semaphore_mem>>)
        %dma_wait3A_125 = arith.constant 0 : i32
        %dma_wait3A_126 = tpu.memref_slice %arg11[%add3A_95, %dma_wait3A_125] : memref<10240x128xf32, #tpu.memory_space<vmem_shared>> -> memref<80x128xf32, #tpu.memory_space<vmem_shared>>
        %dma_wait3A_127 = arith.constant 0 : i32
        %dma_wait3A_128 = tpu.memref_slice %arg11[%add3A_95, %dma_wait3A_127] : memref<10240x128xf32, #tpu.memory_space<vmem_shared>> -> memref<80x128xf32, #tpu.memory_space<vmem_shared>>
        tpu.wait_dma2 semaphore(%run_scoped3A_120 : memref<!tpu.dma_semaphore, #tpu.memory_space<semaphore_mem>>) src(%arg9 : memref<80x128xf32, #tpu.memory_space<vmem>>) dst(%dma_wait3A_128 : memref<80x128xf32, #tpu.memory_space<vmem_shared>>)
        tpu.yield
      }) : () -> ()
      %mul3A_96 = arith.constant 640 : i32
      %mul3A_97 = arith.muli %arg1, %mul3A_96 : i32
      %add3A_98 = arith.constant 160 : i32
      %add3A_99 = arith.addi %mul3A_97, %add3A_98 : i32
      "tpu.region"() ({
        %run_scoped3A_120 = tpu.sem_alloc : memref<!tpu.dma_semaphore, #tpu.memory_space<semaphore_mem>>
        %dma_start3A_121 = arith.constant 0 : i32
        %dma_start3A_122 = tpu.memref_slice %arg2[%add3A_99, %dma_start3A_121] : memref<10240x128xf32, #tpu.memory_space<hbm>> -> memref<80x128xf32, #tpu.memory_space<hbm>>
        %dma_start3A_123 = arith.constant 0 : i32
        %dma_start3A_124 = tpu.memref_slice %arg2[%add3A_99, %dma_start3A_123] : memref<10240x128xf32, #tpu.memory_space<hbm>> -> memref<80x128xf32, #tpu.memory_space<hbm>>
        tpu.enqueue_dma source(%dma_start3A_124 : memref<80x128xf32, #tpu.memory_space<hbm>>) target(%arg9 : memref<80x128xf32, #tpu.memory_space<vmem>>) target_semaphore(%run_scoped3A_120 : memref<!tpu.dma_semaphore, #tpu.memory_space<semaphore_mem>>)
        %dma_wait3A_125 = arith.constant 0 : i32
        %dma_wait3A_126 = tpu.memref_slice %arg2[%add3A_99, %dma_wait3A_125] : memref<10240x128xf32, #tpu.memory_space<hbm>> -> memref<80x128xf32, #tpu.memory_space<hbm>>
        %dma_wait3A_127 = arith.constant 0 : i32
        %dma_wait3A_128 = tpu.memref_slice %arg2[%add3A_99, %dma_wait3A_127] : memref<10240x128xf32, #tpu.memory_space<hbm>> -> memref<80x128xf32, #tpu.memory_space<hbm>>
        tpu.wait_dma2 semaphore(%run_scoped3A_120 : memref<!tpu.dma_semaphore, #tpu.memory_space<semaphore_mem>>) src(%dma_wait3A_128 : memref<80x128xf32, #tpu.memory_space<hbm>>) dst(%arg9 : memref<80x128xf32, #tpu.memory_space<vmem>>)
        tpu.yield
      }) : () -> ()
      "tpu.region"() ({
        %run_scoped3A_120 = tpu.sem_alloc : memref<!tpu.dma_semaphore, #tpu.memory_space<semaphore_mem>>
        %dma_start3A_121 = arith.constant 0 : i32
        %dma_start3A_122 = tpu.memref_slice %arg11[%add3A_99, %dma_start3A_121] : memref<10240x128xf32, #tpu.memory_space<vmem_shared>> -> memref<80x128xf32, #tpu.memory_space<vmem_shared>>
        %dma_start3A_123 = arith.constant 0 : i32
        %dma_start3A_124 = tpu.memref_slice %arg11[%add3A_99, %dma_start3A_123] : memref<10240x128xf32, #tpu.memory_space<vmem_shared>> -> memref<80x128xf32, #tpu.memory_space<vmem_shared>>
        tpu.enqueue_dma source(%arg9 : memref<80x128xf32, #tpu.memory_space<vmem>>) target(%dma_start3A_124 : memref<80x128xf32, #tpu.memory_space<vmem_shared>>) target_semaphore(%run_scoped3A_120 : memref<!tpu.dma_semaphore, #tpu.memory_space<semaphore_mem>>)
        %dma_wait3A_125 = arith.constant 0 : i32
        %dma_wait3A_126 = tpu.memref_slice %arg11[%add3A_99, %dma_wait3A_125] : memref<10240x128xf32, #tpu.memory_space<vmem_shared>> -> memref<80x128xf32, #tpu.memory_space<vmem_shared>>
        %dma_wait3A_127 = arith.constant 0 : i32
        %dma_wait3A_128 = tpu.memref_slice %arg11[%add3A_99, %dma_wait3A_127] : memref<10240x128xf32, #tpu.memory_space<vmem_shared>> -> memref<80x128xf32, #tpu.memory_space<vmem_shared>>
        tpu.wait_dma2 semaphore(%run_scoped3A_120 : memref<!tpu.dma_semaphore, #tpu.memory_space<semaphore_mem>>) src(%arg9 : memref<80x128xf32, #tpu.memory_space<vmem>>) dst(%dma_wait3A_128 : memref<80x128xf32, #tpu.memory_space<vmem_shared>>)
        tpu.yield
      }) : () -> ()
      %mul3A_100 = arith.constant 640 : i32
      %mul3A_101 = arith.muli %arg1, %mul3A_100 : i32
      %add3A_102 = arith.constant 240 : i32
      %add3A_103 = arith.addi %mul3A_101, %add3A_102 : i32
      "tpu.region"() ({
        %run_scoped3A_120 = tpu.sem_alloc : memref<!tpu.dma_semaphore, #tpu.memory_space<semaphore_mem>>
        %dma_start3A_121 = arith.constant 0 : i32
        %dma_start3A_122 = tpu.memref_slice %arg2[%add3A_103, %dma_start3A_121] : memref<10240x128xf32, #tpu.memory_space<hbm>> -> memref<80x128xf32, #tpu.memory_space<hbm>>
        %dma_start3A_123 = arith.constant 0 : i32
        %dma_start3A_124 = tpu.memref_slice %arg2[%add3A_103, %dma_start3A_123] : memref<10240x128xf32, #tpu.memory_space<hbm>> -> memref<80x128xf32, #tpu.memory_space<hbm>>
        tpu.enqueue_dma source(%dma_start3A_124 : memref<80x128xf32, #tpu.memory_space<hbm>>) target(%arg9 : memref<80x128xf32, #tpu.memory_space<vmem>>) target_semaphore(%run_scoped3A_120 : memref<!tpu.dma_semaphore, #tpu.memory_space<semaphore_mem>>)
        %dma_wait3A_125 = arith.constant 0 : i32
        %dma_wait3A_126 = tpu.memref_slice %arg2[%add3A_103, %dma_wait3A_125] : memref<10240x128xf32, #tpu.memory_space<hbm>> -> memref<80x128xf32, #tpu.memory_space<hbm>>
        %dma_wait3A_127 = arith.constant 0 : i32
        %dma_wait3A_128 = tpu.memref_slice %arg2[%add3A_103, %dma_wait3A_127] : memref<10240x128xf32, #tpu.memory_space<hbm>> -> memref<80x128xf32, #tpu.memory_space<hbm>>
        tpu.wait_dma2 semaphore(%run_scoped3A_120 : memref<!tpu.dma_semaphore, #tpu.memory_space<semaphore_mem>>) src(%dma_wait3A_128 : memref<80x128xf32, #tpu.memory_space<hbm>>) dst(%arg9 : memref<80x128xf32, #tpu.memory_space<vmem>>)
        tpu.yield
      }) : () -> ()
      "tpu.region"() ({
        %run_scoped3A_120 = tpu.sem_alloc : memref<!tpu.dma_semaphore, #tpu.memory_space<semaphore_mem>>
        %dma_start3A_121 = arith.constant 0 : i32
        %dma_start3A_122 = tpu.memref_slice %arg11[%add3A_103, %dma_start3A_121] : memref<10240x128xf32, #tpu.memory_space<vmem_shared>> -> memref<80x128xf32, #tpu.memory_space<vmem_shared>>
        %dma_start3A_123 = arith.constant 0 : i32
        %dma_start3A_124 = tpu.memref_slice %arg11[%add3A_103, %dma_start3A_123] : memref<10240x128xf32, #tpu.memory_space<vmem_shared>> -> memref<80x128xf32, #tpu.memory_space<vmem_shared>>
        tpu.enqueue_dma source(%arg9 : memref<80x128xf32, #tpu.memory_space<vmem>>) target(%dma_start3A_124 : memref<80x128xf32, #tpu.memory_space<vmem_shared>>) target_semaphore(%run_scoped3A_120 : memref<!tpu.dma_semaphore, #tpu.memory_space<semaphore_mem>>)
        %dma_wait3A_125 = arith.constant 0 : i32
        %dma_wait3A_126 = tpu.memref_slice %arg11[%add3A_103, %dma_wait3A_125] : memref<10240x128xf32, #tpu.memory_space<vmem_shared>> -> memref<80x128xf32, #tpu.memory_space<vmem_shared>>
        %dma_wait3A_127 = arith.constant 0 : i32
        %dma_wait3A_128 = tpu.memref_slice %arg11[%add3A_103, %dma_wait3A_127] : memref<10240x128xf32, #tpu.memory_space<vmem_shared>> -> memref<80x128xf32, #tpu.memory_space<vmem_shared>>
        tpu.wait_dma2 semaphore(%run_scoped3A_120 : memref<!tpu.dma_semaphore, #tpu.memory_space<semaphore_mem>>) src(%arg9 : memref<80x128xf32, #tpu.memory_space<vmem>>) dst(%dma_wait3A_128 : memref<80x128xf32, #tpu.memory_space<vmem_shared>>)
        tpu.yield
      }) : () -> ()
      %mul3A_104 = arith.constant 640 : i32
      %mul3A_105 = arith.muli %arg1, %mul3A_104 : i32
      %add3A_106 = arith.constant 320 : i32
      %add3A_107 = arith.addi %mul3A_105, %add3A_106 : i32
      "tpu.region"() ({
        %run_scoped3A_120 = tpu.sem_alloc : memref<!tpu.dma_semaphore, #tpu.memory_space<semaphore_mem>>
        %dma_start3A_121 = arith.constant 0 : i32
        %dma_start3A_122 = tpu.memref_slice %arg2[%add3A_107, %dma_start3A_121] : memref<10240x128xf32, #tpu.memory_space<hbm>> -> memref<80x128xf32, #tpu.memory_space<hbm>>
        %dma_start3A_123 = arith.constant 0 : i32
        %dma_start3A_124 = tpu.memref_slice %arg2[%add3A_107, %dma_start3A_123] : memref<10240x128xf32, #tpu.memory_space<hbm>> -> memref<80x128xf32, #tpu.memory_space<hbm>>
        tpu.enqueue_dma source(%dma_start3A_124 : memref<80x128xf32, #tpu.memory_space<hbm>>) target(%arg9 : memref<80x128xf32, #tpu.memory_space<vmem>>) target_semaphore(%run_scoped3A_120 : memref<!tpu.dma_semaphore, #tpu.memory_space<semaphore_mem>>)
        %dma_wait3A_125 = arith.constant 0 : i32
        %dma_wait3A_126 = tpu.memref_slice %arg2[%add3A_107, %dma_wait3A_125] : memref<10240x128xf32, #tpu.memory_space<hbm>> -> memref<80x128xf32, #tpu.memory_space<hbm>>
        %dma_wait3A_127 = arith.constant 0 : i32
        %dma_wait3A_128 = tpu.memref_slice %arg2[%add3A_107, %dma_wait3A_127] : memref<10240x128xf32, #tpu.memory_space<hbm>> -> memref<80x128xf32, #tpu.memory_space<hbm>>
        tpu.wait_dma2 semaphore(%run_scoped3A_120 : memref<!tpu.dma_semaphore, #tpu.memory_space<semaphore_mem>>) src(%dma_wait3A_128 : memref<80x128xf32, #tpu.memory_space<hbm>>) dst(%arg9 : memref<80x128xf32, #tpu.memory_space<vmem>>)
        tpu.yield
      }) : () -> ()
      "tpu.region"() ({
        %run_scoped3A_120 = tpu.sem_alloc : memref<!tpu.dma_semaphore, #tpu.memory_space<semaphore_mem>>
        %dma_start3A_121 = arith.constant 0 : i32
        %dma_start3A_122 = tpu.memref_slice %arg11[%add3A_107, %dma_start3A_121] : memref<10240x128xf32, #tpu.memory_space<vmem_shared>> -> memref<80x128xf32, #tpu.memory_space<vmem_shared>>
        %dma_start3A_123 = arith.constant 0 : i32
        %dma_start3A_124 = tpu.memref_slice %arg11[%add3A_107, %dma_start3A_123] : memref<10240x128xf32, #tpu.memory_space<vmem_shared>> -> memref<80x128xf32, #tpu.memory_space<vmem_shared>>
        tpu.enqueue_dma source(%arg9 : memref<80x128xf32, #tpu.memory_space<vmem>>) target(%dma_start3A_124 : memref<80x128xf32, #tpu.memory_space<vmem_shared>>) target_semaphore(%run_scoped3A_120 : memref<!tpu.dma_semaphore, #tpu.memory_space<semaphore_mem>>)
        %dma_wait3A_125 = arith.constant 0 : i32
        %dma_wait3A_126 = tpu.memref_slice %arg11[%add3A_107, %dma_wait3A_125] : memref<10240x128xf32, #tpu.memory_space<vmem_shared>> -> memref<80x128xf32, #tpu.memory_space<vmem_shared>>
        %dma_wait3A_127 = arith.constant 0 : i32
        %dma_wait3A_128 = tpu.memref_slice %arg11[%add3A_107, %dma_wait3A_127] : memref<10240x128xf32, #tpu.memory_space<vmem_shared>> -> memref<80x128xf32, #tpu.memory_space<vmem_shared>>
        tpu.wait_dma2 semaphore(%run_scoped3A_120 : memref<!tpu.dma_semaphore, #tpu.memory_space<semaphore_mem>>) src(%arg9 : memref<80x128xf32, #tpu.memory_space<vmem>>) dst(%dma_wait3A_128 : memref<80x128xf32, #tpu.memory_space<vmem_shared>>)
        tpu.yield
      }) : () -> ()
      %mul3A_108 = arith.constant 640 : i32
      %mul3A_109 = arith.muli %arg1, %mul3A_108 : i32
      %add3A_110 = arith.constant 400 : i32
      %add3A_111 = arith.addi %mul3A_109, %add3A_110 : i32
      "tpu.region"() ({
        %run_scoped3A_120 = tpu.sem_alloc : memref<!tpu.dma_semaphore, #tpu.memory_space<semaphore_mem>>
        %dma_start3A_121 = arith.constant 0 : i32
        %dma_start3A_122 = tpu.memref_slice %arg2[%add3A_111, %dma_start3A_121] : memref<10240x128xf32, #tpu.memory_space<hbm>> -> memref<80x128xf32, #tpu.memory_space<hbm>>
        %dma_start3A_123 = arith.constant 0 : i32
        %dma_start3A_124 = tpu.memref_slice %arg2[%add3A_111, %dma_start3A_123] : memref<10240x128xf32, #tpu.memory_space<hbm>> -> memref<80x128xf32, #tpu.memory_space<hbm>>
        tpu.enqueue_dma source(%dma_start3A_124 : memref<80x128xf32, #tpu.memory_space<hbm>>) target(%arg9 : memref<80x128xf32, #tpu.memory_space<vmem>>) target_semaphore(%run_scoped3A_120 : memref<!tpu.dma_semaphore, #tpu.memory_space<semaphore_mem>>)
        %dma_wait3A_125 = arith.constant 0 : i32
        %dma_wait3A_126 = tpu.memref_slice %arg2[%add3A_111, %dma_wait3A_125] : memref<10240x128xf32, #tpu.memory_space<hbm>> -> memref<80x128xf32, #tpu.memory_space<hbm>>
        %dma_wait3A_127 = arith.constant 0 : i32
        %dma_wait3A_128 = tpu.memref_slice %arg2[%add3A_111, %dma_wait3A_127] : memref<10240x128xf32, #tpu.memory_space<hbm>> -> memref<80x128xf32, #tpu.memory_space<hbm>>
        tpu.wait_dma2 semaphore(%run_scoped3A_120 : memref<!tpu.dma_semaphore, #tpu.memory_space<semaphore_mem>>) src(%dma_wait3A_128 : memref<80x128xf32, #tpu.memory_space<hbm>>) dst(%arg9 : memref<80x128xf32, #tpu.memory_space<vmem>>)
        tpu.yield
      }) : () -> ()
      "tpu.region"() ({
        %run_scoped3A_120 = tpu.sem_alloc : memref<!tpu.dma_semaphore, #tpu.memory_space<semaphore_mem>>
        %dma_start3A_121 = arith.constant 0 : i32
        %dma_start3A_122 = tpu.memref_slice %arg11[%add3A_111, %dma_start3A_121] : memref<10240x128xf32, #tpu.memory_space<vmem_shared>> -> memref<80x128xf32, #tpu.memory_space<vmem_shared>>
        %dma_start3A_123 = arith.constant 0 : i32
        %dma_start3A_124 = tpu.memref_slice %arg11[%add3A_111, %dma_start3A_123] : memref<10240x128xf32, #tpu.memory_space<vmem_shared>> -> memref<80x128xf32, #tpu.memory_space<vmem_shared>>
        tpu.enqueue_dma source(%arg9 : memref<80x128xf32, #tpu.memory_space<vmem>>) target(%dma_start3A_124 : memref<80x128xf32, #tpu.memory_space<vmem_shared>>) target_semaphore(%run_scoped3A_120 : memref<!tpu.dma_semaphore, #tpu.memory_space<semaphore_mem>>)
        %dma_wait3A_125 = arith.constant 0 : i32
        %dma_wait3A_126 = tpu.memref_slice %arg11[%add3A_111, %dma_wait3A_125] : memref<10240x128xf32, #tpu.memory_space<vmem_shared>> -> memref<80x128xf32, #tpu.memory_space<vmem_shared>>
        %dma_wait3A_127 = arith.constant 0 : i32
        %dma_wait3A_128 = tpu.memref_slice %arg11[%add3A_111, %dma_wait3A_127] : memref<10240x128xf32, #tpu.memory_space<vmem_shared>> -> memref<80x128xf32, #tpu.memory_space<vmem_shared>>
        tpu.wait_dma2 semaphore(%run_scoped3A_120 : memref<!tpu.dma_semaphore, #tpu.memory_space<semaphore_mem>>) src(%arg9 : memref<80x128xf32, #tpu.memory_space<vmem>>) dst(%dma_wait3A_128 : memref<80x128xf32, #tpu.memory_space<vmem_shared>>)
        tpu.yield
      }) : () -> ()
      %mul3A_112 = arith.constant 640 : i32
      %mul3A_113 = arith.muli %arg1, %mul3A_112 : i32
      %add3A_114 = arith.constant 480 : i32
      %add3A_115 = arith.addi %mul3A_113, %add3A_114 : i32
      "tpu.region"() ({
        %run_scoped3A_120 = tpu.sem_alloc : memref<!tpu.dma_semaphore, #tpu.memory_space<semaphore_mem>>
        %dma_start3A_121 = arith.constant 0 : i32
        %dma_start3A_122 = tpu.memref_slice %arg2[%add3A_115, %dma_start3A_121] : memref<10240x128xf32, #tpu.memory_space<hbm>> -> memref<80x128xf32, #tpu.memory_space<hbm>>
        %dma_start3A_123 = arith.constant 0 : i32
        %dma_start3A_124 = tpu.memref_slice %arg2[%add3A_115, %dma_start3A_123] : memref<10240x128xf32, #tpu.memory_space<hbm>> -> memref<80x128xf32, #tpu.memory_space<hbm>>
        tpu.enqueue_dma source(%dma_start3A_124 : memref<80x128xf32, #tpu.memory_space<hbm>>) target(%arg9 : memref<80x128xf32, #tpu.memory_space<vmem>>) target_semaphore(%run_scoped3A_120 : memref<!tpu.dma_semaphore, #tpu.memory_space<semaphore_mem>>)
        %dma_wait3A_125 = arith.constant 0 : i32
        %dma_wait3A_126 = tpu.memref_slice %arg2[%add3A_115, %dma_wait3A_125] : memref<10240x128xf32, #tpu.memory_space<hbm>> -> memref<80x128xf32, #tpu.memory_space<hbm>>
        %dma_wait3A_127 = arith.constant 0 : i32
        %dma_wait3A_128 = tpu.memref_slice %arg2[%add3A_115, %dma_wait3A_127] : memref<10240x128xf32, #tpu.memory_space<hbm>> -> memref<80x128xf32, #tpu.memory_space<hbm>>
        tpu.wait_dma2 semaphore(%run_scoped3A_120 : memref<!tpu.dma_semaphore, #tpu.memory_space<semaphore_mem>>) src(%dma_wait3A_128 : memref<80x128xf32, #tpu.memory_space<hbm>>) dst(%arg9 : memref<80x128xf32, #tpu.memory_space<vmem>>)
        tpu.yield
      }) : () -> ()
      "tpu.region"() ({
        %run_scoped3A_120 = tpu.sem_alloc : memref<!tpu.dma_semaphore, #tpu.memory_space<semaphore_mem>>
        %dma_start3A_121 = arith.constant 0 : i32
        %dma_start3A_122 = tpu.memref_slice %arg11[%add3A_115, %dma_start3A_121] : memref<10240x128xf32, #tpu.memory_space<vmem_shared>> -> memref<80x128xf32, #tpu.memory_space<vmem_shared>>
        %dma_start3A_123 = arith.constant 0 : i32
        %dma_start3A_124 = tpu.memref_slice %arg11[%add3A_115, %dma_start3A_123] : memref<10240x128xf32, #tpu.memory_space<vmem_shared>> -> memref<80x128xf32, #tpu.memory_space<vmem_shared>>
        tpu.enqueue_dma source(%arg9 : memref<80x128xf32, #tpu.memory_space<vmem>>) target(%dma_start3A_124 : memref<80x128xf32, #tpu.memory_space<vmem_shared>>) target_semaphore(%run_scoped3A_120 : memref<!tpu.dma_semaphore, #tpu.memory_space<semaphore_mem>>)
        %dma_wait3A_125 = arith.constant 0 : i32
        %dma_wait3A_126 = tpu.memref_slice %arg11[%add3A_115, %dma_wait3A_125] : memref<10240x128xf32, #tpu.memory_space<vmem_shared>> -> memref<80x128xf32, #tpu.memory_space<vmem_shared>>
        %dma_wait3A_127 = arith.constant 0 : i32
        %dma_wait3A_128 = tpu.memref_slice %arg11[%add3A_115, %dma_wait3A_127] : memref<10240x128xf32, #tpu.memory_space<vmem_shared>> -> memref<80x128xf32, #tpu.memory_space<vmem_shared>>
        tpu.wait_dma2 semaphore(%run_scoped3A_120 : memref<!tpu.dma_semaphore, #tpu.memory_space<semaphore_mem>>) src(%arg9 : memref<80x128xf32, #tpu.memory_space<vmem>>) dst(%dma_wait3A_128 : memref<80x128xf32, #tpu.memory_space<vmem_shared>>)
        tpu.yield
      }) : () -> ()
      %mul3A_116 = arith.constant 640 : i32
      %mul3A_117 = arith.muli %arg1, %mul3A_116 : i32
      %add3A_118 = arith.constant 560 : i32
      %add3A_119 = arith.addi %mul3A_117, %add3A_118 : i32
      "tpu.region"() ({
        %run_scoped3A_120 = tpu.sem_alloc : memref<!tpu.dma_semaphore, #tpu.memory_space<semaphore_mem>>
        %dma_start3A_121 = arith.constant 0 : i32
        %dma_start3A_122 = tpu.memref_slice %arg2[%add3A_119, %dma_start3A_121] : memref<10240x128xf32, #tpu.memory_space<hbm>> -> memref<80x128xf32, #tpu.memory_space<hbm>>
        %dma_start3A_123 = arith.constant 0 : i32
        %dma_start3A_124 = tpu.memref_slice %arg2[%add3A_119, %dma_start3A_123] : memref<10240x128xf32, #tpu.memory_space<hbm>> -> memref<80x128xf32, #tpu.memory_space<hbm>>
        tpu.enqueue_dma source(%dma_start3A_124 : memref<80x128xf32, #tpu.memory_space<hbm>>) target(%arg9 : memref<80x128xf32, #tpu.memory_space<vmem>>) target_semaphore(%run_scoped3A_120 : memref<!tpu.dma_semaphore, #tpu.memory_space<semaphore_mem>>)
        %dma_wait3A_125 = arith.constant 0 : i32
        %dma_wait3A_126 = tpu.memref_slice %arg2[%add3A_119, %dma_wait3A_125] : memref<10240x128xf32, #tpu.memory_space<hbm>> -> memref<80x128xf32, #tpu.memory_space<hbm>>
        %dma_wait3A_127 = arith.constant 0 : i32
        %dma_wait3A_128 = tpu.memref_slice %arg2[%add3A_119, %dma_wait3A_127] : memref<10240x128xf32, #tpu.memory_space<hbm>> -> memref<80x128xf32, #tpu.memory_space<hbm>>
        tpu.wait_dma2 semaphore(%run_scoped3A_120 : memref<!tpu.dma_semaphore, #tpu.memory_space<semaphore_mem>>) src(%dma_wait3A_128 : memref<80x128xf32, #tpu.memory_space<hbm>>) dst(%arg9 : memref<80x128xf32, #tpu.memory_space<vmem>>)
        tpu.yield
      }) : () -> ()
      "tpu.region"() ({
        %run_scoped3A_120 = tpu.sem_alloc : memref<!tpu.dma_semaphore, #tpu.memory_space<semaphore_mem>>
        %dma_start3A_121 = arith.constant 0 : i32
        %dma_start3A_122 = tpu.memref_slice %arg11[%add3A_119, %dma_start3A_121] : memref<10240x128xf32, #tpu.memory_space<vmem_shared>> -> memref<80x128xf32, #tpu.memory_space<vmem_shared>>
        %dma_start3A_123 = arith.constant 0 : i32
        %dma_start3A_124 = tpu.memref_slice %arg11[%add3A_119, %dma_start3A_123] : memref<10240x128xf32, #tpu.memory_space<vmem_shared>> -> memref<80x128xf32, #tpu.memory_space<vmem_shared>>
        tpu.enqueue_dma source(%arg9 : memref<80x128xf32, #tpu.memory_space<vmem>>) target(%dma_start3A_124 : memref<80x128xf32, #tpu.memory_space<vmem_shared>>) target_semaphore(%run_scoped3A_120 : memref<!tpu.dma_semaphore, #tpu.memory_space<semaphore_mem>>)
        %dma_wait3A_125 = arith.constant 0 : i32
        %dma_wait3A_126 = tpu.memref_slice %arg11[%add3A_119, %dma_wait3A_125] : memref<10240x128xf32, #tpu.memory_space<vmem_shared>> -> memref<80x128xf32, #tpu.memory_space<vmem_shared>>
        %dma_wait3A_127 = arith.constant 0 : i32
        %dma_wait3A_128 = tpu.memref_slice %arg11[%add3A_119, %dma_wait3A_127] : memref<10240x128xf32, #tpu.memory_space<vmem_shared>> -> memref<80x128xf32, #tpu.memory_space<vmem_shared>>
        tpu.wait_dma2 semaphore(%run_scoped3A_120 : memref<!tpu.dma_semaphore, #tpu.memory_space<semaphore_mem>>) src(%arg9 : memref<80x128xf32, #tpu.memory_space<vmem>>) dst(%dma_wait3A_128 : memref<80x128xf32, #tpu.memory_space<vmem_shared>>)
        tpu.yield
      }) : () -> ()
    } else {
    }
    %eq3A_4 = arith.constant 1 : i32
    %eq3A_5 = arith.cmpi eq, %arg0, %eq3A_4 : i32
    %convert_element_type3A_6 = arith.extui %eq3A_5 : i1 to i32
    %cond3A_7 = arith.constant 0 : i32
    %cond3A_8 = arith.cmpi ne, %convert_element_type3A_6, %cond3A_7 : i32
    scf.if %cond3A_8 {
      "tpu.region"() ({
        %run_scoped3A_120 = tpu.sem_alloc : memref<!tpu.dma_semaphore, #tpu.memory_space<semaphore_mem>>
        tpu.enqueue_dma source(%arg5 : memref<80x128xf32, #tpu.memory_space<hbm>>) target(%arg9 : memref<80x128xf32, #tpu.memory_space<vmem>>) target_semaphore(%run_scoped3A_120 : memref<!tpu.dma_semaphore, #tpu.memory_space<semaphore_mem>>)
        tpu.wait_dma2 semaphore(%run_scoped3A_120 : memref<!tpu.dma_semaphore, #tpu.memory_space<semaphore_mem>>) src(%arg5 : memref<80x128xf32, #tpu.memory_space<hbm>>) dst(%arg9 : memref<80x128xf32, #tpu.memory_space<vmem>>)
        tpu.yield
      }) : () -> ()
      %mul3A_88 = arith.constant 640 : i32
      %mul3A_89 = arith.muli %arg1, %mul3A_88 : i32
      %add3A_90 = arith.constant 0 : i32
      %add3A_91 = arith.addi %mul3A_89, %add3A_90 : i32
      "tpu.region"() ({
        %run_scoped3A_120 = tpu.sem_alloc : memref<!tpu.dma_semaphore, #tpu.memory_space<semaphore_mem>>
        %dma_start3A_121 = arith.constant 0 : i32
        %dma_start3A_122 = tpu.memref_slice %arg11[%add3A_91, %dma_start3A_121] : memref<10240x128xf32, #tpu.memory_space<vmem_shared>> -> memref<80x128xf32, #tpu.memory_space<vmem_shared>>
        %dma_start3A_123 = arith.constant 0 : i32
        %dma_start3A_124 = tpu.memref_slice %arg11[%add3A_91, %dma_start3A_123] : memref<10240x128xf32, #tpu.memory_space<vmem_shared>> -> memref<80x128xf32, #tpu.memory_space<vmem_shared>>
        tpu.enqueue_dma source(%arg9 : memref<80x128xf32, #tpu.memory_space<vmem>>) target(%dma_start3A_124 : memref<80x128xf32, #tpu.memory_space<vmem_shared>>) target_semaphore(%run_scoped3A_120 : memref<!tpu.dma_semaphore, #tpu.memory_space<semaphore_mem>>)
        %dma_wait3A_125 = arith.constant 0 : i32
        %dma_wait3A_126 = tpu.memref_slice %arg11[%add3A_91, %dma_wait3A_125] : memref<10240x128xf32, #tpu.memory_space<vmem_shared>> -> memref<80x128xf32, #tpu.memory_space<vmem_shared>>
        %dma_wait3A_127 = arith.constant 0 : i32
        %dma_wait3A_128 = tpu.memref_slice %arg11[%add3A_91, %dma_wait3A_127] : memref<10240x128xf32, #tpu.memory_space<vmem_shared>> -> memref<80x128xf32, #tpu.memory_space<vmem_shared>>
        tpu.wait_dma2 semaphore(%run_scoped3A_120 : memref<!tpu.dma_semaphore, #tpu.memory_space<semaphore_mem>>) src(%arg9 : memref<80x128xf32, #tpu.memory_space<vmem>>) dst(%dma_wait3A_128 : memref<80x128xf32, #tpu.memory_space<vmem_shared>>)
        tpu.yield
      }) : () -> ()
      %mul3A_92 = arith.constant 640 : i32
      %mul3A_93 = arith.muli %arg1, %mul3A_92 : i32
      %add3A_94 = arith.constant 80 : i32
      %add3A_95 = arith.addi %mul3A_93, %add3A_94 : i32
      "tpu.region"() ({
        %run_scoped3A_120 = tpu.sem_alloc : memref<!tpu.dma_semaphore, #tpu.memory_space<semaphore_mem>>
        %dma_start3A_121 = arith.constant 0 : i32
        %dma_start3A_122 = tpu.memref_slice %arg11[%add3A_95, %dma_start3A_121] : memref<10240x128xf32, #tpu.memory_space<vmem_shared>> -> memref<80x128xf32, #tpu.memory_space<vmem_shared>>
        %dma_start3A_123 = arith.constant 0 : i32
        %dma_start3A_124 = tpu.memref_slice %arg11[%add3A_95, %dma_start3A_123] : memref<10240x128xf32, #tpu.memory_space<vmem_shared>> -> memref<80x128xf32, #tpu.memory_space<vmem_shared>>
        tpu.enqueue_dma source(%arg9 : memref<80x128xf32, #tpu.memory_space<vmem>>) target(%dma_start3A_124 : memref<80x128xf32, #tpu.memory_space<vmem_shared>>) target_semaphore(%run_scoped3A_120 : memref<!tpu.dma_semaphore, #tpu.memory_space<semaphore_mem>>)
        %dma_wait3A_125 = arith.constant 0 : i32
        %dma_wait3A_126 = tpu.memref_slice %arg11[%add3A_95, %dma_wait3A_125] : memref<10240x128xf32, #tpu.memory_space<vmem_shared>> -> memref<80x128xf32, #tpu.memory_space<vmem_shared>>
        %dma_wait3A_127 = arith.constant 0 : i32
        %dma_wait3A_128 = tpu.memref_slice %arg11[%add3A_95, %dma_wait3A_127] : memref<10240x128xf32, #tpu.memory_space<vmem_shared>> -> memref<80x128xf32, #tpu.memory_space<vmem_shared>>
        tpu.wait_dma2 semaphore(%run_scoped3A_120 : memref<!tpu.dma_semaphore, #tpu.memory_space<semaphore_mem>>) src(%arg9 : memref<80x128xf32, #tpu.memory_space<vmem>>) dst(%dma_wait3A_128 : memref<80x128xf32, #tpu.memory_space<vmem_shared>>)
        tpu.yield
      }) : () -> ()
      %mul3A_96 = arith.constant 640 : i32
      %mul3A_97 = arith.muli %arg1, %mul3A_96 : i32
      %add3A_98 = arith.constant 160 : i32
      %add3A_99 = arith.addi %mul3A_97, %add3A_98 : i32
      "tpu.region"() ({
        %run_scoped3A_120 = tpu.sem_alloc : memref<!tpu.dma_semaphore, #tpu.memory_space<semaphore_mem>>
        %dma_start3A_121 = arith.constant 0 : i32
        %dma_start3A_122 = tpu.memref_slice %arg11[%add3A_99, %dma_start3A_121] : memref<10240x128xf32, #tpu.memory_space<vmem_shared>> -> memref<80x128xf32, #tpu.memory_space<vmem_shared>>
        %dma_start3A_123 = arith.constant 0 : i32
        %dma_start3A_124 = tpu.memref_slice %arg11[%add3A_99, %dma_start3A_123] : memref<10240x128xf32, #tpu.memory_space<vmem_shared>> -> memref<80x128xf32, #tpu.memory_space<vmem_shared>>
        tpu.enqueue_dma source(%arg9 : memref<80x128xf32, #tpu.memory_space<vmem>>) target(%dma_start3A_124 : memref<80x128xf32, #tpu.memory_space<vmem_shared>>) target_semaphore(%run_scoped3A_120 : memref<!tpu.dma_semaphore, #tpu.memory_space<semaphore_mem>>)
        %dma_wait3A_125 = arith.constant 0 : i32
        %dma_wait3A_126 = tpu.memref_slice %arg11[%add3A_99, %dma_wait3A_125] : memref<10240x128xf32, #tpu.memory_space<vmem_shared>> -> memref<80x128xf32, #tpu.memory_space<vmem_shared>>
        %dma_wait3A_127 = arith.constant 0 : i32
        %dma_wait3A_128 = tpu.memref_slice %arg11[%add3A_99, %dma_wait3A_127] : memref<10240x128xf32, #tpu.memory_space<vmem_shared>> -> memref<80x128xf32, #tpu.memory_space<vmem_shared>>
        tpu.wait_dma2 semaphore(%run_scoped3A_120 : memref<!tpu.dma_semaphore, #tpu.memory_space<semaphore_mem>>) src(%arg9 : memref<80x128xf32, #tpu.memory_space<vmem>>) dst(%dma_wait3A_128 : memref<80x128xf32, #tpu.memory_space<vmem_shared>>)
        tpu.yield
      }) : () -> ()
      %mul3A_100 = arith.constant 640 : i32
      %mul3A_101 = arith.muli %arg1, %mul3A_100 : i32
      %add3A_102 = arith.constant 240 : i32
      %add3A_103 = arith.addi %mul3A_101, %add3A_102 : i32
      "tpu.region"() ({
        %run_scoped3A_120 = tpu.sem_alloc : memref<!tpu.dma_semaphore, #tpu.memory_space<semaphore_mem>>
        %dma_start3A_121 = arith.constant 0 : i32
        %dma_start3A_122 = tpu.memref_slice %arg11[%add3A_103, %dma_start3A_121] : memref<10240x128xf32, #tpu.memory_space<vmem_shared>> -> memref<80x128xf32, #tpu.memory_space<vmem_shared>>
        %dma_start3A_123 = arith.constant 0 : i32
        %dma_start3A_124 = tpu.memref_slice %arg11[%add3A_103, %dma_start3A_123] : memref<10240x128xf32, #tpu.memory_space<vmem_shared>> -> memref<80x128xf32, #tpu.memory_space<vmem_shared>>
        tpu.enqueue_dma source(%arg9 : memref<80x128xf32, #tpu.memory_space<vmem>>) target(%dma_start3A_124 : memref<80x128xf32, #tpu.memory_space<vmem_shared>>) target_semaphore(%run_scoped3A_120 : memref<!tpu.dma_semaphore, #tpu.memory_space<semaphore_mem>>)
        %dma_wait3A_125 = arith.constant 0 : i32
        %dma_wait3A_126 = tpu.memref_slice %arg11[%add3A_103, %dma_wait3A_125] : memref<10240x128xf32, #tpu.memory_space<vmem_shared>> -> memref<80x128xf32, #tpu.memory_space<vmem_shared>>
        %dma_wait3A_127 = arith.constant 0 : i32
        %dma_wait3A_128 = tpu.memref_slice %arg11[%add3A_103, %dma_wait3A_127] : memref<10240x128xf32, #tpu.memory_space<vmem_shared>> -> memref<80x128xf32, #tpu.memory_space<vmem_shared>>
        tpu.wait_dma2 semaphore(%run_scoped3A_120 : memref<!tpu.dma_semaphore, #tpu.memory_space<semaphore_mem>>) src(%arg9 : memref<80x128xf32, #tpu.memory_space<vmem>>) dst(%dma_wait3A_128 : memref<80x128xf32, #tpu.memory_space<vmem_shared>>)
        tpu.yield
      }) : () -> ()
      %mul3A_104 = arith.constant 640 : i32
      %mul3A_105 = arith.muli %arg1, %mul3A_104 : i32
      %add3A_106 = arith.constant 320 : i32
      %add3A_107 = arith.addi %mul3A_105, %add3A_106 : i32
      "tpu.region"() ({
        %run_scoped3A_120 = tpu.sem_alloc : memref<!tpu.dma_semaphore, #tpu.memory_space<semaphore_mem>>
        %dma_start3A_121 = arith.constant 0 : i32
        %dma_start3A_122 = tpu.memref_slice %arg11[%add3A_107, %dma_start3A_121] : memref<10240x128xf32, #tpu.memory_space<vmem_shared>> -> memref<80x128xf32, #tpu.memory_space<vmem_shared>>
        %dma_start3A_123 = arith.constant 0 : i32
        %dma_start3A_124 = tpu.memref_slice %arg11[%add3A_107, %dma_start3A_123] : memref<10240x128xf32, #tpu.memory_space<vmem_shared>> -> memref<80x128xf32, #tpu.memory_space<vmem_shared>>
        tpu.enqueue_dma source(%arg9 : memref<80x128xf32, #tpu.memory_space<vmem>>) target(%dma_start3A_124 : memref<80x128xf32, #tpu.memory_space<vmem_shared>>) target_semaphore(%run_scoped3A_120 : memref<!tpu.dma_semaphore, #tpu.memory_space<semaphore_mem>>)
        %dma_wait3A_125 = arith.constant 0 : i32
        %dma_wait3A_126 = tpu.memref_slice %arg11[%add3A_107, %dma_wait3A_125] : memref<10240x128xf32, #tpu.memory_space<vmem_shared>> -> memref<80x128xf32, #tpu.memory_space<vmem_shared>>
        %dma_wait3A_127 = arith.constant 0 : i32
        %dma_wait3A_128 = tpu.memref_slice %arg11[%add3A_107, %dma_wait3A_127] : memref<10240x128xf32, #tpu.memory_space<vmem_shared>> -> memref<80x128xf32, #tpu.memory_space<vmem_shared>>
        tpu.wait_dma2 semaphore(%run_scoped3A_120 : memref<!tpu.dma_semaphore, #tpu.memory_space<semaphore_mem>>) src(%arg9 : memref<80x128xf32, #tpu.memory_space<vmem>>) dst(%dma_wait3A_128 : memref<80x128xf32, #tpu.memory_space<vmem_shared>>)
        tpu.yield
      }) : () -> ()
      %mul3A_108 = arith.constant 640 : i32
      %mul3A_109 = arith.muli %arg1, %mul3A_108 : i32
      %add3A_110 = arith.constant 400 : i32
      %add3A_111 = arith.addi %mul3A_109, %add3A_110 : i32
      "tpu.region"() ({
        %run_scoped3A_120 = tpu.sem_alloc : memref<!tpu.dma_semaphore, #tpu.memory_space<semaphore_mem>>
        %dma_start3A_121 = arith.constant 0 : i32
        %dma_start3A_122 = tpu.memref_slice %arg11[%add3A_111, %dma_start3A_121] : memref<10240x128xf32, #tpu.memory_space<vmem_shared>> -> memref<80x128xf32, #tpu.memory_space<vmem_shared>>
        %dma_start3A_123 = arith.constant 0 : i32
        %dma_start3A_124 = tpu.memref_slice %arg11[%add3A_111, %dma_start3A_123] : memref<10240x128xf32, #tpu.memory_space<vmem_shared>> -> memref<80x128xf32, #tpu.memory_space<vmem_shared>>
        tpu.enqueue_dma source(%arg9 : memref<80x128xf32, #tpu.memory_space<vmem>>) target(%dma_start3A_124 : memref<80x128xf32, #tpu.memory_space<vmem_shared>>) target_semaphore(%run_scoped3A_120 : memref<!tpu.dma_semaphore, #tpu.memory_space<semaphore_mem>>)
        %dma_wait3A_125 = arith.constant 0 : i32
        %dma_wait3A_126 = tpu.memref_slice %arg11[%add3A_111, %dma_wait3A_125] : memref<10240x128xf32, #tpu.memory_space<vmem_shared>> -> memref<80x128xf32, #tpu.memory_space<vmem_shared>>
        %dma_wait3A_127 = arith.constant 0 : i32
        %dma_wait3A_128 = tpu.memref_slice %arg11[%add3A_111, %dma_wait3A_127] : memref<10240x128xf32, #tpu.memory_space<vmem_shared>> -> memref<80x128xf32, #tpu.memory_space<vmem_shared>>
        tpu.wait_dma2 semaphore(%run_scoped3A_120 : memref<!tpu.dma_semaphore, #tpu.memory_space<semaphore_mem>>) src(%arg9 : memref<80x128xf32, #tpu.memory_space<vmem>>) dst(%dma_wait3A_128 : memref<80x128xf32, #tpu.memory_space<vmem_shared>>)
        tpu.yield
      }) : () -> ()
      %mul3A_112 = arith.constant 640 : i32
      %mul3A_113 = arith.muli %arg1, %mul3A_112 : i32
      %add3A_114 = arith.constant 480 : i32
      %add3A_115 = arith.addi %mul3A_113, %add3A_114 : i32
      "tpu.region"() ({
        %run_scoped3A_120 = tpu.sem_alloc : memref<!tpu.dma_semaphore, #tpu.memory_space<semaphore_mem>>
        %dma_start3A_121 = arith.constant 0 : i32
        %dma_start3A_122 = tpu.memref_slice %arg11[%add3A_115, %dma_start3A_121] : memref<10240x128xf32, #tpu.memory_space<vmem_shared>> -> memref<80x128xf32, #tpu.memory_space<vmem_shared>>
        %dma_start3A_123 = arith.constant 0 : i32
        %dma_start3A_124 = tpu.memref_slice %arg11[%add3A_115, %dma_start3A_123] : memref<10240x128xf32, #tpu.memory_space<vmem_shared>> -> memref<80x128xf32, #tpu.memory_space<vmem_shared>>
        tpu.enqueue_dma source(%arg9 : memref<80x128xf32, #tpu.memory_space<vmem>>) target(%dma_start3A_124 : memref<80x128xf32, #tpu.memory_space<vmem_shared>>) target_semaphore(%run_scoped3A_120 : memref<!tpu.dma_semaphore, #tpu.memory_space<semaphore_mem>>)
        %dma_wait3A_125 = arith.constant 0 : i32
        %dma_wait3A_126 = tpu.memref_slice %arg11[%add3A_115, %dma_wait3A_125] : memref<10240x128xf32, #tpu.memory_space<vmem_shared>> -> memref<80x128xf32, #tpu.memory_space<vmem_shared>>
        %dma_wait3A_127 = arith.constant 0 : i32
        %dma_wait3A_128 = tpu.memref_slice %arg11[%add3A_115, %dma_wait3A_127] : memref<10240x128xf32, #tpu.memory_space<vmem_shared>> -> memref<80x128xf32, #tpu.memory_space<vmem_shared>>
        tpu.wait_dma2 semaphore(%run_scoped3A_120 : memref<!tpu.dma_semaphore, #tpu.memory_space<semaphore_mem>>) src(%arg9 : memref<80x128xf32, #tpu.memory_space<vmem>>) dst(%dma_wait3A_128 : memref<80x128xf32, #tpu.memory_space<vmem_shared>>)
        tpu.yield
      }) : () -> ()
      %mul3A_116 = arith.constant 640 : i32
      %mul3A_117 = arith.muli %arg1, %mul3A_116 : i32
      %add3A_118 = arith.constant 560 : i32
      %add3A_119 = arith.addi %mul3A_117, %add3A_118 : i32
      "tpu.region"() ({
        %run_scoped3A_120 = tpu.sem_alloc : memref<!tpu.dma_semaphore, #tpu.memory_space<semaphore_mem>>
        %dma_start3A_121 = arith.constant 0 : i32
        %dma_start3A_122 = tpu.memref_slice %arg11[%add3A_119, %dma_start3A_121] : memref<10240x128xf32, #tpu.memory_space<vmem_shared>> -> memref<80x128xf32, #tpu.memory_space<vmem_shared>>
        %dma_start3A_123 = arith.constant 0 : i32
        %dma_start3A_124 = tpu.memref_slice %arg11[%add3A_119, %dma_start3A_123] : memref<10240x128xf32, #tpu.memory_space<vmem_shared>> -> memref<80x128xf32, #tpu.memory_space<vmem_shared>>
        tpu.enqueue_dma source(%arg9 : memref<80x128xf32, #tpu.memory_space<vmem>>) target(%dma_start3A_124 : memref<80x128xf32, #tpu.memory_space<vmem_shared>>) target_semaphore(%run_scoped3A_120 : memref<!tpu.dma_semaphore, #tpu.memory_space<semaphore_mem>>)
        %dma_wait3A_125 = arith.constant 0 : i32
        %dma_wait3A_126 = tpu.memref_slice %arg11[%add3A_119, %dma_wait3A_125] : memref<10240x128xf32, #tpu.memory_space<vmem_shared>> -> memref<80x128xf32, #tpu.memory_space<vmem_shared>>
        %dma_wait3A_127 = arith.constant 0 : i32
        %dma_wait3A_128 = tpu.memref_slice %arg11[%add3A_119, %dma_wait3A_127] : memref<10240x128xf32, #tpu.memory_space<vmem_shared>> -> memref<80x128xf32, #tpu.memory_space<vmem_shared>>
        tpu.wait_dma2 semaphore(%run_scoped3A_120 : memref<!tpu.dma_semaphore, #tpu.memory_space<semaphore_mem>>) src(%arg9 : memref<80x128xf32, #tpu.memory_space<vmem>>) dst(%dma_wait3A_128 : memref<80x128xf32, #tpu.memory_space<vmem_shared>>)
        tpu.yield
      }) : () -> ()
    } else {
    }
    %barrier3A = arith.constant 0 : index
    tpu.barrier barrier_id(%barrier3A)
    %dma_start3A = arith.constant 0 : i32
    %dma_start3A_9 = tpu.memref_slice %arg7[%dma_start3A] : memref<10000xi32, #tpu.memory_space<vmem>> -> memref<80xi32, #tpu.memory_space<vmem>>
    %dma_start3A_10 = arith.constant 0 : i32
    %dma_start3A_11 = arith.constant 0 : i32
    %dma_start3A_12 = tpu.memref_slice %arg2[%dma_start3A_10, %dma_start3A_11] : memref<10240x128xf32, #tpu.memory_space<hbm>> -> memref<10240x128xf32, #tpu.memory_space<hbm>>
    tpu.enqueue_indirect_dma source(%dma_start3A_12 : memref<10240x128xf32, #tpu.memory_space<hbm>>) target(%arg9 : memref<80x128xf32, #tpu.memory_space<vmem>>) offsets(%dma_start3A_9 : memref<80xi32, #tpu.memory_space<vmem>>) semaphore(%arg12 : memref<!tpu.dma_semaphore, #tpu.memory_space<semaphore_mem>>)
    %scan3A = arith.constant 0 : i32
    %scan3A_13 = arith.constant 0 : i32
    %scan3A_14 = arith.constant 62 : i32
    %scan3A_15 = arith.addi %scan3A_13, %scan3A_14 : i32
    %scan3A_16 = arith.constant 1 : i32
    scf.for %scan3A_88 = %scan3A_13 to %scan3A_15 step %scan3A_16  : i32 {
      %mul3A_89 = arith.constant 2 : i32
      %mul3A_90 = arith.muli %mul3A_89, %scan3A_88 : i32
      %add3A_91 = arith.constant 1 : i32
      %add3A_92 = arith.addi %mul3A_90, %add3A_91 : i32
      %mul3A_93 = arith.constant 80 : i32
      %mul3A_94 = arith.muli %add3A_92, %mul3A_93 : i32
      %dma_start3A_95 = tpu.memref_slice %arg7[%mul3A_94] : memref<10000xi32, #tpu.memory_space<vmem>> -> memref<80xi32, #tpu.memory_space<vmem>>
      %dma_start3A_96 = arith.constant 0 : i32
      %dma_start3A_97 = arith.constant 0 : i32
      %dma_start3A_98 = tpu.memref_slice %arg2[%dma_start3A_96, %dma_start3A_97] : memref<10240x128xf32, #tpu.memory_space<hbm>> -> memref<10240x128xf32, #tpu.memory_space<hbm>>
      tpu.enqueue_indirect_dma source(%dma_start3A_98 : memref<10240x128xf32, #tpu.memory_space<hbm>>) target(%arg10 : memref<80x128xf32, #tpu.memory_space<vmem>>) offsets(%dma_start3A_95 : memref<80xi32, #tpu.memory_space<vmem>>) semaphore(%arg13 : memref<!tpu.dma_semaphore, #tpu.memory_space<semaphore_mem>>)
      %mul3A_99 = arith.constant 80 : i32
      %mul3A_100 = arith.muli %mul3A_90, %mul3A_99 : i32
      %dma_wait3A_101 = tpu.memref_slice %arg7[%mul3A_100] : memref<10000xi32, #tpu.memory_space<vmem>> -> memref<80xi32, #tpu.memory_space<vmem>>
      %dma_wait3A_102 = arith.constant 0 : i32
      %dma_wait3A_103 = arith.constant 0 : i32
      %dma_wait3A_104 = tpu.memref_slice %arg2[%dma_wait3A_102, %dma_wait3A_103] : memref<10240x128xf32, #tpu.memory_space<hbm>> -> memref<10240x128xf32, #tpu.memory_space<hbm>>
      tpu.wait_indirect_dma semaphore(%arg12 : memref<!tpu.dma_semaphore, #tpu.memory_space<semaphore_mem>>) src(%dma_wait3A_104 : memref<10240x128xf32, #tpu.memory_space<hbm>>) dst(%arg9 : memref<80x128xf32, #tpu.memory_space<vmem>>)
      "tpu.region"() ({
        %run_scoped3A_123 = tpu.sem_alloc : memref<!tpu.dma_semaphore, #tpu.memory_space<semaphore_mem>>
        %dma_start3A_124 = arith.constant 0 : i32
        %dma_start3A_125 = tpu.memref_slice %arg8[%mul3A_90, %dma_start3A_124] : memref<125x80xi32, #tpu.memory_space<vmem>> -> memref<1x80xi32, #tpu.memory_space<vmem>>
        %dma_start3A_126 = tpu.memref_squeeze %dma_start3A_125 : memref<1x80xi32, #tpu.memory_space<vmem>> -> memref<80xi32, #tpu.memory_space<vmem>>
        %dma_start3A_127 = arith.constant 0 : i32
        %dma_start3A_128 = arith.constant 0 : i32
        %dma_start3A_129 = tpu.memref_slice %arg11[%dma_start3A_127, %dma_start3A_128] : memref<10240x128xf32, #tpu.memory_space<vmem_shared>> -> memref<10240x128xf32, #tpu.memory_space<vmem_shared>>
        tpu.enqueue_indirect_dma source(%arg9 : memref<80x128xf32, #tpu.memory_space<vmem>>) target(%dma_start3A_129 : memref<10240x128xf32, #tpu.memory_space<vmem_shared>>) offsets(%dma_start3A_126 : memref<80xi32, #tpu.memory_space<vmem>>) semaphore(%run_scoped3A_123 : memref<!tpu.dma_semaphore, #tpu.memory_space<semaphore_mem>>) {add = true}
        %dma_wait3A_130 = arith.constant 0 : i32
        %dma_wait3A_131 = tpu.memref_slice %arg8[%mul3A_90, %dma_wait3A_130] : memref<125x80xi32, #tpu.memory_space<vmem>> -> memref<1x80xi32, #tpu.memory_space<vmem>>
        %dma_wait3A_132 = tpu.memref_squeeze %dma_wait3A_131 : memref<1x80xi32, #tpu.memory_space<vmem>> -> memref<80xi32, #tpu.memory_space<vmem>>
        %dma_wait3A_133 = arith.constant 0 : i32
        %dma_wait3A_134 = arith.constant 0 : i32
        %dma_wait3A_135 = tpu.memref_slice %arg11[%dma_wait3A_133, %dma_wait3A_134] : memref<10240x128xf32, #tpu.memory_space<vmem_shared>> -> memref<10240x128xf32, #tpu.memory_space<vmem_shared>>
        tpu.wait_indirect_dma semaphore(%run_scoped3A_123 : memref<!tpu.dma_semaphore, #tpu.memory_space<semaphore_mem>>) src(%arg9 : memref<80x128xf32, #tpu.memory_space<vmem>>) dst(%dma_wait3A_135 : memref<10240x128xf32, #tpu.memory_space<vmem_shared>>)
        tpu.yield
      }) : () -> ()
      %add3A_105 = arith.constant 2 : i32
      %add3A_106 = arith.addi %mul3A_90, %add3A_105 : i32
      %mul3A_107 = arith.constant 80 : i32
      %mul3A_108 = arith.muli %add3A_106, %mul3A_107 : i32
      %dma_start3A_109 = tpu.memref_slice %arg7[%mul3A_108] : memref<10000xi32, #tpu.memory_space<vmem>> -> memref<80xi32, #tpu.memory_space<vmem>>
      %dma_start3A_110 = arith.constant 0 : i32
      %dma_start3A_111 = arith.constant 0 : i32
      %dma_start3A_112 = tpu.memref_slice %arg2[%dma_start3A_110, %dma_start3A_111] : memref<10240x128xf32, #tpu.memory_space<hbm>> -> memref<10240x128xf32, #tpu.memory_space<hbm>>
      tpu.enqueue_indirect_dma source(%dma_start3A_112 : memref<10240x128xf32, #tpu.memory_space<hbm>>) target(%arg9 : memref<80x128xf32, #tpu.memory_space<vmem>>) offsets(%dma_start3A_109 : memref<80xi32, #tpu.memory_space<vmem>>) semaphore(%arg12 : memref<!tpu.dma_semaphore, #tpu.memory_space<semaphore_mem>>)
      %add3A_113 = arith.constant 1 : i32
      %add3A_114 = arith.addi %mul3A_90, %add3A_113 : i32
      %mul3A_115 = arith.constant 80 : i32
      %mul3A_116 = arith.muli %add3A_114, %mul3A_115 : i32
      %dma_wait3A_117 = tpu.memref_slice %arg7[%mul3A_116] : memref<10000xi32, #tpu.memory_space<vmem>> -> memref<80xi32, #tpu.memory_space<vmem>>
      %dma_wait3A_118 = arith.constant 0 : i32
      %dma_wait3A_119 = arith.constant 0 : i32
      %dma_wait3A_120 = tpu.memref_slice %arg2[%dma_wait3A_118, %dma_wait3A_119] : memref<10240x128xf32, #tpu.memory_space<hbm>> -> memref<10240x128xf32, #tpu.memory_space<hbm>>
      tpu.wait_indirect_dma semaphore(%arg13 : memref<!tpu.dma_semaphore, #tpu.memory_space<semaphore_mem>>) src(%dma_wait3A_120 : memref<10240x128xf32, #tpu.memory_space<hbm>>) dst(%arg10 : memref<80x128xf32, #tpu.memory_space<vmem>>)
      %add3A_121 = arith.constant 1 : i32
      %add3A_122 = arith.addi %mul3A_90, %add3A_121 : i32
      "tpu.region"() ({
        %run_scoped3A_123 = tpu.sem_alloc : memref<!tpu.dma_semaphore, #tpu.memory_space<semaphore_mem>>
        %dma_start3A_124 = arith.constant 0 : i32
        %dma_start3A_125 = tpu.memref_slice %arg8[%add3A_122, %dma_start3A_124] : memref<125x80xi32, #tpu.memory_space<vmem>> -> memref<1x80xi32, #tpu.memory_space<vmem>>
        %dma_start3A_126 = tpu.memref_squeeze %dma_start3A_125 : memref<1x80xi32, #tpu.memory_space<vmem>> -> memref<80xi32, #tpu.memory_space<vmem>>
        %dma_start3A_127 = arith.constant 0 : i32
        %dma_start3A_128 = arith.constant 0 : i32
        %dma_start3A_129 = tpu.memref_slice %arg11[%dma_start3A_127, %dma_start3A_128] : memref<10240x128xf32, #tpu.memory_space<vmem_shared>> -> memref<10240x128xf32, #tpu.memory_space<vmem_shared>>
        tpu.enqueue_indirect_dma source(%arg10 : memref<80x128xf32, #tpu.memory_space<vmem>>) target(%dma_start3A_129 : memref<10240x128xf32, #tpu.memory_space<vmem_shared>>) offsets(%dma_start3A_126 : memref<80xi32, #tpu.memory_space<vmem>>) semaphore(%run_scoped3A_123 : memref<!tpu.dma_semaphore, #tpu.memory_space<semaphore_mem>>) {add = true}
        %dma_wait3A_130 = arith.constant 0 : i32
        %dma_wait3A_131 = tpu.memref_slice %arg8[%add3A_122, %dma_wait3A_130] : memref<125x80xi32, #tpu.memory_space<vmem>> -> memref<1x80xi32, #tpu.memory_space<vmem>>
        %dma_wait3A_132 = tpu.memref_squeeze %dma_wait3A_131 : memref<1x80xi32, #tpu.memory_space<vmem>> -> memref<80xi32, #tpu.memory_space<vmem>>
        %dma_wait3A_133 = arith.constant 0 : i32
        %dma_wait3A_134 = arith.constant 0 : i32
        %dma_wait3A_135 = tpu.memref_slice %arg11[%dma_wait3A_133, %dma_wait3A_134] : memref<10240x128xf32, #tpu.memory_space<vmem_shared>> -> memref<10240x128xf32, #tpu.memory_space<vmem_shared>>
        tpu.wait_indirect_dma semaphore(%run_scoped3A_123 : memref<!tpu.dma_semaphore, #tpu.memory_space<semaphore_mem>>) src(%arg10 : memref<80x128xf32, #tpu.memory_space<vmem>>) dst(%dma_wait3A_135 : memref<10240x128xf32, #tpu.memory_space<vmem_shared>>)
        tpu.yield
      }) : () -> ()
    }
    %scan3A_17 = arith.constant 62 : i32
    %dma_wait3A = arith.constant 9920 : i32
    %dma_wait3A_18 = tpu.memref_slice %arg7[%dma_wait3A] : memref<10000xi32, #tpu.memory_space<vmem>> -> memref<80xi32, #tpu.memory_space<vmem>>
    %dma_wait3A_19 = arith.constant 0 : i32
    %dma_wait3A_20 = arith.constant 0 : i32
    %dma_wait3A_21 = tpu.memref_slice %arg2[%dma_wait3A_19, %dma_wait3A_20] : memref<10240x128xf32, #tpu.memory_space<hbm>> -> memref<10240x128xf32, #tpu.memory_space<hbm>>
    tpu.wait_indirect_dma semaphore(%arg12 : memref<!tpu.dma_semaphore, #tpu.memory_space<semaphore_mem>>) src(%dma_wait3A_21 : memref<10240x128xf32, #tpu.memory_space<hbm>>) dst(%arg9 : memref<80x128xf32, #tpu.memory_space<vmem>>)
    %run_scoped3A_22 = arith.constant 124 : i32
    "tpu.region"() ({
      %run_scoped3A_88 = tpu.sem_alloc : memref<!tpu.dma_semaphore, #tpu.memory_space<semaphore_mem>>
      %dma_start3A_89 = arith.constant 0 : i32
      %dma_start3A_90 = tpu.memref_slice %arg8[%run_scoped3A_22, %dma_start3A_89] : memref<125x80xi32, #tpu.memory_space<vmem>> -> memref<1x80xi32, #tpu.memory_space<vmem>>
      %dma_start3A_91 = tpu.memref_squeeze %dma_start3A_90 : memref<1x80xi32, #tpu.memory_space<vmem>> -> memref<80xi32, #tpu.memory_space<vmem>>
      %dma_start3A_92 = arith.constant 0 : i32
      %dma_start3A_93 = arith.constant 0 : i32
      %dma_start3A_94 = tpu.memref_slice %arg11[%dma_start3A_92, %dma_start3A_93] : memref<10240x128xf32, #tpu.memory_space<vmem_shared>> -> memref<10240x128xf32, #tpu.memory_space<vmem_shared>>
      tpu.enqueue_indirect_dma source(%arg9 : memref<80x128xf32, #tpu.memory_space<vmem>>) target(%dma_start3A_94 : memref<10240x128xf32, #tpu.memory_space<vmem_shared>>) offsets(%dma_start3A_91 : memref<80xi32, #tpu.memory_space<vmem>>) semaphore(%run_scoped3A_88 : memref<!tpu.dma_semaphore, #tpu.memory_space<semaphore_mem>>) {add = true}
      %dma_wait3A_95 = arith.constant 0 : i32
      %dma_wait3A_96 = tpu.memref_slice %arg8[%run_scoped3A_22, %dma_wait3A_95] : memref<125x80xi32, #tpu.memory_space<vmem>> -> memref<1x80xi32, #tpu.memory_space<vmem>>
      %dma_wait3A_97 = tpu.memref_squeeze %dma_wait3A_96 : memref<1x80xi32, #tpu.memory_space<vmem>> -> memref<80xi32, #tpu.memory_space<vmem>>
      %dma_wait3A_98 = arith.constant 0 : i32
      %dma_wait3A_99 = arith.constant 0 : i32
      %dma_wait3A_100 = tpu.memref_slice %arg11[%dma_wait3A_98, %dma_wait3A_99] : memref<10240x128xf32, #tpu.memory_space<vmem_shared>> -> memref<10240x128xf32, #tpu.memory_space<vmem_shared>>
      tpu.wait_indirect_dma semaphore(%run_scoped3A_88 : memref<!tpu.dma_semaphore, #tpu.memory_space<semaphore_mem>>) src(%arg9 : memref<80x128xf32, #tpu.memory_space<vmem>>) dst(%dma_wait3A_100 : memref<10240x128xf32, #tpu.memory_space<vmem_shared>>)
      tpu.yield
    }) : () -> ()
    %barrier3A_23 = arith.constant 0 : index
    tpu.barrier barrier_id(%barrier3A_23)
    %mul3A_24 = arith.constant 640 : i32
    %mul3A_25 = arith.muli %arg1, %mul3A_24 : i32
    %add3A_26 = arith.constant 0 : i32
    %add3A_27 = arith.addi %mul3A_25, %add3A_26 : i32
    "tpu.region"() ({
      %run_scoped3A_88 = tpu.sem_alloc : memref<!tpu.dma_semaphore, #tpu.memory_space<semaphore_mem>>
      %dma_start3A_89 = arith.constant 0 : i32
      %dma_start3A_90 = tpu.memref_slice %arg11[%add3A_27, %dma_start3A_89] : memref<10240x128xf32, #tpu.memory_space<vmem_shared>> -> memref<80x128xf32, #tpu.memory_space<vmem_shared>>
      %dma_start3A_91 = arith.constant 0 : i32
      %dma_start3A_92 = tpu.memref_slice %arg11[%add3A_27, %dma_start3A_91] : memref<10240x128xf32, #tpu.memory_space<vmem_shared>> -> memref<80x128xf32, #tpu.memory_space<vmem_shared>>
      tpu.enqueue_dma source(%dma_start3A_92 : memref<80x128xf32, #tpu.memory_space<vmem_shared>>) target(%arg9 : memref<80x128xf32, #tpu.memory_space<vmem>>) target_semaphore(%run_scoped3A_88 : memref<!tpu.dma_semaphore, #tpu.memory_space<semaphore_mem>>)
      %dma_wait3A_93 = arith.constant 0 : i32
      %dma_wait3A_94 = tpu.memref_slice %arg11[%add3A_27, %dma_wait3A_93] : memref<10240x128xf32, #tpu.memory_space<vmem_shared>> -> memref<80x128xf32, #tpu.memory_space<vmem_shared>>
      %dma_wait3A_95 = arith.constant 0 : i32
      %dma_wait3A_96 = tpu.memref_slice %arg11[%add3A_27, %dma_wait3A_95] : memref<10240x128xf32, #tpu.memory_space<vmem_shared>> -> memref<80x128xf32, #tpu.memory_space<vmem_shared>>
      tpu.wait_dma2 semaphore(%run_scoped3A_88 : memref<!tpu.dma_semaphore, #tpu.memory_space<semaphore_mem>>) src(%dma_wait3A_96 : memref<80x128xf32, #tpu.memory_space<vmem_shared>>) dst(%arg9 : memref<80x128xf32, #tpu.memory_space<vmem>>)
      tpu.yield
    }) : () -> ()
    %mul3A_28 = arith.constant 640 : i32
    %mul3A_29 = arith.muli %arg1, %mul3A_28 : i32
    %add3A_30 = arith.constant 0 : i32
    %add3A_31 = arith.addi %mul3A_29, %add3A_30 : i32
    "tpu.region"() ({
      %run_scoped3A_88 = tpu.sem_alloc : memref<!tpu.dma_semaphore, #tpu.memory_space<semaphore_mem>>
      %dma_start3A_89 = arith.constant 0 : i32
      %dma_start3A_90 = tpu.memref_slice %arg6[%arg0, %add3A_31, %dma_start3A_89] : memref<2x10240x128xf32, #tpu.memory_space<hbm>> -> memref<1x80x128xf32, #tpu.memory_space<hbm>>
      %dma_start3A_91 = tpu.memref_squeeze %dma_start3A_90 : memref<1x80x128xf32, #tpu.memory_space<hbm>> -> memref<80x128xf32, #tpu.memory_space<hbm>>
      %dma_start3A_92 = arith.constant 0 : i32
      %dma_start3A_93 = tpu.memref_slice %arg6[%arg0, %add3A_31, %dma_start3A_92] : memref<2x10240x128xf32, #tpu.memory_space<hbm>> -> memref<1x80x128xf32, #tpu.memory_space<hbm>>
      %dma_start3A_94 = tpu.memref_squeeze %dma_start3A_93 : memref<1x80x128xf32, #tpu.memory_space<hbm>> -> memref<80x128xf32, #tpu.memory_space<hbm>>
      tpu.enqueue_dma source(%arg9 : memref<80x128xf32, #tpu.memory_space<vmem>>) target(%dma_start3A_94 : memref<80x128xf32, #tpu.memory_space<hbm>>) target_semaphore(%run_scoped3A_88 : memref<!tpu.dma_semaphore, #tpu.memory_space<semaphore_mem>>)
      %dma_wait3A_95 = arith.constant 0 : i32
      %dma_wait3A_96 = tpu.memref_slice %arg6[%arg0, %add3A_31, %dma_wait3A_95] : memref<2x10240x128xf32, #tpu.memory_space<hbm>> -> memref<1x80x128xf32, #tpu.memory_space<hbm>>
      %dma_wait3A_97 = tpu.memref_squeeze %dma_wait3A_96 : memref<1x80x128xf32, #tpu.memory_space<hbm>> -> memref<80x128xf32, #tpu.memory_space<hbm>>
      %dma_wait3A_98 = arith.constant 0 : i32
      %dma_wait3A_99 = tpu.memref_slice %arg6[%arg0, %add3A_31, %dma_wait3A_98] : memref<2x10240x128xf32, #tpu.memory_space<hbm>> -> memref<1x80x128xf32, #tpu.memory_space<hbm>>
      %dma_wait3A_100 = tpu.memref_squeeze %dma_wait3A_99 : memref<1x80x128xf32, #tpu.memory_space<hbm>> -> memref<80x128xf32, #tpu.memory_space<hbm>>
      tpu.wait_dma2 semaphore(%run_scoped3A_88 : memref<!tpu.dma_semaphore, #tpu.memory_space<semaphore_mem>>) src(%arg9 : memref<80x128xf32, #tpu.memory_space<vmem>>) dst(%dma_wait3A_100 : memref<80x128xf32, #tpu.memory_space<hbm>>)
      tpu.yield
    }) : () -> ()
    %mul3A_32 = arith.constant 640 : i32
    %mul3A_33 = arith.muli %arg1, %mul3A_32 : i32
    %add3A_34 = arith.constant 80 : i32
    %add3A_35 = arith.addi %mul3A_33, %add3A_34 : i32
    "tpu.region"() ({
      %run_scoped3A_88 = tpu.sem_alloc : memref<!tpu.dma_semaphore, #tpu.memory_space<semaphore_mem>>
      %dma_start3A_89 = arith.constant 0 : i32
      %dma_start3A_90 = tpu.memref_slice %arg11[%add3A_35, %dma_start3A_89] : memref<10240x128xf32, #tpu.memory_space<vmem_shared>> -> memref<80x128xf32, #tpu.memory_space<vmem_shared>>
      %dma_start3A_91 = arith.constant 0 : i32
      %dma_start3A_92 = tpu.memref_slice %arg11[%add3A_35, %dma_start3A_91] : memref<10240x128xf32, #tpu.memory_space<vmem_shared>> -> memref<80x128xf32, #tpu.memory_space<vmem_shared>>
      tpu.enqueue_dma source(%dma_start3A_92 : memref<80x128xf32, #tpu.memory_space<vmem_shared>>) target(%arg9 : memref<80x128xf32, #tpu.memory_space<vmem>>) target_semaphore(%run_scoped3A_88 : memref<!tpu.dma_semaphore, #tpu.memory_space<semaphore_mem>>)
      %dma_wait3A_93 = arith.constant 0 : i32
      %dma_wait3A_94 = tpu.memref_slice %arg11[%add3A_35, %dma_wait3A_93] : memref<10240x128xf32, #tpu.memory_space<vmem_shared>> -> memref<80x128xf32, #tpu.memory_space<vmem_shared>>
      %dma_wait3A_95 = arith.constant 0 : i32
      %dma_wait3A_96 = tpu.memref_slice %arg11[%add3A_35, %dma_wait3A_95] : memref<10240x128xf32, #tpu.memory_space<vmem_shared>> -> memref<80x128xf32, #tpu.memory_space<vmem_shared>>
      tpu.wait_dma2 semaphore(%run_scoped3A_88 : memref<!tpu.dma_semaphore, #tpu.memory_space<semaphore_mem>>) src(%dma_wait3A_96 : memref<80x128xf32, #tpu.memory_space<vmem_shared>>) dst(%arg9 : memref<80x128xf32, #tpu.memory_space<vmem>>)
      tpu.yield
    }) : () -> ()
    %mul3A_36 = arith.constant 640 : i32
    %mul3A_37 = arith.muli %arg1, %mul3A_36 : i32
    %add3A_38 = arith.constant 80 : i32
    %add3A_39 = arith.addi %mul3A_37, %add3A_38 : i32
    "tpu.region"() ({
      %run_scoped3A_88 = tpu.sem_alloc : memref<!tpu.dma_semaphore, #tpu.memory_space<semaphore_mem>>
      %dma_start3A_89 = arith.constant 0 : i32
      %dma_start3A_90 = tpu.memref_slice %arg6[%arg0, %add3A_39, %dma_start3A_89] : memref<2x10240x128xf32, #tpu.memory_space<hbm>> -> memref<1x80x128xf32, #tpu.memory_space<hbm>>
      %dma_start3A_91 = tpu.memref_squeeze %dma_start3A_90 : memref<1x80x128xf32, #tpu.memory_space<hbm>> -> memref<80x128xf32, #tpu.memory_space<hbm>>
      %dma_start3A_92 = arith.constant 0 : i32
      %dma_start3A_93 = tpu.memref_slice %arg6[%arg0, %add3A_39, %dma_start3A_92] : memref<2x10240x128xf32, #tpu.memory_space<hbm>> -> memref<1x80x128xf32, #tpu.memory_space<hbm>>
      %dma_start3A_94 = tpu.memref_squeeze %dma_start3A_93 : memref<1x80x128xf32, #tpu.memory_space<hbm>> -> memref<80x128xf32, #tpu.memory_space<hbm>>
      tpu.enqueue_dma source(%arg9 : memref<80x128xf32, #tpu.memory_space<vmem>>) target(%dma_start3A_94 : memref<80x128xf32, #tpu.memory_space<hbm>>) target_semaphore(%run_scoped3A_88 : memref<!tpu.dma_semaphore, #tpu.memory_space<semaphore_mem>>)
      %dma_wait3A_95 = arith.constant 0 : i32
      %dma_wait3A_96 = tpu.memref_slice %arg6[%arg0, %add3A_39, %dma_wait3A_95] : memref<2x10240x128xf32, #tpu.memory_space<hbm>> -> memref<1x80x128xf32, #tpu.memory_space<hbm>>
      %dma_wait3A_97 = tpu.memref_squeeze %dma_wait3A_96 : memref<1x80x128xf32, #tpu.memory_space<hbm>> -> memref<80x128xf32, #tpu.memory_space<hbm>>
      %dma_wait3A_98 = arith.constant 0 : i32
      %dma_wait3A_99 = tpu.memref_slice %arg6[%arg0, %add3A_39, %dma_wait3A_98] : memref<2x10240x128xf32, #tpu.memory_space<hbm>> -> memref<1x80x128xf32, #tpu.memory_space<hbm>>
      %dma_wait3A_100 = tpu.memref_squeeze %dma_wait3A_99 : memref<1x80x128xf32, #tpu.memory_space<hbm>> -> memref<80x128xf32, #tpu.memory_space<hbm>>
      tpu.wait_dma2 semaphore(%run_scoped3A_88 : memref<!tpu.dma_semaphore, #tpu.memory_space<semaphore_mem>>) src(%arg9 : memref<80x128xf32, #tpu.memory_space<vmem>>) dst(%dma_wait3A_100 : memref<80x128xf32, #tpu.memory_space<hbm>>)
      tpu.yield
    }) : () -> ()
    %mul3A_40 = arith.constant 640 : i32
    %mul3A_41 = arith.muli %arg1, %mul3A_40 : i32
    %add3A_42 = arith.constant 160 : i32
    %add3A_43 = arith.addi %mul3A_41, %add3A_42 : i32
    "tpu.region"() ({
      %run_scoped3A_88 = tpu.sem_alloc : memref<!tpu.dma_semaphore, #tpu.memory_space<semaphore_mem>>
      %dma_start3A_89 = arith.constant 0 : i32
      %dma_start3A_90 = tpu.memref_slice %arg11[%add3A_43, %dma_start3A_89] : memref<10240x128xf32, #tpu.memory_space<vmem_shared>> -> memref<80x128xf32, #tpu.memory_space<vmem_shared>>
      %dma_start3A_91 = arith.constant 0 : i32
      %dma_start3A_92 = tpu.memref_slice %arg11[%add3A_43, %dma_start3A_91] : memref<10240x128xf32, #tpu.memory_space<vmem_shared>> -> memref<80x128xf32, #tpu.memory_space<vmem_shared>>
      tpu.enqueue_dma source(%dma_start3A_92 : memref<80x128xf32, #tpu.memory_space<vmem_shared>>) target(%arg9 : memref<80x128xf32, #tpu.memory_space<vmem>>) target_semaphore(%run_scoped3A_88 : memref<!tpu.dma_semaphore, #tpu.memory_space<semaphore_mem>>)
      %dma_wait3A_93 = arith.constant 0 : i32
      %dma_wait3A_94 = tpu.memref_slice %arg11[%add3A_43, %dma_wait3A_93] : memref<10240x128xf32, #tpu.memory_space<vmem_shared>> -> memref<80x128xf32, #tpu.memory_space<vmem_shared>>
      %dma_wait3A_95 = arith.constant 0 : i32
      %dma_wait3A_96 = tpu.memref_slice %arg11[%add3A_43, %dma_wait3A_95] : memref<10240x128xf32, #tpu.memory_space<vmem_shared>> -> memref<80x128xf32, #tpu.memory_space<vmem_shared>>
      tpu.wait_dma2 semaphore(%run_scoped3A_88 : memref<!tpu.dma_semaphore, #tpu.memory_space<semaphore_mem>>) src(%dma_wait3A_96 : memref<80x128xf32, #tpu.memory_space<vmem_shared>>) dst(%arg9 : memref<80x128xf32, #tpu.memory_space<vmem>>)
      tpu.yield
    }) : () -> ()
    %mul3A_44 = arith.constant 640 : i32
    %mul3A_45 = arith.muli %arg1, %mul3A_44 : i32
    %add3A_46 = arith.constant 160 : i32
    %add3A_47 = arith.addi %mul3A_45, %add3A_46 : i32
    "tpu.region"() ({
      %run_scoped3A_88 = tpu.sem_alloc : memref<!tpu.dma_semaphore, #tpu.memory_space<semaphore_mem>>
      %dma_start3A_89 = arith.constant 0 : i32
      %dma_start3A_90 = tpu.memref_slice %arg6[%arg0, %add3A_47, %dma_start3A_89] : memref<2x10240x128xf32, #tpu.memory_space<hbm>> -> memref<1x80x128xf32, #tpu.memory_space<hbm>>
      %dma_start3A_91 = tpu.memref_squeeze %dma_start3A_90 : memref<1x80x128xf32, #tpu.memory_space<hbm>> -> memref<80x128xf32, #tpu.memory_space<hbm>>
      %dma_start3A_92 = arith.constant 0 : i32
      %dma_start3A_93 = tpu.memref_slice %arg6[%arg0, %add3A_47, %dma_start3A_92] : memref<2x10240x128xf32, #tpu.memory_space<hbm>> -> memref<1x80x128xf32, #tpu.memory_space<hbm>>
      %dma_start3A_94 = tpu.memref_squeeze %dma_start3A_93 : memref<1x80x128xf32, #tpu.memory_space<hbm>> -> memref<80x128xf32, #tpu.memory_space<hbm>>
      tpu.enqueue_dma source(%arg9 : memref<80x128xf32, #tpu.memory_space<vmem>>) target(%dma_start3A_94 : memref<80x128xf32, #tpu.memory_space<hbm>>) target_semaphore(%run_scoped3A_88 : memref<!tpu.dma_semaphore, #tpu.memory_space<semaphore_mem>>)
      %dma_wait3A_95 = arith.constant 0 : i32
      %dma_wait3A_96 = tpu.memref_slice %arg6[%arg0, %add3A_47, %dma_wait3A_95] : memref<2x10240x128xf32, #tpu.memory_space<hbm>> -> memref<1x80x128xf32, #tpu.memory_space<hbm>>
      %dma_wait3A_97 = tpu.memref_squeeze %dma_wait3A_96 : memref<1x80x128xf32, #tpu.memory_space<hbm>> -> memref<80x128xf32, #tpu.memory_space<hbm>>
      %dma_wait3A_98 = arith.constant 0 : i32
      %dma_wait3A_99 = tpu.memref_slice %arg6[%arg0, %add3A_47, %dma_wait3A_98] : memref<2x10240x128xf32, #tpu.memory_space<hbm>> -> memref<1x80x128xf32, #tpu.memory_space<hbm>>
      %dma_wait3A_100 = tpu.memref_squeeze %dma_wait3A_99 : memref<1x80x128xf32, #tpu.memory_space<hbm>> -> memref<80x128xf32, #tpu.memory_space<hbm>>
      tpu.wait_dma2 semaphore(%run_scoped3A_88 : memref<!tpu.dma_semaphore, #tpu.memory_space<semaphore_mem>>) src(%arg9 : memref<80x128xf32, #tpu.memory_space<vmem>>) dst(%dma_wait3A_100 : memref<80x128xf32, #tpu.memory_space<hbm>>)
      tpu.yield
    }) : () -> ()
    %mul3A_48 = arith.constant 640 : i32
    %mul3A_49 = arith.muli %arg1, %mul3A_48 : i32
    %add3A_50 = arith.constant 240 : i32
    %add3A_51 = arith.addi %mul3A_49, %add3A_50 : i32
    "tpu.region"() ({
      %run_scoped3A_88 = tpu.sem_alloc : memref<!tpu.dma_semaphore, #tpu.memory_space<semaphore_mem>>
      %dma_start3A_89 = arith.constant 0 : i32
      %dma_start3A_90 = tpu.memref_slice %arg11[%add3A_51, %dma_start3A_89] : memref<10240x128xf32, #tpu.memory_space<vmem_shared>> -> memref<80x128xf32, #tpu.memory_space<vmem_shared>>
      %dma_start3A_91 = arith.constant 0 : i32
      %dma_start3A_92 = tpu.memref_slice %arg11[%add3A_51, %dma_start3A_91] : memref<10240x128xf32, #tpu.memory_space<vmem_shared>> -> memref<80x128xf32, #tpu.memory_space<vmem_shared>>
      tpu.enqueue_dma source(%dma_start3A_92 : memref<80x128xf32, #tpu.memory_space<vmem_shared>>) target(%arg9 : memref<80x128xf32, #tpu.memory_space<vmem>>) target_semaphore(%run_scoped3A_88 : memref<!tpu.dma_semaphore, #tpu.memory_space<semaphore_mem>>)
      %dma_wait3A_93 = arith.constant 0 : i32
      %dma_wait3A_94 = tpu.memref_slice %arg11[%add3A_51, %dma_wait3A_93] : memref<10240x128xf32, #tpu.memory_space<vmem_shared>> -> memref<80x128xf32, #tpu.memory_space<vmem_shared>>
      %dma_wait3A_95 = arith.constant 0 : i32
      %dma_wait3A_96 = tpu.memref_slice %arg11[%add3A_51, %dma_wait3A_95] : memref<10240x128xf32, #tpu.memory_space<vmem_shared>> -> memref<80x128xf32, #tpu.memory_space<vmem_shared>>
      tpu.wait_dma2 semaphore(%run_scoped3A_88 : memref<!tpu.dma_semaphore, #tpu.memory_space<semaphore_mem>>) src(%dma_wait3A_96 : memref<80x128xf32, #tpu.memory_space<vmem_shared>>) dst(%arg9 : memref<80x128xf32, #tpu.memory_space<vmem>>)
      tpu.yield
    }) : () -> ()
    %mul3A_52 = arith.constant 640 : i32
    %mul3A_53 = arith.muli %arg1, %mul3A_52 : i32
    %add3A_54 = arith.constant 240 : i32
    %add3A_55 = arith.addi %mul3A_53, %add3A_54 : i32
    "tpu.region"() ({
      %run_scoped3A_88 = tpu.sem_alloc : memref<!tpu.dma_semaphore, #tpu.memory_space<semaphore_mem>>
      %dma_start3A_89 = arith.constant 0 : i32
      %dma_start3A_90 = tpu.memref_slice %arg6[%arg0, %add3A_55, %dma_start3A_89] : memref<2x10240x128xf32, #tpu.memory_space<hbm>> -> memref<1x80x128xf32, #tpu.memory_space<hbm>>
      %dma_start3A_91 = tpu.memref_squeeze %dma_start3A_90 : memref<1x80x128xf32, #tpu.memory_space<hbm>> -> memref<80x128xf32, #tpu.memory_space<hbm>>
      %dma_start3A_92 = arith.constant 0 : i32
      %dma_start3A_93 = tpu.memref_slice %arg6[%arg0, %add3A_55, %dma_start3A_92] : memref<2x10240x128xf32, #tpu.memory_space<hbm>> -> memref<1x80x128xf32, #tpu.memory_space<hbm>>
      %dma_start3A_94 = tpu.memref_squeeze %dma_start3A_93 : memref<1x80x128xf32, #tpu.memory_space<hbm>> -> memref<80x128xf32, #tpu.memory_space<hbm>>
      tpu.enqueue_dma source(%arg9 : memref<80x128xf32, #tpu.memory_space<vmem>>) target(%dma_start3A_94 : memref<80x128xf32, #tpu.memory_space<hbm>>) target_semaphore(%run_scoped3A_88 : memref<!tpu.dma_semaphore, #tpu.memory_space<semaphore_mem>>)
      %dma_wait3A_95 = arith.constant 0 : i32
      %dma_wait3A_96 = tpu.memref_slice %arg6[%arg0, %add3A_55, %dma_wait3A_95] : memref<2x10240x128xf32, #tpu.memory_space<hbm>> -> memref<1x80x128xf32, #tpu.memory_space<hbm>>
      %dma_wait3A_97 = tpu.memref_squeeze %dma_wait3A_96 : memref<1x80x128xf32, #tpu.memory_space<hbm>> -> memref<80x128xf32, #tpu.memory_space<hbm>>
      %dma_wait3A_98 = arith.constant 0 : i32
      %dma_wait3A_99 = tpu.memref_slice %arg6[%arg0, %add3A_55, %dma_wait3A_98] : memref<2x10240x128xf32, #tpu.memory_space<hbm>> -> memref<1x80x128xf32, #tpu.memory_space<hbm>>
      %dma_wait3A_100 = tpu.memref_squeeze %dma_wait3A_99 : memref<1x80x128xf32, #tpu.memory_space<hbm>> -> memref<80x128xf32, #tpu.memory_space<hbm>>
      tpu.wait_dma2 semaphore(%run_scoped3A_88 : memref<!tpu.dma_semaphore, #tpu.memory_space<semaphore_mem>>) src(%arg9 : memref<80x128xf32, #tpu.memory_space<vmem>>) dst(%dma_wait3A_100 : memref<80x128xf32, #tpu.memory_space<hbm>>)
      tpu.yield
    }) : () -> ()
    %mul3A_56 = arith.constant 640 : i32
    %mul3A_57 = arith.muli %arg1, %mul3A_56 : i32
    %add3A_58 = arith.constant 320 : i32
    %add3A_59 = arith.addi %mul3A_57, %add3A_58 : i32
    "tpu.region"() ({
      %run_scoped3A_88 = tpu.sem_alloc : memref<!tpu.dma_semaphore, #tpu.memory_space<semaphore_mem>>
      %dma_start3A_89 = arith.constant 0 : i32
      %dma_start3A_90 = tpu.memref_slice %arg11[%add3A_59, %dma_start3A_89] : memref<10240x128xf32, #tpu.memory_space<vmem_shared>> -> memref<80x128xf32, #tpu.memory_space<vmem_shared>>
      %dma_start3A_91 = arith.constant 0 : i32
      %dma_start3A_92 = tpu.memref_slice %arg11[%add3A_59, %dma_start3A_91] : memref<10240x128xf32, #tpu.memory_space<vmem_shared>> -> memref<80x128xf32, #tpu.memory_space<vmem_shared>>
      tpu.enqueue_dma source(%dma_start3A_92 : memref<80x128xf32, #tpu.memory_space<vmem_shared>>) target(%arg9 : memref<80x128xf32, #tpu.memory_space<vmem>>) target_semaphore(%run_scoped3A_88 : memref<!tpu.dma_semaphore, #tpu.memory_space<semaphore_mem>>)
      %dma_wait3A_93 = arith.constant 0 : i32
      %dma_wait3A_94 = tpu.memref_slice %arg11[%add3A_59, %dma_wait3A_93] : memref<10240x128xf32, #tpu.memory_space<vmem_shared>> -> memref<80x128xf32, #tpu.memory_space<vmem_shared>>
      %dma_wait3A_95 = arith.constant 0 : i32
      %dma_wait3A_96 = tpu.memref_slice %arg11[%add3A_59, %dma_wait3A_95] : memref<10240x128xf32, #tpu.memory_space<vmem_shared>> -> memref<80x128xf32, #tpu.memory_space<vmem_shared>>
      tpu.wait_dma2 semaphore(%run_scoped3A_88 : memref<!tpu.dma_semaphore, #tpu.memory_space<semaphore_mem>>) src(%dma_wait3A_96 : memref<80x128xf32, #tpu.memory_space<vmem_shared>>) dst(%arg9 : memref<80x128xf32, #tpu.memory_space<vmem>>)
      tpu.yield
    }) : () -> ()
    %mul3A_60 = arith.constant 640 : i32
    %mul3A_61 = arith.muli %arg1, %mul3A_60 : i32
    %add3A_62 = arith.constant 320 : i32
    %add3A_63 = arith.addi %mul3A_61, %add3A_62 : i32
    "tpu.region"() ({
      %run_scoped3A_88 = tpu.sem_alloc : memref<!tpu.dma_semaphore, #tpu.memory_space<semaphore_mem>>
      %dma_start3A_89 = arith.constant 0 : i32
      %dma_start3A_90 = tpu.memref_slice %arg6[%arg0, %add3A_63, %dma_start3A_89] : memref<2x10240x128xf32, #tpu.memory_space<hbm>> -> memref<1x80x128xf32, #tpu.memory_space<hbm>>
      %dma_start3A_91 = tpu.memref_squeeze %dma_start3A_90 : memref<1x80x128xf32, #tpu.memory_space<hbm>> -> memref<80x128xf32, #tpu.memory_space<hbm>>
      %dma_start3A_92 = arith.constant 0 : i32
      %dma_start3A_93 = tpu.memref_slice %arg6[%arg0, %add3A_63, %dma_start3A_92] : memref<2x10240x128xf32, #tpu.memory_space<hbm>> -> memref<1x80x128xf32, #tpu.memory_space<hbm>>
      %dma_start3A_94 = tpu.memref_squeeze %dma_start3A_93 : memref<1x80x128xf32, #tpu.memory_space<hbm>> -> memref<80x128xf32, #tpu.memory_space<hbm>>
      tpu.enqueue_dma source(%arg9 : memref<80x128xf32, #tpu.memory_space<vmem>>) target(%dma_start3A_94 : memref<80x128xf32, #tpu.memory_space<hbm>>) target_semaphore(%run_scoped3A_88 : memref<!tpu.dma_semaphore, #tpu.memory_space<semaphore_mem>>)
      %dma_wait3A_95 = arith.constant 0 : i32
      %dma_wait3A_96 = tpu.memref_slice %arg6[%arg0, %add3A_63, %dma_wait3A_95] : memref<2x10240x128xf32, #tpu.memory_space<hbm>> -> memref<1x80x128xf32, #tpu.memory_space<hbm>>
      %dma_wait3A_97 = tpu.memref_squeeze %dma_wait3A_96 : memref<1x80x128xf32, #tpu.memory_space<hbm>> -> memref<80x128xf32, #tpu.memory_space<hbm>>
      %dma_wait3A_98 = arith.constant 0 : i32
      %dma_wait3A_99 = tpu.memref_slice %arg6[%arg0, %add3A_63, %dma_wait3A_98] : memref<2x10240x128xf32, #tpu.memory_space<hbm>> -> memref<1x80x128xf32, #tpu.memory_space<hbm>>
      %dma_wait3A_100 = tpu.memref_squeeze %dma_wait3A_99 : memref<1x80x128xf32, #tpu.memory_space<hbm>> -> memref<80x128xf32, #tpu.memory_space<hbm>>
      tpu.wait_dma2 semaphore(%run_scoped3A_88 : memref<!tpu.dma_semaphore, #tpu.memory_space<semaphore_mem>>) src(%arg9 : memref<80x128xf32, #tpu.memory_space<vmem>>) dst(%dma_wait3A_100 : memref<80x128xf32, #tpu.memory_space<hbm>>)
      tpu.yield
    }) : () -> ()
    %mul3A_64 = arith.constant 640 : i32
    %mul3A_65 = arith.muli %arg1, %mul3A_64 : i32
    %add3A_66 = arith.constant 400 : i32
    %add3A_67 = arith.addi %mul3A_65, %add3A_66 : i32
    "tpu.region"() ({
      %run_scoped3A_88 = tpu.sem_alloc : memref<!tpu.dma_semaphore, #tpu.memory_space<semaphore_mem>>
      %dma_start3A_89 = arith.constant 0 : i32
      %dma_start3A_90 = tpu.memref_slice %arg11[%add3A_67, %dma_start3A_89] : memref<10240x128xf32, #tpu.memory_space<vmem_shared>> -> memref<80x128xf32, #tpu.memory_space<vmem_shared>>
      %dma_start3A_91 = arith.constant 0 : i32
      %dma_start3A_92 = tpu.memref_slice %arg11[%add3A_67, %dma_start3A_91] : memref<10240x128xf32, #tpu.memory_space<vmem_shared>> -> memref<80x128xf32, #tpu.memory_space<vmem_shared>>
      tpu.enqueue_dma source(%dma_start3A_92 : memref<80x128xf32, #tpu.memory_space<vmem_shared>>) target(%arg9 : memref<80x128xf32, #tpu.memory_space<vmem>>) target_semaphore(%run_scoped3A_88 : memref<!tpu.dma_semaphore, #tpu.memory_space<semaphore_mem>>)
      %dma_wait3A_93 = arith.constant 0 : i32
      %dma_wait3A_94 = tpu.memref_slice %arg11[%add3A_67, %dma_wait3A_93] : memref<10240x128xf32, #tpu.memory_space<vmem_shared>> -> memref<80x128xf32, #tpu.memory_space<vmem_shared>>
      %dma_wait3A_95 = arith.constant 0 : i32
      %dma_wait3A_96 = tpu.memref_slice %arg11[%add3A_67, %dma_wait3A_95] : memref<10240x128xf32, #tpu.memory_space<vmem_shared>> -> memref<80x128xf32, #tpu.memory_space<vmem_shared>>
      tpu.wait_dma2 semaphore(%run_scoped3A_88 : memref<!tpu.dma_semaphore, #tpu.memory_space<semaphore_mem>>) src(%dma_wait3A_96 : memref<80x128xf32, #tpu.memory_space<vmem_shared>>) dst(%arg9 : memref<80x128xf32, #tpu.memory_space<vmem>>)
      tpu.yield
    }) : () -> ()
    %mul3A_68 = arith.constant 640 : i32
    %mul3A_69 = arith.muli %arg1, %mul3A_68 : i32
    %add3A_70 = arith.constant 400 : i32
    %add3A_71 = arith.addi %mul3A_69, %add3A_70 : i32
    "tpu.region"() ({
      %run_scoped3A_88 = tpu.sem_alloc : memref<!tpu.dma_semaphore, #tpu.memory_space<semaphore_mem>>
      %dma_start3A_89 = arith.constant 0 : i32
      %dma_start3A_90 = tpu.memref_slice %arg6[%arg0, %add3A_71, %dma_start3A_89] : memref<2x10240x128xf32, #tpu.memory_space<hbm>> -> memref<1x80x128xf32, #tpu.memory_space<hbm>>
      %dma_start3A_91 = tpu.memref_squeeze %dma_start3A_90 : memref<1x80x128xf32, #tpu.memory_space<hbm>> -> memref<80x128xf32, #tpu.memory_space<hbm>>
      %dma_start3A_92 = arith.constant 0 : i32
      %dma_start3A_93 = tpu.memref_slice %arg6[%arg0, %add3A_71, %dma_start3A_92] : memref<2x10240x128xf32, #tpu.memory_space<hbm>> -> memref<1x80x128xf32, #tpu.memory_space<hbm>>
      %dma_start3A_94 = tpu.memref_squeeze %dma_start3A_93 : memref<1x80x128xf32, #tpu.memory_space<hbm>> -> memref<80x128xf32, #tpu.memory_space<hbm>>
      tpu.enqueue_dma source(%arg9 : memref<80x128xf32, #tpu.memory_space<vmem>>) target(%dma_start3A_94 : memref<80x128xf32, #tpu.memory_space<hbm>>) target_semaphore(%run_scoped3A_88 : memref<!tpu.dma_semaphore, #tpu.memory_space<semaphore_mem>>)
      %dma_wait3A_95 = arith.constant 0 : i32
      %dma_wait3A_96 = tpu.memref_slice %arg6[%arg0, %add3A_71, %dma_wait3A_95] : memref<2x10240x128xf32, #tpu.memory_space<hbm>> -> memref<1x80x128xf32, #tpu.memory_space<hbm>>
      %dma_wait3A_97 = tpu.memref_squeeze %dma_wait3A_96 : memref<1x80x128xf32, #tpu.memory_space<hbm>> -> memref<80x128xf32, #tpu.memory_space<hbm>>
      %dma_wait3A_98 = arith.constant 0 : i32
      %dma_wait3A_99 = tpu.memref_slice %arg6[%arg0, %add3A_71, %dma_wait3A_98] : memref<2x10240x128xf32, #tpu.memory_space<hbm>> -> memref<1x80x128xf32, #tpu.memory_space<hbm>>
      %dma_wait3A_100 = tpu.memref_squeeze %dma_wait3A_99 : memref<1x80x128xf32, #tpu.memory_space<hbm>> -> memref<80x128xf32, #tpu.memory_space<hbm>>
      tpu.wait_dma2 semaphore(%run_scoped3A_88 : memref<!tpu.dma_semaphore, #tpu.memory_space<semaphore_mem>>) src(%arg9 : memref<80x128xf32, #tpu.memory_space<vmem>>) dst(%dma_wait3A_100 : memref<80x128xf32, #tpu.memory_space<hbm>>)
      tpu.yield
    }) : () -> ()
    %mul3A_72 = arith.constant 640 : i32
    %mul3A_73 = arith.muli %arg1, %mul3A_72 : i32
    %add3A_74 = arith.constant 480 : i32
    %add3A_75 = arith.addi %mul3A_73, %add3A_74 : i32
    "tpu.region"() ({
      %run_scoped3A_88 = tpu.sem_alloc : memref<!tpu.dma_semaphore, #tpu.memory_space<semaphore_mem>>
      %dma_start3A_89 = arith.constant 0 : i32
      %dma_start3A_90 = tpu.memref_slice %arg11[%add3A_75, %dma_start3A_89] : memref<10240x128xf32, #tpu.memory_space<vmem_shared>> -> memref<80x128xf32, #tpu.memory_space<vmem_shared>>
      %dma_start3A_91 = arith.constant 0 : i32
      %dma_start3A_92 = tpu.memref_slice %arg11[%add3A_75, %dma_start3A_91] : memref<10240x128xf32, #tpu.memory_space<vmem_shared>> -> memref<80x128xf32, #tpu.memory_space<vmem_shared>>
      tpu.enqueue_dma source(%dma_start3A_92 : memref<80x128xf32, #tpu.memory_space<vmem_shared>>) target(%arg9 : memref<80x128xf32, #tpu.memory_space<vmem>>) target_semaphore(%run_scoped3A_88 : memref<!tpu.dma_semaphore, #tpu.memory_space<semaphore_mem>>)
      %dma_wait3A_93 = arith.constant 0 : i32
      %dma_wait3A_94 = tpu.memref_slice %arg11[%add3A_75, %dma_wait3A_93] : memref<10240x128xf32, #tpu.memory_space<vmem_shared>> -> memref<80x128xf32, #tpu.memory_space<vmem_shared>>
      %dma_wait3A_95 = arith.constant 0 : i32
      %dma_wait3A_96 = tpu.memref_slice %arg11[%add3A_75, %dma_wait3A_95] : memref<10240x128xf32, #tpu.memory_space<vmem_shared>> -> memref<80x128xf32, #tpu.memory_space<vmem_shared>>
      tpu.wait_dma2 semaphore(%run_scoped3A_88 : memref<!tpu.dma_semaphore, #tpu.memory_space<semaphore_mem>>) src(%dma_wait3A_96 : memref<80x128xf32, #tpu.memory_space<vmem_shared>>) dst(%arg9 : memref<80x128xf32, #tpu.memory_space<vmem>>)
      tpu.yield
    }) : () -> ()
    %mul3A_76 = arith.constant 640 : i32
    %mul3A_77 = arith.muli %arg1, %mul3A_76 : i32
    %add3A_78 = arith.constant 480 : i32
    %add3A_79 = arith.addi %mul3A_77, %add3A_78 : i32
    "tpu.region"() ({
      %run_scoped3A_88 = tpu.sem_alloc : memref<!tpu.dma_semaphore, #tpu.memory_space<semaphore_mem>>
      %dma_start3A_89 = arith.constant 0 : i32
      %dma_start3A_90 = tpu.memref_slice %arg6[%arg0, %add3A_79, %dma_start3A_89] : memref<2x10240x128xf32, #tpu.memory_space<hbm>> -> memref<1x80x128xf32, #tpu.memory_space<hbm>>
      %dma_start3A_91 = tpu.memref_squeeze %dma_start3A_90 : memref<1x80x128xf32, #tpu.memory_space<hbm>> -> memref<80x128xf32, #tpu.memory_space<hbm>>
      %dma_start3A_92 = arith.constant 0 : i32
      %dma_start3A_93 = tpu.memref_slice %arg6[%arg0, %add3A_79, %dma_start3A_92] : memref<2x10240x128xf32, #tpu.memory_space<hbm>> -> memref<1x80x128xf32, #tpu.memory_space<hbm>>
      %dma_start3A_94 = tpu.memref_squeeze %dma_start3A_93 : memref<1x80x128xf32, #tpu.memory_space<hbm>> -> memref<80x128xf32, #tpu.memory_space<hbm>>
      tpu.enqueue_dma source(%arg9 : memref<80x128xf32, #tpu.memory_space<vmem>>) target(%dma_start3A_94 : memref<80x128xf32, #tpu.memory_space<hbm>>) target_semaphore(%run_scoped3A_88 : memref<!tpu.dma_semaphore, #tpu.memory_space<semaphore_mem>>)
      %dma_wait3A_95 = arith.constant 0 : i32
      %dma_wait3A_96 = tpu.memref_slice %arg6[%arg0, %add3A_79, %dma_wait3A_95] : memref<2x10240x128xf32, #tpu.memory_space<hbm>> -> memref<1x80x128xf32, #tpu.memory_space<hbm>>
      %dma_wait3A_97 = tpu.memref_squeeze %dma_wait3A_96 : memref<1x80x128xf32, #tpu.memory_space<hbm>> -> memref<80x128xf32, #tpu.memory_space<hbm>>
      %dma_wait3A_98 = arith.constant 0 : i32
      %dma_wait3A_99 = tpu.memref_slice %arg6[%arg0, %add3A_79, %dma_wait3A_98] : memref<2x10240x128xf32, #tpu.memory_space<hbm>> -> memref<1x80x128xf32, #tpu.memory_space<hbm>>
      %dma_wait3A_100 = tpu.memref_squeeze %dma_wait3A_99 : memref<1x80x128xf32, #tpu.memory_space<hbm>> -> memref<80x128xf32, #tpu.memory_space<hbm>>
      tpu.wait_dma2 semaphore(%run_scoped3A_88 : memref<!tpu.dma_semaphore, #tpu.memory_space<semaphore_mem>>) src(%arg9 : memref<80x128xf32, #tpu.memory_space<vmem>>) dst(%dma_wait3A_100 : memref<80x128xf32, #tpu.memory_space<hbm>>)
      tpu.yield
    }) : () -> ()
    %mul3A_80 = arith.constant 640 : i32
    %mul3A_81 = arith.muli %arg1, %mul3A_80 : i32
    %add3A_82 = arith.constant 560 : i32
    %add3A_83 = arith.addi %mul3A_81, %add3A_82 : i32
    "tpu.region"() ({
      %run_scoped3A_88 = tpu.sem_alloc : memref<!tpu.dma_semaphore, #tpu.memory_space<semaphore_mem>>
      %dma_start3A_89 = arith.constant 0 : i32
      %dma_start3A_90 = tpu.memref_slice %arg11[%add3A_83, %dma_start3A_89] : memref<10240x128xf32, #tpu.memory_space<vmem_shared>> -> memref<80x128xf32, #tpu.memory_space<vmem_shared>>
      %dma_start3A_91 = arith.constant 0 : i32
      %dma_start3A_92 = tpu.memref_slice %arg11[%add3A_83, %dma_start3A_91] : memref<10240x128xf32, #tpu.memory_space<vmem_shared>> -> memref<80x128xf32, #tpu.memory_space<vmem_shared>>
      tpu.enqueue_dma source(%dma_start3A_92 : memref<80x128xf32, #tpu.memory_space<vmem_shared>>) target(%arg9 : memref<80x128xf32, #tpu.memory_space<vmem>>) target_semaphore(%run_scoped3A_88 : memref<!tpu.dma_semaphore, #tpu.memory_space<semaphore_mem>>)
      %dma_wait3A_93 = arith.constant 0 : i32
      %dma_wait3A_94 = tpu.memref_slice %arg11[%add3A_83, %dma_wait3A_93] : memref<10240x128xf32, #tpu.memory_space<vmem_shared>> -> memref<80x128xf32, #tpu.memory_space<vmem_shared>>
      %dma_wait3A_95 = arith.constant 0 : i32
      %dma_wait3A_96 = tpu.memref_slice %arg11[%add3A_83, %dma_wait3A_95] : memref<10240x128xf32, #tpu.memory_space<vmem_shared>> -> memref<80x128xf32, #tpu.memory_space<vmem_shared>>
      tpu.wait_dma2 semaphore(%run_scoped3A_88 : memref<!tpu.dma_semaphore, #tpu.memory_space<semaphore_mem>>) src(%dma_wait3A_96 : memref<80x128xf32, #tpu.memory_space<vmem_shared>>) dst(%arg9 : memref<80x128xf32, #tpu.memory_space<vmem>>)
      tpu.yield
    }) : () -> ()
    %mul3A_84 = arith.constant 640 : i32
    %mul3A_85 = arith.muli %arg1, %mul3A_84 : i32
    %add3A_86 = arith.constant 560 : i32
    %add3A_87 = arith.addi %mul3A_85, %add3A_86 : i32
    "tpu.region"() ({
      %run_scoped3A_88 = tpu.sem_alloc : memref<!tpu.dma_semaphore, #tpu.memory_space<semaphore_mem>>
      %dma_start3A_89 = arith.constant 0 : i32
      %dma_start3A_90 = tpu.memref_slice %arg6[%arg0, %add3A_87, %dma_start3A_89] : memref<2x10240x128xf32, #tpu.memory_space<hbm>> -> memref<1x80x128xf32, #tpu.memory_space<hbm>>
      %dma_start3A_91 = tpu.memref_squeeze %dma_start3A_90 : memref<1x80x128xf32, #tpu.memory_space<hbm>> -> memref<80x128xf32, #tpu.memory_space<hbm>>
      %dma_start3A_92 = arith.constant 0 : i32
      %dma_start3A_93 = tpu.memref_slice %arg6[%arg0, %add3A_87, %dma_start3A_92] : memref<2x10240x128xf32, #tpu.memory_space<hbm>> -> memref<1x80x128xf32, #tpu.memory_space<hbm>>
      %dma_start3A_94 = tpu.memref_squeeze %dma_start3A_93 : memref<1x80x128xf32, #tpu.memory_space<hbm>> -> memref<80x128xf32, #tpu.memory_space<hbm>>
      tpu.enqueue_dma source(%arg9 : memref<80x128xf32, #tpu.memory_space<vmem>>) target(%dma_start3A_94 : memref<80x128xf32, #tpu.memory_space<hbm>>) target_semaphore(%run_scoped3A_88 : memref<!tpu.dma_semaphore, #tpu.memory_space<semaphore_mem>>)
      %dma_wait3A_95 = arith.constant 0 : i32
      %dma_wait3A_96 = tpu.memref_slice %arg6[%arg0, %add3A_87, %dma_wait3A_95] : memref<2x10240x128xf32, #tpu.memory_space<hbm>> -> memref<1x80x128xf32, #tpu.memory_space<hbm>>
      %dma_wait3A_97 = tpu.memref_squeeze %dma_wait3A_96 : memref<1x80x128xf32, #tpu.memory_space<hbm>> -> memref<80x128xf32, #tpu.memory_space<hbm>>
      %dma_wait3A_98 = arith.constant 0 : i32
      %dma_wait3A_99 = tpu.memref_slice %arg6[%arg0, %add3A_87, %dma_wait3A_98] : memref<2x10240x128xf32, #tpu.memory_space<hbm>> -> memref<1x80x128xf32, #tpu.memory_space<hbm>>
      %dma_wait3A_100 = tpu.memref_squeeze %dma_wait3A_99 : memref<1x80x128xf32, #tpu.memory_space<hbm>> -> memref<80x128xf32, #tpu.memory_space<hbm>>
      tpu.wait_dma2 semaphore(%run_scoped3A_88 : memref<!tpu.dma_semaphore, #tpu.memory_space<semaphore_mem>>) src(%arg9 : memref<80x128xf32, #tpu.memory_space<vmem>>) dst(%dma_wait3A_100 : memref<80x128xf32, #tpu.memory_space<hbm>>)
      tpu.yield
    }) : () -> ()
    return
  }
}

#map = affine_map<(d0, d1) -> (0, 0)>
#map1 = affine_map<(d0, d1) -> (0, 0, 0)>
#map2 = affine_map<(d0, d1) -> (0, 0, 0, 0)>
module attributes {stable_mosaic.version = 14 : i64} {
  func.func @_sc_scatter_impl(%arg0: i32, %arg1: i32, %arg2: memref<10240x128xf32, #tpu.memory_space<hbm>>, %arg3: memref<2x32x10000xi32, #tpu.memory_space<hbm>>, %arg4: memref<2x32x125x80xi32, #tpu.memory_space<hbm>>, %arg5: memref<80x128xf32, #tpu.memory_space<hbm>>, %arg6: memref<2x10240x128xf32, #tpu.memory_space<hbm>>, %arg7: memref<10000xi32, #tpu.memory_space<vmem>>, %arg8: memref<125x80xi32, #tpu.memory_space<vmem>>, %arg9: memref<80x128xf32, #tpu.memory_space<vmem>>, %arg10: memref<80x128xf32, #tpu.memory_space<vmem>>, %arg11: memref<10240x128xf32, #tpu.memory_space<vmem_shared>>, %arg12: memref<!tpu.dma_semaphore, #tpu.memory_space<semaphore_mem>>, %arg13: memref<!tpu.dma_semaphore, #tpu.memory_space<semaphore_mem>>, %arg14: memref<!tpu.dma_semaphore, #tpu.memory_space<semaphore_mem>>, %arg15: memref<!tpu.dma_semaphore, #tpu.memory_space<semaphore_mem>>) attributes {dimension_semantics = [#tpu.dimension_semantics<core_parallel>, #tpu.dimension_semantics<subcore_parallel>], iteration_bounds = array<i64: 2, 16>, scalar_prefetch = 0 : i64, scratch_operands = 9 : i64, tpu.core_type = #tpu.core_type<sc_vector_subcore>, window_params = [{transform_indices = #map}, {transform_indices = #map1}, {transform_indices = #map2}, {transform_indices = #map}, {transform_indices = #map1}]} {
    %mul3A = arith.constant 16 : i32
    %mul3A_0 = arith.muli %arg0, %mul3A : i32
    %add3A = arith.addi %mul3A_0, %arg1 : i32
    %run_scoped3A = arith.constant 0 : i32
    "tpu.region"() ({
      %run_scoped3A_88 = tpu.sem_alloc : memref<!tpu.dma_semaphore, #tpu.memory_space<semaphore_mem>>
      %dma_start3A_89 = arith.constant 0 : i32
      %dma_start3A_90 = tpu.memref_slice %arg3[%run_scoped3A, %add3A, %dma_start3A_89] : memref<2x32x10000xi32, #tpu.memory_space<hbm>> -> memref<1x1x10000xi32, #tpu.memory_space<hbm>>
      %dma_start3A_91 = tpu.memref_squeeze %dma_start3A_90 : memref<1x1x10000xi32, #tpu.memory_space<hbm>> -> memref<10000xi32, #tpu.memory_space<hbm>>
      %dma_start3A_92 = arith.constant 0 : i32
      %dma_start3A_93 = tpu.memref_slice %arg3[%run_scoped3A, %add3A, %dma_start3A_92] : memref<2x32x10000xi32, #tpu.memory_space<hbm>> -> memref<1x1x10000xi32, #tpu.memory_space<hbm>>
      %dma_start3A_94 = tpu.memref_squeeze %dma_start3A_93 : memref<1x1x10000xi32, #tpu.memory_space<hbm>> -> memref<10000xi32, #tpu.memory_space<hbm>>
      tpu.enqueue_dma source(%dma_start3A_94 : memref<10000xi32, #tpu.memory_space<hbm>>) target(%arg7 : memref<10000xi32, #tpu.memory_space<vmem>>) target_semaphore(%run_scoped3A_88 : memref<!tpu.dma_semaphore, #tpu.memory_space<semaphore_mem>>)
      %dma_wait3A_95 = arith.constant 0 : i32
      %dma_wait3A_96 = tpu.memref_slice %arg3[%run_scoped3A, %add3A, %dma_wait3A_95] : memref<2x32x10000xi32, #tpu.memory_space<hbm>> -> memref<1x1x10000xi32, #tpu.memory_space<hbm>>
      %dma_wait3A_97 = tpu.memref_squeeze %dma_wait3A_96 : memref<1x1x10000xi32, #tpu.memory_space<hbm>> -> memref<10000xi32, #tpu.memory_space<hbm>>
      %dma_wait3A_98 = arith.constant 0 : i32
      %dma_wait3A_99 = tpu.memref_slice %arg3[%run_scoped3A, %add3A, %dma_wait3A_98] : memref<2x32x10000xi32, #tpu.memory_space<hbm>> -> memref<1x1x10000xi32, #tpu.memory_space<hbm>>
      %dma_wait3A_100 = tpu.memref_squeeze %dma_wait3A_99 : memref<1x1x10000xi32, #tpu.memory_space<hbm>> -> memref<10000xi32, #tpu.memory_space<hbm>>
      tpu.wait_dma2 semaphore(%run_scoped3A_88 : memref<!tpu.dma_semaphore, #tpu.memory_space<semaphore_mem>>) src(%dma_wait3A_100 : memref<10000xi32, #tpu.memory_space<hbm>>) dst(%arg7 : memref<10000xi32, #tpu.memory_space<vmem>>)
      tpu.yield
    }) : () -> ()
    %run_scoped3A_1 = arith.constant 1 : i32
    "tpu.region"() ({
      %run_scoped3A_88 = tpu.sem_alloc : memref<!tpu.dma_semaphore, #tpu.memory_space<semaphore_mem>>
      %dma_start3A_89 = arith.constant 0 : i32
      %dma_start3A_90 = arith.constant 0 : i32
      %dma_start3A_91 = tpu.memref_slice %arg4[%run_scoped3A_1, %add3A, %dma_start3A_89, %dma_start3A_90] : memref<2x32x125x80xi32, #tpu.memory_space<hbm>> -> memref<1x1x125x80xi32, #tpu.memory_space<hbm>>
      %dma_start3A_92 = tpu.memref_squeeze %dma_start3A_91 : memref<1x1x125x80xi32, #tpu.memory_space<hbm>> -> memref<125x80xi32, #tpu.memory_space<hbm>>
      %dma_start3A_93 = arith.constant 0 : i32
      %dma_start3A_94 = arith.constant 0 : i32
      %dma_start3A_95 = tpu.memref_slice %arg4[%run_scoped3A_1, %add3A, %dma_start3A_93, %dma_start3A_94] : memref<2x32x125x80xi32, #tpu.memory_space<hbm>> -> memref<1x1x125x80xi32, #tpu.memory_space<hbm>>
      %dma_start3A_96 = tpu.memref_squeeze %dma_start3A_95 : memref<1x1x125x80xi32, #tpu.memory_space<hbm>> -> memref<125x80xi32, #tpu.memory_space<hbm>>
      tpu.enqueue_dma source(%dma_start3A_96 : memref<125x80xi32, #tpu.memory_space<hbm>>) target(%arg8 : memref<125x80xi32, #tpu.memory_space<vmem>>) target_semaphore(%run_scoped3A_88 : memref<!tpu.dma_semaphore, #tpu.memory_space<semaphore_mem>>)
      %dma_wait3A_97 = arith.constant 0 : i32
      %dma_wait3A_98 = arith.constant 0 : i32
      %dma_wait3A_99 = tpu.memref_slice %arg4[%run_scoped3A_1, %add3A, %dma_wait3A_97, %dma_wait3A_98] : memref<2x32x125x80xi32, #tpu.memory_space<hbm>> -> memref<1x1x125x80xi32, #tpu.memory_space<hbm>>
      %dma_wait3A_100 = tpu.memref_squeeze %dma_wait3A_99 : memref<1x1x125x80xi32, #tpu.memory_space<hbm>> -> memref<125x80xi32, #tpu.memory_space<hbm>>
      %dma_wait3A_101 = arith.constant 0 : i32
      %dma_wait3A_102 = arith.constant 0 : i32
      %dma_wait3A_103 = tpu.memref_slice %arg4[%run_scoped3A_1, %add3A, %dma_wait3A_101, %dma_wait3A_102] : memref<2x32x125x80xi32, #tpu.memory_space<hbm>> -> memref<1x1x125x80xi32, #tpu.memory_space<hbm>>
      %dma_wait3A_104 = tpu.memref_squeeze %dma_wait3A_103 : memref<1x1x125x80xi32, #tpu.memory_space<hbm>> -> memref<125x80xi32, #tpu.memory_space<hbm>>
      tpu.wait_dma2 semaphore(%run_scoped3A_88 : memref<!tpu.dma_semaphore, #tpu.memory_space<semaphore_mem>>) src(%dma_wait3A_104 : memref<125x80xi32, #tpu.memory_space<hbm>>) dst(%arg8 : memref<125x80xi32, #tpu.memory_space<vmem>>)
      tpu.yield
    }) : () -> ()
    %eq3A = arith.constant 0 : i32
    %eq3A_2 = arith.cmpi eq, %arg0, %eq3A : i32
    %convert_element_type3A = arith.extui %eq3A_2 : i1 to i32
    %cond3A = arith.constant 0 : i32
    %cond3A_3 = arith.cmpi ne, %convert_element_type3A, %cond3A : i32
    scf.if %cond3A_3 {
      %mul3A_88 = arith.constant 640 : i32
      %mul3A_89 = arith.muli %arg1, %mul3A_88 : i32
      %add3A_90 = arith.constant 0 : i32
      %add3A_91 = arith.addi %mul3A_89, %add3A_90 : i32
      "tpu.region"() ({
        %run_scoped3A_120 = tpu.sem_alloc : memref<!tpu.dma_semaphore, #tpu.memory_space<semaphore_mem>>
        %dma_start3A_121 = arith.constant 0 : i32
        %dma_start3A_122 = tpu.memref_slice %arg2[%add3A_91, %dma_start3A_121] : memref<10240x128xf32, #tpu.memory_space<hbm>> -> memref<80x128xf32, #tpu.memory_space<hbm>>
        %dma_start3A_123 = arith.constant 0 : i32
        %dma_start3A_124 = tpu.memref_slice %arg2[%add3A_91, %dma_start3A_123] : memref<10240x128xf32, #tpu.memory_space<hbm>> -> memref<80x128xf32, #tpu.memory_space<hbm>>
        tpu.enqueue_dma source(%dma_start3A_124 : memref<80x128xf32, #tpu.memory_space<hbm>>) target(%arg9 : memref<80x128xf32, #tpu.memory_space<vmem>>) target_semaphore(%run_scoped3A_120 : memref<!tpu.dma_semaphore, #tpu.memory_space<semaphore_mem>>)
        %dma_wait3A_125 = arith.constant 0 : i32
        %dma_wait3A_126 = tpu.memref_slice %arg2[%add3A_91, %dma_wait3A_125] : memref<10240x128xf32, #tpu.memory_space<hbm>> -> memref<80x128xf32, #tpu.memory_space<hbm>>
        %dma_wait3A_127 = arith.constant 0 : i32
        %dma_wait3A_128 = tpu.memref_slice %arg2[%add3A_91, %dma_wait3A_127] : memref<10240x128xf32, #tpu.memory_space<hbm>> -> memref<80x128xf32, #tpu.memory_space<hbm>>
        tpu.wait_dma2 semaphore(%run_scoped3A_120 : memref<!tpu.dma_semaphore, #tpu.memory_space<semaphore_mem>>) src(%dma_wait3A_128 : memref<80x128xf32, #tpu.memory_space<hbm>>) dst(%arg9 : memref<80x128xf32, #tpu.memory_space<vmem>>)
        tpu.yield
      }) : () -> ()
      "tpu.region"() ({
        %run_scoped3A_120 = tpu.sem_alloc : memref<!tpu.dma_semaphore, #tpu.memory_space<semaphore_mem>>
        %dma_start3A_121 = arith.constant 0 : i32
        %dma_start3A_122 = tpu.memref_slice %arg11[%add3A_91, %dma_start3A_121] : memref<10240x128xf32, #tpu.memory_space<vmem_shared>> -> memref<80x128xf32, #tpu.memory_space<vmem_shared>>
        %dma_start3A_123 = arith.constant 0 : i32
        %dma_start3A_124 = tpu.memref_slice %arg11[%add3A_91, %dma_start3A_123] : memref<10240x128xf32, #tpu.memory_space<vmem_shared>> -> memref<80x128xf32, #tpu.memory_space<vmem_shared>>
        tpu.enqueue_dma source(%arg9 : memref<80x128xf32, #tpu.memory_space<vmem>>) target(%dma_start3A_124 : memref<80x128xf32, #tpu.memory_space<vmem_shared>>) target_semaphore(%run_scoped3A_120 : memref<!tpu.dma_semaphore, #tpu.memory_space<semaphore_mem>>)
        %dma_wait3A_125 = arith.constant 0 : i32
        %dma_wait3A_126 = tpu.memref_slice %arg11[%add3A_91, %dma_wait3A_125] : memref<10240x128xf32, #tpu.memory_space<vmem_shared>> -> memref<80x128xf32, #tpu.memory_space<vmem_shared>>
        %dma_wait3A_127 = arith.constant 0 : i32
        %dma_wait3A_128 = tpu.memref_slice %arg11[%add3A_91, %dma_wait3A_127] : memref<10240x128xf32, #tpu.memory_space<vmem_shared>> -> memref<80x128xf32, #tpu.memory_space<vmem_shared>>
        tpu.wait_dma2 semaphore(%run_scoped3A_120 : memref<!tpu.dma_semaphore, #tpu.memory_space<semaphore_mem>>) src(%arg9 : memref<80x128xf32, #tpu.memory_space<vmem>>) dst(%dma_wait3A_128 : memref<80x128xf32, #tpu.memory_space<vmem_shared>>)
        tpu.yield
      }) : () -> ()
      %mul3A_92 = arith.constant 640 : i32
      %mul3A_93 = arith.muli %arg1, %mul3A_92 : i32
      %add3A_94 = arith.constant 80 : i32
      %add3A_95 = arith.addi %mul3A_93, %add3A_94 : i32
      "tpu.region"() ({
        %run_scoped3A_120 = tpu.sem_alloc : memref<!tpu.dma_semaphore, #tpu.memory_space<semaphore_mem>>
        %dma_start3A_121 = arith.constant 0 : i32
        %dma_start3A_122 = tpu.memref_slice %arg2[%add3A_95, %dma_start3A_121] : memref<10240x128xf32, #tpu.memory_space<hbm>> -> memref<80x128xf32, #tpu.memory_space<hbm>>
        %dma_start3A_123 = arith.constant 0 : i32
        %dma_start3A_124 = tpu.memref_slice %arg2[%add3A_95, %dma_start3A_123] : memref<10240x128xf32, #tpu.memory_space<hbm>> -> memref<80x128xf32, #tpu.memory_space<hbm>>
        tpu.enqueue_dma source(%dma_start3A_124 : memref<80x128xf32, #tpu.memory_space<hbm>>) target(%arg9 : memref<80x128xf32, #tpu.memory_space<vmem>>) target_semaphore(%run_scoped3A_120 : memref<!tpu.dma_semaphore, #tpu.memory_space<semaphore_mem>>)
        %dma_wait3A_125 = arith.constant 0 : i32
        %dma_wait3A_126 = tpu.memref_slice %arg2[%add3A_95, %dma_wait3A_125] : memref<10240x128xf32, #tpu.memory_space<hbm>> -> memref<80x128xf32, #tpu.memory_space<hbm>>
        %dma_wait3A_127 = arith.constant 0 : i32
        %dma_wait3A_128 = tpu.memref_slice %arg2[%add3A_95, %dma_wait3A_127] : memref<10240x128xf32, #tpu.memory_space<hbm>> -> memref<80x128xf32, #tpu.memory_space<hbm>>
        tpu.wait_dma2 semaphore(%run_scoped3A_120 : memref<!tpu.dma_semaphore, #tpu.memory_space<semaphore_mem>>) src(%dma_wait3A_128 : memref<80x128xf32, #tpu.memory_space<hbm>>) dst(%arg9 : memref<80x128xf32, #tpu.memory_space<vmem>>)
        tpu.yield
      }) : () -> ()
      "tpu.region"() ({
        %run_scoped3A_120 = tpu.sem_alloc : memref<!tpu.dma_semaphore, #tpu.memory_space<semaphore_mem>>
        %dma_start3A_121 = arith.constant 0 : i32
        %dma_start3A_122 = tpu.memref_slice %arg11[%add3A_95, %dma_start3A_121] : memref<10240x128xf32, #tpu.memory_space<vmem_shared>> -> memref<80x128xf32, #tpu.memory_space<vmem_shared>>
        %dma_start3A_123 = arith.constant 0 : i32
        %dma_start3A_124 = tpu.memref_slice %arg11[%add3A_95, %dma_start3A_123] : memref<10240x128xf32, #tpu.memory_space<vmem_shared>> -> memref<80x128xf32, #tpu.memory_space<vmem_shared>>
        tpu.enqueue_dma source(%arg9 : memref<80x128xf32, #tpu.memory_space<vmem>>) target(%dma_start3A_124 : memref<80x128xf32, #tpu.memory_space<vmem_shared>>) target_semaphore(%run_scoped3A_120 : memref<!tpu.dma_semaphore, #tpu.memory_space<semaphore_mem>>)
        %dma_wait3A_125 = arith.constant 0 : i32
        %dma_wait3A_126 = tpu.memref_slice %arg11[%add3A_95, %dma_wait3A_125] : memref<10240x128xf32, #tpu.memory_space<vmem_shared>> -> memref<80x128xf32, #tpu.memory_space<vmem_shared>>
        %dma_wait3A_127 = arith.constant 0 : i32
        %dma_wait3A_128 = tpu.memref_slice %arg11[%add3A_95, %dma_wait3A_127] : memref<10240x128xf32, #tpu.memory_space<vmem_shared>> -> memref<80x128xf32, #tpu.memory_space<vmem_shared>>
        tpu.wait_dma2 semaphore(%run_scoped3A_120 : memref<!tpu.dma_semaphore, #tpu.memory_space<semaphore_mem>>) src(%arg9 : memref<80x128xf32, #tpu.memory_space<vmem>>) dst(%dma_wait3A_128 : memref<80x128xf32, #tpu.memory_space<vmem_shared>>)
        tpu.yield
      }) : () -> ()
      %mul3A_96 = arith.constant 640 : i32
      %mul3A_97 = arith.muli %arg1, %mul3A_96 : i32
      %add3A_98 = arith.constant 160 : i32
      %add3A_99 = arith.addi %mul3A_97, %add3A_98 : i32
      "tpu.region"() ({
        %run_scoped3A_120 = tpu.sem_alloc : memref<!tpu.dma_semaphore, #tpu.memory_space<semaphore_mem>>
        %dma_start3A_121 = arith.constant 0 : i32
        %dma_start3A_122 = tpu.memref_slice %arg2[%add3A_99, %dma_start3A_121] : memref<10240x128xf32, #tpu.memory_space<hbm>> -> memref<80x128xf32, #tpu.memory_space<hbm>>
        %dma_start3A_123 = arith.constant 0 : i32
        %dma_start3A_124 = tpu.memref_slice %arg2[%add3A_99, %dma_start3A_123] : memref<10240x128xf32, #tpu.memory_space<hbm>> -> memref<80x128xf32, #tpu.memory_space<hbm>>
        tpu.enqueue_dma source(%dma_start3A_124 : memref<80x128xf32, #tpu.memory_space<hbm>>) target(%arg9 : memref<80x128xf32, #tpu.memory_space<vmem>>) target_semaphore(%run_scoped3A_120 : memref<!tpu.dma_semaphore, #tpu.memory_space<semaphore_mem>>)
        %dma_wait3A_125 = arith.constant 0 : i32
        %dma_wait3A_126 = tpu.memref_slice %arg2[%add3A_99, %dma_wait3A_125] : memref<10240x128xf32, #tpu.memory_space<hbm>> -> memref<80x128xf32, #tpu.memory_space<hbm>>
        %dma_wait3A_127 = arith.constant 0 : i32
        %dma_wait3A_128 = tpu.memref_slice %arg2[%add3A_99, %dma_wait3A_127] : memref<10240x128xf32, #tpu.memory_space<hbm>> -> memref<80x128xf32, #tpu.memory_space<hbm>>
        tpu.wait_dma2 semaphore(%run_scoped3A_120 : memref<!tpu.dma_semaphore, #tpu.memory_space<semaphore_mem>>) src(%dma_wait3A_128 : memref<80x128xf32, #tpu.memory_space<hbm>>) dst(%arg9 : memref<80x128xf32, #tpu.memory_space<vmem>>)
        tpu.yield
      }) : () -> ()
      "tpu.region"() ({
        %run_scoped3A_120 = tpu.sem_alloc : memref<!tpu.dma_semaphore, #tpu.memory_space<semaphore_mem>>
        %dma_start3A_121 = arith.constant 0 : i32
        %dma_start3A_122 = tpu.memref_slice %arg11[%add3A_99, %dma_start3A_121] : memref<10240x128xf32, #tpu.memory_space<vmem_shared>> -> memref<80x128xf32, #tpu.memory_space<vmem_shared>>
        %dma_start3A_123 = arith.constant 0 : i32
        %dma_start3A_124 = tpu.memref_slice %arg11[%add3A_99, %dma_start3A_123] : memref<10240x128xf32, #tpu.memory_space<vmem_shared>> -> memref<80x128xf32, #tpu.memory_space<vmem_shared>>
        tpu.enqueue_dma source(%arg9 : memref<80x128xf32, #tpu.memory_space<vmem>>) target(%dma_start3A_124 : memref<80x128xf32, #tpu.memory_space<vmem_shared>>) target_semaphore(%run_scoped3A_120 : memref<!tpu.dma_semaphore, #tpu.memory_space<semaphore_mem>>)
        %dma_wait3A_125 = arith.constant 0 : i32
        %dma_wait3A_126 = tpu.memref_slice %arg11[%add3A_99, %dma_wait3A_125] : memref<10240x128xf32, #tpu.memory_space<vmem_shared>> -> memref<80x128xf32, #tpu.memory_space<vmem_shared>>
        %dma_wait3A_127 = arith.constant 0 : i32
        %dma_wait3A_128 = tpu.memref_slice %arg11[%add3A_99, %dma_wait3A_127] : memref<10240x128xf32, #tpu.memory_space<vmem_shared>> -> memref<80x128xf32, #tpu.memory_space<vmem_shared>>
        tpu.wait_dma2 semaphore(%run_scoped3A_120 : memref<!tpu.dma_semaphore, #tpu.memory_space<semaphore_mem>>) src(%arg9 : memref<80x128xf32, #tpu.memory_space<vmem>>) dst(%dma_wait3A_128 : memref<80x128xf32, #tpu.memory_space<vmem_shared>>)
        tpu.yield
      }) : () -> ()
      %mul3A_100 = arith.constant 640 : i32
      %mul3A_101 = arith.muli %arg1, %mul3A_100 : i32
      %add3A_102 = arith.constant 240 : i32
      %add3A_103 = arith.addi %mul3A_101, %add3A_102 : i32
      "tpu.region"() ({
        %run_scoped3A_120 = tpu.sem_alloc : memref<!tpu.dma_semaphore, #tpu.memory_space<semaphore_mem>>
        %dma_start3A_121 = arith.constant 0 : i32
        %dma_start3A_122 = tpu.memref_slice %arg2[%add3A_103, %dma_start3A_121] : memref<10240x128xf32, #tpu.memory_space<hbm>> -> memref<80x128xf32, #tpu.memory_space<hbm>>
        %dma_start3A_123 = arith.constant 0 : i32
        %dma_start3A_124 = tpu.memref_slice %arg2[%add3A_103, %dma_start3A_123] : memref<10240x128xf32, #tpu.memory_space<hbm>> -> memref<80x128xf32, #tpu.memory_space<hbm>>
        tpu.enqueue_dma source(%dma_start3A_124 : memref<80x128xf32, #tpu.memory_space<hbm>>) target(%arg9 : memref<80x128xf32, #tpu.memory_space<vmem>>) target_semaphore(%run_scoped3A_120 : memref<!tpu.dma_semaphore, #tpu.memory_space<semaphore_mem>>)
        %dma_wait3A_125 = arith.constant 0 : i32
        %dma_wait3A_126 = tpu.memref_slice %arg2[%add3A_103, %dma_wait3A_125] : memref<10240x128xf32, #tpu.memory_space<hbm>> -> memref<80x128xf32, #tpu.memory_space<hbm>>
        %dma_wait3A_127 = arith.constant 0 : i32
        %dma_wait3A_128 = tpu.memref_slice %arg2[%add3A_103, %dma_wait3A_127] : memref<10240x128xf32, #tpu.memory_space<hbm>> -> memref<80x128xf32, #tpu.memory_space<hbm>>
        tpu.wait_dma2 semaphore(%run_scoped3A_120 : memref<!tpu.dma_semaphore, #tpu.memory_space<semaphore_mem>>) src(%dma_wait3A_128 : memref<80x128xf32, #tpu.memory_space<hbm>>) dst(%arg9 : memref<80x128xf32, #tpu.memory_space<vmem>>)
        tpu.yield
      }) : () -> ()
      "tpu.region"() ({
        %run_scoped3A_120 = tpu.sem_alloc : memref<!tpu.dma_semaphore, #tpu.memory_space<semaphore_mem>>
        %dma_start3A_121 = arith.constant 0 : i32
        %dma_start3A_122 = tpu.memref_slice %arg11[%add3A_103, %dma_start3A_121] : memref<10240x128xf32, #tpu.memory_space<vmem_shared>> -> memref<80x128xf32, #tpu.memory_space<vmem_shared>>
        %dma_start3A_123 = arith.constant 0 : i32
        %dma_start3A_124 = tpu.memref_slice %arg11[%add3A_103, %dma_start3A_123] : memref<10240x128xf32, #tpu.memory_space<vmem_shared>> -> memref<80x128xf32, #tpu.memory_space<vmem_shared>>
        tpu.enqueue_dma source(%arg9 : memref<80x128xf32, #tpu.memory_space<vmem>>) target(%dma_start3A_124 : memref<80x128xf32, #tpu.memory_space<vmem_shared>>) target_semaphore(%run_scoped3A_120 : memref<!tpu.dma_semaphore, #tpu.memory_space<semaphore_mem>>)
        %dma_wait3A_125 = arith.constant 0 : i32
        %dma_wait3A_126 = tpu.memref_slice %arg11[%add3A_103, %dma_wait3A_125] : memref<10240x128xf32, #tpu.memory_space<vmem_shared>> -> memref<80x128xf32, #tpu.memory_space<vmem_shared>>
        %dma_wait3A_127 = arith.constant 0 : i32
        %dma_wait3A_128 = tpu.memref_slice %arg11[%add3A_103, %dma_wait3A_127] : memref<10240x128xf32, #tpu.memory_space<vmem_shared>> -> memref<80x128xf32, #tpu.memory_space<vmem_shared>>
        tpu.wait_dma2 semaphore(%run_scoped3A_120 : memref<!tpu.dma_semaphore, #tpu.memory_space<semaphore_mem>>) src(%arg9 : memref<80x128xf32, #tpu.memory_space<vmem>>) dst(%dma_wait3A_128 : memref<80x128xf32, #tpu.memory_space<vmem_shared>>)
        tpu.yield
      }) : () -> ()
      %mul3A_104 = arith.constant 640 : i32
      %mul3A_105 = arith.muli %arg1, %mul3A_104 : i32
      %add3A_106 = arith.constant 320 : i32
      %add3A_107 = arith.addi %mul3A_105, %add3A_106 : i32
      "tpu.region"() ({
        %run_scoped3A_120 = tpu.sem_alloc : memref<!tpu.dma_semaphore, #tpu.memory_space<semaphore_mem>>
        %dma_start3A_121 = arith.constant 0 : i32
        %dma_start3A_122 = tpu.memref_slice %arg2[%add3A_107, %dma_start3A_121] : memref<10240x128xf32, #tpu.memory_space<hbm>> -> memref<80x128xf32, #tpu.memory_space<hbm>>
        %dma_start3A_123 = arith.constant 0 : i32
        %dma_start3A_124 = tpu.memref_slice %arg2[%add3A_107, %dma_start3A_123] : memref<10240x128xf32, #tpu.memory_space<hbm>> -> memref<80x128xf32, #tpu.memory_space<hbm>>
        tpu.enqueue_dma source(%dma_start3A_124 : memref<80x128xf32, #tpu.memory_space<hbm>>) target(%arg9 : memref<80x128xf32, #tpu.memory_space<vmem>>) target_semaphore(%run_scoped3A_120 : memref<!tpu.dma_semaphore, #tpu.memory_space<semaphore_mem>>)
        %dma_wait3A_125 = arith.constant 0 : i32
        %dma_wait3A_126 = tpu.memref_slice %arg2[%add3A_107, %dma_wait3A_125] : memref<10240x128xf32, #tpu.memory_space<hbm>> -> memref<80x128xf32, #tpu.memory_space<hbm>>
        %dma_wait3A_127 = arith.constant 0 : i32
        %dma_wait3A_128 = tpu.memref_slice %arg2[%add3A_107, %dma_wait3A_127] : memref<10240x128xf32, #tpu.memory_space<hbm>> -> memref<80x128xf32, #tpu.memory_space<hbm>>
        tpu.wait_dma2 semaphore(%run_scoped3A_120 : memref<!tpu.dma_semaphore, #tpu.memory_space<semaphore_mem>>) src(%dma_wait3A_128 : memref<80x128xf32, #tpu.memory_space<hbm>>) dst(%arg9 : memref<80x128xf32, #tpu.memory_space<vmem>>)
        tpu.yield
      }) : () -> ()
      "tpu.region"() ({
        %run_scoped3A_120 = tpu.sem_alloc : memref<!tpu.dma_semaphore, #tpu.memory_space<semaphore_mem>>
        %dma_start3A_121 = arith.constant 0 : i32
        %dma_start3A_122 = tpu.memref_slice %arg11[%add3A_107, %dma_start3A_121] : memref<10240x128xf32, #tpu.memory_space<vmem_shared>> -> memref<80x128xf32, #tpu.memory_space<vmem_shared>>
        %dma_start3A_123 = arith.constant 0 : i32
        %dma_start3A_124 = tpu.memref_slice %arg11[%add3A_107, %dma_start3A_123] : memref<10240x128xf32, #tpu.memory_space<vmem_shared>> -> memref<80x128xf32, #tpu.memory_space<vmem_shared>>
        tpu.enqueue_dma source(%arg9 : memref<80x128xf32, #tpu.memory_space<vmem>>) target(%dma_start3A_124 : memref<80x128xf32, #tpu.memory_space<vmem_shared>>) target_semaphore(%run_scoped3A_120 : memref<!tpu.dma_semaphore, #tpu.memory_space<semaphore_mem>>)
        %dma_wait3A_125 = arith.constant 0 : i32
        %dma_wait3A_126 = tpu.memref_slice %arg11[%add3A_107, %dma_wait3A_125] : memref<10240x128xf32, #tpu.memory_space<vmem_shared>> -> memref<80x128xf32, #tpu.memory_space<vmem_shared>>
        %dma_wait3A_127 = arith.constant 0 : i32
        %dma_wait3A_128 = tpu.memref_slice %arg11[%add3A_107, %dma_wait3A_127] : memref<10240x128xf32, #tpu.memory_space<vmem_shared>> -> memref<80x128xf32, #tpu.memory_space<vmem_shared>>
        tpu.wait_dma2 semaphore(%run_scoped3A_120 : memref<!tpu.dma_semaphore, #tpu.memory_space<semaphore_mem>>) src(%arg9 : memref<80x128xf32, #tpu.memory_space<vmem>>) dst(%dma_wait3A_128 : memref<80x128xf32, #tpu.memory_space<vmem_shared>>)
        tpu.yield
      }) : () -> ()
      %mul3A_108 = arith.constant 640 : i32
      %mul3A_109 = arith.muli %arg1, %mul3A_108 : i32
      %add3A_110 = arith.constant 400 : i32
      %add3A_111 = arith.addi %mul3A_109, %add3A_110 : i32
      "tpu.region"() ({
        %run_scoped3A_120 = tpu.sem_alloc : memref<!tpu.dma_semaphore, #tpu.memory_space<semaphore_mem>>
        %dma_start3A_121 = arith.constant 0 : i32
        %dma_start3A_122 = tpu.memref_slice %arg2[%add3A_111, %dma_start3A_121] : memref<10240x128xf32, #tpu.memory_space<hbm>> -> memref<80x128xf32, #tpu.memory_space<hbm>>
        %dma_start3A_123 = arith.constant 0 : i32
        %dma_start3A_124 = tpu.memref_slice %arg2[%add3A_111, %dma_start3A_123] : memref<10240x128xf32, #tpu.memory_space<hbm>> -> memref<80x128xf32, #tpu.memory_space<hbm>>
        tpu.enqueue_dma source(%dma_start3A_124 : memref<80x128xf32, #tpu.memory_space<hbm>>) target(%arg9 : memref<80x128xf32, #tpu.memory_space<vmem>>) target_semaphore(%run_scoped3A_120 : memref<!tpu.dma_semaphore, #tpu.memory_space<semaphore_mem>>)
        %dma_wait3A_125 = arith.constant 0 : i32
        %dma_wait3A_126 = tpu.memref_slice %arg2[%add3A_111, %dma_wait3A_125] : memref<10240x128xf32, #tpu.memory_space<hbm>> -> memref<80x128xf32, #tpu.memory_space<hbm>>
        %dma_wait3A_127 = arith.constant 0 : i32
        %dma_wait3A_128 = tpu.memref_slice %arg2[%add3A_111, %dma_wait3A_127] : memref<10240x128xf32, #tpu.memory_space<hbm>> -> memref<80x128xf32, #tpu.memory_space<hbm>>
        tpu.wait_dma2 semaphore(%run_scoped3A_120 : memref<!tpu.dma_semaphore, #tpu.memory_space<semaphore_mem>>) src(%dma_wait3A_128 : memref<80x128xf32, #tpu.memory_space<hbm>>) dst(%arg9 : memref<80x128xf32, #tpu.memory_space<vmem>>)
        tpu.yield
      }) : () -> ()
      "tpu.region"() ({
        %run_scoped3A_120 = tpu.sem_alloc : memref<!tpu.dma_semaphore, #tpu.memory_space<semaphore_mem>>
        %dma_start3A_121 = arith.constant 0 : i32
        %dma_start3A_122 = tpu.memref_slice %arg11[%add3A_111, %dma_start3A_121] : memref<10240x128xf32, #tpu.memory_space<vmem_shared>> -> memref<80x128xf32, #tpu.memory_space<vmem_shared>>
        %dma_start3A_123 = arith.constant 0 : i32
        %dma_start3A_124 = tpu.memref_slice %arg11[%add3A_111, %dma_start3A_123] : memref<10240x128xf32, #tpu.memory_space<vmem_shared>> -> memref<80x128xf32, #tpu.memory_space<vmem_shared>>
        tpu.enqueue_dma source(%arg9 : memref<80x128xf32, #tpu.memory_space<vmem>>) target(%dma_start3A_124 : memref<80x128xf32, #tpu.memory_space<vmem_shared>>) target_semaphore(%run_scoped3A_120 : memref<!tpu.dma_semaphore, #tpu.memory_space<semaphore_mem>>)
        %dma_wait3A_125 = arith.constant 0 : i32
        %dma_wait3A_126 = tpu.memref_slice %arg11[%add3A_111, %dma_wait3A_125] : memref<10240x128xf32, #tpu.memory_space<vmem_shared>> -> memref<80x128xf32, #tpu.memory_space<vmem_shared>>
        %dma_wait3A_127 = arith.constant 0 : i32
        %dma_wait3A_128 = tpu.memref_slice %arg11[%add3A_111, %dma_wait3A_127] : memref<10240x128xf32, #tpu.memory_space<vmem_shared>> -> memref<80x128xf32, #tpu.memory_space<vmem_shared>>
        tpu.wait_dma2 semaphore(%run_scoped3A_120 : memref<!tpu.dma_semaphore, #tpu.memory_space<semaphore_mem>>) src(%arg9 : memref<80x128xf32, #tpu.memory_space<vmem>>) dst(%dma_wait3A_128 : memref<80x128xf32, #tpu.memory_space<vmem_shared>>)
        tpu.yield
      }) : () -> ()
      %mul3A_112 = arith.constant 640 : i32
      %mul3A_113 = arith.muli %arg1, %mul3A_112 : i32
      %add3A_114 = arith.constant 480 : i32
      %add3A_115 = arith.addi %mul3A_113, %add3A_114 : i32
      "tpu.region"() ({
        %run_scoped3A_120 = tpu.sem_alloc : memref<!tpu.dma_semaphore, #tpu.memory_space<semaphore_mem>>
        %dma_start3A_121 = arith.constant 0 : i32
        %dma_start3A_122 = tpu.memref_slice %arg2[%add3A_115, %dma_start3A_121] : memref<10240x128xf32, #tpu.memory_space<hbm>> -> memref<80x128xf32, #tpu.memory_space<hbm>>
        %dma_start3A_123 = arith.constant 0 : i32
        %dma_start3A_124 = tpu.memref_slice %arg2[%add3A_115, %dma_start3A_123] : memref<10240x128xf32, #tpu.memory_space<hbm>> -> memref<80x128xf32, #tpu.memory_space<hbm>>
        tpu.enqueue_dma source(%dma_start3A_124 : memref<80x128xf32, #tpu.memory_space<hbm>>) target(%arg9 : memref<80x128xf32, #tpu.memory_space<vmem>>) target_semaphore(%run_scoped3A_120 : memref<!tpu.dma_semaphore, #tpu.memory_space<semaphore_mem>>)
        %dma_wait3A_125 = arith.constant 0 : i32
        %dma_wait3A_126 = tpu.memref_slice %arg2[%add3A_115, %dma_wait3A_125] : memref<10240x128xf32, #tpu.memory_space<hbm>> -> memref<80x128xf32, #tpu.memory_space<hbm>>
        %dma_wait3A_127 = arith.constant 0 : i32
        %dma_wait3A_128 = tpu.memref_slice %arg2[%add3A_115, %dma_wait3A_127] : memref<10240x128xf32, #tpu.memory_space<hbm>> -> memref<80x128xf32, #tpu.memory_space<hbm>>
        tpu.wait_dma2 semaphore(%run_scoped3A_120 : memref<!tpu.dma_semaphore, #tpu.memory_space<semaphore_mem>>) src(%dma_wait3A_128 : memref<80x128xf32, #tpu.memory_space<hbm>>) dst(%arg9 : memref<80x128xf32, #tpu.memory_space<vmem>>)
        tpu.yield
      }) : () -> ()
      "tpu.region"() ({
        %run_scoped3A_120 = tpu.sem_alloc : memref<!tpu.dma_semaphore, #tpu.memory_space<semaphore_mem>>
        %dma_start3A_121 = arith.constant 0 : i32
        %dma_start3A_122 = tpu.memref_slice %arg11[%add3A_115, %dma_start3A_121] : memref<10240x128xf32, #tpu.memory_space<vmem_shared>> -> memref<80x128xf32, #tpu.memory_space<vmem_shared>>
        %dma_start3A_123 = arith.constant 0 : i32
        %dma_start3A_124 = tpu.memref_slice %arg11[%add3A_115, %dma_start3A_123] : memref<10240x128xf32, #tpu.memory_space<vmem_shared>> -> memref<80x128xf32, #tpu.memory_space<vmem_shared>>
        tpu.enqueue_dma source(%arg9 : memref<80x128xf32, #tpu.memory_space<vmem>>) target(%dma_start3A_124 : memref<80x128xf32, #tpu.memory_space<vmem_shared>>) target_semaphore(%run_scoped3A_120 : memref<!tpu.dma_semaphore, #tpu.memory_space<semaphore_mem>>)
        %dma_wait3A_125 = arith.constant 0 : i32
        %dma_wait3A_126 = tpu.memref_slice %arg11[%add3A_115, %dma_wait3A_125] : memref<10240x128xf32, #tpu.memory_space<vmem_shared>> -> memref<80x128xf32, #tpu.memory_space<vmem_shared>>
        %dma_wait3A_127 = arith.constant 0 : i32
        %dma_wait3A_128 = tpu.memref_slice %arg11[%add3A_115, %dma_wait3A_127] : memref<10240x128xf32, #tpu.memory_space<vmem_shared>> -> memref<80x128xf32, #tpu.memory_space<vmem_shared>>
        tpu.wait_dma2 semaphore(%run_scoped3A_120 : memref<!tpu.dma_semaphore, #tpu.memory_space<semaphore_mem>>) src(%arg9 : memref<80x128xf32, #tpu.memory_space<vmem>>) dst(%dma_wait3A_128 : memref<80x128xf32, #tpu.memory_space<vmem_shared>>)
        tpu.yield
      }) : () -> ()
      %mul3A_116 = arith.constant 640 : i32
      %mul3A_117 = arith.muli %arg1, %mul3A_116 : i32
      %add3A_118 = arith.constant 560 : i32
      %add3A_119 = arith.addi %mul3A_117, %add3A_118 : i32
      "tpu.region"() ({
        %run_scoped3A_120 = tpu.sem_alloc : memref<!tpu.dma_semaphore, #tpu.memory_space<semaphore_mem>>
        %dma_start3A_121 = arith.constant 0 : i32
        %dma_start3A_122 = tpu.memref_slice %arg2[%add3A_119, %dma_start3A_121] : memref<10240x128xf32, #tpu.memory_space<hbm>> -> memref<80x128xf32, #tpu.memory_space<hbm>>
        %dma_start3A_123 = arith.constant 0 : i32
        %dma_start3A_124 = tpu.memref_slice %arg2[%add3A_119, %dma_start3A_123] : memref<10240x128xf32, #tpu.memory_space<hbm>> -> memref<80x128xf32, #tpu.memory_space<hbm>>
        tpu.enqueue_dma source(%dma_start3A_124 : memref<80x128xf32, #tpu.memory_space<hbm>>) target(%arg9 : memref<80x128xf32, #tpu.memory_space<vmem>>) target_semaphore(%run_scoped3A_120 : memref<!tpu.dma_semaphore, #tpu.memory_space<semaphore_mem>>)
        %dma_wait3A_125 = arith.constant 0 : i32
        %dma_wait3A_126 = tpu.memref_slice %arg2[%add3A_119, %dma_wait3A_125] : memref<10240x128xf32, #tpu.memory_space<hbm>> -> memref<80x128xf32, #tpu.memory_space<hbm>>
        %dma_wait3A_127 = arith.constant 0 : i32
        %dma_wait3A_128 = tpu.memref_slice %arg2[%add3A_119, %dma_wait3A_127] : memref<10240x128xf32, #tpu.memory_space<hbm>> -> memref<80x128xf32, #tpu.memory_space<hbm>>
        tpu.wait_dma2 semaphore(%run_scoped3A_120 : memref<!tpu.dma_semaphore, #tpu.memory_space<semaphore_mem>>) src(%dma_wait3A_128 : memref<80x128xf32, #tpu.memory_space<hbm>>) dst(%arg9 : memref<80x128xf32, #tpu.memory_space<vmem>>)
        tpu.yield
      }) : () -> ()
      "tpu.region"() ({
        %run_scoped3A_120 = tpu.sem_alloc : memref<!tpu.dma_semaphore, #tpu.memory_space<semaphore_mem>>
        %dma_start3A_121 = arith.constant 0 : i32
        %dma_start3A_122 = tpu.memref_slice %arg11[%add3A_119, %dma_start3A_121] : memref<10240x128xf32, #tpu.memory_space<vmem_shared>> -> memref<80x128xf32, #tpu.memory_space<vmem_shared>>
        %dma_start3A_123 = arith.constant 0 : i32
        %dma_start3A_124 = tpu.memref_slice %arg11[%add3A_119, %dma_start3A_123] : memref<10240x128xf32, #tpu.memory_space<vmem_shared>> -> memref<80x128xf32, #tpu.memory_space<vmem_shared>>
        tpu.enqueue_dma source(%arg9 : memref<80x128xf32, #tpu.memory_space<vmem>>) target(%dma_start3A_124 : memref<80x128xf32, #tpu.memory_space<vmem_shared>>) target_semaphore(%run_scoped3A_120 : memref<!tpu.dma_semaphore, #tpu.memory_space<semaphore_mem>>)
        %dma_wait3A_125 = arith.constant 0 : i32
        %dma_wait3A_126 = tpu.memref_slice %arg11[%add3A_119, %dma_wait3A_125] : memref<10240x128xf32, #tpu.memory_space<vmem_shared>> -> memref<80x128xf32, #tpu.memory_space<vmem_shared>>
        %dma_wait3A_127 = arith.constant 0 : i32
        %dma_wait3A_128 = tpu.memref_slice %arg11[%add3A_119, %dma_wait3A_127] : memref<10240x128xf32, #tpu.memory_space<vmem_shared>> -> memref<80x128xf32, #tpu.memory_space<vmem_shared>>
        tpu.wait_dma2 semaphore(%run_scoped3A_120 : memref<!tpu.dma_semaphore, #tpu.memory_space<semaphore_mem>>) src(%arg9 : memref<80x128xf32, #tpu.memory_space<vmem>>) dst(%dma_wait3A_128 : memref<80x128xf32, #tpu.memory_space<vmem_shared>>)
        tpu.yield
      }) : () -> ()
    } else {
    }
    %eq3A_4 = arith.constant 1 : i32
    %eq3A_5 = arith.cmpi eq, %arg0, %eq3A_4 : i32
    %convert_element_type3A_6 = arith.extui %eq3A_5 : i1 to i32
    %cond3A_7 = arith.constant 0 : i32
    %cond3A_8 = arith.cmpi ne, %convert_element_type3A_6, %cond3A_7 : i32
    scf.if %cond3A_8 {
      "tpu.region"() ({
        %run_scoped3A_120 = tpu.sem_alloc : memref<!tpu.dma_semaphore, #tpu.memory_space<semaphore_mem>>
        tpu.enqueue_dma source(%arg5 : memref<80x128xf32, #tpu.memory_space<hbm>>) target(%arg9 : memref<80x128xf32, #tpu.memory_space<vmem>>) target_semaphore(%run_scoped3A_120 : memref<!tpu.dma_semaphore, #tpu.memory_space<semaphore_mem>>)
        tpu.wait_dma2 semaphore(%run_scoped3A_120 : memref<!tpu.dma_semaphore, #tpu.memory_space<semaphore_mem>>) src(%arg5 : memref<80x128xf32, #tpu.memory_space<hbm>>) dst(%arg9 : memref<80x128xf32, #tpu.memory_space<vmem>>)
        tpu.yield
      }) : () -> ()
      %mul3A_88 = arith.constant 640 : i32
      %mul3A_89 = arith.muli %arg1, %mul3A_88 : i32
      %add3A_90 = arith.constant 0 : i32
      %add3A_91 = arith.addi %mul3A_89, %add3A_90 : i32
      "tpu.region"() ({
        %run_scoped3A_120 = tpu.sem_alloc : memref<!tpu.dma_semaphore, #tpu.memory_space<semaphore_mem>>
        %dma_start3A_121 = arith.constant 0 : i32
        %dma_start3A_122 = tpu.memref_slice %arg11[%add3A_91, %dma_start3A_121] : memref<10240x128xf32, #tpu.memory_space<vmem_shared>> -> memref<80x128xf32, #tpu.memory_space<vmem_shared>>
        %dma_start3A_123 = arith.constant 0 : i32
        %dma_start3A_124 = tpu.memref_slice %arg11[%add3A_91, %dma_start3A_123] : memref<10240x128xf32, #tpu.memory_space<vmem_shared>> -> memref<80x128xf32, #tpu.memory_space<vmem_shared>>
        tpu.enqueue_dma source(%arg9 : memref<80x128xf32, #tpu.memory_space<vmem>>) target(%dma_start3A_124 : memref<80x128xf32, #tpu.memory_space<vmem_shared>>) target_semaphore(%run_scoped3A_120 : memref<!tpu.dma_semaphore, #tpu.memory_space<semaphore_mem>>)
        %dma_wait3A_125 = arith.constant 0 : i32
        %dma_wait3A_126 = tpu.memref_slice %arg11[%add3A_91, %dma_wait3A_125] : memref<10240x128xf32, #tpu.memory_space<vmem_shared>> -> memref<80x128xf32, #tpu.memory_space<vmem_shared>>
        %dma_wait3A_127 = arith.constant 0 : i32
        %dma_wait3A_128 = tpu.memref_slice %arg11[%add3A_91, %dma_wait3A_127] : memref<10240x128xf32, #tpu.memory_space<vmem_shared>> -> memref<80x128xf32, #tpu.memory_space<vmem_shared>>
        tpu.wait_dma2 semaphore(%run_scoped3A_120 : memref<!tpu.dma_semaphore, #tpu.memory_space<semaphore_mem>>) src(%arg9 : memref<80x128xf32, #tpu.memory_space<vmem>>) dst(%dma_wait3A_128 : memref<80x128xf32, #tpu.memory_space<vmem_shared>>)
        tpu.yield
      }) : () -> ()
      %mul3A_92 = arith.constant 640 : i32
      %mul3A_93 = arith.muli %arg1, %mul3A_92 : i32
      %add3A_94 = arith.constant 80 : i32
      %add3A_95 = arith.addi %mul3A_93, %add3A_94 : i32
      "tpu.region"() ({
        %run_scoped3A_120 = tpu.sem_alloc : memref<!tpu.dma_semaphore, #tpu.memory_space<semaphore_mem>>
        %dma_start3A_121 = arith.constant 0 : i32
        %dma_start3A_122 = tpu.memref_slice %arg11[%add3A_95, %dma_start3A_121] : memref<10240x128xf32, #tpu.memory_space<vmem_shared>> -> memref<80x128xf32, #tpu.memory_space<vmem_shared>>
        %dma_start3A_123 = arith.constant 0 : i32
        %dma_start3A_124 = tpu.memref_slice %arg11[%add3A_95, %dma_start3A_123] : memref<10240x128xf32, #tpu.memory_space<vmem_shared>> -> memref<80x128xf32, #tpu.memory_space<vmem_shared>>
        tpu.enqueue_dma source(%arg9 : memref<80x128xf32, #tpu.memory_space<vmem>>) target(%dma_start3A_124 : memref<80x128xf32, #tpu.memory_space<vmem_shared>>) target_semaphore(%run_scoped3A_120 : memref<!tpu.dma_semaphore, #tpu.memory_space<semaphore_mem>>)
        %dma_wait3A_125 = arith.constant 0 : i32
        %dma_wait3A_126 = tpu.memref_slice %arg11[%add3A_95, %dma_wait3A_125] : memref<10240x128xf32, #tpu.memory_space<vmem_shared>> -> memref<80x128xf32, #tpu.memory_space<vmem_shared>>
        %dma_wait3A_127 = arith.constant 0 : i32
        %dma_wait3A_128 = tpu.memref_slice %arg11[%add3A_95, %dma_wait3A_127] : memref<10240x128xf32, #tpu.memory_space<vmem_shared>> -> memref<80x128xf32, #tpu.memory_space<vmem_shared>>
        tpu.wait_dma2 semaphore(%run_scoped3A_120 : memref<!tpu.dma_semaphore, #tpu.memory_space<semaphore_mem>>) src(%arg9 : memref<80x128xf32, #tpu.memory_space<vmem>>) dst(%dma_wait3A_128 : memref<80x128xf32, #tpu.memory_space<vmem_shared>>)
        tpu.yield
      }) : () -> ()
      %mul3A_96 = arith.constant 640 : i32
      %mul3A_97 = arith.muli %arg1, %mul3A_96 : i32
      %add3A_98 = arith.constant 160 : i32
      %add3A_99 = arith.addi %mul3A_97, %add3A_98 : i32
      "tpu.region"() ({
        %run_scoped3A_120 = tpu.sem_alloc : memref<!tpu.dma_semaphore, #tpu.memory_space<semaphore_mem>>
        %dma_start3A_121 = arith.constant 0 : i32
        %dma_start3A_122 = tpu.memref_slice %arg11[%add3A_99, %dma_start3A_121] : memref<10240x128xf32, #tpu.memory_space<vmem_shared>> -> memref<80x128xf32, #tpu.memory_space<vmem_shared>>
        %dma_start3A_123 = arith.constant 0 : i32
        %dma_start3A_124 = tpu.memref_slice %arg11[%add3A_99, %dma_start3A_123] : memref<10240x128xf32, #tpu.memory_space<vmem_shared>> -> memref<80x128xf32, #tpu.memory_space<vmem_shared>>
        tpu.enqueue_dma source(%arg9 : memref<80x128xf32, #tpu.memory_space<vmem>>) target(%dma_start3A_124 : memref<80x128xf32, #tpu.memory_space<vmem_shared>>) target_semaphore(%run_scoped3A_120 : memref<!tpu.dma_semaphore, #tpu.memory_space<semaphore_mem>>)
        %dma_wait3A_125 = arith.constant 0 : i32
        %dma_wait3A_126 = tpu.memref_slice %arg11[%add3A_99, %dma_wait3A_125] : memref<10240x128xf32, #tpu.memory_space<vmem_shared>> -> memref<80x128xf32, #tpu.memory_space<vmem_shared>>
        %dma_wait3A_127 = arith.constant 0 : i32
        %dma_wait3A_128 = tpu.memref_slice %arg11[%add3A_99, %dma_wait3A_127] : memref<10240x128xf32, #tpu.memory_space<vmem_shared>> -> memref<80x128xf32, #tpu.memory_space<vmem_shared>>
        tpu.wait_dma2 semaphore(%run_scoped3A_120 : memref<!tpu.dma_semaphore, #tpu.memory_space<semaphore_mem>>) src(%arg9 : memref<80x128xf32, #tpu.memory_space<vmem>>) dst(%dma_wait3A_128 : memref<80x128xf32, #tpu.memory_space<vmem_shared>>)
        tpu.yield
      }) : () -> ()
      %mul3A_100 = arith.constant 640 : i32
      %mul3A_101 = arith.muli %arg1, %mul3A_100 : i32
      %add3A_102 = arith.constant 240 : i32
      %add3A_103 = arith.addi %mul3A_101, %add3A_102 : i32
      "tpu.region"() ({
        %run_scoped3A_120 = tpu.sem_alloc : memref<!tpu.dma_semaphore, #tpu.memory_space<semaphore_mem>>
        %dma_start3A_121 = arith.constant 0 : i32
        %dma_start3A_122 = tpu.memref_slice %arg11[%add3A_103, %dma_start3A_121] : memref<10240x128xf32, #tpu.memory_space<vmem_shared>> -> memref<80x128xf32, #tpu.memory_space<vmem_shared>>
        %dma_start3A_123 = arith.constant 0 : i32
        %dma_start3A_124 = tpu.memref_slice %arg11[%add3A_103, %dma_start3A_123] : memref<10240x128xf32, #tpu.memory_space<vmem_shared>> -> memref<80x128xf32, #tpu.memory_space<vmem_shared>>
        tpu.enqueue_dma source(%arg9 : memref<80x128xf32, #tpu.memory_space<vmem>>) target(%dma_start3A_124 : memref<80x128xf32, #tpu.memory_space<vmem_shared>>) target_semaphore(%run_scoped3A_120 : memref<!tpu.dma_semaphore, #tpu.memory_space<semaphore_mem>>)
        %dma_wait3A_125 = arith.constant 0 : i32
        %dma_wait3A_126 = tpu.memref_slice %arg11[%add3A_103, %dma_wait3A_125] : memref<10240x128xf32, #tpu.memory_space<vmem_shared>> -> memref<80x128xf32, #tpu.memory_space<vmem_shared>>
        %dma_wait3A_127 = arith.constant 0 : i32
        %dma_wait3A_128 = tpu.memref_slice %arg11[%add3A_103, %dma_wait3A_127] : memref<10240x128xf32, #tpu.memory_space<vmem_shared>> -> memref<80x128xf32, #tpu.memory_space<vmem_shared>>
        tpu.wait_dma2 semaphore(%run_scoped3A_120 : memref<!tpu.dma_semaphore, #tpu.memory_space<semaphore_mem>>) src(%arg9 : memref<80x128xf32, #tpu.memory_space<vmem>>) dst(%dma_wait3A_128 : memref<80x128xf32, #tpu.memory_space<vmem_shared>>)
        tpu.yield
      }) : () -> ()
      %mul3A_104 = arith.constant 640 : i32
      %mul3A_105 = arith.muli %arg1, %mul3A_104 : i32
      %add3A_106 = arith.constant 320 : i32
      %add3A_107 = arith.addi %mul3A_105, %add3A_106 : i32
      "tpu.region"() ({
        %run_scoped3A_120 = tpu.sem_alloc : memref<!tpu.dma_semaphore, #tpu.memory_space<semaphore_mem>>
        %dma_start3A_121 = arith.constant 0 : i32
        %dma_start3A_122 = tpu.memref_slice %arg11[%add3A_107, %dma_start3A_121] : memref<10240x128xf32, #tpu.memory_space<vmem_shared>> -> memref<80x128xf32, #tpu.memory_space<vmem_shared>>
        %dma_start3A_123 = arith.constant 0 : i32
        %dma_start3A_124 = tpu.memref_slice %arg11[%add3A_107, %dma_start3A_123] : memref<10240x128xf32, #tpu.memory_space<vmem_shared>> -> memref<80x128xf32, #tpu.memory_space<vmem_shared>>
        tpu.enqueue_dma source(%arg9 : memref<80x128xf32, #tpu.memory_space<vmem>>) target(%dma_start3A_124 : memref<80x128xf32, #tpu.memory_space<vmem_shared>>) target_semaphore(%run_scoped3A_120 : memref<!tpu.dma_semaphore, #tpu.memory_space<semaphore_mem>>)
        %dma_wait3A_125 = arith.constant 0 : i32
        %dma_wait3A_126 = tpu.memref_slice %arg11[%add3A_107, %dma_wait3A_125] : memref<10240x128xf32, #tpu.memory_space<vmem_shared>> -> memref<80x128xf32, #tpu.memory_space<vmem_shared>>
        %dma_wait3A_127 = arith.constant 0 : i32
        %dma_wait3A_128 = tpu.memref_slice %arg11[%add3A_107, %dma_wait3A_127] : memref<10240x128xf32, #tpu.memory_space<vmem_shared>> -> memref<80x128xf32, #tpu.memory_space<vmem_shared>>
        tpu.wait_dma2 semaphore(%run_scoped3A_120 : memref<!tpu.dma_semaphore, #tpu.memory_space<semaphore_mem>>) src(%arg9 : memref<80x128xf32, #tpu.memory_space<vmem>>) dst(%dma_wait3A_128 : memref<80x128xf32, #tpu.memory_space<vmem_shared>>)
        tpu.yield
      }) : () -> ()
      %mul3A_108 = arith.constant 640 : i32
      %mul3A_109 = arith.muli %arg1, %mul3A_108 : i32
      %add3A_110 = arith.constant 400 : i32
      %add3A_111 = arith.addi %mul3A_109, %add3A_110 : i32
      "tpu.region"() ({
        %run_scoped3A_120 = tpu.sem_alloc : memref<!tpu.dma_semaphore, #tpu.memory_space<semaphore_mem>>
        %dma_start3A_121 = arith.constant 0 : i32
        %dma_start3A_122 = tpu.memref_slice %arg11[%add3A_111, %dma_start3A_121] : memref<10240x128xf32, #tpu.memory_space<vmem_shared>> -> memref<80x128xf32, #tpu.memory_space<vmem_shared>>
        %dma_start3A_123 = arith.constant 0 : i32
        %dma_start3A_124 = tpu.memref_slice %arg11[%add3A_111, %dma_start3A_123] : memref<10240x128xf32, #tpu.memory_space<vmem_shared>> -> memref<80x128xf32, #tpu.memory_space<vmem_shared>>
        tpu.enqueue_dma source(%arg9 : memref<80x128xf32, #tpu.memory_space<vmem>>) target(%dma_start3A_124 : memref<80x128xf32, #tpu.memory_space<vmem_shared>>) target_semaphore(%run_scoped3A_120 : memref<!tpu.dma_semaphore, #tpu.memory_space<semaphore_mem>>)
        %dma_wait3A_125 = arith.constant 0 : i32
        %dma_wait3A_126 = tpu.memref_slice %arg11[%add3A_111, %dma_wait3A_125] : memref<10240x128xf32, #tpu.memory_space<vmem_shared>> -> memref<80x128xf32, #tpu.memory_space<vmem_shared>>
        %dma_wait3A_127 = arith.constant 0 : i32
        %dma_wait3A_128 = tpu.memref_slice %arg11[%add3A_111, %dma_wait3A_127] : memref<10240x128xf32, #tpu.memory_space<vmem_shared>> -> memref<80x128xf32, #tpu.memory_space<vmem_shared>>
        tpu.wait_dma2 semaphore(%run_scoped3A_120 : memref<!tpu.dma_semaphore, #tpu.memory_space<semaphore_mem>>) src(%arg9 : memref<80x128xf32, #tpu.memory_space<vmem>>) dst(%dma_wait3A_128 : memref<80x128xf32, #tpu.memory_space<vmem_shared>>)
        tpu.yield
      }) : () -> ()
      %mul3A_112 = arith.constant 640 : i32
      %mul3A_113 = arith.muli %arg1, %mul3A_112 : i32
      %add3A_114 = arith.constant 480 : i32
      %add3A_115 = arith.addi %mul3A_113, %add3A_114 : i32
      "tpu.region"() ({
        %run_scoped3A_120 = tpu.sem_alloc : memref<!tpu.dma_semaphore, #tpu.memory_space<semaphore_mem>>
        %dma_start3A_121 = arith.constant 0 : i32
        %dma_start3A_122 = tpu.memref_slice %arg11[%add3A_115, %dma_start3A_121] : memref<10240x128xf32, #tpu.memory_space<vmem_shared>> -> memref<80x128xf32, #tpu.memory_space<vmem_shared>>
        %dma_start3A_123 = arith.constant 0 : i32
        %dma_start3A_124 = tpu.memref_slice %arg11[%add3A_115, %dma_start3A_123] : memref<10240x128xf32, #tpu.memory_space<vmem_shared>> -> memref<80x128xf32, #tpu.memory_space<vmem_shared>>
        tpu.enqueue_dma source(%arg9 : memref<80x128xf32, #tpu.memory_space<vmem>>) target(%dma_start3A_124 : memref<80x128xf32, #tpu.memory_space<vmem_shared>>) target_semaphore(%run_scoped3A_120 : memref<!tpu.dma_semaphore, #tpu.memory_space<semaphore_mem>>)
        %dma_wait3A_125 = arith.constant 0 : i32
        %dma_wait3A_126 = tpu.memref_slice %arg11[%add3A_115, %dma_wait3A_125] : memref<10240x128xf32, #tpu.memory_space<vmem_shared>> -> memref<80x128xf32, #tpu.memory_space<vmem_shared>>
        %dma_wait3A_127 = arith.constant 0 : i32
        %dma_wait3A_128 = tpu.memref_slice %arg11[%add3A_115, %dma_wait3A_127] : memref<10240x128xf32, #tpu.memory_space<vmem_shared>> -> memref<80x128xf32, #tpu.memory_space<vmem_shared>>
        tpu.wait_dma2 semaphore(%run_scoped3A_120 : memref<!tpu.dma_semaphore, #tpu.memory_space<semaphore_mem>>) src(%arg9 : memref<80x128xf32, #tpu.memory_space<vmem>>) dst(%dma_wait3A_128 : memref<80x128xf32, #tpu.memory_space<vmem_shared>>)
        tpu.yield
      }) : () -> ()
      %mul3A_116 = arith.constant 640 : i32
      %mul3A_117 = arith.muli %arg1, %mul3A_116 : i32
      %add3A_118 = arith.constant 560 : i32
      %add3A_119 = arith.addi %mul3A_117, %add3A_118 : i32
      "tpu.region"() ({
        %run_scoped3A_120 = tpu.sem_alloc : memref<!tpu.dma_semaphore, #tpu.memory_space<semaphore_mem>>
        %dma_start3A_121 = arith.constant 0 : i32
        %dma_start3A_122 = tpu.memref_slice %arg11[%add3A_119, %dma_start3A_121] : memref<10240x128xf32, #tpu.memory_space<vmem_shared>> -> memref<80x128xf32, #tpu.memory_space<vmem_shared>>
        %dma_start3A_123 = arith.constant 0 : i32
        %dma_start3A_124 = tpu.memref_slice %arg11[%add3A_119, %dma_start3A_123] : memref<10240x128xf32, #tpu.memory_space<vmem_shared>> -> memref<80x128xf32, #tpu.memory_space<vmem_shared>>
        tpu.enqueue_dma source(%arg9 : memref<80x128xf32, #tpu.memory_space<vmem>>) target(%dma_start3A_124 : memref<80x128xf32, #tpu.memory_space<vmem_shared>>) target_semaphore(%run_scoped3A_120 : memref<!tpu.dma_semaphore, #tpu.memory_space<semaphore_mem>>)
        %dma_wait3A_125 = arith.constant 0 : i32
        %dma_wait3A_126 = tpu.memref_slice %arg11[%add3A_119, %dma_wait3A_125] : memref<10240x128xf32, #tpu.memory_space<vmem_shared>> -> memref<80x128xf32, #tpu.memory_space<vmem_shared>>
        %dma_wait3A_127 = arith.constant 0 : i32
        %dma_wait3A_128 = tpu.memref_slice %arg11[%add3A_119, %dma_wait3A_127] : memref<10240x128xf32, #tpu.memory_space<vmem_shared>> -> memref<80x128xf32, #tpu.memory_space<vmem_shared>>
        tpu.wait_dma2 semaphore(%run_scoped3A_120 : memref<!tpu.dma_semaphore, #tpu.memory_space<semaphore_mem>>) src(%arg9 : memref<80x128xf32, #tpu.memory_space<vmem>>) dst(%dma_wait3A_128 : memref<80x128xf32, #tpu.memory_space<vmem_shared>>)
        tpu.yield
      }) : () -> ()
    } else {
    }
    %barrier3A = arith.constant 0 : index
    tpu.barrier barrier_id(%barrier3A)
    %dma_start3A = arith.constant 0 : i32
    %dma_start3A_9 = tpu.memref_slice %arg7[%dma_start3A] : memref<10000xi32, #tpu.memory_space<vmem>> -> memref<80xi32, #tpu.memory_space<vmem>>
    %dma_start3A_10 = arith.constant 0 : i32
    %dma_start3A_11 = arith.constant 0 : i32
    %dma_start3A_12 = tpu.memref_slice %arg2[%dma_start3A_10, %dma_start3A_11] : memref<10240x128xf32, #tpu.memory_space<hbm>> -> memref<10240x128xf32, #tpu.memory_space<hbm>>
    tpu.enqueue_indirect_dma source(%dma_start3A_12 : memref<10240x128xf32, #tpu.memory_space<hbm>>) target(%arg9 : memref<80x128xf32, #tpu.memory_space<vmem>>) offsets(%dma_start3A_9 : memref<80xi32, #tpu.memory_space<vmem>>) semaphore(%arg12 : memref<!tpu.dma_semaphore, #tpu.memory_space<semaphore_mem>>)
    %scan3A = arith.constant 0 : i32
    %scan3A_13 = arith.constant 0 : i32
    %scan3A_14 = arith.constant 62 : i32
    %scan3A_15 = arith.addi %scan3A_13, %scan3A_14 : i32
    %scan3A_16 = arith.constant 1 : i32
    scf.for %scan3A_88 = %scan3A_13 to %scan3A_15 step %scan3A_16  : i32 {
      %mul3A_89 = arith.constant 2 : i32
      %mul3A_90 = arith.muli %mul3A_89, %scan3A_88 : i32
      %add3A_91 = arith.constant 1 : i32
      %add3A_92 = arith.addi %mul3A_90, %add3A_91 : i32
      %mul3A_93 = arith.constant 80 : i32
      %mul3A_94 = arith.muli %add3A_92, %mul3A_93 : i32
      %dma_start3A_95 = tpu.memref_slice %arg7[%mul3A_94] : memref<10000xi32, #tpu.memory_space<vmem>> -> memref<80xi32, #tpu.memory_space<vmem>>
      %dma_start3A_96 = arith.constant 0 : i32
      %dma_start3A_97 = arith.constant 0 : i32
      %dma_start3A_98 = tpu.memref_slice %arg2[%dma_start3A_96, %dma_start3A_97] : memref<10240x128xf32, #tpu.memory_space<hbm>> -> memref<10240x128xf32, #tpu.memory_space<hbm>>
      tpu.enqueue_indirect_dma source(%dma_start3A_98 : memref<10240x128xf32, #tpu.memory_space<hbm>>) target(%arg10 : memref<80x128xf32, #tpu.memory_space<vmem>>) offsets(%dma_start3A_95 : memref<80xi32, #tpu.memory_space<vmem>>) semaphore(%arg13 : memref<!tpu.dma_semaphore, #tpu.memory_space<semaphore_mem>>)
      %mul3A_99 = arith.constant 80 : i32
      %mul3A_100 = arith.muli %mul3A_90, %mul3A_99 : i32
      %dma_wait3A_101 = tpu.memref_slice %arg7[%mul3A_100] : memref<10000xi32, #tpu.memory_space<vmem>> -> memref<80xi32, #tpu.memory_space<vmem>>
      %dma_wait3A_102 = arith.constant 0 : i32
      %dma_wait3A_103 = arith.constant 0 : i32
      %dma_wait3A_104 = tpu.memref_slice %arg2[%dma_wait3A_102, %dma_wait3A_103] : memref<10240x128xf32, #tpu.memory_space<hbm>> -> memref<10240x128xf32, #tpu.memory_space<hbm>>
      tpu.wait_indirect_dma semaphore(%arg12 : memref<!tpu.dma_semaphore, #tpu.memory_space<semaphore_mem>>) src(%dma_wait3A_104 : memref<10240x128xf32, #tpu.memory_space<hbm>>) dst(%arg9 : memref<80x128xf32, #tpu.memory_space<vmem>>)
      "tpu.region"() ({
        %run_scoped3A_123 = tpu.sem_alloc : memref<!tpu.dma_semaphore, #tpu.memory_space<semaphore_mem>>
        %dma_start3A_124 = arith.constant 0 : i32
        %dma_start3A_125 = tpu.memref_slice %arg8[%mul3A_90, %dma_start3A_124] : memref<125x80xi32, #tpu.memory_space<vmem>> -> memref<1x80xi32, #tpu.memory_space<vmem>>
        %dma_start3A_126 = tpu.memref_squeeze %dma_start3A_125 : memref<1x80xi32, #tpu.memory_space<vmem>> -> memref<80xi32, #tpu.memory_space<vmem>>
        %dma_start3A_127 = arith.constant 0 : i32
        %dma_start3A_128 = arith.constant 0 : i32
        %dma_start3A_129 = tpu.memref_slice %arg11[%dma_start3A_127, %dma_start3A_128] : memref<10240x128xf32, #tpu.memory_space<vmem_shared>> -> memref<10240x128xf32, #tpu.memory_space<vmem_shared>>
        tpu.enqueue_indirect_dma source(%arg9 : memref<80x128xf32, #tpu.memory_space<vmem>>) target(%dma_start3A_129 : memref<10240x128xf32, #tpu.memory_space<vmem_shared>>) offsets(%dma_start3A_126 : memref<80xi32, #tpu.memory_space<vmem>>) semaphore(%run_scoped3A_123 : memref<!tpu.dma_semaphore, #tpu.memory_space<semaphore_mem>>) {add = true}
        %dma_wait3A_130 = arith.constant 0 : i32
        %dma_wait3A_131 = tpu.memref_slice %arg8[%mul3A_90, %dma_wait3A_130] : memref<125x80xi32, #tpu.memory_space<vmem>> -> memref<1x80xi32, #tpu.memory_space<vmem>>
        %dma_wait3A_132 = tpu.memref_squeeze %dma_wait3A_131 : memref<1x80xi32, #tpu.memory_space<vmem>> -> memref<80xi32, #tpu.memory_space<vmem>>
        %dma_wait3A_133 = arith.constant 0 : i32
        %dma_wait3A_134 = arith.constant 0 : i32
        %dma_wait3A_135 = tpu.memref_slice %arg11[%dma_wait3A_133, %dma_wait3A_134] : memref<10240x128xf32, #tpu.memory_space<vmem_shared>> -> memref<10240x128xf32, #tpu.memory_space<vmem_shared>>
        tpu.wait_indirect_dma semaphore(%run_scoped3A_123 : memref<!tpu.dma_semaphore, #tpu.memory_space<semaphore_mem>>) src(%arg9 : memref<80x128xf32, #tpu.memory_space<vmem>>) dst(%dma_wait3A_135 : memref<10240x128xf32, #tpu.memory_space<vmem_shared>>)
        tpu.yield
      }) : () -> ()
      %add3A_105 = arith.constant 2 : i32
      %add3A_106 = arith.addi %mul3A_90, %add3A_105 : i32
      %mul3A_107 = arith.constant 80 : i32
      %mul3A_108 = arith.muli %add3A_106, %mul3A_107 : i32
      %dma_start3A_109 = tpu.memref_slice %arg7[%mul3A_108] : memref<10000xi32, #tpu.memory_space<vmem>> -> memref<80xi32, #tpu.memory_space<vmem>>
      %dma_start3A_110 = arith.constant 0 : i32
      %dma_start3A_111 = arith.constant 0 : i32
      %dma_start3A_112 = tpu.memref_slice %arg2[%dma_start3A_110, %dma_start3A_111] : memref<10240x128xf32, #tpu.memory_space<hbm>> -> memref<10240x128xf32, #tpu.memory_space<hbm>>
      tpu.enqueue_indirect_dma source(%dma_start3A_112 : memref<10240x128xf32, #tpu.memory_space<hbm>>) target(%arg9 : memref<80x128xf32, #tpu.memory_space<vmem>>) offsets(%dma_start3A_109 : memref<80xi32, #tpu.memory_space<vmem>>) semaphore(%arg12 : memref<!tpu.dma_semaphore, #tpu.memory_space<semaphore_mem>>)
      %add3A_113 = arith.constant 1 : i32
      %add3A_114 = arith.addi %mul3A_90, %add3A_113 : i32
      %mul3A_115 = arith.constant 80 : i32
      %mul3A_116 = arith.muli %add3A_114, %mul3A_115 : i32
      %dma_wait3A_117 = tpu.memref_slice %arg7[%mul3A_116] : memref<10000xi32, #tpu.memory_space<vmem>> -> memref<80xi32, #tpu.memory_space<vmem>>
      %dma_wait3A_118 = arith.constant 0 : i32
      %dma_wait3A_119 = arith.constant 0 : i32
      %dma_wait3A_120 = tpu.memref_slice %arg2[%dma_wait3A_118, %dma_wait3A_119] : memref<10240x128xf32, #tpu.memory_space<hbm>> -> memref<10240x128xf32, #tpu.memory_space<hbm>>
      tpu.wait_indirect_dma semaphore(%arg13 : memref<!tpu.dma_semaphore, #tpu.memory_space<semaphore_mem>>) src(%dma_wait3A_120 : memref<10240x128xf32, #tpu.memory_space<hbm>>) dst(%arg10 : memref<80x128xf32, #tpu.memory_space<vmem>>)
      %add3A_121 = arith.constant 1 : i32
      %add3A_122 = arith.addi %mul3A_90, %add3A_121 : i32
      "tpu.region"() ({
        %run_scoped3A_123 = tpu.sem_alloc : memref<!tpu.dma_semaphore, #tpu.memory_space<semaphore_mem>>
        %dma_start3A_124 = arith.constant 0 : i32
        %dma_start3A_125 = tpu.memref_slice %arg8[%add3A_122, %dma_start3A_124] : memref<125x80xi32, #tpu.memory_space<vmem>> -> memref<1x80xi32, #tpu.memory_space<vmem>>
        %dma_start3A_126 = tpu.memref_squeeze %dma_start3A_125 : memref<1x80xi32, #tpu.memory_space<vmem>> -> memref<80xi32, #tpu.memory_space<vmem>>
        %dma_start3A_127 = arith.constant 0 : i32
        %dma_start3A_128 = arith.constant 0 : i32
        %dma_start3A_129 = tpu.memref_slice %arg11[%dma_start3A_127, %dma_start3A_128] : memref<10240x128xf32, #tpu.memory_space<vmem_shared>> -> memref<10240x128xf32, #tpu.memory_space<vmem_shared>>
        tpu.enqueue_indirect_dma source(%arg10 : memref<80x128xf32, #tpu.memory_space<vmem>>) target(%dma_start3A_129 : memref<10240x128xf32, #tpu.memory_space<vmem_shared>>) offsets(%dma_start3A_126 : memref<80xi32, #tpu.memory_space<vmem>>) semaphore(%run_scoped3A_123 : memref<!tpu.dma_semaphore, #tpu.memory_space<semaphore_mem>>) {add = true}
        %dma_wait3A_130 = arith.constant 0 : i32
        %dma_wait3A_131 = tpu.memref_slice %arg8[%add3A_122, %dma_wait3A_130] : memref<125x80xi32, #tpu.memory_space<vmem>> -> memref<1x80xi32, #tpu.memory_space<vmem>>
        %dma_wait3A_132 = tpu.memref_squeeze %dma_wait3A_131 : memref<1x80xi32, #tpu.memory_space<vmem>> -> memref<80xi32, #tpu.memory_space<vmem>>
        %dma_wait3A_133 = arith.constant 0 : i32
        %dma_wait3A_134 = arith.constant 0 : i32
        %dma_wait3A_135 = tpu.memref_slice %arg11[%dma_wait3A_133, %dma_wait3A_134] : memref<10240x128xf32, #tpu.memory_space<vmem_shared>> -> memref<10240x128xf32, #tpu.memory_space<vmem_shared>>
        tpu.wait_indirect_dma semaphore(%run_scoped3A_123 : memref<!tpu.dma_semaphore, #tpu.memory_space<semaphore_mem>>) src(%arg10 : memref<80x128xf32, #tpu.memory_space<vmem>>) dst(%dma_wait3A_135 : memref<10240x128xf32, #tpu.memory_space<vmem_shared>>)
        tpu.yield
      }) : () -> ()
    }
    %scan3A_17 = arith.constant 62 : i32
    %dma_wait3A = arith.constant 9920 : i32
    %dma_wait3A_18 = tpu.memref_slice %arg7[%dma_wait3A] : memref<10000xi32, #tpu.memory_space<vmem>> -> memref<80xi32, #tpu.memory_space<vmem>>
    %dma_wait3A_19 = arith.constant 0 : i32
    %dma_wait3A_20 = arith.constant 0 : i32
    %dma_wait3A_21 = tpu.memref_slice %arg2[%dma_wait3A_19, %dma_wait3A_20] : memref<10240x128xf32, #tpu.memory_space<hbm>> -> memref<10240x128xf32, #tpu.memory_space<hbm>>
    tpu.wait_indirect_dma semaphore(%arg12 : memref<!tpu.dma_semaphore, #tpu.memory_space<semaphore_mem>>) src(%dma_wait3A_21 : memref<10240x128xf32, #tpu.memory_space<hbm>>) dst(%arg9 : memref<80x128xf32, #tpu.memory_space<vmem>>)
    %run_scoped3A_22 = arith.constant 124 : i32
    "tpu.region"() ({
      %run_scoped3A_88 = tpu.sem_alloc : memref<!tpu.dma_semaphore, #tpu.memory_space<semaphore_mem>>
      %dma_start3A_89 = arith.constant 0 : i32
      %dma_start3A_90 = tpu.memref_slice %arg8[%run_scoped3A_22, %dma_start3A_89] : memref<125x80xi32, #tpu.memory_space<vmem>> -> memref<1x80xi32, #tpu.memory_space<vmem>>
      %dma_start3A_91 = tpu.memref_squeeze %dma_start3A_90 : memref<1x80xi32, #tpu.memory_space<vmem>> -> memref<80xi32, #tpu.memory_space<vmem>>
      %dma_start3A_92 = arith.constant 0 : i32
      %dma_start3A_93 = arith.constant 0 : i32
      %dma_start3A_94 = tpu.memref_slice %arg11[%dma_start3A_92, %dma_start3A_93] : memref<10240x128xf32, #tpu.memory_space<vmem_shared>> -> memref<10240x128xf32, #tpu.memory_space<vmem_shared>>
      tpu.enqueue_indirect_dma source(%arg9 : memref<80x128xf32, #tpu.memory_space<vmem>>) target(%dma_start3A_94 : memref<10240x128xf32, #tpu.memory_space<vmem_shared>>) offsets(%dma_start3A_91 : memref<80xi32, #tpu.memory_space<vmem>>) semaphore(%run_scoped3A_88 : memref<!tpu.dma_semaphore, #tpu.memory_space<semaphore_mem>>) {add = true}
      %dma_wait3A_95 = arith.constant 0 : i32
      %dma_wait3A_96 = tpu.memref_slice %arg8[%run_scoped3A_22, %dma_wait3A_95] : memref<125x80xi32, #tpu.memory_space<vmem>> -> memref<1x80xi32, #tpu.memory_space<vmem>>
      %dma_wait3A_97 = tpu.memref_squeeze %dma_wait3A_96 : memref<1x80xi32, #tpu.memory_space<vmem>> -> memref<80xi32, #tpu.memory_space<vmem>>
      %dma_wait3A_98 = arith.constant 0 : i32
      %dma_wait3A_99 = arith.constant 0 : i32
      %dma_wait3A_100 = tpu.memref_slice %arg11[%dma_wait3A_98, %dma_wait3A_99] : memref<10240x128xf32, #tpu.memory_space<vmem_shared>> -> memref<10240x128xf32, #tpu.memory_space<vmem_shared>>
      tpu.wait_indirect_dma semaphore(%run_scoped3A_88 : memref<!tpu.dma_semaphore, #tpu.memory_space<semaphore_mem>>) src(%arg9 : memref<80x128xf32, #tpu.memory_space<vmem>>) dst(%dma_wait3A_100 : memref<10240x128xf32, #tpu.memory_space<vmem_shared>>)
      tpu.yield
    }) : () -> ()
    %barrier3A_23 = arith.constant 0 : index
    tpu.barrier barrier_id(%barrier3A_23)
    %mul3A_24 = arith.constant 640 : i32
    %mul3A_25 = arith.muli %arg1, %mul3A_24 : i32
    %add3A_26 = arith.constant 0 : i32
    %add3A_27 = arith.addi %mul3A_25, %add3A_26 : i32
    "tpu.region"() ({
      %run_scoped3A_88 = tpu.sem_alloc : memref<!tpu.dma_semaphore, #tpu.memory_space<semaphore_mem>>
      %dma_start3A_89 = arith.constant 0 : i32
      %dma_start3A_90 = tpu.memref_slice %arg11[%add3A_27, %dma_start3A_89] : memref<10240x128xf32, #tpu.memory_space<vmem_shared>> -> memref<80x128xf32, #tpu.memory_space<vmem_shared>>
      %dma_start3A_91 = arith.constant 0 : i32
      %dma_start3A_92 = tpu.memref_slice %arg11[%add3A_27, %dma_start3A_91] : memref<10240x128xf32, #tpu.memory_space<vmem_shared>> -> memref<80x128xf32, #tpu.memory_space<vmem_shared>>
      tpu.enqueue_dma source(%dma_start3A_92 : memref<80x128xf32, #tpu.memory_space<vmem_shared>>) target(%arg9 : memref<80x128xf32, #tpu.memory_space<vmem>>) target_semaphore(%run_scoped3A_88 : memref<!tpu.dma_semaphore, #tpu.memory_space<semaphore_mem>>)
      %dma_wait3A_93 = arith.constant 0 : i32
      %dma_wait3A_94 = tpu.memref_slice %arg11[%add3A_27, %dma_wait3A_93] : memref<10240x128xf32, #tpu.memory_space<vmem_shared>> -> memref<80x128xf32, #tpu.memory_space<vmem_shared>>
      %dma_wait3A_95 = arith.constant 0 : i32
      %dma_wait3A_96 = tpu.memref_slice %arg11[%add3A_27, %dma_wait3A_95] : memref<10240x128xf32, #tpu.memory_space<vmem_shared>> -> memref<80x128xf32, #tpu.memory_space<vmem_shared>>
      tpu.wait_dma2 semaphore(%run_scoped3A_88 : memref<!tpu.dma_semaphore, #tpu.memory_space<semaphore_mem>>) src(%dma_wait3A_96 : memref<80x128xf32, #tpu.memory_space<vmem_shared>>) dst(%arg9 : memref<80x128xf32, #tpu.memory_space<vmem>>)
      tpu.yield
    }) : () -> ()
    %mul3A_28 = arith.constant 640 : i32
    %mul3A_29 = arith.muli %arg1, %mul3A_28 : i32
    %add3A_30 = arith.constant 0 : i32
    %add3A_31 = arith.addi %mul3A_29, %add3A_30 : i32
    "tpu.region"() ({
      %run_scoped3A_88 = tpu.sem_alloc : memref<!tpu.dma_semaphore, #tpu.memory_space<semaphore_mem>>
      %dma_start3A_89 = arith.constant 0 : i32
      %dma_start3A_90 = tpu.memref_slice %arg6[%arg0, %add3A_31, %dma_start3A_89] : memref<2x10240x128xf32, #tpu.memory_space<hbm>> -> memref<1x80x128xf32, #tpu.memory_space<hbm>>
      %dma_start3A_91 = tpu.memref_squeeze %dma_start3A_90 : memref<1x80x128xf32, #tpu.memory_space<hbm>> -> memref<80x128xf32, #tpu.memory_space<hbm>>
      %dma_start3A_92 = arith.constant 0 : i32
      %dma_start3A_93 = tpu.memref_slice %arg6[%arg0, %add3A_31, %dma_start3A_92] : memref<2x10240x128xf32, #tpu.memory_space<hbm>> -> memref<1x80x128xf32, #tpu.memory_space<hbm>>
      %dma_start3A_94 = tpu.memref_squeeze %dma_start3A_93 : memref<1x80x128xf32, #tpu.memory_space<hbm>> -> memref<80x128xf32, #tpu.memory_space<hbm>>
      tpu.enqueue_dma source(%arg9 : memref<80x128xf32, #tpu.memory_space<vmem>>) target(%dma_start3A_94 : memref<80x128xf32, #tpu.memory_space<hbm>>) target_semaphore(%run_scoped3A_88 : memref<!tpu.dma_semaphore, #tpu.memory_space<semaphore_mem>>)
      %dma_wait3A_95 = arith.constant 0 : i32
      %dma_wait3A_96 = tpu.memref_slice %arg6[%arg0, %add3A_31, %dma_wait3A_95] : memref<2x10240x128xf32, #tpu.memory_space<hbm>> -> memref<1x80x128xf32, #tpu.memory_space<hbm>>
      %dma_wait3A_97 = tpu.memref_squeeze %dma_wait3A_96 : memref<1x80x128xf32, #tpu.memory_space<hbm>> -> memref<80x128xf32, #tpu.memory_space<hbm>>
      %dma_wait3A_98 = arith.constant 0 : i32
      %dma_wait3A_99 = tpu.memref_slice %arg6[%arg0, %add3A_31, %dma_wait3A_98] : memref<2x10240x128xf32, #tpu.memory_space<hbm>> -> memref<1x80x128xf32, #tpu.memory_space<hbm>>
      %dma_wait3A_100 = tpu.memref_squeeze %dma_wait3A_99 : memref<1x80x128xf32, #tpu.memory_space<hbm>> -> memref<80x128xf32, #tpu.memory_space<hbm>>
      tpu.wait_dma2 semaphore(%run_scoped3A_88 : memref<!tpu.dma_semaphore, #tpu.memory_space<semaphore_mem>>) src(%arg9 : memref<80x128xf32, #tpu.memory_space<vmem>>) dst(%dma_wait3A_100 : memref<80x128xf32, #tpu.memory_space<hbm>>)
      tpu.yield
    }) : () -> ()
    %mul3A_32 = arith.constant 640 : i32
    %mul3A_33 = arith.muli %arg1, %mul3A_32 : i32
    %add3A_34 = arith.constant 80 : i32
    %add3A_35 = arith.addi %mul3A_33, %add3A_34 : i32
    "tpu.region"() ({
      %run_scoped3A_88 = tpu.sem_alloc : memref<!tpu.dma_semaphore, #tpu.memory_space<semaphore_mem>>
      %dma_start3A_89 = arith.constant 0 : i32
      %dma_start3A_90 = tpu.memref_slice %arg11[%add3A_35, %dma_start3A_89] : memref<10240x128xf32, #tpu.memory_space<vmem_shared>> -> memref<80x128xf32, #tpu.memory_space<vmem_shared>>
      %dma_start3A_91 = arith.constant 0 : i32
      %dma_start3A_92 = tpu.memref_slice %arg11[%add3A_35, %dma_start3A_91] : memref<10240x128xf32, #tpu.memory_space<vmem_shared>> -> memref<80x128xf32, #tpu.memory_space<vmem_shared>>
      tpu.enqueue_dma source(%dma_start3A_92 : memref<80x128xf32, #tpu.memory_space<vmem_shared>>) target(%arg9 : memref<80x128xf32, #tpu.memory_space<vmem>>) target_semaphore(%run_scoped3A_88 : memref<!tpu.dma_semaphore, #tpu.memory_space<semaphore_mem>>)
      %dma_wait3A_93 = arith.constant 0 : i32
      %dma_wait3A_94 = tpu.memref_slice %arg11[%add3A_35, %dma_wait3A_93] : memref<10240x128xf32, #tpu.memory_space<vmem_shared>> -> memref<80x128xf32, #tpu.memory_space<vmem_shared>>
      %dma_wait3A_95 = arith.constant 0 : i32
      %dma_wait3A_96 = tpu.memref_slice %arg11[%add3A_35, %dma_wait3A_95] : memref<10240x128xf32, #tpu.memory_space<vmem_shared>> -> memref<80x128xf32, #tpu.memory_space<vmem_shared>>
      tpu.wait_dma2 semaphore(%run_scoped3A_88 : memref<!tpu.dma_semaphore, #tpu.memory_space<semaphore_mem>>) src(%dma_wait3A_96 : memref<80x128xf32, #tpu.memory_space<vmem_shared>>) dst(%arg9 : memref<80x128xf32, #tpu.memory_space<vmem>>)
      tpu.yield
    }) : () -> ()
    %mul3A_36 = arith.constant 640 : i32
    %mul3A_37 = arith.muli %arg1, %mul3A_36 : i32
    %add3A_38 = arith.constant 80 : i32
    %add3A_39 = arith.addi %mul3A_37, %add3A_38 : i32
    "tpu.region"() ({
      %run_scoped3A_88 = tpu.sem_alloc : memref<!tpu.dma_semaphore, #tpu.memory_space<semaphore_mem>>
      %dma_start3A_89 = arith.constant 0 : i32
      %dma_start3A_90 = tpu.memref_slice %arg6[%arg0, %add3A_39, %dma_start3A_89] : memref<2x10240x128xf32, #tpu.memory_space<hbm>> -> memref<1x80x128xf32, #tpu.memory_space<hbm>>
      %dma_start3A_91 = tpu.memref_squeeze %dma_start3A_90 : memref<1x80x128xf32, #tpu.memory_space<hbm>> -> memref<80x128xf32, #tpu.memory_space<hbm>>
      %dma_start3A_92 = arith.constant 0 : i32
      %dma_start3A_93 = tpu.memref_slice %arg6[%arg0, %add3A_39, %dma_start3A_92] : memref<2x10240x128xf32, #tpu.memory_space<hbm>> -> memref<1x80x128xf32, #tpu.memory_space<hbm>>
      %dma_start3A_94 = tpu.memref_squeeze %dma_start3A_93 : memref<1x80x128xf32, #tpu.memory_space<hbm>> -> memref<80x128xf32, #tpu.memory_space<hbm>>
      tpu.enqueue_dma source(%arg9 : memref<80x128xf32, #tpu.memory_space<vmem>>) target(%dma_start3A_94 : memref<80x128xf32, #tpu.memory_space<hbm>>) target_semaphore(%run_scoped3A_88 : memref<!tpu.dma_semaphore, #tpu.memory_space<semaphore_mem>>)
      %dma_wait3A_95 = arith.constant 0 : i32
      %dma_wait3A_96 = tpu.memref_slice %arg6[%arg0, %add3A_39, %dma_wait3A_95] : memref<2x10240x128xf32, #tpu.memory_space<hbm>> -> memref<1x80x128xf32, #tpu.memory_space<hbm>>
      %dma_wait3A_97 = tpu.memref_squeeze %dma_wait3A_96 : memref<1x80x128xf32, #tpu.memory_space<hbm>> -> memref<80x128xf32, #tpu.memory_space<hbm>>
      %dma_wait3A_98 = arith.constant 0 : i32
      %dma_wait3A_99 = tpu.memref_slice %arg6[%arg0, %add3A_39, %dma_wait3A_98] : memref<2x10240x128xf32, #tpu.memory_space<hbm>> -> memref<1x80x128xf32, #tpu.memory_space<hbm>>
      %dma_wait3A_100 = tpu.memref_squeeze %dma_wait3A_99 : memref<1x80x128xf32, #tpu.memory_space<hbm>> -> memref<80x128xf32, #tpu.memory_space<hbm>>
      tpu.wait_dma2 semaphore(%run_scoped3A_88 : memref<!tpu.dma_semaphore, #tpu.memory_space<semaphore_mem>>) src(%arg9 : memref<80x128xf32, #tpu.memory_space<vmem>>) dst(%dma_wait3A_100 : memref<80x128xf32, #tpu.memory_space<hbm>>)
      tpu.yield
    }) : () -> ()
    %mul3A_40 = arith.constant 640 : i32
    %mul3A_41 = arith.muli %arg1, %mul3A_40 : i32
    %add3A_42 = arith.constant 160 : i32
    %add3A_43 = arith.addi %mul3A_41, %add3A_42 : i32
    "tpu.region"() ({
      %run_scoped3A_88 = tpu.sem_alloc : memref<!tpu.dma_semaphore, #tpu.memory_space<semaphore_mem>>
      %dma_start3A_89 = arith.constant 0 : i32
      %dma_start3A_90 = tpu.memref_slice %arg11[%add3A_43, %dma_start3A_89] : memref<10240x128xf32, #tpu.memory_space<vmem_shared>> -> memref<80x128xf32, #tpu.memory_space<vmem_shared>>
      %dma_start3A_91 = arith.constant 0 : i32
      %dma_start3A_92 = tpu.memref_slice %arg11[%add3A_43, %dma_start3A_91] : memref<10240x128xf32, #tpu.memory_space<vmem_shared>> -> memref<80x128xf32, #tpu.memory_space<vmem_shared>>
      tpu.enqueue_dma source(%dma_start3A_92 : memref<80x128xf32, #tpu.memory_space<vmem_shared>>) target(%arg9 : memref<80x128xf32, #tpu.memory_space<vmem>>) target_semaphore(%run_scoped3A_88 : memref<!tpu.dma_semaphore, #tpu.memory_space<semaphore_mem>>)
      %dma_wait3A_93 = arith.constant 0 : i32
      %dma_wait3A_94 = tpu.memref_slice %arg11[%add3A_43, %dma_wait3A_93] : memref<10240x128xf32, #tpu.memory_space<vmem_shared>> -> memref<80x128xf32, #tpu.memory_space<vmem_shared>>
      %dma_wait3A_95 = arith.constant 0 : i32
      %dma_wait3A_96 = tpu.memref_slice %arg11[%add3A_43, %dma_wait3A_95] : memref<10240x128xf32, #tpu.memory_space<vmem_shared>> -> memref<80x128xf32, #tpu.memory_space<vmem_shared>>
      tpu.wait_dma2 semaphore(%run_scoped3A_88 : memref<!tpu.dma_semaphore, #tpu.memory_space<semaphore_mem>>) src(%dma_wait3A_96 : memref<80x128xf32, #tpu.memory_space<vmem_shared>>) dst(%arg9 : memref<80x128xf32, #tpu.memory_space<vmem>>)
      tpu.yield
    }) : () -> ()
    %mul3A_44 = arith.constant 640 : i32
    %mul3A_45 = arith.muli %arg1, %mul3A_44 : i32
    %add3A_46 = arith.constant 160 : i32
    %add3A_47 = arith.addi %mul3A_45, %add3A_46 : i32
    "tpu.region"() ({
      %run_scoped3A_88 = tpu.sem_alloc : memref<!tpu.dma_semaphore, #tpu.memory_space<semaphore_mem>>
      %dma_start3A_89 = arith.constant 0 : i32
      %dma_start3A_90 = tpu.memref_slice %arg6[%arg0, %add3A_47, %dma_start3A_89] : memref<2x10240x128xf32, #tpu.memory_space<hbm>> -> memref<1x80x128xf32, #tpu.memory_space<hbm>>
      %dma_start3A_91 = tpu.memref_squeeze %dma_start3A_90 : memref<1x80x128xf32, #tpu.memory_space<hbm>> -> memref<80x128xf32, #tpu.memory_space<hbm>>
      %dma_start3A_92 = arith.constant 0 : i32
      %dma_start3A_93 = tpu.memref_slice %arg6[%arg0, %add3A_47, %dma_start3A_92] : memref<2x10240x128xf32, #tpu.memory_space<hbm>> -> memref<1x80x128xf32, #tpu.memory_space<hbm>>
      %dma_start3A_94 = tpu.memref_squeeze %dma_start3A_93 : memref<1x80x128xf32, #tpu.memory_space<hbm>> -> memref<80x128xf32, #tpu.memory_space<hbm>>
      tpu.enqueue_dma source(%arg9 : memref<80x128xf32, #tpu.memory_space<vmem>>) target(%dma_start3A_94 : memref<80x128xf32, #tpu.memory_space<hbm>>) target_semaphore(%run_scoped3A_88 : memref<!tpu.dma_semaphore, #tpu.memory_space<semaphore_mem>>)
      %dma_wait3A_95 = arith.constant 0 : i32
      %dma_wait3A_96 = tpu.memref_slice %arg6[%arg0, %add3A_47, %dma_wait3A_95] : memref<2x10240x128xf32, #tpu.memory_space<hbm>> -> memref<1x80x128xf32, #tpu.memory_space<hbm>>
      %dma_wait3A_97 = tpu.memref_squeeze %dma_wait3A_96 : memref<1x80x128xf32, #tpu.memory_space<hbm>> -> memref<80x128xf32, #tpu.memory_space<hbm>>
      %dma_wait3A_98 = arith.constant 0 : i32
      %dma_wait3A_99 = tpu.memref_slice %arg6[%arg0, %add3A_47, %dma_wait3A_98] : memref<2x10240x128xf32, #tpu.memory_space<hbm>> -> memref<1x80x128xf32, #tpu.memory_space<hbm>>
      %dma_wait3A_100 = tpu.memref_squeeze %dma_wait3A_99 : memref<1x80x128xf32, #tpu.memory_space<hbm>> -> memref<80x128xf32, #tpu.memory_space<hbm>>
      tpu.wait_dma2 semaphore(%run_scoped3A_88 : memref<!tpu.dma_semaphore, #tpu.memory_space<semaphore_mem>>) src(%arg9 : memref<80x128xf32, #tpu.memory_space<vmem>>) dst(%dma_wait3A_100 : memref<80x128xf32, #tpu.memory_space<hbm>>)
      tpu.yield
    }) : () -> ()
    %mul3A_48 = arith.constant 640 : i32
    %mul3A_49 = arith.muli %arg1, %mul3A_48 : i32
    %add3A_50 = arith.constant 240 : i32
    %add3A_51 = arith.addi %mul3A_49, %add3A_50 : i32
    "tpu.region"() ({
      %run_scoped3A_88 = tpu.sem_alloc : memref<!tpu.dma_semaphore, #tpu.memory_space<semaphore_mem>>
      %dma_start3A_89 = arith.constant 0 : i32
      %dma_start3A_90 = tpu.memref_slice %arg11[%add3A_51, %dma_start3A_89] : memref<10240x128xf32, #tpu.memory_space<vmem_shared>> -> memref<80x128xf32, #tpu.memory_space<vmem_shared>>
      %dma_start3A_91 = arith.constant 0 : i32
      %dma_start3A_92 = tpu.memref_slice %arg11[%add3A_51, %dma_start3A_91] : memref<10240x128xf32, #tpu.memory_space<vmem_shared>> -> memref<80x128xf32, #tpu.memory_space<vmem_shared>>
      tpu.enqueue_dma source(%dma_start3A_92 : memref<80x128xf32, #tpu.memory_space<vmem_shared>>) target(%arg9 : memref<80x128xf32, #tpu.memory_space<vmem>>) target_semaphore(%run_scoped3A_88 : memref<!tpu.dma_semaphore, #tpu.memory_space<semaphore_mem>>)
      %dma_wait3A_93 = arith.constant 0 : i32
      %dma_wait3A_94 = tpu.memref_slice %arg11[%add3A_51, %dma_wait3A_93] : memref<10240x128xf32, #tpu.memory_space<vmem_shared>> -> memref<80x128xf32, #tpu.memory_space<vmem_shared>>
      %dma_wait3A_95 = arith.constant 0 : i32
      %dma_wait3A_96 = tpu.memref_slice %arg11[%add3A_51, %dma_wait3A_95] : memref<10240x128xf32, #tpu.memory_space<vmem_shared>> -> memref<80x128xf32, #tpu.memory_space<vmem_shared>>
      tpu.wait_dma2 semaphore(%run_scoped3A_88 : memref<!tpu.dma_semaphore, #tpu.memory_space<semaphore_mem>>) src(%dma_wait3A_96 : memref<80x128xf32, #tpu.memory_space<vmem_shared>>) dst(%arg9 : memref<80x128xf32, #tpu.memory_space<vmem>>)
      tpu.yield
    }) : () -> ()
    %mul3A_52 = arith.constant 640 : i32
    %mul3A_53 = arith.muli %arg1, %mul3A_52 : i32
    %add3A_54 = arith.constant 240 : i32
    %add3A_55 = arith.addi %mul3A_53, %add3A_54 : i32
    "tpu.region"() ({
      %run_scoped3A_88 = tpu.sem_alloc : memref<!tpu.dma_semaphore, #tpu.memory_space<semaphore_mem>>
      %dma_start3A_89 = arith.constant 0 : i32
      %dma_start3A_90 = tpu.memref_slice %arg6[%arg0, %add3A_55, %dma_start3A_89] : memref<2x10240x128xf32, #tpu.memory_space<hbm>> -> memref<1x80x128xf32, #tpu.memory_space<hbm>>
      %dma_start3A_91 = tpu.memref_squeeze %dma_start3A_90 : memref<1x80x128xf32, #tpu.memory_space<hbm>> -> memref<80x128xf32, #tpu.memory_space<hbm>>
      %dma_start3A_92 = arith.constant 0 : i32
      %dma_start3A_93 = tpu.memref_slice %arg6[%arg0, %add3A_55, %dma_start3A_92] : memref<2x10240x128xf32, #tpu.memory_space<hbm>> -> memref<1x80x128xf32, #tpu.memory_space<hbm>>
      %dma_start3A_94 = tpu.memref_squeeze %dma_start3A_93 : memref<1x80x128xf32, #tpu.memory_space<hbm>> -> memref<80x128xf32, #tpu.memory_space<hbm>>
      tpu.enqueue_dma source(%arg9 : memref<80x128xf32, #tpu.memory_space<vmem>>) target(%dma_start3A_94 : memref<80x128xf32, #tpu.memory_space<hbm>>) target_semaphore(%run_scoped3A_88 : memref<!tpu.dma_semaphore, #tpu.memory_space<semaphore_mem>>)
      %dma_wait3A_95 = arith.constant 0 : i32
      %dma_wait3A_96 = tpu.memref_slice %arg6[%arg0, %add3A_55, %dma_wait3A_95] : memref<2x10240x128xf32, #tpu.memory_space<hbm>> -> memref<1x80x128xf32, #tpu.memory_space<hbm>>
      %dma_wait3A_97 = tpu.memref_squeeze %dma_wait3A_96 : memref<1x80x128xf32, #tpu.memory_space<hbm>> -> memref<80x128xf32, #tpu.memory_space<hbm>>
      %dma_wait3A_98 = arith.constant 0 : i32
      %dma_wait3A_99 = tpu.memref_slice %arg6[%arg0, %add3A_55, %dma_wait3A_98] : memref<2x10240x128xf32, #tpu.memory_space<hbm>> -> memref<1x80x128xf32, #tpu.memory_space<hbm>>
      %dma_wait3A_100 = tpu.memref_squeeze %dma_wait3A_99 : memref<1x80x128xf32, #tpu.memory_space<hbm>> -> memref<80x128xf32, #tpu.memory_space<hbm>>
      tpu.wait_dma2 semaphore(%run_scoped3A_88 : memref<!tpu.dma_semaphore, #tpu.memory_space<semaphore_mem>>) src(%arg9 : memref<80x128xf32, #tpu.memory_space<vmem>>) dst(%dma_wait3A_100 : memref<80x128xf32, #tpu.memory_space<hbm>>)
      tpu.yield
    }) : () -> ()
    %mul3A_56 = arith.constant 640 : i32
    %mul3A_57 = arith.muli %arg1, %mul3A_56 : i32
    %add3A_58 = arith.constant 320 : i32
    %add3A_59 = arith.addi %mul3A_57, %add3A_58 : i32
    "tpu.region"() ({
      %run_scoped3A_88 = tpu.sem_alloc : memref<!tpu.dma_semaphore, #tpu.memory_space<semaphore_mem>>
      %dma_start3A_89 = arith.constant 0 : i32
      %dma_start3A_90 = tpu.memref_slice %arg11[%add3A_59, %dma_start3A_89] : memref<10240x128xf32, #tpu.memory_space<vmem_shared>> -> memref<80x128xf32, #tpu.memory_space<vmem_shared>>
      %dma_start3A_91 = arith.constant 0 : i32
      %dma_start3A_92 = tpu.memref_slice %arg11[%add3A_59, %dma_start3A_91] : memref<10240x128xf32, #tpu.memory_space<vmem_shared>> -> memref<80x128xf32, #tpu.memory_space<vmem_shared>>
      tpu.enqueue_dma source(%dma_start3A_92 : memref<80x128xf32, #tpu.memory_space<vmem_shared>>) target(%arg9 : memref<80x128xf32, #tpu.memory_space<vmem>>) target_semaphore(%run_scoped3A_88 : memref<!tpu.dma_semaphore, #tpu.memory_space<semaphore_mem>>)
      %dma_wait3A_93 = arith.constant 0 : i32
      %dma_wait3A_94 = tpu.memref_slice %arg11[%add3A_59, %dma_wait3A_93] : memref<10240x128xf32, #tpu.memory_space<vmem_shared>> -> memref<80x128xf32, #tpu.memory_space<vmem_shared>>
      %dma_wait3A_95 = arith.constant 0 : i32
      %dma_wait3A_96 = tpu.memref_slice %arg11[%add3A_59, %dma_wait3A_95] : memref<10240x128xf32, #tpu.memory_space<vmem_shared>> -> memref<80x128xf32, #tpu.memory_space<vmem_shared>>
      tpu.wait_dma2 semaphore(%run_scoped3A_88 : memref<!tpu.dma_semaphore, #tpu.memory_space<semaphore_mem>>) src(%dma_wait3A_96 : memref<80x128xf32, #tpu.memory_space<vmem_shared>>) dst(%arg9 : memref<80x128xf32, #tpu.memory_space<vmem>>)
      tpu.yield
    }) : () -> ()
    %mul3A_60 = arith.constant 640 : i32
    %mul3A_61 = arith.muli %arg1, %mul3A_60 : i32
    %add3A_62 = arith.constant 320 : i32
    %add3A_63 = arith.addi %mul3A_61, %add3A_62 : i32
    "tpu.region"() ({
      %run_scoped3A_88 = tpu.sem_alloc : memref<!tpu.dma_semaphore, #tpu.memory_space<semaphore_mem>>
      %dma_start3A_89 = arith.constant 0 : i32
      %dma_start3A_90 = tpu.memref_slice %arg6[%arg0, %add3A_63, %dma_start3A_89] : memref<2x10240x128xf32, #tpu.memory_space<hbm>> -> memref<1x80x128xf32, #tpu.memory_space<hbm>>
      %dma_start3A_91 = tpu.memref_squeeze %dma_start3A_90 : memref<1x80x128xf32, #tpu.memory_space<hbm>> -> memref<80x128xf32, #tpu.memory_space<hbm>>
      %dma_start3A_92 = arith.constant 0 : i32
      %dma_start3A_93 = tpu.memref_slice %arg6[%arg0, %add3A_63, %dma_start3A_92] : memref<2x10240x128xf32, #tpu.memory_space<hbm>> -> memref<1x80x128xf32, #tpu.memory_space<hbm>>
      %dma_start3A_94 = tpu.memref_squeeze %dma_start3A_93 : memref<1x80x128xf32, #tpu.memory_space<hbm>> -> memref<80x128xf32, #tpu.memory_space<hbm>>
      tpu.enqueue_dma source(%arg9 : memref<80x128xf32, #tpu.memory_space<vmem>>) target(%dma_start3A_94 : memref<80x128xf32, #tpu.memory_space<hbm>>) target_semaphore(%run_scoped3A_88 : memref<!tpu.dma_semaphore, #tpu.memory_space<semaphore_mem>>)
      %dma_wait3A_95 = arith.constant 0 : i32
      %dma_wait3A_96 = tpu.memref_slice %arg6[%arg0, %add3A_63, %dma_wait3A_95] : memref<2x10240x128xf32, #tpu.memory_space<hbm>> -> memref<1x80x128xf32, #tpu.memory_space<hbm>>
      %dma_wait3A_97 = tpu.memref_squeeze %dma_wait3A_96 : memref<1x80x128xf32, #tpu.memory_space<hbm>> -> memref<80x128xf32, #tpu.memory_space<hbm>>
      %dma_wait3A_98 = arith.constant 0 : i32
      %dma_wait3A_99 = tpu.memref_slice %arg6[%arg0, %add3A_63, %dma_wait3A_98] : memref<2x10240x128xf32, #tpu.memory_space<hbm>> -> memref<1x80x128xf32, #tpu.memory_space<hbm>>
      %dma_wait3A_100 = tpu.memref_squeeze %dma_wait3A_99 : memref<1x80x128xf32, #tpu.memory_space<hbm>> -> memref<80x128xf32, #tpu.memory_space<hbm>>
      tpu.wait_dma2 semaphore(%run_scoped3A_88 : memref<!tpu.dma_semaphore, #tpu.memory_space<semaphore_mem>>) src(%arg9 : memref<80x128xf32, #tpu.memory_space<vmem>>) dst(%dma_wait3A_100 : memref<80x128xf32, #tpu.memory_space<hbm>>)
      tpu.yield
    }) : () -> ()
    %mul3A_64 = arith.constant 640 : i32
    %mul3A_65 = arith.muli %arg1, %mul3A_64 : i32
    %add3A_66 = arith.constant 400 : i32
    %add3A_67 = arith.addi %mul3A_65, %add3A_66 : i32
    "tpu.region"() ({
      %run_scoped3A_88 = tpu.sem_alloc : memref<!tpu.dma_semaphore, #tpu.memory_space<semaphore_mem>>
      %dma_start3A_89 = arith.constant 0 : i32
      %dma_start3A_90 = tpu.memref_slice %arg11[%add3A_67, %dma_start3A_89] : memref<10240x128xf32, #tpu.memory_space<vmem_shared>> -> memref<80x128xf32, #tpu.memory_space<vmem_shared>>
      %dma_start3A_91 = arith.constant 0 : i32
      %dma_start3A_92 = tpu.memref_slice %arg11[%add3A_67, %dma_start3A_91] : memref<10240x128xf32, #tpu.memory_space<vmem_shared>> -> memref<80x128xf32, #tpu.memory_space<vmem_shared>>
      tpu.enqueue_dma source(%dma_start3A_92 : memref<80x128xf32, #tpu.memory_space<vmem_shared>>) target(%arg9 : memref<80x128xf32, #tpu.memory_space<vmem>>) target_semaphore(%run_scoped3A_88 : memref<!tpu.dma_semaphore, #tpu.memory_space<semaphore_mem>>)
      %dma_wait3A_93 = arith.constant 0 : i32
      %dma_wait3A_94 = tpu.memref_slice %arg11[%add3A_67, %dma_wait3A_93] : memref<10240x128xf32, #tpu.memory_space<vmem_shared>> -> memref<80x128xf32, #tpu.memory_space<vmem_shared>>
      %dma_wait3A_95 = arith.constant 0 : i32
      %dma_wait3A_96 = tpu.memref_slice %arg11[%add3A_67, %dma_wait3A_95] : memref<10240x128xf32, #tpu.memory_space<vmem_shared>> -> memref<80x128xf32, #tpu.memory_space<vmem_shared>>
      tpu.wait_dma2 semaphore(%run_scoped3A_88 : memref<!tpu.dma_semaphore, #tpu.memory_space<semaphore_mem>>) src(%dma_wait3A_96 : memref<80x128xf32, #tpu.memory_space<vmem_shared>>) dst(%arg9 : memref<80x128xf32, #tpu.memory_space<vmem>>)
      tpu.yield
    }) : () -> ()
    %mul3A_68 = arith.constant 640 : i32
    %mul3A_69 = arith.muli %arg1, %mul3A_68 : i32
    %add3A_70 = arith.constant 400 : i32
    %add3A_71 = arith.addi %mul3A_69, %add3A_70 : i32
    "tpu.region"() ({
      %run_scoped3A_88 = tpu.sem_alloc : memref<!tpu.dma_semaphore, #tpu.memory_space<semaphore_mem>>
      %dma_start3A_89 = arith.constant 0 : i32
      %dma_start3A_90 = tpu.memref_slice %arg6[%arg0, %add3A_71, %dma_start3A_89] : memref<2x10240x128xf32, #tpu.memory_space<hbm>> -> memref<1x80x128xf32, #tpu.memory_space<hbm>>
      %dma_start3A_91 = tpu.memref_squeeze %dma_start3A_90 : memref<1x80x128xf32, #tpu.memory_space<hbm>> -> memref<80x128xf32, #tpu.memory_space<hbm>>
      %dma_start3A_92 = arith.constant 0 : i32
      %dma_start3A_93 = tpu.memref_slice %arg6[%arg0, %add3A_71, %dma_start3A_92] : memref<2x10240x128xf32, #tpu.memory_space<hbm>> -> memref<1x80x128xf32, #tpu.memory_space<hbm>>
      %dma_start3A_94 = tpu.memref_squeeze %dma_start3A_93 : memref<1x80x128xf32, #tpu.memory_space<hbm>> -> memref<80x128xf32, #tpu.memory_space<hbm>>
      tpu.enqueue_dma source(%arg9 : memref<80x128xf32, #tpu.memory_space<vmem>>) target(%dma_start3A_94 : memref<80x128xf32, #tpu.memory_space<hbm>>) target_semaphore(%run_scoped3A_88 : memref<!tpu.dma_semaphore, #tpu.memory_space<semaphore_mem>>)
      %dma_wait3A_95 = arith.constant 0 : i32
      %dma_wait3A_96 = tpu.memref_slice %arg6[%arg0, %add3A_71, %dma_wait3A_95] : memref<2x10240x128xf32, #tpu.memory_space<hbm>> -> memref<1x80x128xf32, #tpu.memory_space<hbm>>
      %dma_wait3A_97 = tpu.memref_squeeze %dma_wait3A_96 : memref<1x80x128xf32, #tpu.memory_space<hbm>> -> memref<80x128xf32, #tpu.memory_space<hbm>>
      %dma_wait3A_98 = arith.constant 0 : i32
      %dma_wait3A_99 = tpu.memref_slice %arg6[%arg0, %add3A_71, %dma_wait3A_98] : memref<2x10240x128xf32, #tpu.memory_space<hbm>> -> memref<1x80x128xf32, #tpu.memory_space<hbm>>
      %dma_wait3A_100 = tpu.memref_squeeze %dma_wait3A_99 : memref<1x80x128xf32, #tpu.memory_space<hbm>> -> memref<80x128xf32, #tpu.memory_space<hbm>>
      tpu.wait_dma2 semaphore(%run_scoped3A_88 : memref<!tpu.dma_semaphore, #tpu.memory_space<semaphore_mem>>) src(%arg9 : memref<80x128xf32, #tpu.memory_space<vmem>>) dst(%dma_wait3A_100 : memref<80x128xf32, #tpu.memory_space<hbm>>)
      tpu.yield
    }) : () -> ()
    %mul3A_72 = arith.constant 640 : i32
    %mul3A_73 = arith.muli %arg1, %mul3A_72 : i32
    %add3A_74 = arith.constant 480 : i32
    %add3A_75 = arith.addi %mul3A_73, %add3A_74 : i32
    "tpu.region"() ({
      %run_scoped3A_88 = tpu.sem_alloc : memref<!tpu.dma_semaphore, #tpu.memory_space<semaphore_mem>>
      %dma_start3A_89 = arith.constant 0 : i32
      %dma_start3A_90 = tpu.memref_slice %arg11[%add3A_75, %dma_start3A_89] : memref<10240x128xf32, #tpu.memory_space<vmem_shared>> -> memref<80x128xf32, #tpu.memory_space<vmem_shared>>
      %dma_start3A_91 = arith.constant 0 : i32
      %dma_start3A_92 = tpu.memref_slice %arg11[%add3A_75, %dma_start3A_91] : memref<10240x128xf32, #tpu.memory_space<vmem_shared>> -> memref<80x128xf32, #tpu.memory_space<vmem_shared>>
      tpu.enqueue_dma source(%dma_start3A_92 : memref<80x128xf32, #tpu.memory_space<vmem_shared>>) target(%arg9 : memref<80x128xf32, #tpu.memory_space<vmem>>) target_semaphore(%run_scoped3A_88 : memref<!tpu.dma_semaphore, #tpu.memory_space<semaphore_mem>>)
      %dma_wait3A_93 = arith.constant 0 : i32
      %dma_wait3A_94 = tpu.memref_slice %arg11[%add3A_75, %dma_wait3A_93] : memref<10240x128xf32, #tpu.memory_space<vmem_shared>> -> memref<80x128xf32, #tpu.memory_space<vmem_shared>>
      %dma_wait3A_95 = arith.constant 0 : i32
      %dma_wait3A_96 = tpu.memref_slice %arg11[%add3A_75, %dma_wait3A_95] : memref<10240x128xf32, #tpu.memory_space<vmem_shared>> -> memref<80x128xf32, #tpu.memory_space<vmem_shared>>
      tpu.wait_dma2 semaphore(%run_scoped3A_88 : memref<!tpu.dma_semaphore, #tpu.memory_space<semaphore_mem>>) src(%dma_wait3A_96 : memref<80x128xf32, #tpu.memory_space<vmem_shared>>) dst(%arg9 : memref<80x128xf32, #tpu.memory_space<vmem>>)
      tpu.yield
    }) : () -> ()
    %mul3A_76 = arith.constant 640 : i32
    %mul3A_77 = arith.muli %arg1, %mul3A_76 : i32
    %add3A_78 = arith.constant 480 : i32
    %add3A_79 = arith.addi %mul3A_77, %add3A_78 : i32
    "tpu.region"() ({
      %run_scoped3A_88 = tpu.sem_alloc : memref<!tpu.dma_semaphore, #tpu.memory_space<semaphore_mem>>
      %dma_start3A_89 = arith.constant 0 : i32
      %dma_start3A_90 = tpu.memref_slice %arg6[%arg0, %add3A_79, %dma_start3A_89] : memref<2x10240x128xf32, #tpu.memory_space<hbm>> -> memref<1x80x128xf32, #tpu.memory_space<hbm>>
      %dma_start3A_91 = tpu.memref_squeeze %dma_start3A_90 : memref<1x80x128xf32, #tpu.memory_space<hbm>> -> memref<80x128xf32, #tpu.memory_space<hbm>>
      %dma_start3A_92 = arith.constant 0 : i32
      %dma_start3A_93 = tpu.memref_slice %arg6[%arg0, %add3A_79, %dma_start3A_92] : memref<2x10240x128xf32, #tpu.memory_space<hbm>> -> memref<1x80x128xf32, #tpu.memory_space<hbm>>
      %dma_start3A_94 = tpu.memref_squeeze %dma_start3A_93 : memref<1x80x128xf32, #tpu.memory_space<hbm>> -> memref<80x128xf32, #tpu.memory_space<hbm>>
      tpu.enqueue_dma source(%arg9 : memref<80x128xf32, #tpu.memory_space<vmem>>) target(%dma_start3A_94 : memref<80x128xf32, #tpu.memory_space<hbm>>) target_semaphore(%run_scoped3A_88 : memref<!tpu.dma_semaphore, #tpu.memory_space<semaphore_mem>>)
      %dma_wait3A_95 = arith.constant 0 : i32
      %dma_wait3A_96 = tpu.memref_slice %arg6[%arg0, %add3A_79, %dma_wait3A_95] : memref<2x10240x128xf32, #tpu.memory_space<hbm>> -> memref<1x80x128xf32, #tpu.memory_space<hbm>>
      %dma_wait3A_97 = tpu.memref_squeeze %dma_wait3A_96 : memref<1x80x128xf32, #tpu.memory_space<hbm>> -> memref<80x128xf32, #tpu.memory_space<hbm>>
      %dma_wait3A_98 = arith.constant 0 : i32
      %dma_wait3A_99 = tpu.memref_slice %arg6[%arg0, %add3A_79, %dma_wait3A_98] : memref<2x10240x128xf32, #tpu.memory_space<hbm>> -> memref<1x80x128xf32, #tpu.memory_space<hbm>>
      %dma_wait3A_100 = tpu.memref_squeeze %dma_wait3A_99 : memref<1x80x128xf32, #tpu.memory_space<hbm>> -> memref<80x128xf32, #tpu.memory_space<hbm>>
      tpu.wait_dma2 semaphore(%run_scoped3A_88 : memref<!tpu.dma_semaphore, #tpu.memory_space<semaphore_mem>>) src(%arg9 : memref<80x128xf32, #tpu.memory_space<vmem>>) dst(%dma_wait3A_100 : memref<80x128xf32, #tpu.memory_space<hbm>>)
      tpu.yield
    }) : () -> ()
    %mul3A_80 = arith.constant 640 : i32
    %mul3A_81 = arith.muli %arg1, %mul3A_80 : i32
    %add3A_82 = arith.constant 560 : i32
    %add3A_83 = arith.addi %mul3A_81, %add3A_82 : i32
    "tpu.region"() ({
      %run_scoped3A_88 = tpu.sem_alloc : memref<!tpu.dma_semaphore, #tpu.memory_space<semaphore_mem>>
      %dma_start3A_89 = arith.constant 0 : i32
      %dma_start3A_90 = tpu.memref_slice %arg11[%add3A_83, %dma_start3A_89] : memref<10240x128xf32, #tpu.memory_space<vmem_shared>> -> memref<80x128xf32, #tpu.memory_space<vmem_shared>>
      %dma_start3A_91 = arith.constant 0 : i32
      %dma_start3A_92 = tpu.memref_slice %arg11[%add3A_83, %dma_start3A_91] : memref<10240x128xf32, #tpu.memory_space<vmem_shared>> -> memref<80x128xf32, #tpu.memory_space<vmem_shared>>
      tpu.enqueue_dma source(%dma_start3A_92 : memref<80x128xf32, #tpu.memory_space<vmem_shared>>) target(%arg9 : memref<80x128xf32, #tpu.memory_space<vmem>>) target_semaphore(%run_scoped3A_88 : memref<!tpu.dma_semaphore, #tpu.memory_space<semaphore_mem>>)
      %dma_wait3A_93 = arith.constant 0 : i32
      %dma_wait3A_94 = tpu.memref_slice %arg11[%add3A_83, %dma_wait3A_93] : memref<10240x128xf32, #tpu.memory_space<vmem_shared>> -> memref<80x128xf32, #tpu.memory_space<vmem_shared>>
      %dma_wait3A_95 = arith.constant 0 : i32
      %dma_wait3A_96 = tpu.memref_slice %arg11[%add3A_83, %dma_wait3A_95] : memref<10240x128xf32, #tpu.memory_space<vmem_shared>> -> memref<80x128xf32, #tpu.memory_space<vmem_shared>>
      tpu.wait_dma2 semaphore(%run_scoped3A_88 : memref<!tpu.dma_semaphore, #tpu.memory_space<semaphore_mem>>) src(%dma_wait3A_96 : memref<80x128xf32, #tpu.memory_space<vmem_shared>>) dst(%arg9 : memref<80x128xf32, #tpu.memory_space<vmem>>)
      tpu.yield
    }) : () -> ()
    %mul3A_84 = arith.constant 640 : i32
    %mul3A_85 = arith.muli %arg1, %mul3A_84 : i32
    %add3A_86 = arith.constant 560 : i32
    %add3A_87 = arith.addi %mul3A_85, %add3A_86 : i32
    "tpu.region"() ({
      %run_scoped3A_88 = tpu.sem_alloc : memref<!tpu.dma_semaphore, #tpu.memory_space<semaphore_mem>>
      %dma_start3A_89 = arith.constant 0 : i32
      %dma_start3A_90 = tpu.memref_slice %arg6[%arg0, %add3A_87, %dma_start3A_89] : memref<2x10240x128xf32, #tpu.memory_space<hbm>> -> memref<1x80x128xf32, #tpu.memory_space<hbm>>
      %dma_start3A_91 = tpu.memref_squeeze %dma_start3A_90 : memref<1x80x128xf32, #tpu.memory_space<hbm>> -> memref<80x128xf32, #tpu.memory_space<hbm>>
      %dma_start3A_92 = arith.constant 0 : i32
      %dma_start3A_93 = tpu.memref_slice %arg6[%arg0, %add3A_87, %dma_start3A_92] : memref<2x10240x128xf32, #tpu.memory_space<hbm>> -> memref<1x80x128xf32, #tpu.memory_space<hbm>>
      %dma_start3A_94 = tpu.memref_squeeze %dma_start3A_93 : memref<1x80x128xf32, #tpu.memory_space<hbm>> -> memref<80x128xf32, #tpu.memory_space<hbm>>
      tpu.enqueue_dma source(%arg9 : memref<80x128xf32, #tpu.memory_space<vmem>>) target(%dma_start3A_94 : memref<80x128xf32, #tpu.memory_space<hbm>>) target_semaphore(%run_scoped3A_88 : memref<!tpu.dma_semaphore, #tpu.memory_space<semaphore_mem>>)
      %dma_wait3A_95 = arith.constant 0 : i32
      %dma_wait3A_96 = tpu.memref_slice %arg6[%arg0, %add3A_87, %dma_wait3A_95] : memref<2x10240x128xf32, #tpu.memory_space<hbm>> -> memref<1x80x128xf32, #tpu.memory_space<hbm>>
      %dma_wait3A_97 = tpu.memref_squeeze %dma_wait3A_96 : memref<1x80x128xf32, #tpu.memory_space<hbm>> -> memref<80x128xf32, #tpu.memory_space<hbm>>
      %dma_wait3A_98 = arith.constant 0 : i32
      %dma_wait3A_99 = tpu.memref_slice %arg6[%arg0, %add3A_87, %dma_wait3A_98] : memref<2x10240x128xf32, #tpu.memory_space<hbm>> -> memref<1x80x128xf32, #tpu.memory_space<hbm>>
      %dma_wait3A_100 = tpu.memref_squeeze %dma_wait3A_99 : memref<1x80x128xf32, #tpu.memory_space<hbm>> -> memref<80x128xf32, #tpu.memory_space<hbm>>
      tpu.wait_dma2 semaphore(%run_scoped3A_88 : memref<!tpu.dma_semaphore, #tpu.memory_space<semaphore_mem>>) src(%arg9 : memref<80x128xf32, #tpu.memory_space<vmem>>) dst(%dma_wait3A_100 : memref<80x128xf32, #tpu.memory_space<hbm>>)
      tpu.yield
    }) : () -> ()
    return
  }
}

module attributes {stable_mosaic.version = 14 : i64} {
  func.func @_t1_body(%arg0: i32, %arg1: memref<1x1000x1xf32, #tpu.memory_space<vmem>>, %arg2: memref<1x1000x1xf32, #tpu.memory_space<vmem>>, %arg3: memref<1000x128xf32, #tpu.memory_space<vmem>>, %arg4: memref<128x128xf32, #tpu.memory_space<vmem>>, %arg5: memref<1x128xf32, #tpu.memory_space<vmem>>, %arg6: memref<128x128xf32, #tpu.memory_space<vmem>>, %arg7: memref<1000x128xf32, #tpu.memory_space<vmem>>, %arg8: memref<1000x128xf32, #tpu.memory_space<vmem>>, %arg9: memref<1000x1xf32, #tpu.memory_space<vmem>>) attributes {dimension_semantics = [#tpu.dimension_semantics<arbitrary>], iteration_bounds = array<i64: 10>, scalar_prefetch = 0 : i64, scratch_operands = 0 : i64, tpu.core_type = #tpu.core_type<tc>, window_params = [{transform_indices = @transform_0, window_bounds = array<i64: 1, 1000, 1>}, {transform_indices = @transform_1, window_bounds = array<i64: 1, 1000, 1>}, {transform_indices = @transform_2, window_bounds = array<i64: 1000, 128>}, {pipeline_mode = #tpu.pipeline_mode<synchronous>, transform_indices = @transform_3, window_bounds = array<i64: 128, 128>}, {pipeline_mode = #tpu.pipeline_mode<synchronous>, transform_indices = @transform_4, window_bounds = array<i64: 1, 128>}, {pipeline_mode = #tpu.pipeline_mode<synchronous>, transform_indices = @transform_5, window_bounds = array<i64: 128, 128>}, {transform_indices = @transform_6, window_bounds = array<i64: 1000, 128>}, {transform_indices = @transform_7, window_bounds = array<i64: 1000, 128>}, {transform_indices = @transform_8, window_bounds = array<i64: 1000, 1>}]} {
    %get3A = arith.constant 0 : index
    %get3A_0 = arith.constant 0 : index
    %get3A_1 = arith.constant 0 : index
    %get3A_2 = vector.load %arg1[%get3A, %get3A_0, %get3A_1] : memref<1x1000x1xf32, #tpu.memory_space<vmem>>, vector<1x1000x1xf32>
    %reshape3A = vector.shape_cast %get3A_2 : vector<1x1000x1xf32> to vector<1000x1xf32>
    %get3A_3 = arith.constant 0 : index
    %get3A_4 = arith.constant 0 : index
    %get3A_5 = arith.constant 0 : index
    %get3A_6 = vector.load %arg2[%get3A_3, %get3A_4, %get3A_5] : memref<1x1000x1xf32, #tpu.memory_space<vmem>>, vector<1x1000x1xf32>
    %reshape3A_7 = vector.shape_cast %get3A_6 : vector<1x1000x1xf32> to vector<1000x1xf32>
    %add3A = arith.addf %reshape3A, %reshape3A_7 : vector<1000x1xf32>
    %add3A_8 = arith.constant 1.000000e+00 : f32
    %add3A_9 = vector.broadcast %add3A_8 : f32 to vector<1000x1xf32>
    %add3A_10 = arith.addf %add3A, %add3A_9 : vector<1000x1xf32>
    %rsqrt3A = math.rsqrt %add3A_10 : vector<1000x1xf32>
    %get3A_11 = arith.constant 0 : index
    %get3A_12 = arith.constant 0 : index
    %get3A_13 = vector.load %arg3[%get3A_11, %get3A_12] : memref<1000x128xf32, #tpu.memory_space<vmem>>, vector<1000x128xf32>
    %get3A_14 = arith.constant 0 : index
    %get3A_15 = arith.constant 0 : index
    %get3A_16 = vector.load %arg4[%get3A_14, %get3A_15] : memref<128x128xf32, #tpu.memory_space<vmem>>, vector<128x128xf32>
    %dot_general3A = arith.constant dense<0.000000e+00> : vector<1000x128xf32>
    %dot_general3A_17 = tpu.matmul %get3A_13, %get3A_16, %dot_general3A {dimension_numbers = #tpu.dot_dimension_numbers<[1], [0], [0], [1], [0, 0, 1, 1], [], []>, transpose_lhs_hint = false} : vector<1000x128xf32>, vector<128x128xf32>, vector<1000x128xf32> -> vector<1000x128xf32>
    %get3A_18 = arith.constant 0 : index
    %get3A_19 = arith.constant 0 : index
    %get3A_20 = vector.load %arg5[%get3A_18, %get3A_19] : memref<1x128xf32, #tpu.memory_space<vmem>>, vector<1x128xf32>
    %add3A_21 = vector.broadcast %get3A_20 : vector<1x128xf32> to vector<1000x128xf32>
    %add3A_22 = arith.addf %dot_general3A_17, %add3A_21 : vector<1000x128xf32>
    %swap3A = arith.constant 0 : index
    %swap3A_23 = arith.constant 0 : index
    %swap3A_24 = vector.load %arg7[%swap3A, %swap3A_23] : memref<1000x128xf32, #tpu.memory_space<vmem>>, vector<1000x128xf32>
    tpu.vector_store %arg7[%swap3A, %swap3A_23], %add3A_22 {strides = array<i32>} : memref<1000x128xf32, #tpu.memory_space<vmem>>, vector<1000x128xf32>,
    %get3A_25 = arith.constant 0 : index
    %get3A_26 = arith.constant 0 : index
    %get3A_27 = vector.load %arg6[%get3A_25, %get3A_26] : memref<128x128xf32, #tpu.memory_space<vmem>>, vector<128x128xf32>
    %dot_general3A_28 = arith.constant dense<0.000000e+00> : vector<1000x128xf32>
    %dot_general3A_29 = tpu.matmul %add3A_22, %get3A_27, %dot_general3A_28 {dimension_numbers = #tpu.dot_dimension_numbers<[1], [0], [0], [1], [0, 0, 1, 1], [], []>, transpose_lhs_hint = false} : vector<1000x128xf32>, vector<128x128xf32>, vector<1000x128xf32> -> vector<1000x128xf32>
    %mul3A = vector.broadcast %rsqrt3A : vector<1000x1xf32> to vector<1000x128xf32>
    %mul3A_30 = arith.mulf %dot_general3A_29, %mul3A : vector<1000x128xf32>
    %swap3A_31 = arith.constant 0 : index
    %swap3A_32 = arith.constant 0 : index
    %swap3A_33 = vector.load %arg8[%swap3A_31, %swap3A_32] : memref<1000x128xf32, #tpu.memory_space<vmem>>, vector<1000x128xf32>
    tpu.vector_store %arg8[%swap3A_31, %swap3A_32], %mul3A_30 {strides = array<i32>} : memref<1000x128xf32, #tpu.memory_space<vmem>>, vector<1000x128xf32>,
    %swap3A_34 = arith.constant 0 : index
    %swap3A_35 = arith.constant 0 : index
    %swap3A_36 = vector.load %arg9[%swap3A_34, %swap3A_35] : memref<1000x1xf32, #tpu.memory_space<vmem>>, vector<1000x1xf32>
    tpu.vector_store %arg9[%swap3A_34, %swap3A_35], %rsqrt3A {strides = array<i32>} : memref<1000x1xf32, #tpu.memory_space<vmem>>, vector<1000x1xf32>,
    return
  }
  func.func @transform_0(%arg0: i32) -> (i32, i32, i32) {
    %c0_i32 = arith.constant 0 : i32
    %c0_i32_0 = arith.constant 0 : i32
    %c0_i32_1 = arith.constant 0 : i32
    return %c0_i32, %arg0, %c0_i32_0 : i32, i32, i32
  }
  func.func @transform_1(%arg0: i32) -> (i32, i32, i32) {
    %c1_i32 = arith.constant 1 : i32
    %c0_i32 = arith.constant 0 : i32
    %c0_i32_0 = arith.constant 0 : i32
    return %c1_i32, %arg0, %c0_i32 : i32, i32, i32
  }
  func.func @transform_2(%arg0: i32) -> (i32, i32) {
    %c0_i32 = arith.constant 0 : i32
    %c0_i32_0 = arith.constant 0 : i32
    return %arg0, %c0_i32 : i32, i32
  }
  func.func @transform_3(%arg0: i32) -> (i32, i32) {
    %c0_i32 = arith.constant 0 : i32
    %c0_i32_0 = arith.constant 0 : i32
    %c0_i32_1 = arith.constant 0 : i32
    return %c0_i32, %c0_i32_0 : i32, i32
  }
  func.func @transform_4(%arg0: i32) -> (i32, i32) {
    %c0_i32 = arith.constant 0 : i32
    %c0_i32_0 = arith.constant 0 : i32
    %c0_i32_1 = arith.constant 0 : i32
    return %c0_i32, %c0_i32_0 : i32, i32
  }
  func.func @transform_5(%arg0: i32) -> (i32, i32) {
    %c0_i32 = arith.constant 0 : i32
    %c0_i32_0 = arith.constant 0 : i32
    %c0_i32_1 = arith.constant 0 : i32
    return %c0_i32, %c0_i32_0 : i32, i32
  }
  func.func @transform_6(%arg0: i32) -> (i32, i32) {
    %c0_i32 = arith.constant 0 : i32
    %c0_i32_0 = arith.constant 0 : i32
    return %arg0, %c0_i32 : i32, i32
  }
  func.func @transform_7(%arg0: i32) -> (i32, i32) {
    %c0_i32 = arith.constant 0 : i32
    %c0_i32_0 = arith.constant 0 : i32
    return %arg0, %c0_i32 : i32, i32
  }
  func.func @transform_8(%arg0: i32) -> (i32, i32) {
    %c0_i32 = arith.constant 0 : i32
    %c0_i32_0 = arith.constant 0 : i32
    return %arg0, %c0_i32 : i32, i32
  }
}

module attributes {stable_mosaic.version = 14 : i64} {
  func.func @_postf_body(%arg0: i32, %arg1: i32, %arg2: memref<1x1000x128xf32, #tpu.memory_space<vmem>>, %arg3: memref<1x1000x128xf32, #tpu.memory_space<vmem>>, %arg4: memref<1000x1xf32, #tpu.memory_space<vmem>>, %arg5: memref<1x128xf32, #tpu.memory_space<vmem>>, %arg6: memref<1x128xf32, #tpu.memory_space<vmem>>, %arg7: memref<1x128xf32, #tpu.memory_space<vmem>>, %arg8: memref<1000x128xf32, #tpu.memory_space<vmem>>, %arg9: memref<128x128xf32, #tpu.memory_space<vmem>>, %arg10: memref<10000x128xf32, #tpu.memory_space<hbm>>, %arg11: memref<10240x128xf32, #tpu.memory_space<hbm>>, %arg12: memref<10000x128xf32, #tpu.memory_space<vmem>>, %arg13: memref<8x128xf32, #tpu.memory_space<vmem>>, %arg14: memref<10000x128xf32, #tpu.memory_space<vmem>>, %arg15: memref<10000x128xf32, #tpu.memory_space<vmem>>, %arg16: memref<!tpu.dma_semaphore, #tpu.memory_space<semaphore_mem>>, %arg17: memref<!tpu.dma_semaphore, #tpu.memory_space<semaphore_mem>>) attributes {dimension_semantics = [#tpu.dimension_semantics<arbitrary>, #tpu.dimension_semantics<arbitrary>], iteration_bounds = array<i64: 2, 10>, scalar_prefetch = 0 : i64, scratch_operands = 6 : i64, tpu.core_type = #tpu.core_type<tc>, window_params = [{transform_indices = @transform_0, window_bounds = array<i64: 1, 1000, 128>}, {transform_indices = @transform_1, window_bounds = array<i64: 1, 1000, 128>}, {transform_indices = @transform_2, window_bounds = array<i64: 1000, 1>}, {pipeline_mode = #tpu.pipeline_mode<synchronous>, transform_indices = @transform_3, window_bounds = array<i64: 1, 128>}, {pipeline_mode = #tpu.pipeline_mode<synchronous>, transform_indices = @transform_4, window_bounds = array<i64: 1, 128>}, {pipeline_mode = #tpu.pipeline_mode<synchronous>, transform_indices = @transform_5, window_bounds = array<i64: 1, 128>}, {transform_indices = @transform_6, window_bounds = array<i64: 1000, 128>}, {pipeline_mode = #tpu.pipeline_mode<synchronous>, transform_indices = @transform_7, window_bounds = array<i64: 128, 128>}, {}, {}]} {
    %eq3A = arith.constant 0 : i32
    %eq3A_0 = arith.cmpi eq, %arg0, %eq3A : i32
    %convert_element_type3A = arith.extui %eq3A_0 : i1 to i32
    %cond3A = arith.constant 0 : i32
    %cond3A_1 = arith.cmpi ne, %convert_element_type3A, %cond3A : i32
    scf.if %cond3A_1 {
      %eq3A_7 = arith.constant 0 : i32
      %eq3A_8 = arith.cmpi eq, %arg1, %eq3A_7 : i32
      %convert_element_type3A_9 = arith.extui %eq3A_8 : i1 to i32
      %cond3A_10 = arith.constant 0 : i32
      %cond3A_11 = arith.cmpi ne, %convert_element_type3A_9, %cond3A_10 : i32
      scf.if %cond3A_11 {
        %broadcast_in_dim3A_52 = arith.constant 0.000000e+00 : f32
        %broadcast_in_dim3A_53 = vector.broadcast %broadcast_in_dim3A_52 : f32 to vector<8x128xf32>
        %swap3A_54 = arith.constant 0 : index
        %swap3A_55 = arith.constant 0 : index
        %swap3A_56 = vector.load %arg13[%swap3A_54, %swap3A_55] : memref<8x128xf32, #tpu.memory_space<vmem>>, vector<8x128xf32>
        tpu.vector_store %arg13[%swap3A_54, %swap3A_55], %broadcast_in_dim3A_53 {strides = array<i32>} : memref<8x128xf32, #tpu.memory_space<vmem>>, vector<8x128xf32>,
      } else {
      }
      %get3A = arith.constant 0 : index
      %get3A_12 = arith.constant 0 : index
      %get3A_13 = arith.constant 0 : index
      %get3A_14 = vector.load %arg2[%get3A, %get3A_12, %get3A_13] : memref<1x1000x128xf32, #tpu.memory_space<vmem>>, vector<1x1000x128xf32>
      %reshape3A = vector.shape_cast %get3A_14 : vector<1x1000x128xf32> to vector<1000x128xf32>
      %get3A_15 = arith.constant 0 : index
      %get3A_16 = arith.constant 0 : index
      %get3A_17 = arith.constant 0 : index
      %get3A_18 = vector.load %arg3[%get3A_15, %get3A_16, %get3A_17] : memref<1x1000x128xf32, #tpu.memory_space<vmem>>, vector<1x1000x128xf32>
      %reshape3A_19 = vector.shape_cast %get3A_18 : vector<1x1000x128xf32> to vector<1000x128xf32>
      %add3A = arith.addf %reshape3A, %reshape3A_19 : vector<1000x128xf32>
      %get3A_20 = arith.constant 0 : index
      %get3A_21 = arith.constant 0 : index
      %get3A_22 = vector.load %arg4[%get3A_20, %get3A_21] : memref<1000x1xf32, #tpu.memory_space<vmem>>, vector<1000x1xf32>
      %mul3A = vector.broadcast %get3A_22 : vector<1000x1xf32> to vector<1000x128xf32>
      %mul3A_23 = arith.mulf %add3A, %mul3A : vector<1000x128xf32>
      %get3A_24 = arith.constant 0 : index
      %get3A_25 = arith.constant 0 : index
      %get3A_26 = vector.load %arg5[%get3A_24, %get3A_25] : memref<1x128xf32, #tpu.memory_space<vmem>>, vector<1x128xf32>
      %add3A_27 = vector.broadcast %get3A_26 : vector<1x128xf32> to vector<1000x128xf32>
      %add3A_28 = arith.addf %mul3A_23, %add3A_27 : vector<1000x128xf32>
      %mul3A_29 = arith.constant 1000 : i32
      %mul3A_30 = arith.muli %arg1, %mul3A_29 : i32
      %swap3A = arith.index_cast %mul3A_30 : i32 to index
      %swap3A_31 = arith.constant 0 : index
      %swap3A_32 = vector.load %arg12[%swap3A, %swap3A_31] : memref<10000x128xf32, #tpu.memory_space<vmem>>, vector<1000x128xf32>
      tpu.vector_store %arg12[%swap3A, %swap3A_31], %add3A_28 {strides = array<i32>} : memref<10000x128xf32, #tpu.memory_space<vmem>>, vector<1000x128xf32>,
      %get3A_33 = arith.constant 0 : index
      %get3A_34 = arith.constant 0 : index
      %get3A_35 = vector.load %arg13[%get3A_33, %get3A_34] : memref<8x128xf32, #tpu.memory_space<vmem>>, vector<1x128xf32>
      %reduce_sum3A = arith.constant dense<0.000000e+00> : vector<128xf32>
      %reduce_sum3A_36 = vector.multi_reduction <add>, %add3A_28, %reduce_sum3A [0] : vector<1000x128xf32> to vector<128xf32>
      %broadcast_in_dim3A = vector.shape_cast %reduce_sum3A_36 : vector<128xf32> to vector<1x128xf32>
      %add3A_37 = arith.addf %get3A_35, %broadcast_in_dim3A : vector<1x128xf32>
      %swap3A_38 = arith.constant 0 : index
      %swap3A_39 = arith.constant 0 : index
      %swap3A_40 = vector.load %arg13[%swap3A_38, %swap3A_39] : memref<8x128xf32, #tpu.memory_space<vmem>>, vector<1x128xf32>
      tpu.vector_store %arg13[%swap3A_38, %swap3A_39], %add3A_37 {strides = array<i32>} : memref<8x128xf32, #tpu.memory_space<vmem>>, vector<1x128xf32>,
      %get3A_41 = arith.constant 1 : index
      %get3A_42 = arith.constant 0 : index
      %get3A_43 = vector.load %arg13[%get3A_41, %get3A_42] : memref<8x128xf32, #tpu.memory_space<vmem>>, vector<1x128xf32>
      %mul3A_44 = arith.mulf %add3A_28, %add3A_28 : vector<1000x128xf32>
      %reduce_sum3A_45 = arith.constant dense<0.000000e+00> : vector<128xf32>
      %reduce_sum3A_46 = vector.multi_reduction <add>, %mul3A_44, %reduce_sum3A_45 [0] : vector<1000x128xf32> to vector<128xf32>
      %broadcast_in_dim3A_47 = vector.shape_cast %reduce_sum3A_46 : vector<128xf32> to vector<1x128xf32>
      %add3A_48 = arith.addf %get3A_43, %broadcast_in_dim3A_47 : vector<1x128xf32>
      %swap3A_49 = arith.constant 1 : index
      %swap3A_50 = arith.constant 0 : index
      %swap3A_51 = vector.load %arg13[%swap3A_49, %swap3A_50] : memref<8x128xf32, #tpu.memory_space<vmem>>, vector<1x128xf32>
      tpu.vector_store %arg13[%swap3A_49, %swap3A_50], %add3A_48 {strides = array<i32>} : memref<8x128xf32, #tpu.memory_space<vmem>>, vector<1x128xf32>,
    } else {
    }
    %eq3A_2 = arith.constant 1 : i32
    %eq3A_3 = arith.cmpi eq, %arg0, %eq3A_2 : i32
    %convert_element_type3A_4 = arith.extui %eq3A_3 : i1 to i32
    %cond3A_5 = arith.constant 0 : i32
    %cond3A_6 = arith.cmpi ne, %convert_element_type3A_4, %cond3A_5 : i32
    scf.if %cond3A_6 {
      %mul3A = arith.constant 1000 : i32
      %mul3A_7 = arith.muli %arg1, %mul3A : i32
      %get3A = arith.index_cast %mul3A_7 : i32 to index
      %get3A_8 = arith.constant 0 : index
      %get3A_9 = vector.load %arg12[%get3A, %get3A_8] : memref<10000x128xf32, #tpu.memory_space<vmem>>, vector<1000x128xf32>
      %get3A_10 = arith.constant 0 : index
      %get3A_11 = arith.constant 0 : index
      %get3A_12 = vector.load %arg13[%get3A_10, %get3A_11] : memref<8x128xf32, #tpu.memory_space<vmem>>, vector<8x128xf32>
      %get3A_13 = arith.constant 0 : index
      %get3A_14 = arith.constant 0 : index
      %get3A_15 = vector.load %arg6[%get3A_13, %get3A_14] : memref<1x128xf32, #tpu.memory_space<vmem>>, vector<1x128xf32>
      %get3A_16 = arith.constant 0 : index
      %get3A_17 = arith.constant 0 : index
      %get3A_18 = vector.load %arg7[%get3A_16, %get3A_17] : memref<1x128xf32, #tpu.memory_space<vmem>>, vector<1x128xf32>
      %get3A_19 = arith.constant 0 : index
      %get3A_20 = arith.constant 0 : index
      %get3A_21 = vector.load %arg8[%get3A_19, %get3A_20] : memref<1000x128xf32, #tpu.memory_space<vmem>>, vector<1000x128xf32>
      %slice3A = vector.extract_strided_slice %get3A_12 {offsets = [0, 0], sizes = [1, 128], strides = [1, 1]} : vector<8x128xf32> to vector<1x128xf32>
      %div3A = arith.constant 1.000000e+04 : f32
      %div3A_22 = vector.broadcast %div3A : f32 to vector<1x128xf32>
      %div3A_23 = arith.divf %slice3A, %div3A_22 : vector<1x128xf32>
      %slice3A_24 = vector.extract_strided_slice %get3A_12 {offsets = [1, 0], sizes = [1, 128], strides = [1, 1]} : vector<8x128xf32> to vector<1x128xf32>
      %div3A_25 = arith.constant 1.000000e+04 : f32
      %div3A_26 = vector.broadcast %div3A_25 : f32 to vector<1x128xf32>
      %div3A_27 = arith.divf %slice3A_24, %div3A_26 : vector<1x128xf32>
      %mul3A_28 = arith.mulf %div3A_23, %div3A_23 : vector<1x128xf32>
      %sub3A = arith.subf %div3A_27, %mul3A_28 : vector<1x128xf32>
      %sub3A_29 = vector.broadcast %div3A_23 : vector<1x128xf32> to vector<1000x128xf32>
      %sub3A_30 = arith.subf %get3A_9, %sub3A_29 : vector<1000x128xf32>
      %mul3A_31 = vector.broadcast %get3A_15 : vector<1x128xf32> to vector<1000x128xf32>
      %mul3A_32 = arith.mulf %mul3A_31, %sub3A_30 : vector<1000x128xf32>
      %add3A = arith.constant 9.99999974E-6 : f32
      %add3A_33 = vector.broadcast %add3A : f32 to vector<1x128xf32>
      %add3A_34 = arith.addf %sub3A, %add3A_33 : vector<1x128xf32>
      %rsqrt3A = math.rsqrt %add3A_34 : vector<1x128xf32>
      %mul3A_35 = vector.broadcast %rsqrt3A : vector<1x128xf32> to vector<1000x128xf32>
      %mul3A_36 = arith.mulf %mul3A_32, %mul3A_35 : vector<1000x128xf32>
      %add3A_37 = vector.broadcast %get3A_18 : vector<1x128xf32> to vector<1000x128xf32>
      %add3A_38 = arith.addf %mul3A_36, %add3A_37 : vector<1000x128xf32>
      %max3A = arith.constant 0.000000e+00 : f32
      %max3A_39 = vector.broadcast %max3A : f32 to vector<1000x128xf32>
      %max3A_40 = arith.maximumf %add3A_38, %max3A_39 : vector<1000x128xf32>
      %add3A_41 = arith.addf %max3A_40, %get3A_21 : vector<1000x128xf32>
      %swap3A = arith.index_cast %mul3A_7 : i32 to index
      %swap3A_42 = arith.constant 0 : index
      %swap3A_43 = vector.load %arg14[%swap3A, %swap3A_42] : memref<10000x128xf32, #tpu.memory_space<vmem>>, vector<1000x128xf32>
      tpu.vector_store %arg14[%swap3A, %swap3A_42], %add3A_41 {strides = array<i32>} : memref<10000x128xf32, #tpu.memory_space<vmem>>, vector<1000x128xf32>,
      %get3A_44 = arith.constant 0 : index
      %get3A_45 = arith.constant 0 : index
      %get3A_46 = vector.load %arg9[%get3A_44, %get3A_45] : memref<128x128xf32, #tpu.memory_space<vmem>>, vector<128x128xf32>
      %dot_general3A = arith.constant dense<0.000000e+00> : vector<1000x128xf32>
      %dot_general3A_47 = tpu.matmul %add3A_41, %get3A_46, %dot_general3A {dimension_numbers = #tpu.dot_dimension_numbers<[1], [0], [0], [1], [0, 0, 1, 1], [], []>, transpose_lhs_hint = false} : vector<1000x128xf32>, vector<128x128xf32>, vector<1000x128xf32> -> vector<1000x128xf32>
      %get3A_48 = arith.constant 0 : index
      %get3A_49 = arith.constant 0 : index
      %get3A_50 = vector.load %arg4[%get3A_48, %get3A_49] : memref<1000x1xf32, #tpu.memory_space<vmem>>, vector<1000x1xf32>
      %mul3A_51 = vector.broadcast %get3A_50 : vector<1000x1xf32> to vector<1000x128xf32>
      %mul3A_52 = arith.mulf %dot_general3A_47, %mul3A_51 : vector<1000x128xf32>
      %swap3A_53 = arith.index_cast %mul3A_7 : i32 to index
      %swap3A_54 = arith.constant 0 : index
      %swap3A_55 = vector.load %arg15[%swap3A_53, %swap3A_54] : memref<10000x128xf32, #tpu.memory_space<vmem>>, vector<1000x128xf32>
      tpu.vector_store %arg15[%swap3A_53, %swap3A_54], %mul3A_52 {strides = array<i32>} : memref<10000x128xf32, #tpu.memory_space<vmem>>, vector<1000x128xf32>,
      %dma_start3A = arith.constant 0 : i32
      %dma_start3A_56 = tpu.memref_slice %arg10[%mul3A_7, %dma_start3A] : memref<10000x128xf32, #tpu.memory_space<hbm>> -> memref<1000x128xf32, #tpu.memory_space<hbm>>
      %dma_start3A_57 = arith.constant 0 : i32
      %dma_start3A_58 = tpu.memref_slice %arg14[%mul3A_7, %dma_start3A_57] : memref<10000x128xf32, #tpu.memory_space<vmem>> -> memref<1000x128xf32, #tpu.memory_space<vmem>>
      tpu.enqueue_dma source(%dma_start3A_58 : memref<1000x128xf32, #tpu.memory_space<vmem>>) target(%dma_start3A_56 : memref<1000x128xf32, #tpu.memory_space<hbm>>) target_semaphore(%arg16 : memref<!tpu.dma_semaphore, #tpu.memory_space<semaphore_mem>>)
      %dma_start3A_59 = arith.constant 0 : i32
      %dma_start3A_60 = tpu.memref_slice %arg11[%mul3A_7, %dma_start3A_59] : memref<10240x128xf32, #tpu.memory_space<hbm>> -> memref<1000x128xf32, #tpu.memory_space<hbm>>
      %dma_start3A_61 = arith.constant 0 : i32
      %dma_start3A_62 = tpu.memref_slice %arg15[%mul3A_7, %dma_start3A_61] : memref<10000x128xf32, #tpu.memory_space<vmem>> -> memref<1000x128xf32, #tpu.memory_space<vmem>>
      tpu.enqueue_dma source(%dma_start3A_62 : memref<1000x128xf32, #tpu.memory_space<vmem>>) target(%dma_start3A_60 : memref<1000x128xf32, #tpu.memory_space<hbm>>) target_semaphore(%arg17 : memref<!tpu.dma_semaphore, #tpu.memory_space<semaphore_mem>>)
      %eq3A_63 = arith.constant 9 : i32
      %eq3A_64 = arith.cmpi eq, %arg1, %eq3A_63 : i32
      %convert_element_type3A_65 = arith.extui %eq3A_64 : i1 to i32
      %cond3A_66 = arith.constant 0 : i32
      %cond3A_67 = arith.cmpi ne, %convert_element_type3A_65, %cond3A_66 : i32
      scf.if %cond3A_67 {
        %dma_wait3A = arith.constant 0 : i32
        %dma_wait3A_68 = arith.constant 0 : i32
        %dma_wait3A_69 = tpu.memref_slice %arg10[%dma_wait3A, %dma_wait3A_68] : memref<10000x128xf32, #tpu.memory_space<hbm>> -> memref<1000x128xf32, #tpu.memory_space<hbm>>
        %dma_wait3A_70 = arith.constant 0 : i32
        %dma_wait3A_71 = arith.constant 0 : i32
        %dma_wait3A_72 = tpu.memref_slice %arg14[%dma_wait3A_70, %dma_wait3A_71] : memref<10000x128xf32, #tpu.memory_space<vmem>> -> memref<1000x128xf32, #tpu.memory_space<vmem>>
        tpu.wait_dma2 semaphore(%arg16 : memref<!tpu.dma_semaphore, #tpu.memory_space<semaphore_mem>>) src(%dma_wait3A_72 : memref<1000x128xf32, #tpu.memory_space<vmem>>) dst(%dma_wait3A_69 : memref<1000x128xf32, #tpu.memory_space<hbm>>)
        %dma_wait3A_73 = arith.constant 0 : i32
        %dma_wait3A_74 = arith.constant 0 : i32
        %dma_wait3A_75 = tpu.memref_slice %arg11[%dma_wait3A_73, %dma_wait3A_74] : memref<10240x128xf32, #tpu.memory_space<hbm>> -> memref<1000x128xf32, #tpu.memory_space<hbm>>
        %dma_wait3A_76 = arith.constant 0 : i32
        %dma_wait3A_77 = arith.constant 0 : i32
        %dma_wait3A_78 = tpu.memref_slice %arg15[%dma_wait3A_76, %dma_wait3A_77] : memref<10000x128xf32, #tpu.memory_space<vmem>> -> memref<1000x128xf32, #tpu.memory_space<vmem>>
        tpu.wait_dma2 semaphore(%arg17 : memref<!tpu.dma_semaphore, #tpu.memory_space<semaphore_mem>>) src(%dma_wait3A_78 : memref<1000x128xf32, #tpu.memory_space<vmem>>) dst(%dma_wait3A_75 : memref<1000x128xf32, #tpu.memory_space<hbm>>)
        %dma_wait3A_79 = arith.constant 1000 : i32
        %dma_wait3A_80 = arith.constant 0 : i32
        %dma_wait3A_81 = tpu.memref_slice %arg10[%dma_wait3A_79, %dma_wait3A_80] : memref<10000x128xf32, #tpu.memory_space<hbm>> -> memref<1000x128xf32, #tpu.memory_space<hbm>>
        %dma_wait3A_82 = arith.constant 1000 : i32
        %dma_wait3A_83 = arith.constant 0 : i32
        %dma_wait3A_84 = tpu.memref_slice %arg14[%dma_wait3A_82, %dma_wait3A_83] : memref<10000x128xf32, #tpu.memory_space<vmem>> -> memref<1000x128xf32, #tpu.memory_space<vmem>>
        tpu.wait_dma2 semaphore(%arg16 : memref<!tpu.dma_semaphore, #tpu.memory_space<semaphore_mem>>) src(%dma_wait3A_84 : memref<1000x128xf32, #tpu.memory_space<vmem>>) dst(%dma_wait3A_81 : memref<1000x128xf32, #tpu.memory_space<hbm>>)
        %dma_wait3A_85 = arith.constant 1000 : i32
        %dma_wait3A_86 = arith.constant 0 : i32
        %dma_wait3A_87 = tpu.memref_slice %arg11[%dma_wait3A_85, %dma_wait3A_86] : memref<10240x128xf32, #tpu.memory_space<hbm>> -> memref<1000x128xf32, #tpu.memory_space<hbm>>
        %dma_wait3A_88 = arith.constant 1000 : i32
        %dma_wait3A_89 = arith.constant 0 : i32
        %dma_wait3A_90 = tpu.memref_slice %arg15[%dma_wait3A_88, %dma_wait3A_89] : memref<10000x128xf32, #tpu.memory_space<vmem>> -> memref<1000x128xf32, #tpu.memory_space<vmem>>
        tpu.wait_dma2 semaphore(%arg17 : memref<!tpu.dma_semaphore, #tpu.memory_space<semaphore_mem>>) src(%dma_wait3A_90 : memref<1000x128xf32, #tpu.memory_space<vmem>>) dst(%dma_wait3A_87 : memref<1000x128xf32, #tpu.memory_space<hbm>>)
        %dma_wait3A_91 = arith.constant 2000 : i32
        %dma_wait3A_92 = arith.constant 0 : i32
        %dma_wait3A_93 = tpu.memref_slice %arg10[%dma_wait3A_91, %dma_wait3A_92] : memref<10000x128xf32, #tpu.memory_space<hbm>> -> memref<1000x128xf32, #tpu.memory_space<hbm>>
        %dma_wait3A_94 = arith.constant 2000 : i32
        %dma_wait3A_95 = arith.constant 0 : i32
        %dma_wait3A_96 = tpu.memref_slice %arg14[%dma_wait3A_94, %dma_wait3A_95] : memref<10000x128xf32, #tpu.memory_space<vmem>> -> memref<1000x128xf32, #tpu.memory_space<vmem>>
        tpu.wait_dma2 semaphore(%arg16 : memref<!tpu.dma_semaphore, #tpu.memory_space<semaphore_mem>>) src(%dma_wait3A_96 : memref<1000x128xf32, #tpu.memory_space<vmem>>) dst(%dma_wait3A_93 : memref<1000x128xf32, #tpu.memory_space<hbm>>)
        %dma_wait3A_97 = arith.constant 2000 : i32
        %dma_wait3A_98 = arith.constant 0 : i32
        %dma_wait3A_99 = tpu.memref_slice %arg11[%dma_wait3A_97, %dma_wait3A_98] : memref<10240x128xf32, #tpu.memory_space<hbm>> -> memref<1000x128xf32, #tpu.memory_space<hbm>>
        %dma_wait3A_100 = arith.constant 2000 : i32
        %dma_wait3A_101 = arith.constant 0 : i32
        %dma_wait3A_102 = tpu.memref_slice %arg15[%dma_wait3A_100, %dma_wait3A_101] : memref<10000x128xf32, #tpu.memory_space<vmem>> -> memref<1000x128xf32, #tpu.memory_space<vmem>>
        tpu.wait_dma2 semaphore(%arg17 : memref<!tpu.dma_semaphore, #tpu.memory_space<semaphore_mem>>) src(%dma_wait3A_102 : memref<1000x128xf32, #tpu.memory_space<vmem>>) dst(%dma_wait3A_99 : memref<1000x128xf32, #tpu.memory_space<hbm>>)
        %dma_wait3A_103 = arith.constant 3000 : i32
        %dma_wait3A_104 = arith.constant 0 : i32
        %dma_wait3A_105 = tpu.memref_slice %arg10[%dma_wait3A_103, %dma_wait3A_104] : memref<10000x128xf32, #tpu.memory_space<hbm>> -> memref<1000x128xf32, #tpu.memory_space<hbm>>
        %dma_wait3A_106 = arith.constant 3000 : i32
        %dma_wait3A_107 = arith.constant 0 : i32
        %dma_wait3A_108 = tpu.memref_slice %arg14[%dma_wait3A_106, %dma_wait3A_107] : memref<10000x128xf32, #tpu.memory_space<vmem>> -> memref<1000x128xf32, #tpu.memory_space<vmem>>
        tpu.wait_dma2 semaphore(%arg16 : memref<!tpu.dma_semaphore, #tpu.memory_space<semaphore_mem>>) src(%dma_wait3A_108 : memref<1000x128xf32, #tpu.memory_space<vmem>>) dst(%dma_wait3A_105 : memref<1000x128xf32, #tpu.memory_space<hbm>>)
        %dma_wait3A_109 = arith.constant 3000 : i32
        %dma_wait3A_110 = arith.constant 0 : i32
        %dma_wait3A_111 = tpu.memref_slice %arg11[%dma_wait3A_109, %dma_wait3A_110] : memref<10240x128xf32, #tpu.memory_space<hbm>> -> memref<1000x128xf32, #tpu.memory_space<hbm>>
        %dma_wait3A_112 = arith.constant 3000 : i32
        %dma_wait3A_113 = arith.constant 0 : i32
        %dma_wait3A_114 = tpu.memref_slice %arg15[%dma_wait3A_112, %dma_wait3A_113] : memref<10000x128xf32, #tpu.memory_space<vmem>> -> memref<1000x128xf32, #tpu.memory_space<vmem>>
        tpu.wait_dma2 semaphore(%arg17 : memref<!tpu.dma_semaphore, #tpu.memory_space<semaphore_mem>>) src(%dma_wait3A_114 : memref<1000x128xf32, #tpu.memory_space<vmem>>) dst(%dma_wait3A_111 : memref<1000x128xf32, #tpu.memory_space<hbm>>)
        %dma_wait3A_115 = arith.constant 4000 : i32
        %dma_wait3A_116 = arith.constant 0 : i32
        %dma_wait3A_117 = tpu.memref_slice %arg10[%dma_wait3A_115, %dma_wait3A_116] : memref<10000x128xf32, #tpu.memory_space<hbm>> -> memref<1000x128xf32, #tpu.memory_space<hbm>>
        %dma_wait3A_118 = arith.constant 4000 : i32
        %dma_wait3A_119 = arith.constant 0 : i32
        %dma_wait3A_120 = tpu.memref_slice %arg14[%dma_wait3A_118, %dma_wait3A_119] : memref<10000x128xf32, #tpu.memory_space<vmem>> -> memref<1000x128xf32, #tpu.memory_space<vmem>>
        tpu.wait_dma2 semaphore(%arg16 : memref<!tpu.dma_semaphore, #tpu.memory_space<semaphore_mem>>) src(%dma_wait3A_120 : memref<1000x128xf32, #tpu.memory_space<vmem>>) dst(%dma_wait3A_117 : memref<1000x128xf32, #tpu.memory_space<hbm>>)
        %dma_wait3A_121 = arith.constant 4000 : i32
        %dma_wait3A_122 = arith.constant 0 : i32
        %dma_wait3A_123 = tpu.memref_slice %arg11[%dma_wait3A_121, %dma_wait3A_122] : memref<10240x128xf32, #tpu.memory_space<hbm>> -> memref<1000x128xf32, #tpu.memory_space<hbm>>
        %dma_wait3A_124 = arith.constant 4000 : i32
        %dma_wait3A_125 = arith.constant 0 : i32
        %dma_wait3A_126 = tpu.memref_slice %arg15[%dma_wait3A_124, %dma_wait3A_125] : memref<10000x128xf32, #tpu.memory_space<vmem>> -> memref<1000x128xf32, #tpu.memory_space<vmem>>
        tpu.wait_dma2 semaphore(%arg17 : memref<!tpu.dma_semaphore, #tpu.memory_space<semaphore_mem>>) src(%dma_wait3A_126 : memref<1000x128xf32, #tpu.memory_space<vmem>>) dst(%dma_wait3A_123 : memref<1000x128xf32, #tpu.memory_space<hbm>>)
        %dma_wait3A_127 = arith.constant 5000 : i32
        %dma_wait3A_128 = arith.constant 0 : i32
        %dma_wait3A_129 = tpu.memref_slice %arg10[%dma_wait3A_127, %dma_wait3A_128] : memref<10000x128xf32, #tpu.memory_space<hbm>> -> memref<1000x128xf32, #tpu.memory_space<hbm>>
        %dma_wait3A_130 = arith.constant 5000 : i32
        %dma_wait3A_131 = arith.constant 0 : i32
        %dma_wait3A_132 = tpu.memref_slice %arg14[%dma_wait3A_130, %dma_wait3A_131] : memref<10000x128xf32, #tpu.memory_space<vmem>> -> memref<1000x128xf32, #tpu.memory_space<vmem>>
        tpu.wait_dma2 semaphore(%arg16 : memref<!tpu.dma_semaphore, #tpu.memory_space<semaphore_mem>>) src(%dma_wait3A_132 : memref<1000x128xf32, #tpu.memory_space<vmem>>) dst(%dma_wait3A_129 : memref<1000x128xf32, #tpu.memory_space<hbm>>)
        %dma_wait3A_133 = arith.constant 5000 : i32
        %dma_wait3A_134 = arith.constant 0 : i32
        %dma_wait3A_135 = tpu.memref_slice %arg11[%dma_wait3A_133, %dma_wait3A_134] : memref<10240x128xf32, #tpu.memory_space<hbm>> -> memref<1000x128xf32, #tpu.memory_space<hbm>>
        %dma_wait3A_136 = arith.constant 5000 : i32
        %dma_wait3A_137 = arith.constant 0 : i32
        %dma_wait3A_138 = tpu.memref_slice %arg15[%dma_wait3A_136, %dma_wait3A_137] : memref<10000x128xf32, #tpu.memory_space<vmem>> -> memref<1000x128xf32, #tpu.memory_space<vmem>>
        tpu.wait_dma2 semaphore(%arg17 : memref<!tpu.dma_semaphore, #tpu.memory_space<semaphore_mem>>) src(%dma_wait3A_138 : memref<1000x128xf32, #tpu.memory_space<vmem>>) dst(%dma_wait3A_135 : memref<1000x128xf32, #tpu.memory_space<hbm>>)
        %dma_wait3A_139 = arith.constant 6000 : i32
        %dma_wait3A_140 = arith.constant 0 : i32
        %dma_wait3A_141 = tpu.memref_slice %arg10[%dma_wait3A_139, %dma_wait3A_140] : memref<10000x128xf32, #tpu.memory_space<hbm>> -> memref<1000x128xf32, #tpu.memory_space<hbm>>
        %dma_wait3A_142 = arith.constant 6000 : i32
        %dma_wait3A_143 = arith.constant 0 : i32
        %dma_wait3A_144 = tpu.memref_slice %arg14[%dma_wait3A_142, %dma_wait3A_143] : memref<10000x128xf32, #tpu.memory_space<vmem>> -> memref<1000x128xf32, #tpu.memory_space<vmem>>
        tpu.wait_dma2 semaphore(%arg16 : memref<!tpu.dma_semaphore, #tpu.memory_space<semaphore_mem>>) src(%dma_wait3A_144 : memref<1000x128xf32, #tpu.memory_space<vmem>>) dst(%dma_wait3A_141 : memref<1000x128xf32, #tpu.memory_space<hbm>>)
        %dma_wait3A_145 = arith.constant 6000 : i32
        %dma_wait3A_146 = arith.constant 0 : i32
        %dma_wait3A_147 = tpu.memref_slice %arg11[%dma_wait3A_145, %dma_wait3A_146] : memref<10240x128xf32, #tpu.memory_space<hbm>> -> memref<1000x128xf32, #tpu.memory_space<hbm>>
        %dma_wait3A_148 = arith.constant 6000 : i32
        %dma_wait3A_149 = arith.constant 0 : i32
        %dma_wait3A_150 = tpu.memref_slice %arg15[%dma_wait3A_148, %dma_wait3A_149] : memref<10000x128xf32, #tpu.memory_space<vmem>> -> memref<1000x128xf32, #tpu.memory_space<vmem>>
        tpu.wait_dma2 semaphore(%arg17 : memref<!tpu.dma_semaphore, #tpu.memory_space<semaphore_mem>>) src(%dma_wait3A_150 : memref<1000x128xf32, #tpu.memory_space<vmem>>) dst(%dma_wait3A_147 : memref<1000x128xf32, #tpu.memory_space<hbm>>)
        %dma_wait3A_151 = arith.constant 7000 : i32
        %dma_wait3A_152 = arith.constant 0 : i32
        %dma_wait3A_153 = tpu.memref_slice %arg10[%dma_wait3A_151, %dma_wait3A_152] : memref<10000x128xf32, #tpu.memory_space<hbm>> -> memref<1000x128xf32, #tpu.memory_space<hbm>>
        %dma_wait3A_154 = arith.constant 7000 : i32
        %dma_wait3A_155 = arith.constant 0 : i32
        %dma_wait3A_156 = tpu.memref_slice %arg14[%dma_wait3A_154, %dma_wait3A_155] : memref<10000x128xf32, #tpu.memory_space<vmem>> -> memref<1000x128xf32, #tpu.memory_space<vmem>>
        tpu.wait_dma2 semaphore(%arg16 : memref<!tpu.dma_semaphore, #tpu.memory_space<semaphore_mem>>) src(%dma_wait3A_156 : memref<1000x128xf32, #tpu.memory_space<vmem>>) dst(%dma_wait3A_153 : memref<1000x128xf32, #tpu.memory_space<hbm>>)
        %dma_wait3A_157 = arith.constant 7000 : i32
        %dma_wait3A_158 = arith.constant 0 : i32
        %dma_wait3A_159 = tpu.memref_slice %arg11[%dma_wait3A_157, %dma_wait3A_158] : memref<10240x128xf32, #tpu.memory_space<hbm>> -> memref<1000x128xf32, #tpu.memory_space<hbm>>
        %dma_wait3A_160 = arith.constant 7000 : i32
        %dma_wait3A_161 = arith.constant 0 : i32
        %dma_wait3A_162 = tpu.memref_slice %arg15[%dma_wait3A_160, %dma_wait3A_161] : memref<10000x128xf32, #tpu.memory_space<vmem>> -> memref<1000x128xf32, #tpu.memory_space<vmem>>
        tpu.wait_dma2 semaphore(%arg17 : memref<!tpu.dma_semaphore, #tpu.memory_space<semaphore_mem>>) src(%dma_wait3A_162 : memref<1000x128xf32, #tpu.memory_space<vmem>>) dst(%dma_wait3A_159 : memref<1000x128xf32, #tpu.memory_space<hbm>>)
        %dma_wait3A_163 = arith.constant 8000 : i32
        %dma_wait3A_164 = arith.constant 0 : i32
        %dma_wait3A_165 = tpu.memref_slice %arg10[%dma_wait3A_163, %dma_wait3A_164] : memref<10000x128xf32, #tpu.memory_space<hbm>> -> memref<1000x128xf32, #tpu.memory_space<hbm>>
        %dma_wait3A_166 = arith.constant 8000 : i32
        %dma_wait3A_167 = arith.constant 0 : i32
        %dma_wait3A_168 = tpu.memref_slice %arg14[%dma_wait3A_166, %dma_wait3A_167] : memref<10000x128xf32, #tpu.memory_space<vmem>> -> memref<1000x128xf32, #tpu.memory_space<vmem>>
        tpu.wait_dma2 semaphore(%arg16 : memref<!tpu.dma_semaphore, #tpu.memory_space<semaphore_mem>>) src(%dma_wait3A_168 : memref<1000x128xf32, #tpu.memory_space<vmem>>) dst(%dma_wait3A_165 : memref<1000x128xf32, #tpu.memory_space<hbm>>)
        %dma_wait3A_169 = arith.constant 8000 : i32
        %dma_wait3A_170 = arith.constant 0 : i32
        %dma_wait3A_171 = tpu.memref_slice %arg11[%dma_wait3A_169, %dma_wait3A_170] : memref<10240x128xf32, #tpu.memory_space<hbm>> -> memref<1000x128xf32, #tpu.memory_space<hbm>>
        %dma_wait3A_172 = arith.constant 8000 : i32
        %dma_wait3A_173 = arith.constant 0 : i32
        %dma_wait3A_174 = tpu.memref_slice %arg15[%dma_wait3A_172, %dma_wait3A_173] : memref<10000x128xf32, #tpu.memory_space<vmem>> -> memref<1000x128xf32, #tpu.memory_space<vmem>>
        tpu.wait_dma2 semaphore(%arg17 : memref<!tpu.dma_semaphore, #tpu.memory_space<semaphore_mem>>) src(%dma_wait3A_174 : memref<1000x128xf32, #tpu.memory_space<vmem>>) dst(%dma_wait3A_171 : memref<1000x128xf32, #tpu.memory_space<hbm>>)
        %dma_wait3A_175 = arith.constant 9000 : i32
        %dma_wait3A_176 = arith.constant 0 : i32
        %dma_wait3A_177 = tpu.memref_slice %arg10[%dma_wait3A_175, %dma_wait3A_176] : memref<10000x128xf32, #tpu.memory_space<hbm>> -> memref<1000x128xf32, #tpu.memory_space<hbm>>
        %dma_wait3A_178 = arith.constant 9000 : i32
        %dma_wait3A_179 = arith.constant 0 : i32
        %dma_wait3A_180 = tpu.memref_slice %arg14[%dma_wait3A_178, %dma_wait3A_179] : memref<10000x128xf32, #tpu.memory_space<vmem>> -> memref<1000x128xf32, #tpu.memory_space<vmem>>
        tpu.wait_dma2 semaphore(%arg16 : memref<!tpu.dma_semaphore, #tpu.memory_space<semaphore_mem>>) src(%dma_wait3A_180 : memref<1000x128xf32, #tpu.memory_space<vmem>>) dst(%dma_wait3A_177 : memref<1000x128xf32, #tpu.memory_space<hbm>>)
        %dma_wait3A_181 = arith.constant 9000 : i32
        %dma_wait3A_182 = arith.constant 0 : i32
        %dma_wait3A_183 = tpu.memref_slice %arg11[%dma_wait3A_181, %dma_wait3A_182] : memref<10240x128xf32, #tpu.memory_space<hbm>> -> memref<1000x128xf32, #tpu.memory_space<hbm>>
        %dma_wait3A_184 = arith.constant 9000 : i32
        %dma_wait3A_185 = arith.constant 0 : i32
        %dma_wait3A_186 = tpu.memref_slice %arg15[%dma_wait3A_184, %dma_wait3A_185] : memref<10000x128xf32, #tpu.memory_space<vmem>> -> memref<1000x128xf32, #tpu.memory_space<vmem>>
        tpu.wait_dma2 semaphore(%arg17 : memref<!tpu.dma_semaphore, #tpu.memory_space<semaphore_mem>>) src(%dma_wait3A_186 : memref<1000x128xf32, #tpu.memory_space<vmem>>) dst(%dma_wait3A_183 : memref<1000x128xf32, #tpu.memory_space<hbm>>)
      } else {
      }
    } else {
    }
    return
  }
  func.func @transform_0(%arg0: i32, %arg1: i32) -> (i32, i32, i32) {
    %c0_i32 = arith.constant 0 : i32
    %c0_i32_0 = arith.constant 0 : i32
    %c0_i32_1 = arith.constant 0 : i32
    return %c0_i32, %arg1, %c0_i32_0 : i32, i32, i32
  }
  func.func @transform_1(%arg0: i32, %arg1: i32) -> (i32, i32, i32) {
    %c1_i32 = arith.constant 1 : i32
    %c0_i32 = arith.constant 0 : i32
    %c0_i32_0 = arith.constant 0 : i32
    return %c1_i32, %arg1, %c0_i32 : i32, i32, i32
  }
  func.func @transform_2(%arg0: i32, %arg1: i32) -> (i32, i32) {
    %c0_i32 = arith.constant 0 : i32
    %c0_i32_0 = arith.constant 0 : i32
    return %arg1, %c0_i32 : i32, i32
  }
  func.func @transform_3(%arg0: i32, %arg1: i32) -> (i32, i32) {
    %c0_i32 = arith.constant 0 : i32
    %c0_i32_0 = arith.constant 0 : i32
    %c0_i32_1 = arith.constant 0 : i32
    return %c0_i32, %c0_i32_0 : i32, i32
  }
  func.func @transform_4(%arg0: i32, %arg1: i32) -> (i32, i32) {
    %c0_i32 = arith.constant 0 : i32
    %c0_i32_0 = arith.constant 0 : i32
    %c0_i32_1 = arith.constant 0 : i32
    return %c0_i32, %c0_i32_0 : i32, i32
  }
  func.func @transform_5(%arg0: i32, %arg1: i32) -> (i32, i32) {
    %c0_i32 = arith.constant 0 : i32
    %c0_i32_0 = arith.constant 0 : i32
    %c0_i32_1 = arith.constant 0 : i32
    return %c0_i32, %c0_i32_0 : i32, i32
  }
  func.func @transform_6(%arg0: i32, %arg1: i32) -> (i32, i32) {
    %c0_i32 = arith.constant 0 : i32
    %c0_i32_0 = arith.constant 0 : i32
    return %arg1, %c0_i32 : i32, i32
  }
  func.func @transform_7(%arg0: i32, %arg1: i32) -> (i32, i32) {
    %c0_i32 = arith.constant 0 : i32
    %c0_i32_0 = arith.constant 0 : i32
    %c0_i32_1 = arith.constant 0 : i32
    return %c0_i32, %c0_i32_0 : i32, i32
  }
}

module attributes {stable_mosaic.version = 14 : i64} {
  func.func @_poolf_body(%arg0: i32, %arg1: i32, %arg2: memref<1x1000x128xf32, #tpu.memory_space<vmem>>, %arg3: memref<1x1000x128xf32, #tpu.memory_space<vmem>>, %arg4: memref<1000x1xf32, #tpu.memory_space<vmem>>, %arg5: memref<1x128xf32, #tpu.memory_space<vmem>>, %arg6: memref<1x128xf32, #tpu.memory_space<vmem>>, %arg7: memref<1x128xf32, #tpu.memory_space<vmem>>, %arg8: memref<1000x128xf32, #tpu.memory_space<vmem>>, %arg9: memref<1x1x1000xi32, #tpu.memory_space<vmem>>, %arg10: memref<128x128xf32, #tpu.memory_space<vmem>>, %arg11: memref<1x128xf32, #tpu.memory_space<vmem>>, %arg12: memref<128x128xf32, #tpu.memory_space<vmem>>, %arg13: memref<1x128xf32, #tpu.memory_space<vmem>>, %arg14: memref<128x10xf32, #tpu.memory_space<vmem>>, %arg15: memref<1x10xf32, #tpu.memory_space<vmem>>, %arg16: memref<128x10xf32, #tpu.memory_space<vmem>>, %arg17: memref<10000x128xf32, #tpu.memory_space<vmem>>, %arg18: memref<8x128xf32, #tpu.memory_space<vmem>>, %arg19: memref<128x128xf32, #tpu.memory_space<vmem>>, %arg20: memref<128x1xf32, #tpu.memory_space<vmem>>) attributes {dimension_semantics = [#tpu.dimension_semantics<arbitrary>, #tpu.dimension_semantics<arbitrary>], iteration_bounds = array<i64: 2, 10>, scalar_prefetch = 0 : i64, scratch_operands = 4 : i64, tpu.core_type = #tpu.core_type<tc>, window_params = [{transform_indices = @transform_0, window_bounds = array<i64: 1, 1000, 128>}, {transform_indices = @transform_1, window_bounds = array<i64: 1, 1000, 128>}, {transform_indices = @transform_2, window_bounds = array<i64: 1000, 1>}, {pipeline_mode = #tpu.pipeline_mode<synchronous>, transform_indices = @transform_3, window_bounds = array<i64: 1, 128>}, {pipeline_mode = #tpu.pipeline_mode<synchronous>, transform_indices = @transform_4, window_bounds = array<i64: 1, 128>}, {pipeline_mode = #tpu.pipeline_mode<synchronous>, transform_indices = @transform_5, window_bounds = array<i64: 1, 128>}, {transform_indices = @transform_6, window_bounds = array<i64: 1000, 128>}, {transform_indices = @transform_7, window_bounds = array<i64: 1, 1, 1000>}, {pipeline_mode = #tpu.pipeline_mode<synchronous>, transform_indices = @transform_8, window_bounds = array<i64: 128, 128>}, {pipeline_mode = #tpu.pipeline_mode<synchronous>, transform_indices = @transform_9, window_bounds = array<i64: 1, 128>}, {pipeline_mode = #tpu.pipeline_mode<synchronous>, transform_indices = @transform_10, window_bounds = array<i64: 128, 128>}, {pipeline_mode = #tpu.pipeline_mode<synchronous>, transform_indices = @transform_11, window_bounds = array<i64: 1, 128>}, {pipeline_mode = #tpu.pipeline_mode<synchronous>, transform_indices = @transform_12, window_bounds = array<i64: 128, 10>}, {pipeline_mode = #tpu.pipeline_mode<synchronous>, transform_indices = @transform_13, window_bounds = array<i64: 1, 10>}, {pipeline_mode = #tpu.pipeline_mode<synchronous>, transform_indices = @transform_14, window_bounds = array<i64: 128, 10>}]} {
    %eq3A = arith.constant 0 : i32
    %eq3A_0 = arith.cmpi eq, %arg0, %eq3A : i32
    %convert_element_type3A = arith.extui %eq3A_0 : i1 to i32
    %cond3A = arith.constant 0 : i32
    %cond3A_1 = arith.cmpi ne, %convert_element_type3A, %cond3A : i32
    scf.if %cond3A_1 {
      %eq3A_7 = arith.constant 0 : i32
      %eq3A_8 = arith.cmpi eq, %arg1, %eq3A_7 : i32
      %convert_element_type3A_9 = arith.extui %eq3A_8 : i1 to i32
      %cond3A_10 = arith.constant 0 : i32
      %cond3A_11 = arith.cmpi ne, %convert_element_type3A_9, %cond3A_10 : i32
      scf.if %cond3A_11 {
        %broadcast_in_dim3A_52 = arith.constant 0.000000e+00 : f32
        %broadcast_in_dim3A_53 = vector.broadcast %broadcast_in_dim3A_52 : f32 to vector<8x128xf32>
        %swap3A_54 = arith.constant 0 : index
        %swap3A_55 = arith.constant 0 : index
        %swap3A_56 = vector.load %arg18[%swap3A_54, %swap3A_55] : memref<8x128xf32, #tpu.memory_space<vmem>>, vector<8x128xf32>
        tpu.vector_store %arg18[%swap3A_54, %swap3A_55], %broadcast_in_dim3A_53 {strides = array<i32>} : memref<8x128xf32, #tpu.memory_space<vmem>>, vector<8x128xf32>,
      } else {
      }
      %get3A = arith.constant 0 : index
      %get3A_12 = arith.constant 0 : index
      %get3A_13 = arith.constant 0 : index
      %get3A_14 = vector.load %arg2[%get3A, %get3A_12, %get3A_13] : memref<1x1000x128xf32, #tpu.memory_space<vmem>>, vector<1x1000x128xf32>
      %reshape3A = vector.shape_cast %get3A_14 : vector<1x1000x128xf32> to vector<1000x128xf32>
      %get3A_15 = arith.constant 0 : index
      %get3A_16 = arith.constant 0 : index
      %get3A_17 = arith.constant 0 : index
      %get3A_18 = vector.load %arg3[%get3A_15, %get3A_16, %get3A_17] : memref<1x1000x128xf32, #tpu.memory_space<vmem>>, vector<1x1000x128xf32>
      %reshape3A_19 = vector.shape_cast %get3A_18 : vector<1x1000x128xf32> to vector<1000x128xf32>
      %add3A = arith.addf %reshape3A, %reshape3A_19 : vector<1000x128xf32>
      %get3A_20 = arith.constant 0 : index
      %get3A_21 = arith.constant 0 : index
      %get3A_22 = vector.load %arg4[%get3A_20, %get3A_21] : memref<1000x1xf32, #tpu.memory_space<vmem>>, vector<1000x1xf32>
      %mul3A = vector.broadcast %get3A_22 : vector<1000x1xf32> to vector<1000x128xf32>
      %mul3A_23 = arith.mulf %add3A, %mul3A : vector<1000x128xf32>
      %get3A_24 = arith.constant 0 : index
      %get3A_25 = arith.constant 0 : index
      %get3A_26 = vector.load %arg5[%get3A_24, %get3A_25] : memref<1x128xf32, #tpu.memory_space<vmem>>, vector<1x128xf32>
      %add3A_27 = vector.broadcast %get3A_26 : vector<1x128xf32> to vector<1000x128xf32>
      %add3A_28 = arith.addf %mul3A_23, %add3A_27 : vector<1000x128xf32>
      %mul3A_29 = arith.constant 1000 : i32
      %mul3A_30 = arith.muli %arg1, %mul3A_29 : i32
      %swap3A = arith.index_cast %mul3A_30 : i32 to index
      %swap3A_31 = arith.constant 0 : index
      %swap3A_32 = vector.load %arg17[%swap3A, %swap3A_31] : memref<10000x128xf32, #tpu.memory_space<vmem>>, vector<1000x128xf32>
      tpu.vector_store %arg17[%swap3A, %swap3A_31], %add3A_28 {strides = array<i32>} : memref<10000x128xf32, #tpu.memory_space<vmem>>, vector<1000x128xf32>,
      %get3A_33 = arith.constant 0 : index
      %get3A_34 = arith.constant 0 : index
      %get3A_35 = vector.load %arg18[%get3A_33, %get3A_34] : memref<8x128xf32, #tpu.memory_space<vmem>>, vector<1x128xf32>
      %reduce_sum3A = arith.constant dense<0.000000e+00> : vector<128xf32>
      %reduce_sum3A_36 = vector.multi_reduction <add>, %add3A_28, %reduce_sum3A [0] : vector<1000x128xf32> to vector<128xf32>
      %broadcast_in_dim3A = vector.shape_cast %reduce_sum3A_36 : vector<128xf32> to vector<1x128xf32>
      %add3A_37 = arith.addf %get3A_35, %broadcast_in_dim3A : vector<1x128xf32>
      %swap3A_38 = arith.constant 0 : index
      %swap3A_39 = arith.constant 0 : index
      %swap3A_40 = vector.load %arg18[%swap3A_38, %swap3A_39] : memref<8x128xf32, #tpu.memory_space<vmem>>, vector<1x128xf32>
      tpu.vector_store %arg18[%swap3A_38, %swap3A_39], %add3A_37 {strides = array<i32>} : memref<8x128xf32, #tpu.memory_space<vmem>>, vector<1x128xf32>,
      %get3A_41 = arith.constant 1 : index
      %get3A_42 = arith.constant 0 : index
      %get3A_43 = vector.load %arg18[%get3A_41, %get3A_42] : memref<8x128xf32, #tpu.memory_space<vmem>>, vector<1x128xf32>
      %mul3A_44 = arith.mulf %add3A_28, %add3A_28 : vector<1000x128xf32>
      %reduce_sum3A_45 = arith.constant dense<0.000000e+00> : vector<128xf32>
      %reduce_sum3A_46 = vector.multi_reduction <add>, %mul3A_44, %reduce_sum3A_45 [0] : vector<1000x128xf32> to vector<128xf32>
      %broadcast_in_dim3A_47 = vector.shape_cast %reduce_sum3A_46 : vector<128xf32> to vector<1x128xf32>
      %add3A_48 = arith.addf %get3A_43, %broadcast_in_dim3A_47 : vector<1x128xf32>
      %swap3A_49 = arith.constant 1 : index
      %swap3A_50 = arith.constant 0 : index
      %swap3A_51 = vector.load %arg18[%swap3A_49, %swap3A_50] : memref<8x128xf32, #tpu.memory_space<vmem>>, vector<1x128xf32>
      tpu.vector_store %arg18[%swap3A_49, %swap3A_50], %add3A_48 {strides = array<i32>} : memref<8x128xf32, #tpu.memory_space<vmem>>, vector<1x128xf32>,
    } else {
    }
    %eq3A_2 = arith.constant 1 : i32
    %eq3A_3 = arith.cmpi eq, %arg0, %eq3A_2 : i32
    %convert_element_type3A_4 = arith.extui %eq3A_3 : i1 to i32
    %cond3A_5 = arith.constant 0 : i32
    %cond3A_6 = arith.cmpi ne, %convert_element_type3A_4, %cond3A_5 : i32
    scf.if %cond3A_6 {
      %eq3A_7 = arith.constant 0 : i32
      %eq3A_8 = arith.cmpi eq, %arg1, %eq3A_7 : i32
      %convert_element_type3A_9 = arith.extui %eq3A_8 : i1 to i32
      %cond3A_10 = arith.constant 0 : i32
      %cond3A_11 = arith.cmpi ne, %convert_element_type3A_9, %cond3A_10 : i32
      scf.if %cond3A_11 {
        %broadcast_in_dim3A_77 = arith.constant 0.000000e+00 : f32
        %broadcast_in_dim3A_78 = vector.broadcast %broadcast_in_dim3A_77 : f32 to vector<128x128xf32>
        %swap3A_79 = arith.constant 0 : index
        %swap3A_80 = arith.constant 0 : index
        %swap3A_81 = vector.load %arg19[%swap3A_79, %swap3A_80] : memref<128x128xf32, #tpu.memory_space<vmem>>, vector<128x128xf32>
        tpu.vector_store %arg19[%swap3A_79, %swap3A_80], %broadcast_in_dim3A_78 {strides = array<i32>} : memref<128x128xf32, #tpu.memory_space<vmem>>, vector<128x128xf32>,
        %broadcast_in_dim3A_82 = arith.constant 0.000000e+00 : f32
        %broadcast_in_dim3A_83 = vector.broadcast %broadcast_in_dim3A_82 : f32 to vector<128x1xf32>
        %swap3A_84 = arith.constant 0 : index
        %swap3A_85 = arith.constant 0 : index
        %swap3A_86 = vector.load %arg20[%swap3A_84, %swap3A_85] : memref<128x1xf32, #tpu.memory_space<vmem>>, vector<128x1xf32>
        tpu.vector_store %arg20[%swap3A_84, %swap3A_85], %broadcast_in_dim3A_83 {strides = array<i32>} : memref<128x1xf32, #tpu.memory_space<vmem>>, vector<128x1xf32>,
      } else {
      }
      %mul3A = arith.constant 1000 : i32
      %mul3A_12 = arith.muli %arg1, %mul3A : i32
      %get3A = arith.index_cast %mul3A_12 : i32 to index
      %get3A_13 = arith.constant 0 : index
      %get3A_14 = vector.load %arg17[%get3A, %get3A_13] : memref<10000x128xf32, #tpu.memory_space<vmem>>, vector<1000x128xf32>
      %get3A_15 = arith.constant 0 : index
      %get3A_16 = arith.constant 0 : index
      %get3A_17 = vector.load %arg18[%get3A_15, %get3A_16] : memref<8x128xf32, #tpu.memory_space<vmem>>, vector<8x128xf32>
      %get3A_18 = arith.constant 0 : index
      %get3A_19 = arith.constant 0 : index
      %get3A_20 = vector.load %arg6[%get3A_18, %get3A_19] : memref<1x128xf32, #tpu.memory_space<vmem>>, vector<1x128xf32>
      %get3A_21 = arith.constant 0 : index
      %get3A_22 = arith.constant 0 : index
      %get3A_23 = vector.load %arg7[%get3A_21, %get3A_22] : memref<1x128xf32, #tpu.memory_space<vmem>>, vector<1x128xf32>
      %get3A_24 = arith.constant 0 : index
      %get3A_25 = arith.constant 0 : index
      %get3A_26 = vector.load %arg8[%get3A_24, %get3A_25] : memref<1000x128xf32, #tpu.memory_space<vmem>>, vector<1000x128xf32>
      %slice3A = vector.extract_strided_slice %get3A_17 {offsets = [0, 0], sizes = [1, 128], strides = [1, 1]} : vector<8x128xf32> to vector<1x128xf32>
      %div3A = arith.constant 1.000000e+04 : f32
      %div3A_27 = vector.broadcast %div3A : f32 to vector<1x128xf32>
      %div3A_28 = arith.divf %slice3A, %div3A_27 : vector<1x128xf32>
      %slice3A_29 = vector.extract_strided_slice %get3A_17 {offsets = [1, 0], sizes = [1, 128], strides = [1, 1]} : vector<8x128xf32> to vector<1x128xf32>
      %div3A_30 = arith.constant 1.000000e+04 : f32
      %div3A_31 = vector.broadcast %div3A_30 : f32 to vector<1x128xf32>
      %div3A_32 = arith.divf %slice3A_29, %div3A_31 : vector<1x128xf32>
      %mul3A_33 = arith.mulf %div3A_28, %div3A_28 : vector<1x128xf32>
      %sub3A = arith.subf %div3A_32, %mul3A_33 : vector<1x128xf32>
      %sub3A_34 = vector.broadcast %div3A_28 : vector<1x128xf32> to vector<1000x128xf32>
      %sub3A_35 = arith.subf %get3A_14, %sub3A_34 : vector<1000x128xf32>
      %mul3A_36 = vector.broadcast %get3A_20 : vector<1x128xf32> to vector<1000x128xf32>
      %mul3A_37 = arith.mulf %mul3A_36, %sub3A_35 : vector<1000x128xf32>
      %add3A = arith.constant 9.99999974E-6 : f32
      %add3A_38 = vector.broadcast %add3A : f32 to vector<1x128xf32>
      %add3A_39 = arith.addf %sub3A, %add3A_38 : vector<1x128xf32>
      %rsqrt3A = math.rsqrt %add3A_39 : vector<1x128xf32>
      %mul3A_40 = vector.broadcast %rsqrt3A : vector<1x128xf32> to vector<1000x128xf32>
      %mul3A_41 = arith.mulf %mul3A_37, %mul3A_40 : vector<1000x128xf32>
      %add3A_42 = vector.broadcast %get3A_23 : vector<1x128xf32> to vector<1000x128xf32>
      %add3A_43 = arith.addf %mul3A_41, %add3A_42 : vector<1000x128xf32>
      %max3A = arith.constant 0.000000e+00 : f32
      %max3A_44 = vector.broadcast %max3A : f32 to vector<1000x128xf32>
      %max3A_45 = arith.maximumf %add3A_43, %max3A_44 : vector<1000x128xf32>
      %add3A_46 = arith.addf %max3A_45, %get3A_26 : vector<1000x128xf32>
      %get3A_47 = arith.constant 0 : index
      %get3A_48 = arith.constant 0 : index
      %get3A_49 = arith.constant 0 : index
      %get3A_50 = vector.load %arg9[%get3A_47, %get3A_48, %get3A_49] : memref<1x1x1000xi32, #tpu.memory_space<vmem>>, vector<1x1x1000xi32>
      %reshape3A = vector.shape_cast %get3A_50 : vector<1x1x1000xi32> to vector<1x1000xi32>
      %iota3A = tpu.iota {dimensions = array<i32: 0>} : vector<128x1000xi32>
      %eq3A_51 = vector.broadcast %reshape3A : vector<1x1000xi32> to vector<128x1000xi32>
      %eq3A_52 = arith.cmpi eq, %eq3A_51, %iota3A : vector<128x1000xi32>
      %convert_element_type3A_53 = arith.extui %eq3A_52 : vector<128x1000xi1> to vector<128x1000xi32>
      %convert_element_type3A_54 = arith.sitofp %convert_element_type3A_53 : vector<128x1000xi32> to vector<128x1000xf32>
      %get3A_55 = arith.constant 0 : index
      %get3A_56 = arith.constant 0 : index
      %get3A_57 = vector.load %arg19[%get3A_55, %get3A_56] : memref<128x128xf32, #tpu.memory_space<vmem>>, vector<128x128xf32>
      %dot_general3A = arith.constant dense<0.000000e+00> : vector<128x128xf32>
      %dot_general3A_58 = tpu.matmul %convert_element_type3A_54, %add3A_46, %dot_general3A {dimension_numbers = #tpu.dot_dimension_numbers<[1], [0], [0], [1], [0, 0, 1, 1], [], []>, transpose_lhs_hint = false} : vector<128x1000xf32>, vector<1000x128xf32>, vector<128x128xf32> -> vector<128x128xf32>
      %add3A_59 = arith.addf %get3A_57, %dot_general3A_58 : vector<128x128xf32>
      %swap3A = arith.constant 0 : index
      %swap3A_60 = arith.constant 0 : index
      %swap3A_61 = vector.load %arg19[%swap3A, %swap3A_60] : memref<128x128xf32, #tpu.memory_space<vmem>>, vector<128x128xf32>
      tpu.vector_store %arg19[%swap3A, %swap3A_60], %add3A_59 {strides = array<i32>} : memref<128x128xf32, #tpu.memory_space<vmem>>, vector<128x128xf32>,
      %broadcast_in_dim3A = arith.constant 1.000000e+00 : f32
      %broadcast_in_dim3A_62 = vector.broadcast %broadcast_in_dim3A : f32 to vector<1000x1xf32>
      %get3A_63 = arith.constant 0 : index
      %get3A_64 = arith.constant 0 : index
      %get3A_65 = vector.load %arg20[%get3A_63, %get3A_64] : memref<128x1xf32, #tpu.memory_space<vmem>>, vector<128x1xf32>
      %dot_general3A_66 = arith.constant dense<0.000000e+00> : vector<128x1xf32>
      %dot_general3A_67 = tpu.matmul %convert_element_type3A_54, %broadcast_in_dim3A_62, %dot_general3A_66 {dimension_numbers = #tpu.dot_dimension_numbers<[1], [0], [0], [1], [0, 0, 1, 1], [], []>, transpose_lhs_hint = false} : vector<128x1000xf32>, vector<1000x1xf32>, vector<128x1xf32> -> vector<128x1xf32>
      %add3A_68 = arith.addf %get3A_65, %dot_general3A_67 : vector<128x1xf32>
      %swap3A_69 = arith.constant 0 : index
      %swap3A_70 = arith.constant 0 : index
      %swap3A_71 = vector.load %arg20[%swap3A_69, %swap3A_70] : memref<128x1xf32, #tpu.memory_space<vmem>>, vector<128x1xf32>
      tpu.vector_store %arg20[%swap3A_69, %swap3A_70], %add3A_68 {strides = array<i32>} : memref<128x1xf32, #tpu.memory_space<vmem>>, vector<128x1xf32>,
      %eq3A_72 = arith.constant 9 : i32
      %eq3A_73 = arith.cmpi eq, %arg1, %eq3A_72 : i32
      %convert_element_type3A_74 = arith.extui %eq3A_73 : i1 to i32
      %cond3A_75 = arith.constant 0 : i32
      %cond3A_76 = arith.cmpi ne, %convert_element_type3A_74, %cond3A_75 : i32
      scf.if %cond3A_76 {
        %get3A_77 = arith.constant 0 : index
        %get3A_78 = arith.constant 0 : index
        %get3A_79 = vector.load %arg19[%get3A_77, %get3A_78] : memref<128x128xf32, #tpu.memory_space<vmem>>, vector<128x128xf32>
        %get3A_80 = arith.constant 0 : index
        %get3A_81 = arith.constant 0 : index
        %get3A_82 = vector.load %arg20[%get3A_80, %get3A_81] : memref<128x1xf32, #tpu.memory_space<vmem>>, vector<128x1xf32>
        %max3A_83 = arith.constant 1.000000e+00 : f32
        %max3A_84 = vector.broadcast %max3A_83 : f32 to vector<128x1xf32>
        %max3A_85 = arith.maximumf %get3A_82, %max3A_84 : vector<128x1xf32>
        %div3A_86 = vector.broadcast %max3A_85 : vector<128x1xf32> to vector<128x128xf32>
        %div3A_87 = arith.divf %get3A_79, %div3A_86 : vector<128x128xf32>
        %get3A_88 = arith.constant 0 : index
        %get3A_89 = arith.constant 0 : index
        %get3A_90 = vector.load %arg10[%get3A_88, %get3A_89] : memref<128x128xf32, #tpu.memory_space<vmem>>, vector<128x128xf32>
        %dot_general3A_91 = arith.constant dense<0.000000e+00> : vector<128x128xf32>
        %dot_general3A_92 = tpu.matmul %div3A_87, %get3A_90, %dot_general3A_91 {dimension_numbers = #tpu.dot_dimension_numbers<[1], [0], [0], [1], [0, 0, 1, 1], [], []>, transpose_lhs_hint = false} : vector<128x128xf32>, vector<128x128xf32>, vector<128x128xf32> -> vector<128x128xf32>
        %get3A_93 = arith.constant 0 : index
        %get3A_94 = arith.constant 0 : index
        %get3A_95 = vector.load %arg11[%get3A_93, %get3A_94] : memref<1x128xf32, #tpu.memory_space<vmem>>, vector<1x128xf32>
        %add3A_96 = vector.broadcast %get3A_95 : vector<1x128xf32> to vector<128x128xf32>
        %add3A_97 = arith.addf %dot_general3A_92, %add3A_96 : vector<128x128xf32>
        %max3A_98 = arith.constant 0.000000e+00 : f32
        %max3A_99 = vector.broadcast %max3A_98 : f32 to vector<128x128xf32>
        %max3A_100 = arith.maximumf %add3A_97, %max3A_99 : vector<128x128xf32>
        %get3A_101 = arith.constant 0 : index
        %get3A_102 = arith.constant 0 : index
        %get3A_103 = vector.load %arg12[%get3A_101, %get3A_102] : memref<128x128xf32, #tpu.memory_space<vmem>>, vector<128x128xf32>
        %dot_general3A_104 = arith.constant dense<0.000000e+00> : vector<128x128xf32>
        %dot_general3A_105 = tpu.matmul %max3A_100, %get3A_103, %dot_general3A_104 {dimension_numbers = #tpu.dot_dimension_numbers<[1], [0], [0], [1], [0, 0, 1, 1], [], []>, transpose_lhs_hint = false} : vector<128x128xf32>, vector<128x128xf32>, vector<128x128xf32> -> vector<128x128xf32>
        %get3A_106 = arith.constant 0 : index
        %get3A_107 = arith.constant 0 : index
        %get3A_108 = vector.load %arg13[%get3A_106, %get3A_107] : memref<1x128xf32, #tpu.memory_space<vmem>>, vector<1x128xf32>
        %add3A_109 = vector.broadcast %get3A_108 : vector<1x128xf32> to vector<128x128xf32>
        %add3A_110 = arith.addf %dot_general3A_105, %add3A_109 : vector<128x128xf32>
        %max3A_111 = arith.constant 0.000000e+00 : f32
        %max3A_112 = vector.broadcast %max3A_111 : f32 to vector<128x128xf32>
        %max3A_113 = arith.maximumf %add3A_110, %max3A_112 : vector<128x128xf32>
        %get3A_114 = arith.constant 0 : index
        %get3A_115 = arith.constant 0 : index
        %get3A_116 = vector.load %arg14[%get3A_114, %get3A_115] : memref<128x10xf32, #tpu.memory_space<vmem>>, vector<128x10xf32>
        %dot_general3A_117 = arith.constant dense<0.000000e+00> : vector<128x10xf32>
        %dot_general3A_118 = tpu.matmul %max3A_113, %get3A_116, %dot_general3A_117 {dimension_numbers = #tpu.dot_dimension_numbers<[1], [0], [0], [1], [0, 0, 1, 1], [], []>, transpose_lhs_hint = false} : vector<128x128xf32>, vector<128x10xf32>, vector<128x10xf32> -> vector<128x10xf32>
        %get3A_119 = arith.constant 0 : index
        %get3A_120 = arith.constant 0 : index
        %get3A_121 = vector.load %arg15[%get3A_119, %get3A_120] : memref<1x10xf32, #tpu.memory_space<vmem>>, vector<1x10xf32>
        %add3A_122 = vector.broadcast %get3A_121 : vector<1x10xf32> to vector<128x10xf32>
        %add3A_123 = arith.addf %dot_general3A_118, %add3A_122 : vector<128x10xf32>
        %swap3A_124 = arith.constant 0 : index
        %swap3A_125 = arith.constant 0 : index
        %swap3A_126 = vector.load %arg16[%swap3A_124, %swap3A_125] : memref<128x10xf32, #tpu.memory_space<vmem>>, vector<128x10xf32>
        tpu.vector_store %arg16[%swap3A_124, %swap3A_125], %add3A_123 {strides = array<i32>} : memref<128x10xf32, #tpu.memory_space<vmem>>, vector<128x10xf32>,
      } else {
      }
    } else {
    }
    return
  }
  func.func @transform_0(%arg0: i32, %arg1: i32) -> (i32, i32, i32) {
    %c0_i32 = arith.constant 0 : i32
    %c0_i32_0 = arith.constant 0 : i32
    %c0_i32_1 = arith.constant 0 : i32
    return %c0_i32, %arg1, %c0_i32_0 : i32, i32, i32
  }
  func.func @transform_1(%arg0: i32, %arg1: i32) -> (i32, i32, i32) {
    %c1_i32 = arith.constant 1 : i32
    %c0_i32 = arith.constant 0 : i32
    %c0_i32_0 = arith.constant 0 : i32
    return %c1_i32, %arg1, %c0_i32 : i32, i32, i32
  }
  func.func @transform_2(%arg0: i32, %arg1: i32) -> (i32, i32) {
    %c0_i32 = arith.constant 0 : i32
    %c0_i32_0 = arith.constant 0 : i32
    return %arg1, %c0_i32 : i32, i32
  }
  func.func @transform_3(%arg0: i32, %arg1: i32) -> (i32, i32) {
    %c0_i32 = arith.constant 0 : i32
    %c0_i32_0 = arith.constant 0 : i32
    %c0_i32_1 = arith.constant 0 : i32
    return %c0_i32, %c0_i32_0 : i32, i32
  }
  func.func @transform_4(%arg0: i32, %arg1: i32) -> (i32, i32) {
    %c0_i32 = arith.constant 0 : i32
    %c0_i32_0 = arith.constant 0 : i32
    %c0_i32_1 = arith.constant 0 : i32
    return %c0_i32, %c0_i32_0 : i32, i32
  }
  func.func @transform_5(%arg0: i32, %arg1: i32) -> (i32, i32) {
    %c0_i32 = arith.constant 0 : i32
    %c0_i32_0 = arith.constant 0 : i32
    %c0_i32_1 = arith.constant 0 : i32
    return %c0_i32, %c0_i32_0 : i32, i32
  }
  func.func @transform_6(%arg0: i32, %arg1: i32) -> (i32, i32) {
    %c0_i32 = arith.constant 0 : i32
    %c0_i32_0 = arith.constant 0 : i32
    return %arg1, %c0_i32 : i32, i32
  }
  func.func @transform_7(%arg0: i32, %arg1: i32) -> (i32, i32, i32) {
    %c0_i32 = arith.constant 0 : i32
    %c0_i32_0 = arith.constant 0 : i32
    %c0_i32_1 = arith.constant 0 : i32
    return %arg1, %c0_i32, %c0_i32_0 : i32, i32, i32
  }
  func.func @transform_8(%arg0: i32, %arg1: i32) -> (i32, i32) {
    %c0_i32 = arith.constant 0 : i32
    %c0_i32_0 = arith.constant 0 : i32
    %c0_i32_1 = arith.constant 0 : i32
    return %c0_i32, %c0_i32_0 : i32, i32
  }
  func.func @transform_9(%arg0: i32, %arg1: i32) -> (i32, i32) {
    %c0_i32 = arith.constant 0 : i32
    %c0_i32_0 = arith.constant 0 : i32
    %c0_i32_1 = arith.constant 0 : i32
    return %c0_i32, %c0_i32_0 : i32, i32
  }
  func.func @transform_10(%arg0: i32, %arg1: i32) -> (i32, i32) {
    %c0_i32 = arith.constant 0 : i32
    %c0_i32_0 = arith.constant 0 : i32
    %c0_i32_1 = arith.constant 0 : i32
    return %c0_i32, %c0_i32_0 : i32, i32
  }
  func.func @transform_11(%arg0: i32, %arg1: i32) -> (i32, i32) {
    %c0_i32 = arith.constant 0 : i32
    %c0_i32_0 = arith.constant 0 : i32
    %c0_i32_1 = arith.constant 0 : i32
    return %c0_i32, %c0_i32_0 : i32, i32
  }
  func.func @transform_12(%arg0: i32, %arg1: i32) -> (i32, i32) {
    %c0_i32 = arith.constant 0 : i32
    %c0_i32_0 = arith.constant 0 : i32
    %c0_i32_1 = arith.constant 0 : i32
    return %c0_i32, %c0_i32_0 : i32, i32
  }
  func.func @transform_13(%arg0: i32, %arg1: i32) -> (i32, i32) {
    %c0_i32 = arith.constant 0 : i32
    %c0_i32_0 = arith.constant 0 : i32
    %c0_i32_1 = arith.constant 0 : i32
    return %c0_i32, %c0_i32_0 : i32, i32
  }
  func.func @transform_14(%arg0: i32, %arg1: i32) -> (i32, i32) {
    %c0_i32 = arith.constant 0 : i32
    %c0_i32_0 = arith.constant 0 : i32
    %c0_i32_1 = arith.constant 0 : i32
    return %c0_i32, %c0_i32_0 : i32, i32
  }
}

</mosaic_0001>

<sc_bundles>
// kernel: kernel.10.cloned.1.call-start
scs
__scs_entry_jumppad:
0x0: {  	(pc) =	sbr.rel $0x88, $3  }
0x1: {  	(tag) =	ssettag $0x0;
	lr =	simm.s32 $0x1  }
0x2: {  	[smem:$0x3F92] =	sst lr;
	_ =	strace $0xD0000000  }
0x3: {  	_ = 	snop  }
0x4: {  	_ = 	snop  }
0x5: {  	_ = 	snop  }
0x6: {  	_ = 	snop  }
0x7: {  	_ = 	snop  }
__scs_overlays_trampoline_lowered:
0x8: {  	[smem:$0x3FA1] =	sst s0  }
0x9: {  	[smem:$0x3FA2] =	sst s1  }
0xa: {  	[smem:$0x3FA3] =	sst s2  }
0xb: {  	[smem:$0x3FA4] =	sst s3  }
0xc: {  	[smem:$0x3FA5] =	sst s4  }
0xd: {  	[smem:$0x3FA6] =	sst s5  }
0xe: {  	[smem:$0x3FA7] =	sst s6  }
0xf: {  	[smem:$0x3FA8] =	sst s7  }
0x10: {  	[smem:$0x3FA9] =	sst s8  }
0x11: {  	[smem:$0x3FAA] =	sst s9;
	s0 =	simm.s32 @!p0 $0x0  }
0x12: {  	s1 =	sld [smem:$0x3F90];
	s0 =	simm.s32 @p0 $0x1  }
0x13: {  	[smem:$0x3FAB] =	sst s0;
	s0 =	simm.s32 @!p1 $0x0  }
0x14: {  	s2 =	sld [smem:$0x3F8F];
	s0 =	simm.s32 @p1 $0x1  }
0x15: {  	[smem:$0x3FAC] =	sst s0;
	s0 =	simm.s32 @!p2 $0x0  }
0x16: {  	s3 =	sld [smem:$0x3FDB];
	s0 =	simm.s32 @p2 $0x1  }
0x17: {  	s4 =	simm.s32 $0x1BF5;
	[smem:$0x3FAE] =	sst s0  }
0x18: {  	s0 =	sld [smem:$0x3F91];
	_ =	swait.ge [sflag:s4], $0x0  }
0x19: {  	s7 =	sld [smem:$0x3F92]  }
0x1a: {  	s8 =	sadd.s32 $0xFFFFE003, lr  }
0x1b: {  	s9 =	sadd.s32 $0xFFFFFEF7, lr;
	s5 =	simm.s32 $0xFFFFFFFF;
	p2 =	slt.u32 s8, $0xFFFFF086  }
0x1c: {  	p1 =	slt.u32 s9, $0xF7A;
	s5 =	simm.s32 @!p2 $0x0  }
0x1d: {  	s5 =	simm.s32 @p1 $0x1;
	p0 =	seq.s32 s7, s2  }
0x1e: {  	s7 =	smul.u32 @!p0 $0xF7A, s2;
	p2 =	seq.s32 @!p0 s5, $0x0  }
0x1f: {  	s9 =	smul.u32 $0xF7A, s1;
	s8 =	simm.s32 @!p0 $0x1BF5;
	p2 =	por !p2, p0  }
0x20: {  	[sflag:s8] =	ssyncset.s32 @!p0 $0xFFFFF086;
	s6 =	sadd.s32 @!p0 s3, s7;
	s7 =	simm.s32 @!p0 $0x108  }
0x21: {  	s3 =	sadd.s32 s3, s9;
	s6 =	sadd.s32 @!p0 $0x88, s6;
	s7 =	simm.s32 @p2 $0x1082  }
0x22: {  	[simem:s7], [sflag:s8] =	dma.local @!p0 [hbm:s6], $0xF7A  }
0x23: {  	s9 =	sor.u32 $0xD0000000, s2;
	s6 =	simm.s32 $0x108;
	_ =	swait.ge @!p0 [sflag:s8], $0x0  }
0x24: {  	s3 =	sadd.s32 $0x88, s3;
	s6 =	simm.s32 @!p1 $0x1082;
	[sflag:s4] =	ssyncset.s32 $0xFFFFF086  }
0x25: {  	[simem:s6], [sflag:s4] =	dma.local [hbm:s3], $0xF7A  }
0x26: {  	[smem:$0x3F92] =	sst s1;
	(tag) =	ssettag s2;
	_ =	strace s9  }
0x27: {  	s1 =	sld [smem:$0x3FA2]  }
0x28: {  	s2 =	sld [smem:$0x3FA3]  }
0x29: {  	s4 =	sld [smem:$0x3FA5]  }
0x2a: {  	p0 =	seq.s32 s5, $0x0;
	s5 =	sld [smem:$0x3FA6]  }
0x2b: {  	s6 =	sld [smem:$0x3FA7]  }
0x2c: {  	s7 =	sld [smem:$0x3FA8]  }
0x2d: {  	s3 =	simm.s32 $0x108;
	s8 =	sld [smem:$0x3FA9]  }
0x2e: {  	s3 =	simm.s32 @!p0 $0x1082;
	s9 =	sld [smem:$0x3FAA]  }
0x2f: {  	lr =	sadd.s32 s0, s3;
	s0 =	sld [smem:$0x3FA1]  }
0x30: {  	s3 =	sld [smem:$0x3FA4]  }
0x31: {  	[smem:$0x3FAD] =	sst s10  }
0x32: {  	s10 =	sld [smem:$0x3FAB];
	_ =	sdelay $0x3  }
0x33: {  	p0 =	seq.s32 s10, $0x1;
	s10 =	sld [smem:$0x3FAD];
	_ =	sdelay $0x3  }
0x34: {  	[smem:$0x3FAD] =	sst s10  }
0x35: {  	s10 =	sld [smem:$0x3FAC];
	_ =	sdelay $0x3  }
0x36: {  	p1 =	seq.s32 s10, $0x1;
	s10 =	sld [smem:$0x3FAD];
	_ =	sdelay $0x3  }
0x37: {  	[smem:$0x3FAD] =	sst s10  }
0x38: {  	s10 =	sld [smem:$0x3FAE]  }
0x39: {  	_ = 	snop;
	(pc) =	sbr.ind lr, $3  }
0x3a: {  	_ = 	snop  }
0x3b: {  	_ = 	snop  }
0x3c: {  	p2 =	seq.s32 s10, $0x1;
	s10 =	sld [smem:$0x3FAD]  }
0x3d: {  	_ =	shalt  }
0x3e: {  	_ =	shalt  }
0x3f: {  	_ =	shalt  }
0x40: {  	_ =	shalt  }
0x41: {  	_ =	shalt  }
0x42: {  	_ =	shalt  }
0x43: {  	_ =	shalt  }
0x44: {  	_ =	shalt  }
0x45: {  	_ =	shalt  }
0x46: {  	_ =	shalt  }
0x47: {  	_ =	shalt  }
0x48: {  	_ =	shalt  }
0x49: {  	_ =	shalt  }
0x4a: {  	_ =	shalt  }
0x4b: {  	_ =	shalt  }
0x4c: {  	_ =	shalt  }
0x4d: {  	_ =	shalt  }
0x4e: {  	_ =	shalt  }
0x4f: {  	_ =	shalt  }
0x50: {  	_ =	shalt  }
0x51: {  	_ =	shalt  }
0x52: {  	_ =	shalt  }
0x53: {  	_ =	shalt  }
0x54: {  	_ =	shalt  }
0x55: {  	_ =	shalt  }
0x56: {  	_ =	shalt  }
0x57: {  	_ =	shalt  }
0x58: {  	_ =	shalt  }
0x59: {  	_ =	shalt  }
0x5a: {  	_ =	shalt  }
0x5b: {  	_ =	shalt  }
0x5c: {  	_ =	shalt  }
0x5d: {  	_ =	shalt  }
0x5e: {  	_ =	shalt  }
0x5f: {  	_ =	shalt  }
0x60: {  	_ =	shalt  }
0x61: {  	_ =	shalt  }
0x62: {  	_ =	shalt  }
0x63: {  	_ =	shalt  }
0x64: {  	_ =	shalt  }
0x65: {  	_ =	shalt  }
0x66: {  	_ =	shalt  }
0x67: {  	_ =	shalt  }
0x68: {  	_ =	shalt  }
0x69: {  	_ =	shalt  }
0x6a: {  	_ =	shalt  }
0x6b: {  	_ =	shalt  }
0x6c: {  	_ =	shalt  }
0x6d: {  	_ =	shalt  }
0x6e: {  	_ =	shalt  }
0x6f: {  	_ =	shalt  }
0x70: {  	_ =	shalt  }
0x71: {  	_ =	shalt  }
0x72: {  	_ =	shalt  }
0x73: {  	_ =	shalt  }
0x74: {  	_ =	shalt  }
0x75: {  	_ =	shalt  }
0x76: {  	_ =	shalt  }
0x77: {  	_ =	shalt  }
0x78: {  	_ =	shalt  }
0x79: {  	_ =	shalt  }
0x7a: {  	_ =	shalt  }
0x7b: {  	_ =	shalt  }
0x7c: {  	_ =	shalt  }
0x7d: {  	_ =	shalt  }
0x7e: {  	_ =	shalt  }
0x7f: {  	_ =	shalt  }
0x80: {  	_ =	shalt  }
0x81: {  	_ =	shalt  }
0x82: {  	_ =	shalt  }
0x83: {  	_ =	shalt  }
0x84: {  	_ =	shalt  }
0x85: {  	_ =	shalt  }
0x86: {  	_ =	shalt  }
0x87: {  	_ =	shalt  }
.Lfunc_end0:
.L_simem_size_0:
called_computation_lowered:
.L_overlay_start_0:
0x88: {  	s2 =	sld [smem:$0x3FD9]  }
0x89: {  	s3 =	sld [smem:$0x3FFE];
	_ =	sdelay $0x1  }
0x8a: {  	s1 =	srdreg.scid  }
0x8b: {  	s0 =	sand.u32 $0x1, s1  }
0x8c: {  	s17 =	sshll.u32 s0, $0xA;
	s2 =	sadd.s32 s3, s2  }
0x8d: {  	s2 =	sadd.s32 s2, s17  }
0x8e: {  	[smem:$0x3FB9] =	sst s2  }
0x8f: {  	_ = 	snop  }
0x90: {  	s2 =	sld [smem:$0x3FD0];
	(tm) =	ssettm $0x1  }
0x91: {  	s18 =	sld [smem:$0x3FFB];
	_ =	sdelay $0x3  }
0x92: {  	_ =	strace s18  }
0x93: {  	s3 =	sld [smem:$0x3FFC];
	_ =	sdelay $0x3  }
0x94: {  	_ =	strace s3  }
0x95: {  	s3 =	sld [smem:$0x3FFD];
	_ =	sdelay $0x3  }
0x96: {  	_ =	strace s3  }
0x97: {  	_ =	strace $0x8FFFFFFF  }
0x98: {  	s19 =	sld [smem:$0x3FDB];
	_ =	sdelay $0x1  }
0x99: {  	s4 =	simm.s32 $_scs_section_size  }
0x9a: {  	s5 =	simm.s32 $_size__tile_overlayer_lowered;
	s6 =	simm.s32 $_tile_overlayer_lowered  }
0x9b: {  	s22 =	simm.s32 $0x1BFF;
	s21 =	sshll.u32 s6, $0x1;
	s3 =	sadd.s32 s4, s19  }
0x9c: {  	s7 =	simm.s32 $0x0;
	s20 =	sshll.u32 s5, $0x1;
	s5 =	sadd.s32 s21, s3  }
0x9d: {  	[timem:s7], [sflag:s22] =	dma.local [hbm:s5], s20  }
0x9e: {  	_ =	swait.ge [sflag:s22], s20  }
0x9f: {  	s4 =	ssub.s32 $0x0, s20;
	[sflag:s22] =	ssyncset.done $0x0  }
0xa0: {  	[sflag:s22] =	ssyncadd.s32 s4;
	_ =	sdelay $0x1  }
0xa1: {  	s23 =	simm.s32 $0x1B8B  }
0xa2: {  	_ =	swait.ge [sflag:s23], $0x1  }
0xa3: {  	[sflag:s23] =	ssyncset.done $0x0  }
0xa4: {  	s25 =	simm.s32 $0x1B8E;
	s24 =	sld [smem:$0x3FFE];
	[sflag:s23] =	ssyncadd.s32 $0xFFFFFFFF  }
0xa5: {  	s26 =	simm.s32 $execute0_lowered;
	[smem:$0x3FD2] =	sst s25  }
0xa6: {  	s5 =	sshll.u32 s26, $0x1;
	_ =	strace $0x80000046;
	[dreg:$0x1] =	wrdreg $0xFFFFFFFF  }
0xa7: {  	s28 =	simm.s32 $_size_execute0_lowered;
	s3 =	sadd.s32 s3, s5;
	[dreg:$0x0] =	wrdreg $0x0  }
0xa8: {  	s5 =	sshll.u32 s28, $0x1;
	[dreg:$0x2] =	wrdreg s3  }
0xa9: {  	[dreg:$0x3] =	wrdreg s5  }
0xaa: {  	[dreg:$0x4] =	wrdreg $0xC0  }
0xab: {  	_ =	task [dreg:s7], $0x5FFFF  }
0xac: {  	[dreg:$0x1] =	wrdreg $0xFFFFFFFF  }
0xad: {  	[dreg:$0x0] =	wrdreg $0x60  }
0xae: {  	[dreg:$0x2] =	wrdreg s24  }
0xaf: {  	[dreg:$0x3] =	wrdreg s2  }
0xb0: {  	[dreg:$0x4] =	wrdreg $0x43000  }
0xb1: {  	[dreg:$0x5] =	wrdreg $0x9  }
0xb2: {  	_ =	task.clear_ibuf [dreg:s7], $0x6FFFF;
	_ =	strace $0x90000046  }
0xb3: {  	s29 =	simm.s32 $0x9;
	_ =	strace $0x80000048  }
0xb4: {  	_ =	swait.ge [sflag:s29], $0x1  }
0xb5: {  	[sflag:s29] =	ssyncadd.s32 $0xFFFFFFFF  }
0xb6: {  	_ =	strace $0x90000048  }
0xb7: {  	_ =	sfence  }
0xb8: {  	s30 =	sld [smem:$0x0];
	_ =	sdelay $0x2  }
0xb9: {  	s31 =	sshll.u32 s1, $0xD;
	s1 =	sshrl.u32 s1, $0x2  }
0xba: {  	s3 =	sand.u32 $0x4000, s31;
	s1 =	sadd.s32 s1, s30  }
0xbb: {  	s0 =	sor.u32 s3, s0;
	s1 =	sshll.u32 s1, $0x11  }
0xbc: {  	s0 =	sor.u32 s1, s0  }
0xbd: {  	s0 =	sadd.s32 $0x8F2B, s0  }
0xbe: {  	[sflag:s0] =	ssyncadd.remote.s32 $0x1  }
0xbf: {  	_ =	sfence.sel $0xFFFF  }
0xc0: {  	[dreg:$0x0] =	wrdreg $0xFFFFFFFF;
	(pc) =	sbr.abs _section_cstart, $3  }
0xc1: {  	[dreg:$0x1] =	wrdreg $0xFFFFFFFF  }
0xc2: {  	_ =	task.clear_ibuf [dreg:s7], $0x2FFFF;
	_ =	strace $0x9FFFFFFF  }
0xc3: {  	(tm) =	ssettm $0x7FFFFFFF  }
tec
execute0_lowered:
.L_overlay_start_1:
0x0: {  	(tag) =	ssettag $0x1  }
0x1: {  	s6 =	rddreg [dreg:$0x0]  }
0x2: {  	s2 =	rddreg [dreg:$0x1]  }
0x3: {  	s3 =	rddreg [dreg:$0x2]  }
0x4: {  	s0 =	rddreg [dreg:$0x3]  }
0x5: {  	s1 =	stileid.u32;
	s5 =	srdreg.scid  }
0x6: {  	s4 =	simm.s32 $0x0;
	s13 =	simm.s32 $0x50;
	s14 =	simm.s32 $0x1  }
0x7: {  	s15 =	simm.s32 $0x0;
	s7 =	sand.u32 $0x1, s5;
	s8 =	smul.u32 $0x280, s1  }
0x8: {  	[smem:$0x7FF] =	sst s4;
	s30 =	sshll.u32 s1, $0xB;
	s5 =	sadd.s32 $0x24800, s6  }
0x9: {  	s9 =	smul.u32 $0x2800, s7;
	_ =	strace $0x80000047;
	s11 =	ssub.s32 $0x2, s7  }
0xa: {  	s10 =	sadd.s32 s30, s6;
	s7 =	sshll.u32 s7, $0xF;
	s12 =	sshrl.u32 s11, $0x1  }
0xb: {  	s7 =	sadd.s32 s7, s10;
	s10 =	simm.s32 $0x2;
	s9 =	sadd.s32 s8, s9  }
0xc: {  	s31 =	ssub.s32 s11, s12;
	s11 =	simm.s32 $0x4080;
	s9 =	sshrl.u32 s9, $0x3  }
0xd: {  	s12 =	simm.s32 $0x4000;
	s9 =	sadd.s32 s9, s6;
	s6 =	sadd.s32 $0x14800, s7  }
0xe: {  	s7 =	sadd.s32 s8, s3;
	s8 =	sadd.s32 $0x24A00, s9;
	s9 =	smax.u32 s31, $0x1  }
.LBB2_1:
0xf: {  	[tilespmem:s4], [sflag:$0x2] =	stream.linear.gather [hbm4b:s6+s4], $0x3E80, $0x38;
	[tilespmem:$0x4580] =	vst v63  }
0x10: {  	_ =	swait.ge [sflag:s10], $0x3E80  }
0x11: {  	[sflag:s10] =	ssyncset.done $0x0  }
0x12: {  	[sflag:s10] =	ssyncadd.s32 $0xFFFFC180  }
0x13: {  	[tilespmem:s11], [sflag:$0x2] =	stream.linear.gather [hbm4b:s2+s4], $0x280, $0x38;
	[tilespmem:$0x4580] =	vst v63  }
0x14: {  	_ =	swait.ge [sflag:s10], $0x280  }
0x15: {  	[sflag:s10] =	ssyncset.done $0x0  }
0x16: {  	[sflag:s10] =	ssyncadd.s32 $0xFFFFFD80  }
0x17: {  	[spmem:s7] =	stream.linear.scatter [tilespmem:s11], [sflag:$0x2], $0x280, $0x38;
	[tilespmem:$0x4580] =	vst v63  }
0x18: {  	_ =	swait.ge [sflag:s10], $0x280  }
0x19: {  	[sflag:s10] =	ssyncset.done $0x0  }
0x1a: {  	[sflag:s10] =	ssyncadd.s32 $0xFFFFFD80  }
0x1b: {  	[tilespmem:s12], [sflag:$0x2] =	stream.linear.gather [hbm4b:s5+s4], $0x80, $0x38;
	[tilespmem:$0x4580] =	vst v63  }
0x1c: {  	_ =	swait.ge [sflag:s10], $0x80  }
0x1d: {  	[sflag:s10] =	ssyncset.done $0x0  }
0x1e: {  	[sflag:s10] =	ssyncadd.s32 $0xFFFFFF80  }
0x1f: {  	s16 =	simm.s32 $0x0;
	[bflag:$0x0] =	sbarrier.arrive $0xFFFF  }
.LBB2_2:
0x20: {  	p0 =	sne.s32 s16, $0xF800  }
.Ltmp0:
0x21: {  	_ = 	snop;
	(pc) =	sbr.rel @p0 .LBB2_2-.Ltmp0, $3  }
0x22: {  	_ =	sdelay $0x1  }
0x23: {  	s17 =	sshra.s32 s16, $0x2;
	s16 =	sadd.s32 $0x200, s16  }
0x24: {  	[spmem:s3] =	stream.indirect.scatter.add.f32 [tilespmem:s12], [sflag:$0x1], $0x1, s17, s13, $0xb8;
	[tilespmem:$0x4580] =	vst v63  }
0x25: {  	_ =	swait.ge [sflag:s14], $0x50  }
0x26: {  	s16 =	simm.s32 $0x7C;
	[sflag:s14] =	ssyncset.done $0x0  }
.LBB2_4:
0x27: {  	p0 =	sne.s32 s16, $0x1;
	s16 =	sadd.s32 $0xFFFFFFFF, s16;
	[sflag:s14] =	ssyncadd.s32 $0xFFFFFFB0  }
.Ltmp1:
0x28: {  	(pc) =	sbr.rel @p0 .LBB2_4-.Ltmp1, $3  }
0x29: {  	_ =	sdelay $0x1  }
0x2a: {  	_ =	swait.ge [sflag:s14], $0x50  }
0x2b: {  	[sflag:s14] =	ssyncset.done $0x0  }
0x2c: {  	[sflag:s14] =	ssyncadd.s32 $0xFFFFFFB0  }
0x2d: {  	[bflag:$0x0] =	sbarrier.arrive $0xFFFF  }
0x2e: {  	[tilespmem:s11], [sflag:$0x2] =	stream.linear.gather [spmem:s7], $0x280, $0x38;
	[tilespmem:$0x4580] =	vst v63  }
0x2f: {  	s15 =	sadd.s32 $0x1, s15;
	_ =	swait.ge [sflag:s10], $0x280  }
0x30: {  	p0 =	sne.s32 s15, s9;
	[sflag:s10] =	ssyncset.done $0x0  }
.Ltmp2:
0x31: {  	[sflag:s10] =	ssyncadd.s32 $0xFFFFFD80;
	(pc) =	sbr.rel @p0 .LBB2_1-.Ltmp2, $4  }
0x32: {  	[hbm4b:s8+s4] =	stream.linear.scatter [tilespmem:s11], [sflag:$0x2], $0x280, $0x38;
	[tilespmem:$0x4580] =	vst v63  }
0x33: {  	_ =	swait.ge [sflag:s10], $0x280  }
0x34: {  	[sflag:s10] =	ssyncset.done $0x0  }
0x35: {  	[sflag:s10] =	ssyncadd.s32 $0xFFFFFD80  }
0x36: {  	_ =	sfence.sel $0x180000  }
0x37: {  	[bflag:$0x0] =	sbarrier.arrive $0xFFFF  }
0x38: {  	p0 =	sne.s32 s1, $0x0;
	_ =	strace $0x90000047  }
0x39: {  	s0 =	sadd.s32 @!p0 $0x100000, s0;
	[bflag:$0x2] =	sbarrier.arrive $0xFFFF  }
0x3a: {  	[sflag:s0] =	ssyncadd.tile.s32 @!p0 $0x1;
	_ =	shalt  }
.Lfunc_end2:
_tile_overlayer_lowered:
.L_overlay_start_2:
0x3b: {  	(tag) =	ssettag $0x2  }
0x3c: {  	s0 =	rddreg [dreg:$0x0];
	s2 =	stileid.u32  }
0x3d: {  	s1 =	rddreg [dreg:$0x1];
	p0 =	sne.s32 s2, $0x0  }
0x3e: {  	s3 =	rddreg [dreg:$0x2];
	[bflag:$0x3] =	sbarrier.arrive $0xFFFF;
	s2 =	simm.s32 @!p0 $0x1C02  }
0x3f: {  	[timem:s3], [sflag:s2] =	dma.local @!p0 [hbm:s0], s1  }
0x40: {  	s0 =	simm.s32 @!p0 $0x2  }
0x41: {  	_ =	swait.ge @!p0 [sflag:s0], s1  }
0x42: {  	s1 =	ssub.s32 @!p0 $0x0, s1;
	[sflag:s0] =	ssyncset.done @!p0 $0x0  }
0x43: {  	[sflag:s0] =	ssyncadd.s32 @!p0 s1  }
0x44: {  	[bflag:$0x3] =	sbarrier.arrive $0xFFFF  }
0x45: {  	_ =	shalt  }

// kernel: kernel.13.cloned.1.call-start
scs
__scs_entry_jumppad:
0x0: {  	(pc) =	sbr.rel $0x88, $3  }
0x1: {  	(tag) =	ssettag $0x0;
	lr =	simm.s32 $0x1  }
0x2: {  	[smem:$0x3F92] =	sst lr;
	_ =	strace $0xD0000000  }
0x3: {  	_ = 	snop  }
0x4: {  	_ = 	snop  }
0x5: {  	_ = 	snop  }
0x6: {  	_ = 	snop  }
0x7: {  	_ = 	snop  }
__scs_overlays_trampoline_lowered:
0x8: {  	[smem:$0x3FA1] =	sst s0  }
0x9: {  	[smem:$0x3FA2] =	sst s1  }
0xa: {  	[smem:$0x3FA3] =	sst s2  }
0xb: {  	[smem:$0x3FA4] =	sst s3  }
0xc: {  	[smem:$0x3FA5] =	sst s4  }
0xd: {  	[smem:$0x3FA6] =	sst s5  }
0xe: {  	[smem:$0x3FA7] =	sst s6  }
0xf: {  	[smem:$0x3FA8] =	sst s7  }
0x10: {  	[smem:$0x3FA9] =	sst s8  }
0x11: {  	[smem:$0x3FAA] =	sst s9;
	s0 =	simm.s32 @!p0 $0x0  }
0x12: {  	s1 =	sld [smem:$0x3F90];
	s0 =	simm.s32 @p0 $0x1  }
0x13: {  	[smem:$0x3FAB] =	sst s0;
	s0 =	simm.s32 @!p1 $0x0  }
0x14: {  	s2 =	sld [smem:$0x3F8F];
	s0 =	simm.s32 @p1 $0x1  }
0x15: {  	[smem:$0x3FAC] =	sst s0;
	s0 =	simm.s32 @!p2 $0x0  }
0x16: {  	s3 =	sld [smem:$0x3FDB];
	s0 =	simm.s32 @p2 $0x1  }
0x17: {  	s4 =	simm.s32 $0x1BF5;
	[smem:$0x3FAE] =	sst s0  }
0x18: {  	s0 =	sld [smem:$0x3F91];
	_ =	swait.ge [sflag:s4], $0x0  }
0x19: {  	s7 =	sld [smem:$0x3F92]  }
0x1a: {  	s8 =	sadd.s32 $0xFFFFE003, lr  }
0x1b: {  	s9 =	sadd.s32 $0xFFFFFEF7, lr;
	s5 =	simm.s32 $0xFFFFFFFF;
	p2 =	slt.u32 s8, $0xFFFFF086  }
0x1c: {  	p1 =	slt.u32 s9, $0xF7A;
	s5 =	simm.s32 @!p2 $0x0  }
0x1d: {  	s5 =	simm.s32 @p1 $0x1;
	p0 =	seq.s32 s7, s2  }
0x1e: {  	s7 =	smul.u32 @!p0 $0xF7A, s2;
	p2 =	seq.s32 @!p0 s5, $0x0  }
0x1f: {  	s9 =	smul.u32 $0xF7A, s1;
	s8 =	simm.s32 @!p0 $0x1BF5;
	p2 =	por !p2, p0  }
0x20: {  	[sflag:s8] =	ssyncset.s32 @!p0 $0xFFFFF086;
	s6 =	sadd.s32 @!p0 s3, s7;
	s7 =	simm.s32 @!p0 $0x108  }
0x21: {  	s3 =	sadd.s32 s3, s9;
	s6 =	sadd.s32 @!p0 $0x88, s6;
	s7 =	simm.s32 @p2 $0x1082  }
0x22: {  	[simem:s7], [sflag:s8] =	dma.local @!p0 [hbm:s6], $0xF7A  }
0x23: {  	s9 =	sor.u32 $0xD0000000, s2;
	s6 =	simm.s32 $0x108;
	_ =	swait.ge @!p0 [sflag:s8], $0x0  }
0x24: {  	s3 =	sadd.s32 $0x88, s3;
	s6 =	simm.s32 @!p1 $0x1082;
	[sflag:s4] =	ssyncset.s32 $0xFFFFF086  }
0x25: {  	[simem:s6], [sflag:s4] =	dma.local [hbm:s3], $0xF7A  }
0x26: {  	[smem:$0x3F92] =	sst s1;
	(tag) =	ssettag s2;
	_ =	strace s9  }
0x27: {  	s1 =	sld [smem:$0x3FA2]  }
0x28: {  	s2 =	sld [smem:$0x3FA3]  }
0x29: {  	s4 =	sld [smem:$0x3FA5]  }
0x2a: {  	p0 =	seq.s32 s5, $0x0;
	s5 =	sld [smem:$0x3FA6]  }
0x2b: {  	s6 =	sld [smem:$0x3FA7]  }
0x2c: {  	s7 =	sld [smem:$0x3FA8]  }
0x2d: {  	s3 =	simm.s32 $0x108;
	s8 =	sld [smem:$0x3FA9]  }
0x2e: {  	s3 =	simm.s32 @!p0 $0x1082;
	s9 =	sld [smem:$0x3FAA]  }
0x2f: {  	lr =	sadd.s32 s0, s3;
	s0 =	sld [smem:$0x3FA1]  }
0x30: {  	s3 =	sld [smem:$0x3FA4]  }
0x31: {  	[smem:$0x3FAD] =	sst s10  }
0x32: {  	s10 =	sld [smem:$0x3FAB];
	_ =	sdelay $0x3  }
0x33: {  	p0 =	seq.s32 s10, $0x1;
	s10 =	sld [smem:$0x3FAD];
	_ =	sdelay $0x3  }
0x34: {  	[smem:$0x3FAD] =	sst s10  }
0x35: {  	s10 =	sld [smem:$0x3FAC];
	_ =	sdelay $0x3  }
0x36: {  	p1 =	seq.s32 s10, $0x1;
	s10 =	sld [smem:$0x3FAD];
	_ =	sdelay $0x3  }
0x37: {  	[smem:$0x3FAD] =	sst s10  }
0x38: {  	s10 =	sld [smem:$0x3FAE]  }
0x39: {  	_ = 	snop;
	(pc) =	sbr.ind lr, $3  }
0x3a: {  	_ = 	snop  }
0x3b: {  	_ = 	snop  }
0x3c: {  	p2 =	seq.s32 s10, $0x1;
	s10 =	sld [smem:$0x3FAD]  }
0x3d: {  	_ =	shalt  }
0x3e: {  	_ =	shalt  }
0x3f: {  	_ =	shalt  }
0x40: {  	_ =	shalt  }
0x41: {  	_ =	shalt  }
0x42: {  	_ =	shalt  }
0x43: {  	_ =	shalt  }
0x44: {  	_ =	shalt  }
0x45: {  	_ =	shalt  }
0x46: {  	_ =	shalt  }
0x47: {  	_ =	shalt  }
0x48: {  	_ =	shalt  }
0x49: {  	_ =	shalt  }
0x4a: {  	_ =	shalt  }
0x4b: {  	_ =	shalt  }
0x4c: {  	_ =	shalt  }
0x4d: {  	_ =	shalt  }
0x4e: {  	_ =	shalt  }
0x4f: {  	_ =	shalt  }
0x50: {  	_ =	shalt  }
0x51: {  	_ =	shalt  }
0x52: {  	_ =	shalt  }
0x53: {  	_ =	shalt  }
0x54: {  	_ =	shalt  }
0x55: {  	_ =	shalt  }
0x56: {  	_ =	shalt  }
0x57: {  	_ =	shalt  }
0x58: {  	_ =	shalt  }
0x59: {  	_ =	shalt  }
0x5a: {  	_ =	shalt  }
0x5b: {  	_ =	shalt  }
0x5c: {  	_ =	shalt  }
0x5d: {  	_ =	shalt  }
0x5e: {  	_ =	shalt  }
0x5f: {  	_ =	shalt  }
0x60: {  	_ =	shalt  }
0x61: {  	_ =	shalt  }
0x62: {  	_ =	shalt  }
0x63: {  	_ =	shalt  }
0x64: {  	_ =	shalt  }
0x65: {  	_ =	shalt  }
0x66: {  	_ =	shalt  }
0x67: {  	_ =	shalt  }
0x68: {  	_ =	shalt  }
0x69: {  	_ =	shalt  }
0x6a: {  	_ =	shalt  }
0x6b: {  	_ =	shalt  }
0x6c: {  	_ =	shalt  }
0x6d: {  	_ =	shalt  }
0x6e: {  	_ =	shalt  }
0x6f: {  	_ =	shalt  }
0x70: {  	_ =	shalt  }
0x71: {  	_ =	shalt  }
0x72: {  	_ =	shalt  }
0x73: {  	_ =	shalt  }
0x74: {  	_ =	shalt  }
0x75: {  	_ =	shalt  }
0x76: {  	_ =	shalt  }
0x77: {  	_ =	shalt  }
0x78: {  	_ =	shalt  }
0x79: {  	_ =	shalt  }
0x7a: {  	_ =	shalt  }
0x7b: {  	_ =	shalt  }
0x7c: {  	_ =	shalt  }
0x7d: {  	_ =	shalt  }
0x7e: {  	_ =	shalt  }
0x7f: {  	_ =	shalt  }
0x80: {  	_ =	shalt  }
0x81: {  	_ =	shalt  }
0x82: {  	_ =	shalt  }
0x83: {  	_ =	shalt  }
0x84: {  	_ =	shalt  }
0x85: {  	_ =	shalt  }
0x86: {  	_ =	shalt  }
0x87: {  	_ =	shalt  }
.Lfunc_end0:
.L_simem_size_0:
called_computation.1_lowered:
.L_overlay_start_0:
0x88: {  	s2 =	sld [smem:$0x3FD9]  }
0x89: {  	s3 =	sld [smem:$0x3FFE];
	_ =	sdelay $0x1  }
0x8a: {  	s1 =	srdreg.scid  }
0x8b: {  	s0 =	sand.u32 $0x1, s1  }
0x8c: {  	s16 =	sshll.u32 s0, $0xA;
	s2 =	sadd.s32 s3, s2  }
0x8d: {  	s2 =	sadd.s32 s2, s16  }
0x8e: {  	[smem:$0x3FB9] =	sst s2  }
0x8f: {  	_ = 	snop  }
0x90: {  	(tm) =	ssettm $0x1  }
0x91: {  	s17 =	sld [smem:$0x3FFB];
	_ =	sdelay $0x3  }
0x92: {  	_ =	strace s17  }
0x93: {  	s2 =	sld [smem:$0x3FFC];
	_ =	sdelay $0x3  }
0x94: {  	_ =	strace s2  }
0x95: {  	s2 =	sld [smem:$0x3FFD];
	_ =	sdelay $0x3  }
0x96: {  	_ =	strace s2  }
0x97: {  	_ =	strace $0x8FFFFFFF  }
0x98: {  	s18 =	sld [smem:$0x3FDB];
	_ =	sdelay $0x1  }
0x99: {  	s19 =	simm.s32 $_scs_section_size  }
0x9a: {  	s4 =	simm.s32 $_size__tile_overlayer_lowered;
	s5 =	simm.s32 $_tile_overlayer_lowered  }
0x9b: {  	s22 =	simm.s32 $0x1BFF;
	s21 =	sshll.u32 s5, $0x1;
	s2 =	sadd.s32 s19, s18  }
0x9c: {  	s6 =	simm.s32 $0x0;
	s20 =	sshll.u32 s4, $0x1;
	s4 =	sadd.s32 s21, s2  }
0x9d: {  	[timem:s6], [sflag:s22] =	dma.local [hbm:s4], s20  }
0x9e: {  	_ =	swait.ge [sflag:s22], s20  }
0x9f: {  	s3 =	ssub.s32 $0x0, s20;
	[sflag:s22] =	ssyncset.done $0x0  }
0xa0: {  	[sflag:s22] =	ssyncadd.s32 s3;
	_ =	sdelay $0x1  }
0xa1: {  	s23 =	simm.s32 $0x1B8B  }
0xa2: {  	_ =	swait.ge [sflag:s23], $0x1  }
0xa3: {  	[sflag:s23] =	ssyncset.done $0x0  }
0xa4: {  	s25 =	simm.s32 $0x1B8E;
	s24 =	sld [smem:$0x3FFE];
	[sflag:s23] =	ssyncadd.s32 $0xFFFFFFFF  }
0xa5: {  	s26 =	simm.s32 $execute0_lowered;
	[smem:$0x3FD2] =	sst s25  }
0xa6: {  	s4 =	sshll.u32 s26, $0x1;
	_ =	strace $0x80000049;
	[dreg:$0x1] =	wrdreg $0xFFFFFFFF  }
0xa7: {  	s28 =	simm.s32 $_size_execute0_lowered;
	s2 =	sadd.s32 s2, s4;
	[dreg:$0x0] =	wrdreg $0x0  }
0xa8: {  	s4 =	sshll.u32 s28, $0x1;
	[dreg:$0x2] =	wrdreg s2  }
0xa9: {  	[dreg:$0x3] =	wrdreg s4  }
0xaa: {  	[dreg:$0x4] =	wrdreg $0xC0  }
0xab: {  	_ =	task [dreg:s6], $0x5FFFF  }
0xac: {  	[dreg:$0x1] =	wrdreg $0xFFFFFFFF  }
0xad: {  	[dreg:$0x0] =	wrdreg $0x60  }
0xae: {  	[dreg:$0x2] =	wrdreg s24  }
0xaf: {  	[dreg:$0x3] =	wrdreg $0xB7800  }
0xb0: {  	[dreg:$0x4] =	wrdreg $0x9  }
0xb1: {  	_ =	task.clear_ibuf [dreg:s6], $0x5FFFF;
	_ =	strace $0x90000049  }
0xb2: {  	s29 =	simm.s32 $0x9;
	_ =	strace $0x8000004B  }
0xb3: {  	_ =	swait.ge [sflag:s29], $0x1  }
0xb4: {  	[sflag:s29] =	ssyncadd.s32 $0xFFFFFFFF  }
0xb5: {  	_ =	strace $0x9000004B  }
0xb6: {  	_ =	sfence  }
0xb7: {  	s30 =	sld [smem:$0x0];
	_ =	sdelay $0x2  }
0xb8: {  	s31 =	sshll.u32 s1, $0xD;
	s1 =	sshrl.u32 s1, $0x2  }
0xb9: {  	s3 =	sand.u32 $0x4000, s31;
	s1 =	sadd.s32 s1, s30  }
0xba: {  	s0 =	sor.u32 s3, s0;
	s1 =	sshll.u32 s1, $0x11  }
0xbb: {  	s0 =	sor.u32 s1, s0  }
0xbc: {  	s0 =	sadd.s32 $0x8F2B, s0  }
0xbd: {  	[sflag:s0] =	ssyncadd.remote.s32 $0x1  }
0xbe: {  	_ =	sfence.sel $0xFFFF  }
0xbf: {  	[dreg:$0x0] =	wrdreg $0xFFFFFFFF;
	(pc) =	sbr.abs _section_cstart, $3  }
0xc0: {  	[dreg:$0x1] =	wrdreg $0xFFFFFFFF  }
0xc1: {  	_ =	task.clear_ibuf [dreg:s6], $0x2FFFF;
	_ =	strace $0x9FFFFFFF  }
0xc2: {  	(tm) =	ssettm $0x7FFFFFFF  }
0xc3: {  	_ =	shalt  }
tec
execute0_lowered:
.L_overlay_start_1:
0x0: {  	(tag) =	ssettag $0x1  }
0x1: {  	s23 =	stileid.u32  }
0x2: {  	s7 =	smul.u32 $0x50000, s23  }
0x3: {  	s0 =	srdreg.scid;
	s9 =	smul.u32 $0x280, s23  }
0x4: {  	s5 =	sand.u32 $0x1, s0;
	s3 =	sshll.u32 s23, $0x7;
	s11 =	smul.u32 $0x14000, s23  }
0x5: {  	s0 =	sshll.u32 s5, $0x4;
	s3 =	sand.u32 $0x380, s3;
	s22 =	ssub.s32 $0x2, s5  }
0x6: {  	p0 =	seq.s32 s5, $0x1;
	s5 =	smul.u32 $0x140000, s5;
	s4 =	sor.u32 s23, s0  }
0x7: {  	s0 =	rddreg [dreg:$0x0];
	s24 =	sshrl.u32 s22, $0x1;
	s25 =	sshrl.u32 s7, $0x2  }
0x8: {  	s7 =	sor.u32 $0x50, s9;
	s10 =	sadd.s32 $0xA0, s9;
	s14 =	sadd.s32 $0xF0, s9  }
0x9: {  	s16 =	sadd.s32 $0x140, s9;
	s19 =	sadd.s32 $0x190, s9;
	s1 =	sshrl.u32 s4, $0x3  }
0xa: {  	s8 =	sadd.s32 $0x61000, s0;
	s12 =	sshll.u32 s7, $0x7;
	s13 =	sshll.u32 s10, $0x7  }
0xb: {  	s17 =	sshll.u32 s14, $0x7;
	s18 =	sshll.u32 s16, $0x7;
	s20 =	sshll.u32 s19, $0x7  }
0xc: {  	s11 =	sadd.s32 s11, s5;
	s4 =	sshll.u32 s4, $0xB;
	s7 =	sshll.u32 s7, $0x4  }
0xd: {  	s10 =	sshll.u32 s10, $0x4;
	s16 =	sshll.u32 s16, $0x4;
	s2 =	smul.u32 $0x13C00, s1  }
0xe: {  	s1 =	rddreg [dreg:$0x1];
	s11 =	sshrl.u32 s11, $0x3;
	s15 =	sadd.s32 s5, s12  }
0xf: {  	s29 =	sadd.s32 s5, s13;
	s21 =	sadd.s32 s5, s17;
	s4 =	sadd.s32 s4, s0  }
0x10: {  	s11 =	sadd.s32 s8, s11;
	s26 =	sshrl.u32 s15, $0x3;
	s15 =	sshrl.u32 s29, $0x3  }
0x11: {  	s29 =	sadd.s32 s5, s20;
	s4 =	sadd.s32 $0x14800, s4;
	s28 =	sadd.s32 s18, s1  }
0x12: {  	s30 =	sadd.s32 s20, s1;
	s20 =	simm.s32 $0x0;
	s6 =	sor.u32 s3, s2  }
0x13: {  	s3 =	ssub.s32 s22, s24;
	s2 =	sadd.s32 s25, s1;
	s22 =	sadd.s32 $0x1E0, s9  }
0x14: {  	s9 =	sadd.s32 $0x230, s9;
	[dreg:$0x3] =	wrdreg s11;
	s11 =	sadd.s32 s8, s26  }
0x15: {  	s24 =	sshrl.u32 s21, $0x3;
	s25 =	sadd.s32 s5, s18;
	s18 =	simm.s32 $0x1  }
0x16: {  	[dreg:$0x4] =	wrdreg s11;
	s11 =	sadd.s32 s8, s15;
	s26 =	sshrl.u32 s25, $0x3  }
0x17: {  	s15 =	sshrl.u32 s29, $0x3;
	s21 =	sshll.u32 s9, $0x7;
	s29 =	smul.u32 $0x2800, s23  }
0x18: {  	s23 =	sadd.s32 s13, s1;
	s3 =	smax.u32 s3, $0x1;
	s13 =	simm.s32 $0x3  }
0x19: {  	[dreg:$0x5] =	wrdreg s11;
	s11 =	sadd.s32 s8, s24;
	s24 =	sshll.u32 s22, $0x7  }
0x1a: {  	s25 =	sadd.s32 s21, s1;
	s15 =	sadd.s32 s8, s15;
	[dreg:$0x6] =	wrdreg s11  }
0x1b: {  	s21 =	sadd.s32 s5, s21;
	s5 =	sadd.s32 s5, s24;
	[dreg:$0x9] =	wrdreg s15  }
0x1c: {  	s11 =	sadd.s32 s8, s26;
	s21 =	sshrl.u32 s21, $0x3;
	[dreg:$0x7] =	wrdreg s25  }
0x1d: {  	[dreg:$0x8] =	wrdreg s11;
	s5 =	sshrl.u32 s5, $0x3;
	s11 =	simm.s32 $0x0  }
0x1e: {  	s26 =	sshrl.u32 s6, $0x3;
	s5 =	sadd.s32 s8, s5;
	[smem:$0x7FF] =	sst s11  }
0x1f: {  	s15 =	sadd.s32 $0x39000, s0;
	s6 =	sadd.s32 $0x7800, s2;
	[dreg:$0xa] =	wrdreg s5  }
0x20: {  	s5 =	sadd.s32 s8, s21;
	s8 =	sadd.s32 s15, s29;
	s21 =	sadd.s32 s12, s1  }
0x21: {  	s12 =	sshll.u32 s14, $0x4;
	[dreg:$0xb] =	wrdreg s5;
	s5 =	sadd.s32 $0x11800, s2  }
0x22: {  	s29 =	sshll.u32 s9, $0x4;
	s9 =	sadd.s32 $0xC800, s2;
	s25 =	smov.u32 @p0 s5  }
0x23: {  	s5 =	sadd.s32 s26, s0;
	s0 =	sadd.s32 $0x24800, s0;
	[dreg:$0xc] =	wrdreg s25  }
0x24: {  	s5 =	sadd.s32 $0x25400, s5;
	_ =	strace $0x8000004A;
	[dreg:$0xd] =	wrdreg s0  }
0x25: {  	s14 =	sadd.s32 s15, s12;
	s12 =	sadd.s32 s24, s1;
	[dreg:$0xe] =	wrdreg s5  }
0x26: {  	s26 =	sshll.u32 s22, $0x4;
	s25 =	sadd.s32 s17, s1;
	[dreg:$0xf] =	wrdreg s4  }
0x27: {  	s17 =	sshll.u32 s19, $0x4;
	s31 =	sadd.s32 s15, s26;
	[dreg:$0x10] =	wrdreg s8  }
0x28: {  	s0 =	sadd.s32 s15, s7;
	[dreg:$0x13] =	wrdreg s14;
	s19 =	sadd.s32 s15, s17  }
0x29: {  	s4 =	sadd.s32 $0x2800, s2;
	s5 =	sadd.s32 $0x5000, s2;
	s8 =	sadd.s32 $0xA000, s2  }
0x2a: {  	s7 =	simm.s32 $0x6780;
	s17 =	simm.s32 $0x8F80;
	[dreg:$0x11] =	wrdreg s0  }
0x2b: {  	s0 =	sadd.s32 s15, s10;
	[dreg:$0x15] =	wrdreg s19;
	s10 =	sadd.s32 $0xF000, s2  }
0x2c: {  	s19 =	simm.s32 $0x2;
	[dreg:$0x12] =	wrdreg s0;
	s0 =	sadd.s32 s15, s16  }
0x2d: {  	s16 =	simm.s32 $0x50;
	[dreg:$0x14] =	wrdreg s0;
	s0 =	sadd.s32 s15, s29  }
.LBB2_1:
0x2e: {  	s14 =	rddreg [dreg:$0xe];
	s22 =	simm.s32 $0x80;
	s24 =	simm.s32 $0x400  }
0x2f: {  	[tilespmem:s11], [sflag:$0x3] =	stream.strided.gather [hbm4b:s14+s22], $0x2780, s24, s22, $0x38;
	[tilespmem:$0x1F780] =	vst v63  }
0x30: {  	_ =	swait.ge [sflag:s13], $0x2780  }
0x31: {  	[sflag:s13] =	ssyncset.done $0x0  }
0x32: {  	s26 =	simm.s32 $0x2780;
	s24 =	rddreg [dreg:$0xf];
	[sflag:s13] =	ssyncadd.s32 $0xFFFFD880  }
0x33: {  	[tilespmem:s26], [sflag:$0x3] =	stream.linear.gather [hbm4b:s24+s11], $0x3E80, $0x38;
	[tilespmem:$0x1F780] =	vst v63  }
0x34: {  	_ =	swait.ge [sflag:s13], $0x3E80  }
0x35: {  	s14 =	simm.s32 @p0 $0x0;
	[sflag:s13] =	ssyncset.done $0x0  }
0x36: {  	s22 =	simm.s32 @p0 $0x6780;
	s24 =	rddreg [dreg:$0xd];
	[sflag:s13] =	ssyncadd.s32 $0xFFFFC180  }
0x37: {  	[tilespmem:s22], [sflag:$0x3] =	stream.linear.gather @p0 [hbm4b:s24+s14], $0x2800, $0x38;
	[tilespmem:$0x1F780] =	vst v63  }
0x38: {  	s14 =	simm.s32 @p0 $0x3  }
0x39: {  	_ =	swait.ge @p0 [sflag:s14], $0x2800  }
0x3a: {  	[sflag:s14] =	ssyncset.done @p0 $0x0  }
0x3b: {  	[sflag:s14] =	ssyncadd.s32 @p0 $0xFFFFD800  }
0x3c: {  	[spmem:s2] =	stream.linear.scatter @p0 [tilespmem:s22], [sflag:$0x3], $0x2800, $0x38;
	[tilespmem:$0x1F780] =	vst v63  }
0x3d: {  	_ =	swait.ge @p0 [sflag:s14], $0x2800  }
0x3e: {  	[sflag:s14] =	ssyncset.done @p0 $0x0  }
0x3f: {  	[sflag:s14] =	ssyncadd.s32 @p0 $0xFFFFD800  }
0x40: {  	[spmem:s4] =	stream.linear.scatter @p0 [tilespmem:s22], [sflag:$0x3], $0x2800, $0x38;
	[tilespmem:$0x1F780] =	vst v63  }
0x41: {  	_ =	swait.ge @p0 [sflag:s14], $0x2800  }
0x42: {  	[sflag:s14] =	ssyncset.done @p0 $0x0  }
0x43: {  	[sflag:s14] =	ssyncadd.s32 @p0 $0xFFFFD800  }
0x44: {  	[spmem:s5] =	stream.linear.scatter @p0 [tilespmem:s22], [sflag:$0x3], $0x2800, $0x38;
	[tilespmem:$0x1F780] =	vst v63  }
0x45: {  	_ =	swait.ge @p0 [sflag:s14], $0x2800  }
0x46: {  	[sflag:s14] =	ssyncset.done @p0 $0x0  }
0x47: {  	[sflag:s14] =	ssyncadd.s32 @p0 $0xFFFFD800  }
0x48: {  	[spmem:s6] =	stream.linear.scatter @p0 [tilespmem:s22], [sflag:$0x3], $0x2800, $0x38;
	[tilespmem:$0x1F780] =	vst v63  }
0x49: {  	_ =	swait.ge @p0 [sflag:s14], $0x2800  }
0x4a: {  	[sflag:s14] =	ssyncset.done @p0 $0x0  }
0x4b: {  	[sflag:s14] =	ssyncadd.s32 @p0 $0xFFFFD800  }
0x4c: {  	[spmem:s8] =	stream.linear.scatter @p0 [tilespmem:s22], [sflag:$0x3], $0x2800, $0x38;
	[tilespmem:$0x1F780] =	vst v63  }
0x4d: {  	_ =	swait.ge @p0 [sflag:s14], $0x2800  }
0x4e: {  	[sflag:s14] =	ssyncset.done @p0 $0x0  }
0x4f: {  	[sflag:s14] =	ssyncadd.s32 @p0 $0xFFFFD800  }
0x50: {  	[spmem:s9] =	stream.linear.scatter @p0 [tilespmem:s22], [sflag:$0x3], $0x2800, $0x38;
	[tilespmem:$0x1F780] =	vst v63  }
0x51: {  	_ =	swait.ge @p0 [sflag:s14], $0x2800  }
0x52: {  	[sflag:s14] =	ssyncset.done @p0 $0x0  }
0x53: {  	[sflag:s14] =	ssyncadd.s32 @p0 $0xFFFFD800  }
0x54: {  	[spmem:s10] =	stream.linear.scatter @p0 [tilespmem:s22], [sflag:$0x3], $0x2800, $0x38;
	[tilespmem:$0x1F780] =	vst v63  }
0x55: {  	s24 =	rddreg [dreg:$0x10];
	s14 =	simm.s32 @!p0 $0x0;
	s22 =	simm.s32 @!p0 $0x6780  }
0x56: {  	[tilespmem:s22], [sflag:$0x3] =	stream.linear.gather @!p0 [hbm4b:s24+s14], $0x2800, $0x38;
	[tilespmem:$0x1F780] =	vst v63  }
0x57: {  	s24 =	simm.s32 @!p0 $0x3  }
0x58: {  	_ =	swait.ge @!p0 [sflag:s24], $0x2800  }
0x59: {  	[sflag:s24] =	ssyncset.done @!p0 $0x0  }
0x5a: {  	[sflag:s24] =	ssyncadd.s32 @!p0 $0xFFFFD800  }
0x5b: {  	[spmem:s2] =	stream.linear.scatter @!p0 [tilespmem:s22], [sflag:$0x3], $0x2800, $0x38;
	[tilespmem:$0x1F780] =	vst v63  }
0x5c: {  	_ =	swait.ge @!p0 [sflag:s24], $0x2800  }
0x5d: {  	[sflag:s24] =	ssyncset.done @!p0 $0x0  }
0x5e: {  	s26 =	rddreg [dreg:$0x11];
	[sflag:s24] =	ssyncadd.s32 @!p0 $0xFFFFD800  }
0x5f: {  	[tilespmem:s22], [sflag:$0x3] =	stream.linear.gather @!p0 [hbm4b:s26+s14], $0x2800, $0x38;
	[tilespmem:$0x1F780] =	vst v63  }
0x60: {  	_ =	swait.ge @!p0 [sflag:s24], $0x2800  }
0x61: {  	[sflag:s24] =	ssyncset.done @!p0 $0x0  }
0x62: {  	[sflag:s24] =	ssyncadd.s32 @!p0 $0xFFFFD800  }
0x63: {  	[spmem:s21] =	stream.linear.scatter @!p0 [tilespmem:s22], [sflag:$0x3], $0x2800, $0x38;
	[tilespmem:$0x1F780] =	vst v63  }
0x64: {  	_ =	swait.ge @!p0 [sflag:s24], $0x2800  }
0x65: {  	[sflag:s24] =	ssyncset.done @!p0 $0x0  }
0x66: {  	s26 =	rddreg [dreg:$0x12];
	[sflag:s24] =	ssyncadd.s32 @!p0 $0xFFFFD800  }
0x67: {  	[tilespmem:s22], [sflag:$0x3] =	stream.linear.gather @!p0 [hbm4b:s26+s14], $0x2800, $0x38;
	[tilespmem:$0x1F780] =	vst v63  }
0x68: {  	_ =	swait.ge @!p0 [sflag:s24], $0x2800  }
0x69: {  	[sflag:s24] =	ssyncset.done @!p0 $0x0  }
0x6a: {  	[sflag:s24] =	ssyncadd.s32 @!p0 $0xFFFFD800  }
0x6b: {  	[spmem:s23] =	stream.linear.scatter @!p0 [tilespmem:s22], [sflag:$0x3], $0x2800, $0x38;
	[tilespmem:$0x1F780] =	vst v63  }
0x6c: {  	_ =	swait.ge @!p0 [sflag:s24], $0x2800  }
0x6d: {  	[sflag:s24] =	ssyncset.done @!p0 $0x0  }
0x6e: {  	s26 =	rddreg [dreg:$0x13];
	[sflag:s24] =	ssyncadd.s32 @!p0 $0xFFFFD800  }
0x6f: {  	[tilespmem:s22], [sflag:$0x3] =	stream.linear.gather @!p0 [hbm4b:s26+s14], $0x2800, $0x38;
	[tilespmem:$0x1F780] =	vst v63  }
0x70: {  	_ =	swait.ge @!p0 [sflag:s24], $0x2800  }
0x71: {  	[sflag:s24] =	ssyncset.done @!p0 $0x0  }
0x72: {  	[sflag:s24] =	ssyncadd.s32 @!p0 $0xFFFFD800  }
0x73: {  	[spmem:s25] =	stream.linear.scatter @!p0 [tilespmem:s22], [sflag:$0x3], $0x2800, $0x38;
	[tilespmem:$0x1F780] =	vst v63  }
0x74: {  	_ =	swait.ge @!p0 [sflag:s24], $0x2800  }
0x75: {  	[sflag:s24] =	ssyncset.done @!p0 $0x0  }
0x76: {  	s26 =	rddreg [dreg:$0x14];
	[sflag:s24] =	ssyncadd.s32 @!p0 $0xFFFFD800  }
0x77: {  	[tilespmem:s22], [sflag:$0x3] =	stream.linear.gather @!p0 [hbm4b:s26+s14], $0x2800, $0x38;
	[tilespmem:$0x1F780] =	vst v63  }
0x78: {  	_ =	swait.ge @!p0 [sflag:s24], $0x2800  }
0x79: {  	[sflag:s24] =	ssyncset.done @!p0 $0x0  }
0x7a: {  	[sflag:s24] =	ssyncadd.s32 @!p0 $0xFFFFD800  }
0x7b: {  	[spmem:s28] =	stream.linear.scatter @!p0 [tilespmem:s22], [sflag:$0x3], $0x2800, $0x38;
	[tilespmem:$0x1F780] =	vst v63  }
0x7c: {  	_ =	swait.ge @!p0 [sflag:s24], $0x2800  }
0x7d: {  	[sflag:s24] =	ssyncset.done @!p0 $0x0  }
0x7e: {  	s26 =	rddreg [dreg:$0x15];
	[sflag:s24] =	ssyncadd.s32 @!p0 $0xFFFFD800  }
0x7f: {  	[tilespmem:s22], [sflag:$0x3] =	stream.linear.gather @!p0 [hbm4b:s26+s14], $0x2800, $0x38;
	[tilespmem:$0x1F780] =	vst v63  }
0x80: {  	_ =	swait.ge @!p0 [sflag:s24], $0x2800  }
0x81: {  	[sflag:s24] =	ssyncset.done @!p0 $0x0  }
0x82: {  	[sflag:s24] =	ssyncadd.s32 @!p0 $0xFFFFD800  }
0x83: {  	[spmem:s30] =	stream.linear.scatter @!p0 [tilespmem:s22], [sflag:$0x3], $0x2800, $0x38;
	[tilespmem:$0x1F780] =	vst v63  }
0x84: {  	_ =	swait.ge @!p0 [sflag:s24], $0x2800  }
0x85: {  	[sflag:s24] =	ssyncset.done @!p0 $0x0  }
0x86: {  	[sflag:s24] =	ssyncadd.s32 @!p0 $0xFFFFD800  }
0x87: {  	[tilespmem:s22], [sflag:$0x3] =	stream.linear.gather @!p0 [hbm4b:s31+s14], $0x2800, $0x38;
	[tilespmem:$0x1F780] =	vst v63  }
0x88: {  	_ =	swait.ge @!p0 [sflag:s24], $0x2800  }
0x89: {  	[sflag:s24] =	ssyncset.done @!p0 $0x0  }
0x8a: {  	[sflag:s24] =	ssyncadd.s32 @!p0 $0xFFFFD800  }
0x8b: {  	[spmem:s12] =	stream.linear.scatter @!p0 [tilespmem:s22], [sflag:$0x3], $0x2800, $0x38;
	[tilespmem:$0x1F780] =	vst v63  }
0x8c: {  	_ =	swait.ge @!p0 [sflag:s24], $0x2800  }
0x8d: {  	[sflag:s24] =	ssyncset.done @!p0 $0x0  }
0x8e: {  	[sflag:s24] =	ssyncadd.s32 @!p0 $0xFFFFD800  }
0x8f: {  	[tilespmem:s22], [sflag:$0x3] =	stream.linear.gather @!p0 [hbm4b:s0+s14], $0x2800, $0x38;
	[tilespmem:$0x1F780] =	vst v63  }
0x90: {  	_ =	swait.ge [sflag:s13], $0x2800  }
0x91: {  	[sflag:s13] =	ssyncset.done $0x0  }
0x92: {  	s29 =	rddreg [dreg:$0xc];
	[sflag:s13] =	ssyncadd.s32 $0xFFFFD800  }
0x93: {  	[spmem:s29] =	stream.linear.scatter [tilespmem:s7], [sflag:$0x3], $0x2800, $0x38;
	[tilespmem:$0x1F780] =	vst v63  }
0x94: {  	_ =	swait.ge [sflag:s13], $0x2800  }
0x95: {  	[sflag:s13] =	ssyncset.done $0x0  }
0x96: {  	[sflag:s13] =	ssyncadd.s32 $0xFFFFD800  }
0x97: {  	[bflag:$0x0] =	sbarrier.arrive $0xFFFF  }
0x98: {  	[tilespmem:s7], [sflag:$0x1] =	stream.indirect.gather [hbm4b:s15+s16], $0x80, s11, s16, $0xb8;
	[tilespmem:$0x1F780] =	vst v63  }
0x99: {  	s22 =	simm.s32 $0x50  }
0x9a: {  	[tilespmem:s17], [sflag:$0x2] =	stream.indirect.gather [hbm4b:s15+s16], $0x80, s22, s16, $0xb8;
	[tilespmem:$0x1F780] =	vst v63  }
0x9b: {  	_ =	swait.ge [sflag:s18], $0x2800  }
0x9c: {  	[sflag:s18] =	ssyncset.done $0x0  }
0x9d: {  	s24 =	simm.s32 $0x2780;
	[sflag:s18] =	ssyncadd.s32 $0xFFFFD800  }
0x9e: {  	[spmem:s1] =	stream.indirect.scatter.add.f32 [tilespmem:s7], [sflag:$0x3], $0x80, s24, s16, $0xb8;
	[tilespmem:$0x1F780] =	vst v63  }
0x9f: {  	_ =	swait.ge [sflag:s13], $0x2800  }
0xa0: {  	[sflag:s13] =	ssyncset.done $0x0  }
0xa1: {  	s26 =	simm.s32 $0xA0;
	[sflag:s13] =	ssyncadd.s32 $0xFFFFD800  }
0xa2: {  	[tilespmem:s7], [sflag:$0x1] =	stream.indirect.gather [hbm4b:s15+s16], $0x80, s26, s16, $0xb8;
	[tilespmem:$0x1F780] =	vst v63  }
0xa3: {  	_ =	swait.ge [sflag:s19], $0x2800  }
0xa4: {  	[sflag:s19] =	ssyncset.done $0x0  }
0xa5: {  	s29 =	simm.s32 $0x2800;
	[sflag:s19] =	ssyncadd.s32 $0xFFFFD800  }
0xa6: {  	[spmem:s1] =	stream.indirect.scatter.add.f32 [tilespmem:s17], [sflag:$0x3], $0x80, s29, s16, $0xb8;
	[tilespmem:$0x1F780] =	vst v63  }
0xa7: {  	s14 =	simm.s32 $0x800;
	_ =	swait.ge [sflag:s13], $0x2800  }
0xa8: {  	s22 =	simm.s32 $0x140;
	s24 =	simm.s32 $0x400;
	[sflag:s13] =	ssyncset.done $0x0  }
.LBB2_2:
0xa9: {  	p1 =	sne.s32 s14, $0xF400;
	s26 =	sadd.s32 $0xFFFFFFB0, s22;
	[sflag:s13] =	ssyncadd.s32 $0xFFFFD800  }
0xaa: {  	[tilespmem:s17], [sflag:$0x2] =	stream.indirect.gather [hbm4b:s15+s16], $0x80, s26, s16, $0xb8;
	[tilespmem:$0x1F780] =	vst v63  }
0xab: {  	s26 =	smov.u32 s14;
	s14 =	sadd.s32 $0x400, s14;
	_ =	swait.ge [sflag:s18], $0x2800  }
0xac: {  	s29 =	sshra.s32 s24, $0x2;
	s24 =	smov.u32 s26;
	[sflag:s18] =	ssyncset.done $0x0  }
0xad: {  	s26 =	sadd.s32 $0x2780, s29;
	[sflag:s18] =	ssyncadd.s32 $0xFFFFD800  }
0xae: {  	[spmem:s1] =	stream.indirect.scatter.add.f32 [tilespmem:s7], [sflag:$0x3], $0x80, s26, s16, $0xb8;
	[tilespmem:$0x1F780] =	vst v63  }
0xaf: {  	_ =	swait.ge [sflag:s13], $0x2800  }
0xb0: {  	[sflag:s13] =	ssyncset.done $0x0  }
0xb1: {  	[sflag:s13] =	ssyncadd.s32 $0xFFFFD800  }
0xb2: {  	[tilespmem:s7], [sflag:$0x1] =	stream.indirect.gather [hbm4b:s15+s16], $0x80, s22, s16, $0xb8;
	[tilespmem:$0x1F780] =	vst v63  }
0xb3: {  	_ =	swait.ge [sflag:s19], $0x2800  }
.Ltmp0:
0xb4: {  	[sflag:s19] =	ssyncset.done $0x0;
	(pc) =	sbr.rel @p1 .LBB2_2-.Ltmp0, $4  }
0xb5: {  	s26 =	sadd.s32 $0x2800, s29;
	[sflag:s19] =	ssyncadd.s32 $0xFFFFD800  }
0xb6: {  	[spmem:s1] =	stream.indirect.scatter.add.f32 [tilespmem:s17], [sflag:$0x3], $0x80, s26, s16, $0xb8;
	[tilespmem:$0x1F780] =	vst v63  }
0xb7: {  	_ =	swait.ge [sflag:s13], $0x2800  }
0xb8: {  	s22 =	sadd.s32 $0xA0, s22;
	[sflag:s13] =	ssyncset.done $0x0  }
0xb9: {  	s14 =	sadd.s32 $0xFFFFFFB0, s22;
	[sflag:s13] =	ssyncadd.s32 $0xFFFFD800  }
0xba: {  	[tilespmem:s17], [sflag:$0x2] =	stream.indirect.gather [hbm4b:s15+s16], $0x80, s14, s16, $0xb8;
	[tilespmem:$0x1F780] =	vst v63  }
0xbb: {  	_ =	swait.ge [sflag:s18], $0x2800  }
0xbc: {  	s29 =	sshra.s32 s24, $0x2;
	[sflag:s18] =	ssyncset.done $0x0  }
0xbd: {  	s24 =	sadd.s32 $0x2780, s29;
	[sflag:s18] =	ssyncadd.s32 $0xFFFFD800  }
0xbe: {  	[spmem:s1] =	stream.indirect.scatter.add.f32 [tilespmem:s7], [sflag:$0x3], $0x80, s24, s16, $0xb8;
	[tilespmem:$0x1F780] =	vst v63  }
0xbf: {  	_ =	swait.ge [sflag:s13], $0x2800  }
0xc0: {  	[sflag:s13] =	ssyncset.done $0x0  }
0xc1: {  	[sflag:s13] =	ssyncadd.s32 $0xFFFFD800  }
0xc2: {  	[tilespmem:s7], [sflag:$0x1] =	stream.indirect.gather [hbm4b:s15+s16], $0x80, s22, s16, $0xb8;
	[tilespmem:$0x1F780] =	vst v63  }
0xc3: {  	_ =	swait.ge [sflag:s19], $0x2800  }
0xc4: {  	[sflag:s19] =	ssyncset.done $0x0  }
0xc5: {  	s14 =	sadd.s32 $0x2800, s29;
	[sflag:s19] =	ssyncadd.s32 $0xFFFFD800  }
0xc6: {  	[spmem:s1] =	stream.indirect.scatter.add.f32 [tilespmem:s17], [sflag:$0x3], $0x80, s14, s16, $0xb8;
	[tilespmem:$0x1F780] =	vst v63  }
0xc7: {  	_ =	swait.ge [sflag:s13], $0x2800  }
0xc8: {  	[sflag:s13] =	ssyncset.done $0x0  }
0xc9: {  	[sflag:s13] =	ssyncadd.s32 $0xFFFFD800  }
0xca: {  	_ =	swait.ge [sflag:s18], $0x2800  }
0xcb: {  	[sflag:s18] =	ssyncset.done $0x0  }
0xcc: {  	s26 =	simm.s32 $0x6580;
	[sflag:s18] =	ssyncadd.s32 $0xFFFFD800  }
0xcd: {  	[spmem:s1] =	stream.indirect.scatter.add.f32 [tilespmem:s7], [sflag:$0x3], $0x80, s26, s16, $0xb8;
	[tilespmem:$0x1F780] =	vst v63  }
0xce: {  	_ =	swait.ge [sflag:s13], $0x2800  }
0xcf: {  	[sflag:s13] =	ssyncset.done $0x0  }
0xd0: {  	[sflag:s13] =	ssyncadd.s32 $0xFFFFD800  }
0xd1: {  	[bflag:$0x0] =	sbarrier.arrive $0xFFFF  }
0xd2: {  	[tilespmem:s7], [sflag:$0x3] =	stream.linear.gather [spmem:s2], $0x2800, $0x38;
	[tilespmem:$0x1F780] =	vst v63  }
0xd3: {  	_ =	swait.ge [sflag:s13], $0x2800  }
0xd4: {  	[sflag:s13] =	ssyncset.done $0x0  }
0xd5: {  	s29 =	rddreg [dreg:$0x3];
	[sflag:s13] =	ssyncadd.s32 $0xFFFFD800  }
0xd6: {  	[hbm4b:s29+s11] =	stream.linear.scatter [tilespmem:s7], [sflag:$0x3], $0x2800, $0x38;
	[tilespmem:$0x1F780] =	vst v63  }
0xd7: {  	_ =	swait.ge [sflag:s13], $0x2800  }
0xd8: {  	[sflag:s13] =	ssyncset.done $0x0  }
0xd9: {  	[sflag:s13] =	ssyncadd.s32 $0xFFFFD800  }
0xda: {  	[tilespmem:s7], [sflag:$0x3] =	stream.linear.gather [spmem:s21], $0x2800, $0x38;
	[tilespmem:$0x1F780] =	vst v63  }
0xdb: {  	_ =	swait.ge [sflag:s13], $0x2800  }
0xdc: {  	[sflag:s13] =	ssyncset.done $0x0  }
0xdd: {  	s22 =	rddreg [dreg:$0x4];
	[sflag:s13] =	ssyncadd.s32 $0xFFFFD800  }
0xde: {  	[hbm4b:s22+s11] =	stream.linear.scatter [tilespmem:s7], [sflag:$0x3], $0x2800, $0x38;
	[tilespmem:$0x1F780] =	vst v63  }
0xdf: {  	_ =	swait.ge [sflag:s13], $0x2800  }
0xe0: {  	[sflag:s13] =	ssyncset.done $0x0  }
0xe1: {  	[sflag:s13] =	ssyncadd.s32 $0xFFFFD800  }
0xe2: {  	[tilespmem:s7], [sflag:$0x3] =	stream.linear.gather [spmem:s23], $0x2800, $0x38;
	[tilespmem:$0x1F780] =	vst v63  }
0xe3: {  	_ =	swait.ge [sflag:s13], $0x2800  }
0xe4: {  	[sflag:s13] =	ssyncset.done $0x0  }
0xe5: {  	s24 =	rddreg [dreg:$0x5];
	[sflag:s13] =	ssyncadd.s32 $0xFFFFD800  }
0xe6: {  	[hbm4b:s24+s11] =	stream.linear.scatter [tilespmem:s7], [sflag:$0x3], $0x2800, $0x38;
	[tilespmem:$0x1F780] =	vst v63  }
0xe7: {  	_ =	swait.ge [sflag:s13], $0x2800  }
0xe8: {  	[sflag:s13] =	ssyncset.done $0x0  }
0xe9: {  	[sflag:s13] =	ssyncadd.s32 $0xFFFFD800  }
0xea: {  	[tilespmem:s7], [sflag:$0x3] =	stream.linear.gather [spmem:s25], $0x2800, $0x38;
	[tilespmem:$0x1F780] =	vst v63  }
0xeb: {  	_ =	swait.ge [sflag:s13], $0x2800  }
0xec: {  	[sflag:s13] =	ssyncset.done $0x0  }
0xed: {  	s26 =	rddreg [dreg:$0x6];
	[sflag:s13] =	ssyncadd.s32 $0xFFFFD800  }
0xee: {  	[hbm4b:s26+s11] =	stream.linear.scatter [tilespmem:s7], [sflag:$0x3], $0x2800, $0x38;
	[tilespmem:$0x1F780] =	vst v63  }
0xef: {  	_ =	swait.ge [sflag:s13], $0x2800  }
0xf0: {  	[sflag:s13] =	ssyncset.done $0x0  }
0xf1: {  	[sflag:s13] =	ssyncadd.s32 $0xFFFFD800  }
0xf2: {  	[tilespmem:s7], [sflag:$0x3] =	stream.linear.gather [spmem:s28], $0x2800, $0x38;
	[tilespmem:$0x1F780] =	vst v63  }
0xf3: {  	_ =	swait.ge [sflag:s13], $0x2800  }
0xf4: {  	[sflag:s13] =	ssyncset.done $0x0  }
0xf5: {  	s29 =	rddreg [dreg:$0x8];
	[sflag:s13] =	ssyncadd.s32 $0xFFFFD800  }
0xf6: {  	[hbm4b:s29+s11] =	stream.linear.scatter [tilespmem:s7], [sflag:$0x3], $0x2800, $0x38;
	[tilespmem:$0x1F780] =	vst v63  }
0xf7: {  	_ =	swait.ge [sflag:s13], $0x2800  }
0xf8: {  	[sflag:s13] =	ssyncset.done $0x0  }
0xf9: {  	[sflag:s13] =	ssyncadd.s32 $0xFFFFD800  }
0xfa: {  	[tilespmem:s7], [sflag:$0x3] =	stream.linear.gather [spmem:s30], $0x2800, $0x38;
	[tilespmem:$0x1F780] =	vst v63  }
0xfb: {  	_ =	swait.ge [sflag:s13], $0x2800  }
0xfc: {  	[sflag:s13] =	ssyncset.done $0x0  }
0xfd: {  	s22 =	rddreg [dreg:$0x9];
	[sflag:s13] =	ssyncadd.s32 $0xFFFFD800  }
0xfe: {  	[hbm4b:s22+s11] =	stream.linear.scatter [tilespmem:s7], [sflag:$0x3], $0x2800, $0x38;
	[tilespmem:$0x1F780] =	vst v63  }
0xff: {  	_ =	swait.ge [sflag:s13], $0x2800  }
0x100: {  	[sflag:s13] =	ssyncset.done $0x0  }
0x101: {  	[sflag:s13] =	ssyncadd.s32 $0xFFFFD800  }
0x102: {  	[tilespmem:s7], [sflag:$0x3] =	stream.linear.gather [spmem:s12], $0x2800, $0x38;
	[tilespmem:$0x1F780] =	vst v63  }
0x103: {  	_ =	swait.ge [sflag:s13], $0x2800  }
0x104: {  	[sflag:s13] =	ssyncset.done $0x0  }
0x105: {  	s24 =	rddreg [dreg:$0xa];
	[sflag:s13] =	ssyncadd.s32 $0xFFFFD800  }
0x106: {  	[hbm4b:s24+s11] =	stream.linear.scatter [tilespmem:s7], [sflag:$0x3], $0x2800, $0x38;
	[tilespmem:$0x1F780] =	vst v63  }
0x107: {  	_ =	swait.ge [sflag:s13], $0x2800  }
0x108: {  	[sflag:s13] =	ssyncset.done $0x0  }
0x109: {  	s26 =	rddreg [dreg:$0x7];
	[sflag:s13] =	ssyncadd.s32 $0xFFFFD800  }
0x10a: {  	[tilespmem:s7], [sflag:$0x3] =	stream.linear.gather [spmem:s26], $0x2800, $0x38;
	[tilespmem:$0x1F780] =	vst v63  }
0x10b: {  	s20 =	sadd.s32 $0x1, s20;
	_ =	swait.ge [sflag:s13], $0x2800  }
0x10c: {  	p1 =	sne.s32 s20, s3;
	[sflag:s13] =	ssyncset.done $0x0  }
.Ltmp1:
0x10d: {  	s29 =	rddreg [dreg:$0xb];
	[sflag:s13] =	ssyncadd.s32 $0xFFFFD800;
	(pc) =	sbr.rel @p1 .LBB2_1-.Ltmp1, $4  }
0x10e: {  	[hbm4b:s29+s11] =	stream.linear.scatter [tilespmem:s7], [sflag:$0x3], $0x2800, $0x38;
	[tilespmem:$0x1F780] =	vst v63  }
0x10f: {  	_ =	swait.ge [sflag:s13], $0x2800  }
0x110: {  	[sflag:s13] =	ssyncset.done $0x0  }
0x111: {  	[sflag:s13] =	ssyncadd.s32 $0xFFFFD800  }
0x112: {  	_ =	sfence.sel $0x180000  }
0x113: {  	[bflag:$0x0] =	sbarrier.arrive $0xFFFF  }
0x114: {  	_ =	strace $0x9000004A  }
0x115: {  	s0 =	stileid.u32;
	[bflag:$0x2] =	sbarrier.arrive $0xFFFF  }
0x116: {  	p0 =	sne.s32 s0, $0x0;
	s0 =	rddreg [dreg:$0x2]  }
0x117: {  	s0 =	sadd.s32 @!p0 $0x100000, s0  }
0x118: {  	[sflag:s0] =	ssyncadd.tile.s32 @!p0 $0x1;
	_ =	shalt  }
.Lfunc_end2:
_tile_overlayer_lowered:
.L_overlay_start_2:
0x119: {  	(tag) =	ssettag $0x2  }
0x11a: {  	s0 =	rddreg [dreg:$0x0];
	s2 =	stileid.u32  }
0x11b: {  	s1 =	rddreg [dreg:$0x1];
	p0 =	sne.s32 s2, $0x0  }
0x11c: {  	s3 =	rddreg [dreg:$0x2];
	[bflag:$0x3] =	sbarrier.arrive $0xFFFF;
	s2 =	simm.s32 @!p0 $0x1C03  }
0x11d: {  	[timem:s3], [sflag:s2] =	dma.local @!p0 [hbm:s0], s1  }
0x11e: {  	s0 =	simm.s32 @!p0 $0x3  }
0x11f: {  	_ =	swait.ge @!p0 [sflag:s0], s1  }
0x120: {  	s1 =	ssub.s32 @!p0 $0x0, s1;
	[sflag:s0] =	ssyncset.done @!p0 $0x0  }
0x121: {  	[sflag:s0] =	ssyncadd.s32 @!p0 s1  }
0x122: {  	[bflag:$0x3] =	sbarrier.arrive $0xFFFF  }
0x123: {  	_ =	shalt  }

// kernel: kernel.16.cloned.1.call-start
scs
__scs_entry_jumppad:
0x0: {  	(pc) =	sbr.rel $0x88, $3  }
0x1: {  	(tag) =	ssettag $0x0;
	lr =	simm.s32 $0x1  }
0x2: {  	[smem:$0x3F92] =	sst lr;
	_ =	strace $0xD0000000  }
0x3: {  	_ = 	snop  }
0x4: {  	_ = 	snop  }
0x5: {  	_ = 	snop  }
0x6: {  	_ = 	snop  }
0x7: {  	_ = 	snop  }
__scs_overlays_trampoline_lowered:
0x8: {  	[smem:$0x3FA1] =	sst s0  }
0x9: {  	[smem:$0x3FA2] =	sst s1  }
0xa: {  	[smem:$0x3FA3] =	sst s2  }
0xb: {  	[smem:$0x3FA4] =	sst s3  }
0xc: {  	[smem:$0x3FA5] =	sst s4  }
0xd: {  	[smem:$0x3FA6] =	sst s5  }
0xe: {  	[smem:$0x3FA7] =	sst s6  }
0xf: {  	[smem:$0x3FA8] =	sst s7  }
0x10: {  	[smem:$0x3FA9] =	sst s8  }
0x11: {  	[smem:$0x3FAA] =	sst s9;
	s0 =	simm.s32 @!p0 $0x0  }
0x12: {  	s1 =	sld [smem:$0x3F90];
	s0 =	simm.s32 @p0 $0x1  }
0x13: {  	[smem:$0x3FAB] =	sst s0;
	s0 =	simm.s32 @!p1 $0x0  }
0x14: {  	s2 =	sld [smem:$0x3F8F];
	s0 =	simm.s32 @p1 $0x1  }
0x15: {  	[smem:$0x3FAC] =	sst s0;
	s0 =	simm.s32 @!p2 $0x0  }
0x16: {  	s3 =	sld [smem:$0x3FDB];
	s0 =	simm.s32 @p2 $0x1  }
0x17: {  	s4 =	simm.s32 $0x1BF5;
	[smem:$0x3FAE] =	sst s0  }
0x18: {  	s0 =	sld [smem:$0x3F91];
	_ =	swait.ge [sflag:s4], $0x0  }
0x19: {  	s7 =	sld [smem:$0x3F92]  }
0x1a: {  	s8 =	sadd.s32 $0xFFFFE003, lr  }
0x1b: {  	s9 =	sadd.s32 $0xFFFFFEF7, lr;
	s5 =	simm.s32 $0xFFFFFFFF;
	p2 =	slt.u32 s8, $0xFFFFF086  }
0x1c: {  	p1 =	slt.u32 s9, $0xF7A;
	s5 =	simm.s32 @!p2 $0x0  }
0x1d: {  	s5 =	simm.s32 @p1 $0x1;
	p0 =	seq.s32 s7, s2  }
0x1e: {  	s7 =	smul.u32 @!p0 $0xF7A, s2;
	p2 =	seq.s32 @!p0 s5, $0x0  }
0x1f: {  	s9 =	smul.u32 $0xF7A, s1;
	s8 =	simm.s32 @!p0 $0x1BF5;
	p2 =	por !p2, p0  }
0x20: {  	[sflag:s8] =	ssyncset.s32 @!p0 $0xFFFFF086;
	s6 =	sadd.s32 @!p0 s3, s7;
	s7 =	simm.s32 @!p0 $0x108  }
0x21: {  	s3 =	sadd.s32 s3, s9;
	s6 =	sadd.s32 @!p0 $0x88, s6;
	s7 =	simm.s32 @p2 $0x1082  }
0x22: {  	[simem:s7], [sflag:s8] =	dma.local @!p0 [hbm:s6], $0xF7A  }
0x23: {  	s9 =	sor.u32 $0xD0000000, s2;
	s6 =	simm.s32 $0x108;
	_ =	swait.ge @!p0 [sflag:s8], $0x0  }
0x24: {  	s3 =	sadd.s32 $0x88, s3;
	s6 =	simm.s32 @!p1 $0x1082;
	[sflag:s4] =	ssyncset.s32 $0xFFFFF086  }
0x25: {  	[simem:s6], [sflag:s4] =	dma.local [hbm:s3], $0xF7A  }
0x26: {  	[smem:$0x3F92] =	sst s1;
	(tag) =	ssettag s2;
	_ =	strace s9  }
0x27: {  	s1 =	sld [smem:$0x3FA2]  }
0x28: {  	s2 =	sld [smem:$0x3FA3]  }
0x29: {  	s4 =	sld [smem:$0x3FA5]  }
0x2a: {  	p0 =	seq.s32 s5, $0x0;
	s5 =	sld [smem:$0x3FA6]  }
0x2b: {  	s6 =	sld [smem:$0x3FA7]  }
0x2c: {  	s7 =	sld [smem:$0x3FA8]  }
0x2d: {  	s3 =	simm.s32 $0x108;
	s8 =	sld [smem:$0x3FA9]  }
0x2e: {  	s3 =	simm.s32 @!p0 $0x1082;
	s9 =	sld [smem:$0x3FAA]  }
0x2f: {  	lr =	sadd.s32 s0, s3;
	s0 =	sld [smem:$0x3FA1]  }
0x30: {  	s3 =	sld [smem:$0x3FA4]  }
0x31: {  	[smem:$0x3FAD] =	sst s10  }
0x32: {  	s10 =	sld [smem:$0x3FAB];
	_ =	sdelay $0x3  }
0x33: {  	p0 =	seq.s32 s10, $0x1;
	s10 =	sld [smem:$0x3FAD];
	_ =	sdelay $0x3  }
0x34: {  	[smem:$0x3FAD] =	sst s10  }
0x35: {  	s10 =	sld [smem:$0x3FAC];
	_ =	sdelay $0x3  }
0x36: {  	p1 =	seq.s32 s10, $0x1;
	s10 =	sld [smem:$0x3FAD];
	_ =	sdelay $0x3  }
0x37: {  	[smem:$0x3FAD] =	sst s10  }
0x38: {  	s10 =	sld [smem:$0x3FAE]  }
0x39: {  	_ = 	snop;
	(pc) =	sbr.ind lr, $3  }
0x3a: {  	_ = 	snop  }
0x3b: {  	_ = 	snop  }
0x3c: {  	p2 =	seq.s32 s10, $0x1;
	s10 =	sld [smem:$0x3FAD]  }
0x3d: {  	_ =	shalt  }
0x3e: {  	_ =	shalt  }
0x3f: {  	_ =	shalt  }
0x40: {  	_ =	shalt  }
0x41: {  	_ =	shalt  }
0x42: {  	_ =	shalt  }
0x43: {  	_ =	shalt  }
0x44: {  	_ =	shalt  }
0x45: {  	_ =	shalt  }
0x46: {  	_ =	shalt  }
0x47: {  	_ =	shalt  }
0x48: {  	_ =	shalt  }
0x49: {  	_ =	shalt  }
0x4a: {  	_ =	shalt  }
0x4b: {  	_ =	shalt  }
0x4c: {  	_ =	shalt  }
0x4d: {  	_ =	shalt  }
0x4e: {  	_ =	shalt  }
0x4f: {  	_ =	shalt  }
0x50: {  	_ =	shalt  }
0x51: {  	_ =	shalt  }
0x52: {  	_ =	shalt  }
0x53: {  	_ =	shalt  }
0x54: {  	_ =	shalt  }
0x55: {  	_ =	shalt  }
0x56: {  	_ =	shalt  }
0x57: {  	_ =	shalt  }
0x58: {  	_ =	shalt  }
0x59: {  	_ =	shalt  }
0x5a: {  	_ =	shalt  }
0x5b: {  	_ =	shalt  }
0x5c: {  	_ =	shalt  }
0x5d: {  	_ =	shalt  }
0x5e: {  	_ =	shalt  }
0x5f: {  	_ =	shalt  }
0x60: {  	_ =	shalt  }
0x61: {  	_ =	shalt  }
0x62: {  	_ =	shalt  }
0x63: {  	_ =	shalt  }
0x64: {  	_ =	shalt  }
0x65: {  	_ =	shalt  }
0x66: {  	_ =	shalt  }
0x67: {  	_ =	shalt  }
0x68: {  	_ =	shalt  }
0x69: {  	_ =	shalt  }
0x6a: {  	_ =	shalt  }
0x6b: {  	_ =	shalt  }
0x6c: {  	_ =	shalt  }
0x6d: {  	_ =	shalt  }
0x6e: {  	_ =	shalt  }
0x6f: {  	_ =	shalt  }
0x70: {  	_ =	shalt  }
0x71: {  	_ =	shalt  }
0x72: {  	_ =	shalt  }
0x73: {  	_ =	shalt  }
0x74: {  	_ =	shalt  }
0x75: {  	_ =	shalt  }
0x76: {  	_ =	shalt  }
0x77: {  	_ =	shalt  }
0x78: {  	_ =	shalt  }
0x79: {  	_ =	shalt  }
0x7a: {  	_ =	shalt  }
0x7b: {  	_ =	shalt  }
0x7c: {  	_ =	shalt  }
0x7d: {  	_ =	shalt  }
0x7e: {  	_ =	shalt  }
0x7f: {  	_ =	shalt  }
0x80: {  	_ =	shalt  }
0x81: {  	_ =	shalt  }
0x82: {  	_ =	shalt  }
0x83: {  	_ =	shalt  }
0x84: {  	_ =	shalt  }
0x85: {  	_ =	shalt  }
0x86: {  	_ =	shalt  }
0x87: {  	_ =	shalt  }
.Lfunc_end0:
.L_simem_size_0:
called_computation.2_lowered:
.L_overlay_start_0:
0x88: {  	s2 =	sld [smem:$0x3FD9]  }
0x89: {  	s3 =	sld [smem:$0x3FFE];
	_ =	sdelay $0x1  }
0x8a: {  	s1 =	srdreg.scid  }
0x8b: {  	s0 =	sand.u32 $0x1, s1  }
0x8c: {  	s16 =	sshll.u32 s0, $0xA;
	s2 =	sadd.s32 s3, s2  }
0x8d: {  	s2 =	sadd.s32 s2, s16  }
0x8e: {  	[smem:$0x3FB9] =	sst s2  }
0x8f: {  	_ = 	snop  }
0x90: {  	(tm) =	ssettm $0x1  }
0x91: {  	s17 =	sld [smem:$0x3FFB];
	_ =	sdelay $0x3  }
0x92: {  	_ =	strace s17  }
0x93: {  	s2 =	sld [smem:$0x3FFC];
	_ =	sdelay $0x3  }
0x94: {  	_ =	strace s2  }
0x95: {  	s2 =	sld [smem:$0x3FFD];
	_ =	sdelay $0x3  }
0x96: {  	_ =	strace s2  }
0x97: {  	_ =	strace $0x8FFFFFFF  }
0x98: {  	s18 =	sld [smem:$0x3FDB];
	_ =	sdelay $0x1  }
0x99: {  	s19 =	simm.s32 $_scs_section_size  }
0x9a: {  	s4 =	simm.s32 $_size__tile_overlayer_lowered;
	s5 =	simm.s32 $_tile_overlayer_lowered  }
0x9b: {  	s22 =	simm.s32 $0x1BFF;
	s21 =	sshll.u32 s5, $0x1;
	s2 =	sadd.s32 s19, s18  }
0x9c: {  	s6 =	simm.s32 $0x0;
	s20 =	sshll.u32 s4, $0x1;
	s4 =	sadd.s32 s21, s2  }
0x9d: {  	[timem:s6], [sflag:s22] =	dma.local [hbm:s4], s20  }
0x9e: {  	_ =	swait.ge [sflag:s22], s20  }
0x9f: {  	s3 =	ssub.s32 $0x0, s20;
	[sflag:s22] =	ssyncset.done $0x0  }
0xa0: {  	[sflag:s22] =	ssyncadd.s32 s3;
	_ =	sdelay $0x1  }
0xa1: {  	s23 =	simm.s32 $0x1B8B  }
0xa2: {  	_ =	swait.ge [sflag:s23], $0x1  }
0xa3: {  	[sflag:s23] =	ssyncset.done $0x0  }
0xa4: {  	s25 =	simm.s32 $0x1B8E;
	s24 =	sld [smem:$0x3FFE];
	[sflag:s23] =	ssyncadd.s32 $0xFFFFFFFF  }
0xa5: {  	s26 =	simm.s32 $execute0_lowered;
	[smem:$0x3FD2] =	sst s25  }
0xa6: {  	s4 =	sshll.u32 s26, $0x1;
	_ =	strace $0x8000004C;
	[dreg:$0x1] =	wrdreg $0xFFFFFFFF  }
0xa7: {  	s28 =	simm.s32 $_size_execute0_lowered;
	s2 =	sadd.s32 s2, s4;
	[dreg:$0x0] =	wrdreg $0x0  }
0xa8: {  	s4 =	sshll.u32 s28, $0x1;
	[dreg:$0x2] =	wrdreg s2  }
0xa9: {  	[dreg:$0x3] =	wrdreg s4  }
0xaa: {  	[dreg:$0x4] =	wrdreg $0xC0  }
0xab: {  	_ =	task [dreg:s6], $0x5FFFF  }
0xac: {  	[dreg:$0x1] =	wrdreg $0xFFFFFFFF  }
0xad: {  	[dreg:$0x0] =	wrdreg $0x60  }
0xae: {  	[dreg:$0x2] =	wrdreg s24  }
0xaf: {  	[dreg:$0x3] =	wrdreg $0xB7800  }
0xb0: {  	[dreg:$0x4] =	wrdreg $0x9  }
0xb1: {  	_ =	task.clear_ibuf [dreg:s6], $0x5FFFF;
	_ =	strace $0x9000004C  }
0xb2: {  	s29 =	simm.s32 $0x9;
	_ =	strace $0x8000004E  }
0xb3: {  	_ =	swait.ge [sflag:s29], $0x1  }
0xb4: {  	[sflag:s29] =	ssyncadd.s32 $0xFFFFFFFF  }
0xb5: {  	_ =	strace $0x9000004E  }
0xb6: {  	_ =	sfence  }
0xb7: {  	s30 =	sld [smem:$0x0];
	_ =	sdelay $0x2  }
0xb8: {  	s31 =	sshll.u32 s1, $0xD;
	s1 =	sshrl.u32 s1, $0x2  }
0xb9: {  	s3 =	sand.u32 $0x4000, s31;
	s1 =	sadd.s32 s1, s30  }
0xba: {  	s0 =	sor.u32 s3, s0;
	s1 =	sshll.u32 s1, $0x11  }
0xbb: {  	s0 =	sor.u32 s1, s0  }
0xbc: {  	s0 =	sadd.s32 $0x8F2B, s0  }
0xbd: {  	[sflag:s0] =	ssyncadd.remote.s32 $0x1  }
0xbe: {  	_ =	sfence.sel $0xFFFF  }
0xbf: {  	[dreg:$0x0] =	wrdreg $0xFFFFFFFF;
	(pc) =	sbr.abs _section_cstart, $3  }
0xc0: {  	[dreg:$0x1] =	wrdreg $0xFFFFFFFF  }
0xc1: {  	_ =	task.clear_ibuf [dreg:s6], $0x2FFFF;
	_ =	strace $0x9FFFFFFF  }
0xc2: {  	(tm) =	ssettm $0x7FFFFFFF  }
0xc3: {  	_ =	shalt  }
tec
execute0_lowered:
.L_overlay_start_1:
0x0: {  	(tag) =	ssettag $0x1  }
0x1: {  	s23 =	stileid.u32  }
0x2: {  	s7 =	smul.u32 $0x50000, s23  }
0x3: {  	s0 =	srdreg.scid;
	s9 =	smul.u32 $0x280, s23  }
0x4: {  	s5 =	sand.u32 $0x1, s0;
	s3 =	sshll.u32 s23, $0x7;
	s11 =	smul.u32 $0x14000, s23  }
0x5: {  	s0 =	sshll.u32 s5, $0x4;
	s3 =	sand.u32 $0x380, s3;
	s22 =	ssub.s32 $0x2, s5  }
0x6: {  	p0 =	seq.s32 s5, $0x1;
	s5 =	smul.u32 $0x140000, s5;
	s4 =	sor.u32 s23, s0  }
0x7: {  	s0 =	rddreg [dreg:$0x0];
	s24 =	sshrl.u32 s22, $0x1;
	s25 =	sshrl.u32 s7, $0x2  }
0x8: {  	s7 =	sor.u32 $0x50, s9;
	s10 =	sadd.s32 $0xA0, s9;
	s14 =	sadd.s32 $0xF0, s9  }
0x9: {  	s16 =	sadd.s32 $0x140, s9;
	s19 =	sadd.s32 $0x190, s9;
	s1 =	sshrl.u32 s4, $0x3  }
0xa: {  	s8 =	sadd.s32 $0x61000, s0;
	s12 =	sshll.u32 s7, $0x7;
	s13 =	sshll.u32 s10, $0x7  }
0xb: {  	s17 =	sshll.u32 s14, $0x7;
	s18 =	sshll.u32 s16, $0x7;
	s20 =	sshll.u32 s19, $0x7  }
0xc: {  	s11 =	sadd.s32 s11, s5;
	s4 =	sshll.u32 s4, $0xB;
	s7 =	sshll.u32 s7, $0x4  }
0xd: {  	s10 =	sshll.u32 s10, $0x4;
	s16 =	sshll.u32 s16, $0x4;
	s2 =	smul.u32 $0x13C00, s1  }
0xe: {  	s1 =	rddreg [dreg:$0x1];
	s11 =	sshrl.u32 s11, $0x3;
	s15 =	sadd.s32 s5, s12  }
0xf: {  	s29 =	sadd.s32 s5, s13;
	s21 =	sadd.s32 s5, s17;
	s4 =	sadd.s32 s4, s0  }
0x10: {  	s11 =	sadd.s32 s8, s11;
	s26 =	sshrl.u32 s15, $0x3;
	s15 =	sshrl.u32 s29, $0x3  }
0x11: {  	s29 =	sadd.s32 s5, s20;
	s4 =	sadd.s32 $0x14800, s4;
	s28 =	sadd.s32 s18, s1  }
0x12: {  	s30 =	sadd.s32 s20, s1;
	s20 =	simm.s32 $0x0;
	s6 =	sor.u32 s3, s2  }
0x13: {  	s3 =	ssub.s32 s22, s24;
	s2 =	sadd.s32 s25, s1;
	s22 =	sadd.s32 $0x1E0, s9  }
0x14: {  	s9 =	sadd.s32 $0x230, s9;
	[dreg:$0x3] =	wrdreg s11;
	s11 =	sadd.s32 s8, s26  }
0x15: {  	s24 =	sshrl.u32 s21, $0x3;
	s25 =	sadd.s32 s5, s18;
	s18 =	simm.s32 $0x1  }
0x16: {  	[dreg:$0x4] =	wrdreg s11;
	s11 =	sadd.s32 s8, s15;
	s26 =	sshrl.u32 s25, $0x3  }
0x17: {  	s15 =	sshrl.u32 s29, $0x3;
	s21 =	sshll.u32 s9, $0x7;
	s29 =	smul.u32 $0x2800, s23  }
0x18: {  	s23 =	sadd.s32 s13, s1;
	s3 =	smax.u32 s3, $0x1;
	s13 =	simm.s32 $0x3  }
0x19: {  	[dreg:$0x5] =	wrdreg s11;
	s11 =	sadd.s32 s8, s24;
	s24 =	sshll.u32 s22, $0x7  }
0x1a: {  	s25 =	sadd.s32 s21, s1;
	s15 =	sadd.s32 s8, s15;
	[dreg:$0x6] =	wrdreg s11  }
0x1b: {  	s21 =	sadd.s32 s5, s21;
	s5 =	sadd.s32 s5, s24;
	[dreg:$0x9] =	wrdreg s15  }
0x1c: {  	s11 =	sadd.s32 s8, s26;
	s21 =	sshrl.u32 s21, $0x3;
	[dreg:$0x7] =	wrdreg s25  }
0x1d: {  	[dreg:$0x8] =	wrdreg s11;
	s5 =	sshrl.u32 s5, $0x3;
	s11 =	simm.s32 $0x0  }
0x1e: {  	s26 =	sshrl.u32 s6, $0x3;
	s5 =	sadd.s32 s8, s5;
	[smem:$0x7FF] =	sst s11  }
0x1f: {  	s15 =	sadd.s32 $0x39000, s0;
	s6 =	sadd.s32 $0x7800, s2;
	[dreg:$0xa] =	wrdreg s5  }
0x20: {  	s5 =	sadd.s32 s8, s21;
	s8 =	sadd.s32 s15, s29;
	s21 =	sadd.s32 s12, s1  }
0x21: {  	s12 =	sshll.u32 s14, $0x4;
	[dreg:$0xb] =	wrdreg s5;
	s5 =	sadd.s32 $0x11800, s2  }
0x22: {  	s29 =	sshll.u32 s9, $0x4;
	s9 =	sadd.s32 $0xC800, s2;
	s25 =	smov.u32 @p0 s5  }
0x23: {  	s5 =	sadd.s32 s26, s0;
	s0 =	sadd.s32 $0x24800, s0;
	[dreg:$0xc] =	wrdreg s25  }
0x24: {  	s5 =	sadd.s32 $0x25400, s5;
	_ =	strace $0x8000004D;
	[dreg:$0xd] =	wrdreg s0  }
0x25: {  	s14 =	sadd.s32 s15, s12;
	s12 =	sadd.s32 s24, s1;
	[dreg:$0xe] =	wrdreg s5  }
0x26: {  	s26 =	sshll.u32 s22, $0x4;
	s25 =	sadd.s32 s17, s1;
	[dreg:$0xf] =	wrdreg s4  }
0x27: {  	s17 =	sshll.u32 s19, $0x4;
	s31 =	sadd.s32 s15, s26;
	[dreg:$0x10] =	wrdreg s8  }
0x28: {  	s0 =	sadd.s32 s15, s7;
	[dreg:$0x13] =	wrdreg s14;
	s19 =	sadd.s32 s15, s17  }
0x29: {  	s4 =	sadd.s32 $0x2800, s2;
	s5 =	sadd.s32 $0x5000, s2;
	s8 =	sadd.s32 $0xA000, s2  }
0x2a: {  	s7 =	simm.s32 $0x6780;
	s17 =	simm.s32 $0x8F80;
	[dreg:$0x11] =	wrdreg s0  }
0x2b: {  	s0 =	sadd.s32 s15, s10;
	[dreg:$0x15] =	wrdreg s19;
	s10 =	sadd.s32 $0xF000, s2  }
0x2c: {  	s19 =	simm.s32 $0x2;
	[dreg:$0x12] =	wrdreg s0;
	s0 =	sadd.s32 s15, s16  }
0x2d: {  	s16 =	simm.s32 $0x50;
	[dreg:$0x14] =	wrdreg s0;
	s0 =	sadd.s32 s15, s29  }
.LBB2_1:
0x2e: {  	s14 =	rddreg [dreg:$0xe];
	s22 =	simm.s32 $0x80;
	s24 =	simm.s32 $0x400  }
0x2f: {  	[tilespmem:s11], [sflag:$0x3] =	stream.strided.gather [hbm4b:s14+s22], $0x2780, s24, s22, $0x38;
	[tilespmem:$0x1F780] =	vst v63  }
0x30: {  	_ =	swait.ge [sflag:s13], $0x2780  }
0x31: {  	[sflag:s13] =	ssyncset.done $0x0  }
0x32: {  	s26 =	simm.s32 $0x2780;
	s24 =	rddreg [dreg:$0xf];
	[sflag:s13] =	ssyncadd.s32 $0xFFFFD880  }
0x33: {  	[tilespmem:s26], [sflag:$0x3] =	stream.linear.gather [hbm4b:s24+s11], $0x3E80, $0x38;
	[tilespmem:$0x1F780] =	vst v63  }
0x34: {  	_ =	swait.ge [sflag:s13], $0x3E80  }
0x35: {  	s14 =	simm.s32 @p0 $0x0;
	[sflag:s13] =	ssyncset.done $0x0  }
0x36: {  	s22 =	simm.s32 @p0 $0x6780;
	s24 =	rddreg [dreg:$0xd];
	[sflag:s13] =	ssyncadd.s32 $0xFFFFC180  }
0x37: {  	[tilespmem:s22], [sflag:$0x3] =	stream.linear.gather @p0 [hbm4b:s24+s14], $0x2800, $0x38;
	[tilespmem:$0x1F780] =	vst v63  }
0x38: {  	s14 =	simm.s32 @p0 $0x3  }
0x39: {  	_ =	swait.ge @p0 [sflag:s14], $0x2800  }
0x3a: {  	[sflag:s14] =	ssyncset.done @p0 $0x0  }
0x3b: {  	[sflag:s14] =	ssyncadd.s32 @p0 $0xFFFFD800  }
0x3c: {  	[spmem:s2] =	stream.linear.scatter @p0 [tilespmem:s22], [sflag:$0x3], $0x2800, $0x38;
	[tilespmem:$0x1F780] =	vst v63  }
0x3d: {  	_ =	swait.ge @p0 [sflag:s14], $0x2800  }
0x3e: {  	[sflag:s14] =	ssyncset.done @p0 $0x0  }
0x3f: {  	[sflag:s14] =	ssyncadd.s32 @p0 $0xFFFFD800  }
0x40: {  	[spmem:s4] =	stream.linear.scatter @p0 [tilespmem:s22], [sflag:$0x3], $0x2800, $0x38;
	[tilespmem:$0x1F780] =	vst v63  }
0x41: {  	_ =	swait.ge @p0 [sflag:s14], $0x2800  }
0x42: {  	[sflag:s14] =	ssyncset.done @p0 $0x0  }
0x43: {  	[sflag:s14] =	ssyncadd.s32 @p0 $0xFFFFD800  }
0x44: {  	[spmem:s5] =	stream.linear.scatter @p0 [tilespmem:s22], [sflag:$0x3], $0x2800, $0x38;
	[tilespmem:$0x1F780] =	vst v63  }
0x45: {  	_ =	swait.ge @p0 [sflag:s14], $0x2800  }
0x46: {  	[sflag:s14] =	ssyncset.done @p0 $0x0  }
0x47: {  	[sflag:s14] =	ssyncadd.s32 @p0 $0xFFFFD800  }
0x48: {  	[spmem:s6] =	stream.linear.scatter @p0 [tilespmem:s22], [sflag:$0x3], $0x2800, $0x38;
	[tilespmem:$0x1F780] =	vst v63  }
0x49: {  	_ =	swait.ge @p0 [sflag:s14], $0x2800  }
0x4a: {  	[sflag:s14] =	ssyncset.done @p0 $0x0  }
0x4b: {  	[sflag:s14] =	ssyncadd.s32 @p0 $0xFFFFD800  }
0x4c: {  	[spmem:s8] =	stream.linear.scatter @p0 [tilespmem:s22], [sflag:$0x3], $0x2800, $0x38;
	[tilespmem:$0x1F780] =	vst v63  }
0x4d: {  	_ =	swait.ge @p0 [sflag:s14], $0x2800  }
0x4e: {  	[sflag:s14] =	ssyncset.done @p0 $0x0  }
0x4f: {  	[sflag:s14] =	ssyncadd.s32 @p0 $0xFFFFD800  }
0x50: {  	[spmem:s9] =	stream.linear.scatter @p0 [tilespmem:s22], [sflag:$0x3], $0x2800, $0x38;
	[tilespmem:$0x1F780] =	vst v63  }
0x51: {  	_ =	swait.ge @p0 [sflag:s14], $0x2800  }
0x52: {  	[sflag:s14] =	ssyncset.done @p0 $0x0  }
0x53: {  	[sflag:s14] =	ssyncadd.s32 @p0 $0xFFFFD800  }
0x54: {  	[spmem:s10] =	stream.linear.scatter @p0 [tilespmem:s22], [sflag:$0x3], $0x2800, $0x38;
	[tilespmem:$0x1F780] =	vst v63  }
0x55: {  	s24 =	rddreg [dreg:$0x10];
	s14 =	simm.s32 @!p0 $0x0;
	s22 =	simm.s32 @!p0 $0x6780  }
0x56: {  	[tilespmem:s22], [sflag:$0x3] =	stream.linear.gather @!p0 [hbm4b:s24+s14], $0x2800, $0x38;
	[tilespmem:$0x1F780] =	vst v63  }
0x57: {  	s24 =	simm.s32 @!p0 $0x3  }
0x58: {  	_ =	swait.ge @!p0 [sflag:s24], $0x2800  }
0x59: {  	[sflag:s24] =	ssyncset.done @!p0 $0x0  }
0x5a: {  	[sflag:s24] =	ssyncadd.s32 @!p0 $0xFFFFD800  }
0x5b: {  	[spmem:s2] =	stream.linear.scatter @!p0 [tilespmem:s22], [sflag:$0x3], $0x2800, $0x38;
	[tilespmem:$0x1F780] =	vst v63  }
0x5c: {  	_ =	swait.ge @!p0 [sflag:s24], $0x2800  }
0x5d: {  	[sflag:s24] =	ssyncset.done @!p0 $0x0  }
0x5e: {  	s26 =	rddreg [dreg:$0x11];
	[sflag:s24] =	ssyncadd.s32 @!p0 $0xFFFFD800  }
0x5f: {  	[tilespmem:s22], [sflag:$0x3] =	stream.linear.gather @!p0 [hbm4b:s26+s14], $0x2800, $0x38;
	[tilespmem:$0x1F780] =	vst v63  }
0x60: {  	_ =	swait.ge @!p0 [sflag:s24], $0x2800  }
0x61: {  	[sflag:s24] =	ssyncset.done @!p0 $0x0  }
0x62: {  	[sflag:s24] =	ssyncadd.s32 @!p0 $0xFFFFD800  }
0x63: {  	[spmem:s21] =	stream.linear.scatter @!p0 [tilespmem:s22], [sflag:$0x3], $0x2800, $0x38;
	[tilespmem:$0x1F780] =	vst v63  }
0x64: {  	_ =	swait.ge @!p0 [sflag:s24], $0x2800  }
0x65: {  	[sflag:s24] =	ssyncset.done @!p0 $0x0  }
0x66: {  	s26 =	rddreg [dreg:$0x12];
	[sflag:s24] =	ssyncadd.s32 @!p0 $0xFFFFD800  }
0x67: {  	[tilespmem:s22], [sflag:$0x3] =	stream.linear.gather @!p0 [hbm4b:s26+s14], $0x2800, $0x38;
	[tilespmem:$0x1F780] =	vst v63  }
0x68: {  	_ =	swait.ge @!p0 [sflag:s24], $0x2800  }
0x69: {  	[sflag:s24] =	ssyncset.done @!p0 $0x0  }
0x6a: {  	[sflag:s24] =	ssyncadd.s32 @!p0 $0xFFFFD800  }
0x6b: {  	[spmem:s23] =	stream.linear.scatter @!p0 [tilespmem:s22], [sflag:$0x3], $0x2800, $0x38;
	[tilespmem:$0x1F780] =	vst v63  }
0x6c: {  	_ =	swait.ge @!p0 [sflag:s24], $0x2800  }
0x6d: {  	[sflag:s24] =	ssyncset.done @!p0 $0x0  }
0x6e: {  	s26 =	rddreg [dreg:$0x13];
	[sflag:s24] =	ssyncadd.s32 @!p0 $0xFFFFD800  }
0x6f: {  	[tilespmem:s22], [sflag:$0x3] =	stream.linear.gather @!p0 [hbm4b:s26+s14], $0x2800, $0x38;
	[tilespmem:$0x1F780] =	vst v63  }
0x70: {  	_ =	swait.ge @!p0 [sflag:s24], $0x2800  }
0x71: {  	[sflag:s24] =	ssyncset.done @!p0 $0x0  }
0x72: {  	[sflag:s24] =	ssyncadd.s32 @!p0 $0xFFFFD800  }
0x73: {  	[spmem:s25] =	stream.linear.scatter @!p0 [tilespmem:s22], [sflag:$0x3], $0x2800, $0x38;
	[tilespmem:$0x1F780] =	vst v63  }
0x74: {  	_ =	swait.ge @!p0 [sflag:s24], $0x2800  }
0x75: {  	[sflag:s24] =	ssyncset.done @!p0 $0x0  }
0x76: {  	s26 =	rddreg [dreg:$0x14];
	[sflag:s24] =	ssyncadd.s32 @!p0 $0xFFFFD800  }
0x77: {  	[tilespmem:s22], [sflag:$0x3] =	stream.linear.gather @!p0 [hbm4b:s26+s14], $0x2800, $0x38;
	[tilespmem:$0x1F780] =	vst v63  }
0x78: {  	_ =	swait.ge @!p0 [sflag:s24], $0x2800  }
0x79: {  	[sflag:s24] =	ssyncset.done @!p0 $0x0  }
0x7a: {  	[sflag:s24] =	ssyncadd.s32 @!p0 $0xFFFFD800  }
0x7b: {  	[spmem:s28] =	stream.linear.scatter @!p0 [tilespmem:s22], [sflag:$0x3], $0x2800, $0x38;
	[tilespmem:$0x1F780] =	vst v63  }
0x7c: {  	_ =	swait.ge @!p0 [sflag:s24], $0x2800  }
0x7d: {  	[sflag:s24] =	ssyncset.done @!p0 $0x0  }
0x7e: {  	s26 =	rddreg [dreg:$0x15];
	[sflag:s24] =	ssyncadd.s32 @!p0 $0xFFFFD800  }
0x7f: {  	[tilespmem:s22], [sflag:$0x3] =	stream.linear.gather @!p0 [hbm4b:s26+s14], $0x2800, $0x38;
	[tilespmem:$0x1F780] =	vst v63  }
0x80: {  	_ =	swait.ge @!p0 [sflag:s24], $0x2800  }
0x81: {  	[sflag:s24] =	ssyncset.done @!p0 $0x0  }
0x82: {  	[sflag:s24] =	ssyncadd.s32 @!p0 $0xFFFFD800  }
0x83: {  	[spmem:s30] =	stream.linear.scatter @!p0 [tilespmem:s22], [sflag:$0x3], $0x2800, $0x38;
	[tilespmem:$0x1F780] =	vst v63  }
0x84: {  	_ =	swait.ge @!p0 [sflag:s24], $0x2800  }
0x85: {  	[sflag:s24] =	ssyncset.done @!p0 $0x0  }
0x86: {  	[sflag:s24] =	ssyncadd.s32 @!p0 $0xFFFFD800  }
0x87: {  	[tilespmem:s22], [sflag:$0x3] =	stream.linear.gather @!p0 [hbm4b:s31+s14], $0x2800, $0x38;
	[tilespmem:$0x1F780] =	vst v63  }
0x88: {  	_ =	swait.ge @!p0 [sflag:s24], $0x2800  }
0x89: {  	[sflag:s24] =	ssyncset.done @!p0 $0x0  }
0x8a: {  	[sflag:s24] =	ssyncadd.s32 @!p0 $0xFFFFD800  }
0x8b: {  	[spmem:s12] =	stream.linear.scatter @!p0 [tilespmem:s22], [sflag:$0x3], $0x2800, $0x38;
	[tilespmem:$0x1F780] =	vst v63  }
0x8c: {  	_ =	swait.ge @!p0 [sflag:s24], $0x2800  }
0x8d: {  	[sflag:s24] =	ssyncset.done @!p0 $0x0  }
0x8e: {  	[sflag:s24] =	ssyncadd.s32 @!p0 $0xFFFFD800  }
0x8f: {  	[tilespmem:s22], [sflag:$0x3] =	stream.linear.gather @!p0 [hbm4b:s0+s14], $0x2800, $0x38;
	[tilespmem:$0x1F780] =	vst v63  }
0x90: {  	_ =	swait.ge [sflag:s13], $0x2800  }
0x91: {  	[sflag:s13] =	ssyncset.done $0x0  }
0x92: {  	s29 =	rddreg [dreg:$0xc];
	[sflag:s13] =	ssyncadd.s32 $0xFFFFD800  }
0x93: {  	[spmem:s29] =	stream.linear.scatter [tilespmem:s7], [sflag:$0x3], $0x2800, $0x38;
	[tilespmem:$0x1F780] =	vst v63  }
0x94: {  	_ =	swait.ge [sflag:s13], $0x2800  }
0x95: {  	[sflag:s13] =	ssyncset.done $0x0  }
0x96: {  	[sflag:s13] =	ssyncadd.s32 $0xFFFFD800  }
0x97: {  	[bflag:$0x0] =	sbarrier.arrive $0xFFFF  }
0x98: {  	[tilespmem:s7], [sflag:$0x1] =	stream.indirect.gather [hbm4b:s15+s16], $0x80, s11, s16, $0xb8;
	[tilespmem:$0x1F780] =	vst v63  }
0x99: {  	s22 =	simm.s32 $0x50  }
0x9a: {  	[tilespmem:s17], [sflag:$0x2] =	stream.indirect.gather [hbm4b:s15+s16], $0x80, s22, s16, $0xb8;
	[tilespmem:$0x1F780] =	vst v63  }
0x9b: {  	_ =	swait.ge [sflag:s18], $0x2800  }
0x9c: {  	[sflag:s18] =	ssyncset.done $0x0  }
0x9d: {  	s24 =	simm.s32 $0x2780;
	[sflag:s18] =	ssyncadd.s32 $0xFFFFD800  }
0x9e: {  	[spmem:s1] =	stream.indirect.scatter.add.f32 [tilespmem:s7], [sflag:$0x3], $0x80, s24, s16, $0xb8;
	[tilespmem:$0x1F780] =	vst v63  }
0x9f: {  	_ =	swait.ge [sflag:s13], $0x2800  }
0xa0: {  	[sflag:s13] =	ssyncset.done $0x0  }
0xa1: {  	s26 =	simm.s32 $0xA0;
	[sflag:s13] =	ssyncadd.s32 $0xFFFFD800  }
0xa2: {  	[tilespmem:s7], [sflag:$0x1] =	stream.indirect.gather [hbm4b:s15+s16], $0x80, s26, s16, $0xb8;
	[tilespmem:$0x1F780] =	vst v63  }
0xa3: {  	_ =	swait.ge [sflag:s19], $0x2800  }
0xa4: {  	[sflag:s19] =	ssyncset.done $0x0  }
0xa5: {  	s29 =	simm.s32 $0x2800;
	[sflag:s19] =	ssyncadd.s32 $0xFFFFD800  }
0xa6: {  	[spmem:s1] =	stream.indirect.scatter.add.f32 [tilespmem:s17], [sflag:$0x3], $0x80, s29, s16, $0xb8;
	[tilespmem:$0x1F780] =	vst v63  }
0xa7: {  	s14 =	simm.s32 $0x800;
	_ =	swait.ge [sflag:s13], $0x2800  }
0xa8: {  	s22 =	simm.s32 $0x140;
	s24 =	simm.s32 $0x400;
	[sflag:s13] =	ssyncset.done $0x0  }
.LBB2_2:
0xa9: {  	p1 =	sne.s32 s14, $0xF400;
	s26 =	sadd.s32 $0xFFFFFFB0, s22;
	[sflag:s13] =	ssyncadd.s32 $0xFFFFD800  }
0xaa: {  	[tilespmem:s17], [sflag:$0x2] =	stream.indirect.gather [hbm4b:s15+s16], $0x80, s26, s16, $0xb8;
	[tilespmem:$0x1F780] =	vst v63  }
0xab: {  	s26 =	smov.u32 s14;
	s14 =	sadd.s32 $0x400, s14;
	_ =	swait.ge [sflag:s18], $0x2800  }
0xac: {  	s29 =	sshra.s32 s24, $0x2;
	s24 =	smov.u32 s26;
	[sflag:s18] =	ssyncset.done $0x0  }
0xad: {  	s26 =	sadd.s32 $0x2780, s29;
	[sflag:s18] =	ssyncadd.s32 $0xFFFFD800  }
0xae: {  	[spmem:s1] =	stream.indirect.scatter.add.f32 [tilespmem:s7], [sflag:$0x3], $0x80, s26, s16, $0xb8;
	[tilespmem:$0x1F780] =	vst v63  }
0xaf: {  	_ =	swait.ge [sflag:s13], $0x2800  }
0xb0: {  	[sflag:s13] =	ssyncset.done $0x0  }
0xb1: {  	[sflag:s13] =	ssyncadd.s32 $0xFFFFD800  }
0xb2: {  	[tilespmem:s7], [sflag:$0x1] =	stream.indirect.gather [hbm4b:s15+s16], $0x80, s22, s16, $0xb8;
	[tilespmem:$0x1F780] =	vst v63  }
0xb3: {  	_ =	swait.ge [sflag:s19], $0x2800  }
.Ltmp0:
0xb4: {  	[sflag:s19] =	ssyncset.done $0x0;
	(pc) =	sbr.rel @p1 .LBB2_2-.Ltmp0, $4  }
0xb5: {  	s26 =	sadd.s32 $0x2800, s29;
	[sflag:s19] =	ssyncadd.s32 $0xFFFFD800  }
0xb6: {  	[spmem:s1] =	stream.indirect.scatter.add.f32 [tilespmem:s17], [sflag:$0x3], $0x80, s26, s16, $0xb8;
	[tilespmem:$0x1F780] =	vst v63  }
0xb7: {  	_ =	swait.ge [sflag:s13], $0x2800  }
0xb8: {  	s22 =	sadd.s32 $0xA0, s22;
	[sflag:s13] =	ssyncset.done $0x0  }
0xb9: {  	s14 =	sadd.s32 $0xFFFFFFB0, s22;
	[sflag:s13] =	ssyncadd.s32 $0xFFFFD800  }
0xba: {  	[tilespmem:s17], [sflag:$0x2] =	stream.indirect.gather [hbm4b:s15+s16], $0x80, s14, s16, $0xb8;
	[tilespmem:$0x1F780] =	vst v63  }
0xbb: {  	_ =	swait.ge [sflag:s18], $0x2800  }
0xbc: {  	s29 =	sshra.s32 s24, $0x2;
	[sflag:s18] =	ssyncset.done $0x0  }
0xbd: {  	s24 =	sadd.s32 $0x2780, s29;
	[sflag:s18] =	ssyncadd.s32 $0xFFFFD800  }
0xbe: {  	[spmem:s1] =	stream.indirect.scatter.add.f32 [tilespmem:s7], [sflag:$0x3], $0x80, s24, s16, $0xb8;
	[tilespmem:$0x1F780] =	vst v63  }
0xbf: {  	_ =	swait.ge [sflag:s13], $0x2800  }
0xc0: {  	[sflag:s13] =	ssyncset.done $0x0  }
0xc1: {  	[sflag:s13] =	ssyncadd.s32 $0xFFFFD800  }
0xc2: {  	[tilespmem:s7], [sflag:$0x1] =	stream.indirect.gather [hbm4b:s15+s16], $0x80, s22, s16, $0xb8;
	[tilespmem:$0x1F780] =	vst v63  }
0xc3: {  	_ =	swait.ge [sflag:s19], $0x2800  }
0xc4: {  	[sflag:s19] =	ssyncset.done $0x0  }
0xc5: {  	s14 =	sadd.s32 $0x2800, s29;
	[sflag:s19] =	ssyncadd.s32 $0xFFFFD800  }
0xc6: {  	[spmem:s1] =	stream.indirect.scatter.add.f32 [tilespmem:s17], [sflag:$0x3], $0x80, s14, s16, $0xb8;
	[tilespmem:$0x1F780] =	vst v63  }
0xc7: {  	_ =	swait.ge [sflag:s13], $0x2800  }
0xc8: {  	[sflag:s13] =	ssyncset.done $0x0  }
0xc9: {  	[sflag:s13] =	ssyncadd.s32 $0xFFFFD800  }
0xca: {  	_ =	swait.ge [sflag:s18], $0x2800  }
0xcb: {  	[sflag:s18] =	ssyncset.done $0x0  }
0xcc: {  	s26 =	simm.s32 $0x6580;
	[sflag:s18] =	ssyncadd.s32 $0xFFFFD800  }
0xcd: {  	[spmem:s1] =	stream.indirect.scatter.add.f32 [tilespmem:s7], [sflag:$0x3], $0x80, s26, s16, $0xb8;
	[tilespmem:$0x1F780] =	vst v63  }
0xce: {  	_ =	swait.ge [sflag:s13], $0x2800  }
0xcf: {  	[sflag:s13] =	ssyncset.done $0x0  }
0xd0: {  	[sflag:s13] =	ssyncadd.s32 $0xFFFFD800  }
0xd1: {  	[bflag:$0x0] =	sbarrier.arrive $0xFFFF  }
0xd2: {  	[tilespmem:s7], [sflag:$0x3] =	stream.linear.gather [spmem:s2], $0x2800, $0x38;
	[tilespmem:$0x1F780] =	vst v63  }
0xd3: {  	_ =	swait.ge [sflag:s13], $0x2800  }
0xd4: {  	[sflag:s13] =	ssyncset.done $0x0  }
0xd5: {  	s29 =	rddreg [dreg:$0x3];
	[sflag:s13] =	ssyncadd.s32 $0xFFFFD800  }
0xd6: {  	[hbm4b:s29+s11] =	stream.linear.scatter [tilespmem:s7], [sflag:$0x3], $0x2800, $0x38;
	[tilespmem:$0x1F780] =	vst v63  }
0xd7: {  	_ =	swait.ge [sflag:s13], $0x2800  }
0xd8: {  	[sflag:s13] =	ssyncset.done $0x0  }
0xd9: {  	[sflag:s13] =	ssyncadd.s32 $0xFFFFD800  }
0xda: {  	[tilespmem:s7], [sflag:$0x3] =	stream.linear.gather [spmem:s21], $0x2800, $0x38;
	[tilespmem:$0x1F780] =	vst v63  }
0xdb: {  	_ =	swait.ge [sflag:s13], $0x2800  }
0xdc: {  	[sflag:s13] =	ssyncset.done $0x0  }
0xdd: {  	s22 =	rddreg [dreg:$0x4];
	[sflag:s13] =	ssyncadd.s32 $0xFFFFD800  }
0xde: {  	[hbm4b:s22+s11] =	stream.linear.scatter [tilespmem:s7], [sflag:$0x3], $0x2800, $0x38;
	[tilespmem:$0x1F780] =	vst v63  }
0xdf: {  	_ =	swait.ge [sflag:s13], $0x2800  }
0xe0: {  	[sflag:s13] =	ssyncset.done $0x0  }
0xe1: {  	[sflag:s13] =	ssyncadd.s32 $0xFFFFD800  }
0xe2: {  	[tilespmem:s7], [sflag:$0x3] =	stream.linear.gather [spmem:s23], $0x2800, $0x38;
	[tilespmem:$0x1F780] =	vst v63  }
0xe3: {  	_ =	swait.ge [sflag:s13], $0x2800  }
0xe4: {  	[sflag:s13] =	ssyncset.done $0x0  }
0xe5: {  	s24 =	rddreg [dreg:$0x5];
	[sflag:s13] =	ssyncadd.s32 $0xFFFFD800  }
0xe6: {  	[hbm4b:s24+s11] =	stream.linear.scatter [tilespmem:s7], [sflag:$0x3], $0x2800, $0x38;
	[tilespmem:$0x1F780] =	vst v63  }
0xe7: {  	_ =	swait.ge [sflag:s13], $0x2800  }
0xe8: {  	[sflag:s13] =	ssyncset.done $0x0  }
0xe9: {  	[sflag:s13] =	ssyncadd.s32 $0xFFFFD800  }
0xea: {  	[tilespmem:s7], [sflag:$0x3] =	stream.linear.gather [spmem:s25], $0x2800, $0x38;
	[tilespmem:$0x1F780] =	vst v63  }
0xeb: {  	_ =	swait.ge [sflag:s13], $0x2800  }
0xec: {  	[sflag:s13] =	ssyncset.done $0x0  }
0xed: {  	s26 =	rddreg [dreg:$0x6];
	[sflag:s13] =	ssyncadd.s32 $0xFFFFD800  }
0xee: {  	[hbm4b:s26+s11] =	stream.linear.scatter [tilespmem:s7], [sflag:$0x3], $0x2800, $0x38;
	[tilespmem:$0x1F780] =	vst v63  }
0xef: {  	_ =	swait.ge [sflag:s13], $0x2800  }
0xf0: {  	[sflag:s13] =	ssyncset.done $0x0  }
0xf1: {  	[sflag:s13] =	ssyncadd.s32 $0xFFFFD800  }
0xf2: {  	[tilespmem:s7], [sflag:$0x3] =	stream.linear.gather [spmem:s28], $0x2800, $0x38;
	[tilespmem:$0x1F780] =	vst v63  }
0xf3: {  	_ =	swait.ge [sflag:s13], $0x2800  }
0xf4: {  	[sflag:s13] =	ssyncset.done $0x0  }
0xf5: {  	s29 =	rddreg [dreg:$0x8];
	[sflag:s13] =	ssyncadd.s32 $0xFFFFD800  }
0xf6: {  	[hbm4b:s29+s11] =	stream.linear.scatter [tilespmem:s7], [sflag:$0x3], $0x2800, $0x38;
	[tilespmem:$0x1F780] =	vst v63  }
0xf7: {  	_ =	swait.ge [sflag:s13], $0x2800  }
0xf8: {  	[sflag:s13] =	ssyncset.done $0x0  }
0xf9: {  	[sflag:s13] =	ssyncadd.s32 $0xFFFFD800  }
0xfa: {  	[tilespmem:s7], [sflag:$0x3] =	stream.linear.gather [spmem:s30], $0x2800, $0x38;
	[tilespmem:$0x1F780] =	vst v63  }
0xfb: {  	_ =	swait.ge [sflag:s13], $0x2800  }
0xfc: {  	[sflag:s13] =	ssyncset.done $0x0  }
0xfd: {  	s22 =	rddreg [dreg:$0x9];
	[sflag:s13] =	ssyncadd.s32 $0xFFFFD800  }
0xfe: {  	[hbm4b:s22+s11] =	stream.linear.scatter [tilespmem:s7], [sflag:$0x3], $0x2800, $0x38;
	[tilespmem:$0x1F780] =	vst v63  }
0xff: {  	_ =	swait.ge [sflag:s13], $0x2800  }
0x100: {  	[sflag:s13] =	ssyncset.done $0x0  }
0x101: {  	[sflag:s13] =	ssyncadd.s32 $0xFFFFD800  }
0x102: {  	[tilespmem:s7], [sflag:$0x3] =	stream.linear.gather [spmem:s12], $0x2800, $0x38;
	[tilespmem:$0x1F780] =	vst v63  }
0x103: {  	_ =	swait.ge [sflag:s13], $0x2800  }
0x104: {  	[sflag:s13] =	ssyncset.done $0x0  }
0x105: {  	s24 =	rddreg [dreg:$0xa];
	[sflag:s13] =	ssyncadd.s32 $0xFFFFD800  }
0x106: {  	[hbm4b:s24+s11] =	stream.linear.scatter [tilespmem:s7], [sflag:$0x3], $0x2800, $0x38;
	[tilespmem:$0x1F780] =	vst v63  }
0x107: {  	_ =	swait.ge [sflag:s13], $0x2800  }
0x108: {  	[sflag:s13] =	ssyncset.done $0x0  }
0x109: {  	s26 =	rddreg [dreg:$0x7];
	[sflag:s13] =	ssyncadd.s32 $0xFFFFD800  }
0x10a: {  	[tilespmem:s7], [sflag:$0x3] =	stream.linear.gather [spmem:s26], $0x2800, $0x38;
	[tilespmem:$0x1F780] =	vst v63  }
0x10b: {  	s20 =	sadd.s32 $0x1, s20;
	_ =	swait.ge [sflag:s13], $0x2800  }
0x10c: {  	p1 =	sne.s32 s20, s3;
	[sflag:s13] =	ssyncset.done $0x0  }
.Ltmp1:
0x10d: {  	s29 =	rddreg [dreg:$0xb];
	[sflag:s13] =	ssyncadd.s32 $0xFFFFD800;
	(pc) =	sbr.rel @p1 .LBB2_1-.Ltmp1, $4  }
0x10e: {  	[hbm4b:s29+s11] =	stream.linear.scatter [tilespmem:s7], [sflag:$0x3], $0x2800, $0x38;
	[tilespmem:$0x1F780] =	vst v63  }
0x10f: {  	_ =	swait.ge [sflag:s13], $0x2800  }
0x110: {  	[sflag:s13] =	ssyncset.done $0x0  }
0x111: {  	[sflag:s13] =	ssyncadd.s32 $0xFFFFD800  }
0x112: {  	_ =	sfence.sel $0x180000  }
0x113: {  	[bflag:$0x0] =	sbarrier.arrive $0xFFFF  }
0x114: {  	_ =	strace $0x9000004D  }
0x115: {  	s0 =	stileid.u32;
	[bflag:$0x2] =	sbarrier.arrive $0xFFFF  }
0x116: {  	p0 =	sne.s32 s0, $0x0;
	s0 =	rddreg [dreg:$0x2]  }
0x117: {  	s0 =	sadd.s32 @!p0 $0x100000, s0  }
0x118: {  	[sflag:s0] =	ssyncadd.tile.s32 @!p0 $0x1;
	_ =	shalt  }
.Lfunc_end2:
_tile_overlayer_lowered:
.L_overlay_start_2:
0x119: {  	(tag) =	ssettag $0x2  }
0x11a: {  	s0 =	rddreg [dreg:$0x0];
	s2 =	stileid.u32  }
0x11b: {  	s1 =	rddreg [dreg:$0x1];
	p0 =	sne.s32 s2, $0x0  }
0x11c: {  	s3 =	rddreg [dreg:$0x2];
	[bflag:$0x3] =	sbarrier.arrive $0xFFFF;
	s2 =	simm.s32 @!p0 $0x1C03  }
0x11d: {  	[timem:s3], [sflag:s2] =	dma.local @!p0 [hbm:s0], s1  }
0x11e: {  	s0 =	simm.s32 @!p0 $0x3  }
0x11f: {  	_ =	swait.ge @!p0 [sflag:s0], s1  }
0x120: {  	s1 =	ssub.s32 @!p0 $0x0, s1;
	[sflag:s0] =	ssyncset.done @!p0 $0x0  }
0x121: {  	[sflag:s0] =	ssyncadd.s32 @!p0 s1  }
0x122: {  	[bflag:$0x3] =	sbarrier.arrive $0xFFFF  }
0x123: {  	_ =	shalt  }

// kernel: kernel.19.cloned.1.call-start
scs
__scs_entry_jumppad:
0x0: {  	(pc) =	sbr.rel $0x88, $3  }
0x1: {  	(tag) =	ssettag $0x0;
	lr =	simm.s32 $0x1  }
0x2: {  	[smem:$0x3F92] =	sst lr;
	_ =	strace $0xD0000000  }
0x3: {  	_ = 	snop  }
0x4: {  	_ = 	snop  }
0x5: {  	_ = 	snop  }
0x6: {  	_ = 	snop  }
0x7: {  	_ = 	snop  }
__scs_overlays_trampoline_lowered:
0x8: {  	[smem:$0x3FA1] =	sst s0  }
0x9: {  	[smem:$0x3FA2] =	sst s1  }
0xa: {  	[smem:$0x3FA3] =	sst s2  }
0xb: {  	[smem:$0x3FA4] =	sst s3  }
0xc: {  	[smem:$0x3FA5] =	sst s4  }
0xd: {  	[smem:$0x3FA6] =	sst s5  }
0xe: {  	[smem:$0x3FA7] =	sst s6  }
0xf: {  	[smem:$0x3FA8] =	sst s7  }
0x10: {  	[smem:$0x3FA9] =	sst s8  }
0x11: {  	[smem:$0x3FAA] =	sst s9;
	s0 =	simm.s32 @!p0 $0x0  }
0x12: {  	s1 =	sld [smem:$0x3F90];
	s0 =	simm.s32 @p0 $0x1  }
0x13: {  	[smem:$0x3FAB] =	sst s0;
	s0 =	simm.s32 @!p1 $0x0  }
0x14: {  	s2 =	sld [smem:$0x3F8F];
	s0 =	simm.s32 @p1 $0x1  }
0x15: {  	[smem:$0x3FAC] =	sst s0;
	s0 =	simm.s32 @!p2 $0x0  }
0x16: {  	s3 =	sld [smem:$0x3FDB];
	s0 =	simm.s32 @p2 $0x1  }
0x17: {  	s4 =	simm.s32 $0x1BF5;
	[smem:$0x3FAE] =	sst s0  }
0x18: {  	s0 =	sld [smem:$0x3F91];
	_ =	swait.ge [sflag:s4], $0x0  }
0x19: {  	s7 =	sld [smem:$0x3F92]  }
0x1a: {  	s8 =	sadd.s32 $0xFFFFE003, lr  }
0x1b: {  	s9 =	sadd.s32 $0xFFFFFEF7, lr;
	s5 =	simm.s32 $0xFFFFFFFF;
	p2 =	slt.u32 s8, $0xFFFFF086  }
0x1c: {  	p1 =	slt.u32 s9, $0xF7A;
	s5 =	simm.s32 @!p2 $0x0  }
0x1d: {  	s5 =	simm.s32 @p1 $0x1;
	p0 =	seq.s32 s7, s2  }
0x1e: {  	s7 =	smul.u32 @!p0 $0xF7A, s2;
	p2 =	seq.s32 @!p0 s5, $0x0  }
0x1f: {  	s9 =	smul.u32 $0xF7A, s1;
	s8 =	simm.s32 @!p0 $0x1BF5;
	p2 =	por !p2, p0  }
0x20: {  	[sflag:s8] =	ssyncset.s32 @!p0 $0xFFFFF086;
	s6 =	sadd.s32 @!p0 s3, s7;
	s7 =	simm.s32 @!p0 $0x108  }
0x21: {  	s3 =	sadd.s32 s3, s9;
	s6 =	sadd.s32 @!p0 $0x88, s6;
	s7 =	simm.s32 @p2 $0x1082  }
0x22: {  	[simem:s7], [sflag:s8] =	dma.local @!p0 [hbm:s6], $0xF7A  }
0x23: {  	s9 =	sor.u32 $0xD0000000, s2;
	s6 =	simm.s32 $0x108;
	_ =	swait.ge @!p0 [sflag:s8], $0x0  }
0x24: {  	s3 =	sadd.s32 $0x88, s3;
	s6 =	simm.s32 @!p1 $0x1082;
	[sflag:s4] =	ssyncset.s32 $0xFFFFF086  }
0x25: {  	[simem:s6], [sflag:s4] =	dma.local [hbm:s3], $0xF7A  }
0x26: {  	[smem:$0x3F92] =	sst s1;
	(tag) =	ssettag s2;
	_ =	strace s9  }
0x27: {  	s1 =	sld [smem:$0x3FA2]  }
0x28: {  	s2 =	sld [smem:$0x3FA3]  }
0x29: {  	s4 =	sld [smem:$0x3FA5]  }
0x2a: {  	p0 =	seq.s32 s5, $0x0;
	s5 =	sld [smem:$0x3FA6]  }
0x2b: {  	s6 =	sld [smem:$0x3FA7]  }
0x2c: {  	s7 =	sld [smem:$0x3FA8]  }
0x2d: {  	s3 =	simm.s32 $0x108;
	s8 =	sld [smem:$0x3FA9]  }
0x2e: {  	s3 =	simm.s32 @!p0 $0x1082;
	s9 =	sld [smem:$0x3FAA]  }
0x2f: {  	lr =	sadd.s32 s0, s3;
	s0 =	sld [smem:$0x3FA1]  }
0x30: {  	s3 =	sld [smem:$0x3FA4]  }
0x31: {  	[smem:$0x3FAD] =	sst s10  }
0x32: {  	s10 =	sld [smem:$0x3FAB];
	_ =	sdelay $0x3  }
0x33: {  	p0 =	seq.s32 s10, $0x1;
	s10 =	sld [smem:$0x3FAD];
	_ =	sdelay $0x3  }
0x34: {  	[smem:$0x3FAD] =	sst s10  }
0x35: {  	s10 =	sld [smem:$0x3FAC];
	_ =	sdelay $0x3  }
0x36: {  	p1 =	seq.s32 s10, $0x1;
	s10 =	sld [smem:$0x3FAD];
	_ =	sdelay $0x3  }
0x37: {  	[smem:$0x3FAD] =	sst s10  }
0x38: {  	s10 =	sld [smem:$0x3FAE]  }
0x39: {  	_ = 	snop;
	(pc) =	sbr.ind lr, $3  }
0x3a: {  	_ = 	snop  }
0x3b: {  	_ = 	snop  }
0x3c: {  	p2 =	seq.s32 s10, $0x1;
	s10 =	sld [smem:$0x3FAD]  }
0x3d: {  	_ =	shalt  }
0x3e: {  	_ =	shalt  }
0x3f: {  	_ =	shalt  }
0x40: {  	_ =	shalt  }
0x41: {  	_ =	shalt  }
0x42: {  	_ =	shalt  }
0x43: {  	_ =	shalt  }
0x44: {  	_ =	shalt  }
0x45: {  	_ =	shalt  }
0x46: {  	_ =	shalt  }
0x47: {  	_ =	shalt  }
0x48: {  	_ =	shalt  }
0x49: {  	_ =	shalt  }
0x4a: {  	_ =	shalt  }
0x4b: {  	_ =	shalt  }
0x4c: {  	_ =	shalt  }
0x4d: {  	_ =	shalt  }
0x4e: {  	_ =	shalt  }
0x4f: {  	_ =	shalt  }
0x50: {  	_ =	shalt  }
0x51: {  	_ =	shalt  }
0x52: {  	_ =	shalt  }
0x53: {  	_ =	shalt  }
0x54: {  	_ =	shalt  }
0x55: {  	_ =	shalt  }
0x56: {  	_ =	shalt  }
0x57: {  	_ =	shalt  }
0x58: {  	_ =	shalt  }
0x59: {  	_ =	shalt  }
0x5a: {  	_ =	shalt  }
0x5b: {  	_ =	shalt  }
0x5c: {  	_ =	shalt  }
0x5d: {  	_ =	shalt  }
0x5e: {  	_ =	shalt  }
0x5f: {  	_ =	shalt  }
0x60: {  	_ =	shalt  }
0x61: {  	_ =	shalt  }
0x62: {  	_ =	shalt  }
0x63: {  	_ =	shalt  }
0x64: {  	_ =	shalt  }
0x65: {  	_ =	shalt  }
0x66: {  	_ =	shalt  }
0x67: {  	_ =	shalt  }
0x68: {  	_ =	shalt  }
0x69: {  	_ =	shalt  }
0x6a: {  	_ =	shalt  }
0x6b: {  	_ =	shalt  }
0x6c: {  	_ =	shalt  }
0x6d: {  	_ =	shalt  }
0x6e: {  	_ =	shalt  }
0x6f: {  	_ =	shalt  }
0x70: {  	_ =	shalt  }
0x71: {  	_ =	shalt  }
0x72: {  	_ =	shalt  }
0x73: {  	_ =	shalt  }
0x74: {  	_ =	shalt  }
0x75: {  	_ =	shalt  }
0x76: {  	_ =	shalt  }
0x77: {  	_ =	shalt  }
0x78: {  	_ =	shalt  }
0x79: {  	_ =	shalt  }
0x7a: {  	_ =	shalt  }
0x7b: {  	_ =	shalt  }
0x7c: {  	_ =	shalt  }
0x7d: {  	_ =	shalt  }
0x7e: {  	_ =	shalt  }
0x7f: {  	_ =	shalt  }
0x80: {  	_ =	shalt  }
0x81: {  	_ =	shalt  }
0x82: {  	_ =	shalt  }
0x83: {  	_ =	shalt  }
0x84: {  	_ =	shalt  }
0x85: {  	_ =	shalt  }
0x86: {  	_ =	shalt  }
0x87: {  	_ =	shalt  }
.Lfunc_end0:
.L_simem_size_0:
called_computation.3_lowered:
.L_overlay_start_0:
0x88: {  	s2 =	sld [smem:$0x3FD9]  }
0x89: {  	s3 =	sld [smem:$0x3FFE];
	_ =	sdelay $0x1  }
0x8a: {  	s1 =	srdreg.scid  }
0x8b: {  	s0 =	sand.u32 $0x1, s1  }
0x8c: {  	s16 =	sshll.u32 s0, $0xA;
	s2 =	sadd.s32 s3, s2  }
0x8d: {  	s2 =	sadd.s32 s2, s16  }
0x8e: {  	[smem:$0x3FB9] =	sst s2  }
0x8f: {  	_ = 	snop  }
0x90: {  	(tm) =	ssettm $0x1  }
0x91: {  	s17 =	sld [smem:$0x3FFB];
	_ =	sdelay $0x3  }
0x92: {  	_ =	strace s17  }
0x93: {  	s2 =	sld [smem:$0x3FFC];
	_ =	sdelay $0x3  }
0x94: {  	_ =	strace s2  }
0x95: {  	s2 =	sld [smem:$0x3FFD];
	_ =	sdelay $0x3  }
0x96: {  	_ =	strace s2  }
0x97: {  	_ =	strace $0x8FFFFFFF  }
0x98: {  	s18 =	sld [smem:$0x3FDB];
	_ =	sdelay $0x1  }
0x99: {  	s19 =	simm.s32 $_scs_section_size  }
0x9a: {  	s4 =	simm.s32 $_size__tile_overlayer_lowered;
	s5 =	simm.s32 $_tile_overlayer_lowered  }
0x9b: {  	s22 =	simm.s32 $0x1BFF;
	s21 =	sshll.u32 s5, $0x1;
	s2 =	sadd.s32 s19, s18  }
0x9c: {  	s6 =	simm.s32 $0x0;
	s20 =	sshll.u32 s4, $0x1;
	s4 =	sadd.s32 s21, s2  }
0x9d: {  	[timem:s6], [sflag:s22] =	dma.local [hbm:s4], s20  }
0x9e: {  	_ =	swait.ge [sflag:s22], s20  }
0x9f: {  	s3 =	ssub.s32 $0x0, s20;
	[sflag:s22] =	ssyncset.done $0x0  }
0xa0: {  	[sflag:s22] =	ssyncadd.s32 s3;
	_ =	sdelay $0x1  }
0xa1: {  	s23 =	simm.s32 $0x1B8B  }
0xa2: {  	_ =	swait.ge [sflag:s23], $0x1  }
0xa3: {  	[sflag:s23] =	ssyncset.done $0x0  }
0xa4: {  	s25 =	simm.s32 $0x1B8E;
	s24 =	sld [smem:$0x3FFE];
	[sflag:s23] =	ssyncadd.s32 $0xFFFFFFFF  }
0xa5: {  	s26 =	simm.s32 $execute0_lowered;
	[smem:$0x3FD2] =	sst s25  }
0xa6: {  	s4 =	sshll.u32 s26, $0x1;
	_ =	strace $0x8000004F;
	[dreg:$0x1] =	wrdreg $0xFFFFFFFF  }
0xa7: {  	s28 =	simm.s32 $_size_execute0_lowered;
	s2 =	sadd.s32 s2, s4;
	[dreg:$0x0] =	wrdreg $0x0  }
0xa8: {  	s4 =	sshll.u32 s28, $0x1;
	[dreg:$0x2] =	wrdreg s2  }
0xa9: {  	[dreg:$0x3] =	wrdreg s4  }
0xaa: {  	[dreg:$0x4] =	wrdreg $0xC0  }
0xab: {  	_ =	task [dreg:s6], $0x5FFFF  }
0xac: {  	[dreg:$0x1] =	wrdreg $0xFFFFFFFF  }
0xad: {  	[dreg:$0x0] =	wrdreg $0x60  }
0xae: {  	[dreg:$0x2] =	wrdreg s24  }
0xaf: {  	[dreg:$0x3] =	wrdreg $0xB7800  }
0xb0: {  	[dreg:$0x4] =	wrdreg $0x9  }
0xb1: {  	_ =	task.clear_ibuf [dreg:s6], $0x5FFFF;
	_ =	strace $0x9000004F  }
0xb2: {  	s29 =	simm.s32 $0x9;
	_ =	strace $0x80000051  }
0xb3: {  	_ =	swait.ge [sflag:s29], $0x1  }
0xb4: {  	[sflag:s29] =	ssyncadd.s32 $0xFFFFFFFF  }
0xb5: {  	_ =	strace $0x90000051  }
0xb6: {  	_ =	sfence  }
0xb7: {  	s30 =	sld [smem:$0x0];
	_ =	sdelay $0x2  }
0xb8: {  	s31 =	sshll.u32 s1, $0xD;
	s1 =	sshrl.u32 s1, $0x2  }
0xb9: {  	s3 =	sand.u32 $0x4000, s31;
	s1 =	sadd.s32 s1, s30  }
0xba: {  	s0 =	sor.u32 s3, s0;
	s1 =	sshll.u32 s1, $0x11  }
0xbb: {  	s0 =	sor.u32 s1, s0  }
0xbc: {  	s0 =	sadd.s32 $0x8F2B, s0  }
0xbd: {  	[sflag:s0] =	ssyncadd.remote.s32 $0x1  }
0xbe: {  	_ =	sfence.sel $0xFFFF  }
0xbf: {  	[dreg:$0x0] =	wrdreg $0xFFFFFFFF;
	(pc) =	sbr.abs _section_cstart, $3  }
0xc0: {  	[dreg:$0x1] =	wrdreg $0xFFFFFFFF  }
0xc1: {  	_ =	task.clear_ibuf [dreg:s6], $0x2FFFF;
	_ =	strace $0x9FFFFFFF  }
0xc2: {  	(tm) =	ssettm $0x7FFFFFFF  }
0xc3: {  	_ =	shalt  }
tec
execute0_lowered:
.L_overlay_start_1:
0x0: {  	(tag) =	ssettag $0x1  }
0x1: {  	s23 =	stileid.u32  }
0x2: {  	s7 =	smul.u32 $0x50000, s23  }
0x3: {  	s0 =	srdreg.scid;
	s9 =	smul.u32 $0x280, s23  }
0x4: {  	s5 =	sand.u32 $0x1, s0;
	s3 =	sshll.u32 s23, $0x7;
	s11 =	smul.u32 $0x14000, s23  }
0x5: {  	s0 =	sshll.u32 s5, $0x4;
	s3 =	sand.u32 $0x380, s3;
	s22 =	ssub.s32 $0x2, s5  }
0x6: {  	p0 =	seq.s32 s5, $0x1;
	s5 =	smul.u32 $0x140000, s5;
	s4 =	sor.u32 s23, s0  }
0x7: {  	s0 =	rddreg [dreg:$0x0];
	s24 =	sshrl.u32 s22, $0x1;
	s25 =	sshrl.u32 s7, $0x2  }
0x8: {  	s7 =	sor.u32 $0x50, s9;
	s10 =	sadd.s32 $0xA0, s9;
	s14 =	sadd.s32 $0xF0, s9  }
0x9: {  	s16 =	sadd.s32 $0x140, s9;
	s19 =	sadd.s32 $0x190, s9;
	s1 =	sshrl.u32 s4, $0x3  }
0xa: {  	s8 =	sadd.s32 $0x61000, s0;
	s12 =	sshll.u32 s7, $0x7;
	s13 =	sshll.u32 s10, $0x7  }
0xb: {  	s17 =	sshll.u32 s14, $0x7;
	s18 =	sshll.u32 s16, $0x7;
	s20 =	sshll.u32 s19, $0x7  }
0xc: {  	s11 =	sadd.s32 s11, s5;
	s4 =	sshll.u32 s4, $0xB;
	s7 =	sshll.u32 s7, $0x4  }
0xd: {  	s10 =	sshll.u32 s10, $0x4;
	s16 =	sshll.u32 s16, $0x4;
	s2 =	smul.u32 $0x13C00, s1  }
0xe: {  	s1 =	rddreg [dreg:$0x1];
	s11 =	sshrl.u32 s11, $0x3;
	s15 =	sadd.s32 s5, s12  }
0xf: {  	s29 =	sadd.s32 s5, s13;
	s21 =	sadd.s32 s5, s17;
	s4 =	sadd.s32 s4, s0  }
0x10: {  	s11 =	sadd.s32 s8, s11;
	s26 =	sshrl.u32 s15, $0x3;
	s15 =	sshrl.u32 s29, $0x3  }
0x11: {  	s29 =	sadd.s32 s5, s20;
	s4 =	sadd.s32 $0x14800, s4;
	s28 =	sadd.s32 s18, s1  }
0x12: {  	s30 =	sadd.s32 s20, s1;
	s20 =	simm.s32 $0x0;
	s6 =	sor.u32 s3, s2  }
0x13: {  	s3 =	ssub.s32 s22, s24;
	s2 =	sadd.s32 s25, s1;
	s22 =	sadd.s32 $0x1E0, s9  }
0x14: {  	s9 =	sadd.s32 $0x230, s9;
	[dreg:$0x3] =	wrdreg s11;
	s11 =	sadd.s32 s8, s26  }
0x15: {  	s24 =	sshrl.u32 s21, $0x3;
	s25 =	sadd.s32 s5, s18;
	s18 =	simm.s32 $0x1  }
0x16: {  	[dreg:$0x4] =	wrdreg s11;
	s11 =	sadd.s32 s8, s15;
	s26 =	sshrl.u32 s25, $0x3  }
0x17: {  	s15 =	sshrl.u32 s29, $0x3;
	s21 =	sshll.u32 s9, $0x7;
	s29 =	smul.u32 $0x2800, s23  }
0x18: {  	s23 =	sadd.s32 s13, s1;
	s3 =	smax.u32 s3, $0x1;
	s13 =	simm.s32 $0x3  }
0x19: {  	[dreg:$0x5] =	wrdreg s11;
	s11 =	sadd.s32 s8, s24;
	s24 =	sshll.u32 s22, $0x7  }
0x1a: {  	s25 =	sadd.s32 s21, s1;
	s15 =	sadd.s32 s8, s15;
	[dreg:$0x6] =	wrdreg s11  }
0x1b: {  	s21 =	sadd.s32 s5, s21;
	s5 =	sadd.s32 s5, s24;
	[dreg:$0x9] =	wrdreg s15  }
0x1c: {  	s11 =	sadd.s32 s8, s26;
	s21 =	sshrl.u32 s21, $0x3;
	[dreg:$0x7] =	wrdreg s25  }
0x1d: {  	[dreg:$0x8] =	wrdreg s11;
	s5 =	sshrl.u32 s5, $0x3;
	s11 =	simm.s32 $0x0  }
0x1e: {  	s26 =	sshrl.u32 s6, $0x3;
	s5 =	sadd.s32 s8, s5;
	[smem:$0x7FF] =	sst s11  }
0x1f: {  	s15 =	sadd.s32 $0x39000, s0;
	s6 =	sadd.s32 $0x7800, s2;
	[dreg:$0xa] =	wrdreg s5  }
0x20: {  	s5 =	sadd.s32 s8, s21;
	s8 =	sadd.s32 s15, s29;
	s21 =	sadd.s32 s12, s1  }
0x21: {  	s12 =	sshll.u32 s14, $0x4;
	[dreg:$0xb] =	wrdreg s5;
	s5 =	sadd.s32 $0x11800, s2  }
0x22: {  	s29 =	sshll.u32 s9, $0x4;
	s9 =	sadd.s32 $0xC800, s2;
	s25 =	smov.u32 @p0 s5  }
0x23: {  	s5 =	sadd.s32 s26, s0;
	s0 =	sadd.s32 $0x24800, s0;
	[dreg:$0xc] =	wrdreg s25  }
0x24: {  	s5 =	sadd.s32 $0x25400, s5;
	_ =	strace $0x80000050;
	[dreg:$0xd] =	wrdreg s0  }
0x25: {  	s14 =	sadd.s32 s15, s12;
	s12 =	sadd.s32 s24, s1;
	[dreg:$0xe] =	wrdreg s5  }
0x26: {  	s26 =	sshll.u32 s22, $0x4;
	s25 =	sadd.s32 s17, s1;
	[dreg:$0xf] =	wrdreg s4  }
0x27: {  	s17 =	sshll.u32 s19, $0x4;
	s31 =	sadd.s32 s15, s26;
	[dreg:$0x10] =	wrdreg s8  }
0x28: {  	s0 =	sadd.s32 s15, s7;
	[dreg:$0x13] =	wrdreg s14;
	s19 =	sadd.s32 s15, s17  }
0x29: {  	s4 =	sadd.s32 $0x2800, s2;
	s5 =	sadd.s32 $0x5000, s2;
	s8 =	sadd.s32 $0xA000, s2  }
0x2a: {  	s7 =	simm.s32 $0x6780;
	s17 =	simm.s32 $0x8F80;
	[dreg:$0x11] =	wrdreg s0  }
0x2b: {  	s0 =	sadd.s32 s15, s10;
	[dreg:$0x15] =	wrdreg s19;
	s10 =	sadd.s32 $0xF000, s2  }
0x2c: {  	s19 =	simm.s32 $0x2;
	[dreg:$0x12] =	wrdreg s0;
	s0 =	sadd.s32 s15, s16  }
0x2d: {  	s16 =	simm.s32 $0x50;
	[dreg:$0x14] =	wrdreg s0;
	s0 =	sadd.s32 s15, s29  }
.LBB2_1:
0x2e: {  	s14 =	rddreg [dreg:$0xe];
	s22 =	simm.s32 $0x80;
	s24 =	simm.s32 $0x400  }
0x2f: {  	[tilespmem:s11], [sflag:$0x3] =	stream.strided.gather [hbm4b:s14+s22], $0x2780, s24, s22, $0x38;
	[tilespmem:$0x1F780] =	vst v63  }
0x30: {  	_ =	swait.ge [sflag:s13], $0x2780  }
0x31: {  	[sflag:s13] =	ssyncset.done $0x0  }
0x32: {  	s26 =	simm.s32 $0x2780;
	s24 =	rddreg [dreg:$0xf];
	[sflag:s13] =	ssyncadd.s32 $0xFFFFD880  }
0x33: {  	[tilespmem:s26], [sflag:$0x3] =	stream.linear.gather [hbm4b:s24+s11], $0x3E80, $0x38;
	[tilespmem:$0x1F780] =	vst v63  }
0x34: {  	_ =	swait.ge [sflag:s13], $0x3E80  }
0x35: {  	s14 =	simm.s32 @p0 $0x0;
	[sflag:s13] =	ssyncset.done $0x0  }
0x36: {  	s22 =	simm.s32 @p0 $0x6780;
	s24 =	rddreg [dreg:$0xd];
	[sflag:s13] =	ssyncadd.s32 $0xFFFFC180  }
0x37: {  	[tilespmem:s22], [sflag:$0x3] =	stream.linear.gather @p0 [hbm4b:s24+s14], $0x2800, $0x38;
	[tilespmem:$0x1F780] =	vst v63  }
0x38: {  	s14 =	simm.s32 @p0 $0x3  }
0x39: {  	_ =	swait.ge @p0 [sflag:s14], $0x2800  }
0x3a: {  	[sflag:s14] =	ssyncset.done @p0 $0x0  }
0x3b: {  	[sflag:s14] =	ssyncadd.s32 @p0 $0xFFFFD800  }
0x3c: {  	[spmem:s2] =	stream.linear.scatter @p0 [tilespmem:s22], [sflag:$0x3], $0x2800, $0x38;
	[tilespmem:$0x1F780] =	vst v63  }
0x3d: {  	_ =	swait.ge @p0 [sflag:s14], $0x2800  }
0x3e: {  	[sflag:s14] =	ssyncset.done @p0 $0x0  }
0x3f: {  	[sflag:s14] =	ssyncadd.s32 @p0 $0xFFFFD800  }
0x40: {  	[spmem:s4] =	stream.linear.scatter @p0 [tilespmem:s22], [sflag:$0x3], $0x2800, $0x38;
	[tilespmem:$0x1F780] =	vst v63  }
0x41: {  	_ =	swait.ge @p0 [sflag:s14], $0x2800  }
0x42: {  	[sflag:s14] =	ssyncset.done @p0 $0x0  }
0x43: {  	[sflag:s14] =	ssyncadd.s32 @p0 $0xFFFFD800  }
0x44: {  	[spmem:s5] =	stream.linear.scatter @p0 [tilespmem:s22], [sflag:$0x3], $0x2800, $0x38;
	[tilespmem:$0x1F780] =	vst v63  }
0x45: {  	_ =	swait.ge @p0 [sflag:s14], $0x2800  }
0x46: {  	[sflag:s14] =	ssyncset.done @p0 $0x0  }
0x47: {  	[sflag:s14] =	ssyncadd.s32 @p0 $0xFFFFD800  }
0x48: {  	[spmem:s6] =	stream.linear.scatter @p0 [tilespmem:s22], [sflag:$0x3], $0x2800, $0x38;
	[tilespmem:$0x1F780] =	vst v63  }
0x49: {  	_ =	swait.ge @p0 [sflag:s14], $0x2800  }
0x4a: {  	[sflag:s14] =	ssyncset.done @p0 $0x0  }
0x4b: {  	[sflag:s14] =	ssyncadd.s32 @p0 $0xFFFFD800  }
0x4c: {  	[spmem:s8] =	stream.linear.scatter @p0 [tilespmem:s22], [sflag:$0x3], $0x2800, $0x38;
	[tilespmem:$0x1F780] =	vst v63  }
0x4d: {  	_ =	swait.ge @p0 [sflag:s14], $0x2800  }
0x4e: {  	[sflag:s14] =	ssyncset.done @p0 $0x0  }
0x4f: {  	[sflag:s14] =	ssyncadd.s32 @p0 $0xFFFFD800  }
0x50: {  	[spmem:s9] =	stream.linear.scatter @p0 [tilespmem:s22], [sflag:$0x3], $0x2800, $0x38;
	[tilespmem:$0x1F780] =	vst v63  }
0x51: {  	_ =	swait.ge @p0 [sflag:s14], $0x2800  }
0x52: {  	[sflag:s14] =	ssyncset.done @p0 $0x0  }
0x53: {  	[sflag:s14] =	ssyncadd.s32 @p0 $0xFFFFD800  }
0x54: {  	[spmem:s10] =	stream.linear.scatter @p0 [tilespmem:s22], [sflag:$0x3], $0x2800, $0x38;
	[tilespmem:$0x1F780] =	vst v63  }
0x55: {  	s24 =	rddreg [dreg:$0x10];
	s14 =	simm.s32 @!p0 $0x0;
	s22 =	simm.s32 @!p0 $0x6780  }
0x56: {  	[tilespmem:s22], [sflag:$0x3] =	stream.linear.gather @!p0 [hbm4b:s24+s14], $0x2800, $0x38;
	[tilespmem:$0x1F780] =	vst v63  }
0x57: {  	s24 =	simm.s32 @!p0 $0x3  }
0x58: {  	_ =	swait.ge @!p0 [sflag:s24], $0x2800  }
0x59: {  	[sflag:s24] =	ssyncset.done @!p0 $0x0  }
0x5a: {  	[sflag:s24] =	ssyncadd.s32 @!p0 $0xFFFFD800  }
0x5b: {  	[spmem:s2] =	stream.linear.scatter @!p0 [tilespmem:s22], [sflag:$0x3], $0x2800, $0x38;
	[tilespmem:$0x1F780] =	vst v63  }
0x5c: {  	_ =	swait.ge @!p0 [sflag:s24], $0x2800  }
0x5d: {  	[sflag:s24] =	ssyncset.done @!p0 $0x0  }
0x5e: {  	s26 =	rddreg [dreg:$0x11];
	[sflag:s24] =	ssyncadd.s32 @!p0 $0xFFFFD800  }
0x5f: {  	[tilespmem:s22], [sflag:$0x3] =	stream.linear.gather @!p0 [hbm4b:s26+s14], $0x2800, $0x38;
	[tilespmem:$0x1F780] =	vst v63  }
0x60: {  	_ =	swait.ge @!p0 [sflag:s24], $0x2800  }
0x61: {  	[sflag:s24] =	ssyncset.done @!p0 $0x0  }
0x62: {  	[sflag:s24] =	ssyncadd.s32 @!p0 $0xFFFFD800  }
0x63: {  	[spmem:s21] =	stream.linear.scatter @!p0 [tilespmem:s22], [sflag:$0x3], $0x2800, $0x38;
	[tilespmem:$0x1F780] =	vst v63  }
0x64: {  	_ =	swait.ge @!p0 [sflag:s24], $0x2800  }
0x65: {  	[sflag:s24] =	ssyncset.done @!p0 $0x0  }
0x66: {  	s26 =	rddreg [dreg:$0x12];
	[sflag:s24] =	ssyncadd.s32 @!p0 $0xFFFFD800  }
0x67: {  	[tilespmem:s22], [sflag:$0x3] =	stream.linear.gather @!p0 [hbm4b:s26+s14], $0x2800, $0x38;
	[tilespmem:$0x1F780] =	vst v63  }
0x68: {  	_ =	swait.ge @!p0 [sflag:s24], $0x2800  }
0x69: {  	[sflag:s24] =	ssyncset.done @!p0 $0x0  }
0x6a: {  	[sflag:s24] =	ssyncadd.s32 @!p0 $0xFFFFD800  }
0x6b: {  	[spmem:s23] =	stream.linear.scatter @!p0 [tilespmem:s22], [sflag:$0x3], $0x2800, $0x38;
	[tilespmem:$0x1F780] =	vst v63  }
0x6c: {  	_ =	swait.ge @!p0 [sflag:s24], $0x2800  }
0x6d: {  	[sflag:s24] =	ssyncset.done @!p0 $0x0  }
0x6e: {  	s26 =	rddreg [dreg:$0x13];
	[sflag:s24] =	ssyncadd.s32 @!p0 $0xFFFFD800  }
0x6f: {  	[tilespmem:s22], [sflag:$0x3] =	stream.linear.gather @!p0 [hbm4b:s26+s14], $0x2800, $0x38;
	[tilespmem:$0x1F780] =	vst v63  }
0x70: {  	_ =	swait.ge @!p0 [sflag:s24], $0x2800  }
0x71: {  	[sflag:s24] =	ssyncset.done @!p0 $0x0  }
0x72: {  	[sflag:s24] =	ssyncadd.s32 @!p0 $0xFFFFD800  }
0x73: {  	[spmem:s25] =	stream.linear.scatter @!p0 [tilespmem:s22], [sflag:$0x3], $0x2800, $0x38;
	[tilespmem:$0x1F780] =	vst v63  }
0x74: {  	_ =	swait.ge @!p0 [sflag:s24], $0x2800  }
0x75: {  	[sflag:s24] =	ssyncset.done @!p0 $0x0  }
0x76: {  	s26 =	rddreg [dreg:$0x14];
	[sflag:s24] =	ssyncadd.s32 @!p0 $0xFFFFD800  }
0x77: {  	[tilespmem:s22], [sflag:$0x3] =	stream.linear.gather @!p0 [hbm4b:s26+s14], $0x2800, $0x38;
	[tilespmem:$0x1F780] =	vst v63  }
0x78: {  	_ =	swait.ge @!p0 [sflag:s24], $0x2800  }
0x79: {  	[sflag:s24] =	ssyncset.done @!p0 $0x0  }
0x7a: {  	[sflag:s24] =	ssyncadd.s32 @!p0 $0xFFFFD800  }
0x7b: {  	[spmem:s28] =	stream.linear.scatter @!p0 [tilespmem:s22], [sflag:$0x3], $0x2800, $0x38;
	[tilespmem:$0x1F780] =	vst v63  }
0x7c: {  	_ =	swait.ge @!p0 [sflag:s24], $0x2800  }
0x7d: {  	[sflag:s24] =	ssyncset.done @!p0 $0x0  }
0x7e: {  	s26 =	rddreg [dreg:$0x15];
	[sflag:s24] =	ssyncadd.s32 @!p0 $0xFFFFD800  }
0x7f: {  	[tilespmem:s22], [sflag:$0x3] =	stream.linear.gather @!p0 [hbm4b:s26+s14], $0x2800, $0x38;
	[tilespmem:$0x1F780] =	vst v63  }
0x80: {  	_ =	swait.ge @!p0 [sflag:s24], $0x2800  }
0x81: {  	[sflag:s24] =	ssyncset.done @!p0 $0x0  }
0x82: {  	[sflag:s24] =	ssyncadd.s32 @!p0 $0xFFFFD800  }
0x83: {  	[spmem:s30] =	stream.linear.scatter @!p0 [tilespmem:s22], [sflag:$0x3], $0x2800, $0x38;
	[tilespmem:$0x1F780] =	vst v63  }
0x84: {  	_ =	swait.ge @!p0 [sflag:s24], $0x2800  }
0x85: {  	[sflag:s24] =	ssyncset.done @!p0 $0x0  }
0x86: {  	[sflag:s24] =	ssyncadd.s32 @!p0 $0xFFFFD800  }
0x87: {  	[tilespmem:s22], [sflag:$0x3] =	stream.linear.gather @!p0 [hbm4b:s31+s14], $0x2800, $0x38;
	[tilespmem:$0x1F780] =	vst v63  }
0x88: {  	_ =	swait.ge @!p0 [sflag:s24], $0x2800  }
0x89: {  	[sflag:s24] =	ssyncset.done @!p0 $0x0  }
0x8a: {  	[sflag:s24] =	ssyncadd.s32 @!p0 $0xFFFFD800  }
0x8b: {  	[spmem:s12] =	stream.linear.scatter @!p0 [tilespmem:s22], [sflag:$0x3], $0x2800, $0x38;
	[tilespmem:$0x1F780] =	vst v63  }
0x8c: {  	_ =	swait.ge @!p0 [sflag:s24], $0x2800  }
0x8d: {  	[sflag:s24] =	ssyncset.done @!p0 $0x0  }
0x8e: {  	[sflag:s24] =	ssyncadd.s32 @!p0 $0xFFFFD800  }
0x8f: {  	[tilespmem:s22], [sflag:$0x3] =	stream.linear.gather @!p0 [hbm4b:s0+s14], $0x2800, $0x38;
	[tilespmem:$0x1F780] =	vst v63  }
0x90: {  	_ =	swait.ge [sflag:s13], $0x2800  }
0x91: {  	[sflag:s13] =	ssyncset.done $0x0  }
0x92: {  	s29 =	rddreg [dreg:$0xc];
	[sflag:s13] =	ssyncadd.s32 $0xFFFFD800  }
0x93: {  	[spmem:s29] =	stream.linear.scatter [tilespmem:s7], [sflag:$0x3], $0x2800, $0x38;
	[tilespmem:$0x1F780] =	vst v63  }
0x94: {  	_ =	swait.ge [sflag:s13], $0x2800  }
0x95: {  	[sflag:s13] =	ssyncset.done $0x0  }
0x96: {  	[sflag:s13] =	ssyncadd.s32 $0xFFFFD800  }
0x97: {  	[bflag:$0x0] =	sbarrier.arrive $0xFFFF  }
0x98: {  	[tilespmem:s7], [sflag:$0x1] =	stream.indirect.gather [hbm4b:s15+s16], $0x80, s11, s16, $0xb8;
	[tilespmem:$0x1F780] =	vst v63  }
0x99: {  	s22 =	simm.s32 $0x50  }
0x9a: {  	[tilespmem:s17], [sflag:$0x2] =	stream.indirect.gather [hbm4b:s15+s16], $0x80, s22, s16, $0xb8;
	[tilespmem:$0x1F780] =	vst v63  }
0x9b: {  	_ =	swait.ge [sflag:s18], $0x2800  }
0x9c: {  	[sflag:s18] =	ssyncset.done $0x0  }
0x9d: {  	s24 =	simm.s32 $0x2780;
	[sflag:s18] =	ssyncadd.s32 $0xFFFFD800  }
0x9e: {  	[spmem:s1] =	stream.indirect.scatter.add.f32 [tilespmem:s7], [sflag:$0x3], $0x80, s24, s16, $0xb8;
	[tilespmem:$0x1F780] =	vst v63  }
0x9f: {  	_ =	swait.ge [sflag:s13], $0x2800  }
0xa0: {  	[sflag:s13] =	ssyncset.done $0x0  }
0xa1: {  	s26 =	simm.s32 $0xA0;
	[sflag:s13] =	ssyncadd.s32 $0xFFFFD800  }
0xa2: {  	[tilespmem:s7], [sflag:$0x1] =	stream.indirect.gather [hbm4b:s15+s16], $0x80, s26, s16, $0xb8;
	[tilespmem:$0x1F780] =	vst v63  }
0xa3: {  	_ =	swait.ge [sflag:s19], $0x2800  }
0xa4: {  	[sflag:s19] =	ssyncset.done $0x0  }
0xa5: {  	s29 =	simm.s32 $0x2800;
	[sflag:s19] =	ssyncadd.s32 $0xFFFFD800  }
0xa6: {  	[spmem:s1] =	stream.indirect.scatter.add.f32 [tilespmem:s17], [sflag:$0x3], $0x80, s29, s16, $0xb8;
	[tilespmem:$0x1F780] =	vst v63  }
0xa7: {  	s14 =	simm.s32 $0x800;
	_ =	swait.ge [sflag:s13], $0x2800  }
0xa8: {  	s22 =	simm.s32 $0x140;
	s24 =	simm.s32 $0x400;
	[sflag:s13] =	ssyncset.done $0x0  }
.LBB2_2:
0xa9: {  	p1 =	sne.s32 s14, $0xF400;
	s26 =	sadd.s32 $0xFFFFFFB0, s22;
	[sflag:s13] =	ssyncadd.s32 $0xFFFFD800  }
0xaa: {  	[tilespmem:s17], [sflag:$0x2] =	stream.indirect.gather [hbm4b:s15+s16], $0x80, s26, s16, $0xb8;
	[tilespmem:$0x1F780] =	vst v63  }
0xab: {  	s26 =	smov.u32 s14;
	s14 =	sadd.s32 $0x400, s14;
	_ =	swait.ge [sflag:s18], $0x2800  }
0xac: {  	s29 =	sshra.s32 s24, $0x2;
	s24 =	smov.u32 s26;
	[sflag:s18] =	ssyncset.done $0x0  }
0xad: {  	s26 =	sadd.s32 $0x2780, s29;
	[sflag:s18] =	ssyncadd.s32 $0xFFFFD800  }
0xae: {  	[spmem:s1] =	stream.indirect.scatter.add.f32 [tilespmem:s7], [sflag:$0x3], $0x80, s26, s16, $0xb8;
	[tilespmem:$0x1F780] =	vst v63  }
0xaf: {  	_ =	swait.ge [sflag:s13], $0x2800  }
0xb0: {  	[sflag:s13] =	ssyncset.done $0x0  }
0xb1: {  	[sflag:s13] =	ssyncadd.s32 $0xFFFFD800  }
0xb2: {  	[tilespmem:s7], [sflag:$0x1] =	stream.indirect.gather [hbm4b:s15+s16], $0x80, s22, s16, $0xb8;
	[tilespmem:$0x1F780] =	vst v63  }
0xb3: {  	_ =	swait.ge [sflag:s19], $0x2800  }
.Ltmp0:
0xb4: {  	[sflag:s19] =	ssyncset.done $0x0;
	(pc) =	sbr.rel @p1 .LBB2_2-.Ltmp0, $4  }
0xb5: {  	s26 =	sadd.s32 $0x2800, s29;
	[sflag:s19] =	ssyncadd.s32 $0xFFFFD800  }
0xb6: {  	[spmem:s1] =	stream.indirect.scatter.add.f32 [tilespmem:s17], [sflag:$0x3], $0x80, s26, s16, $0xb8;
	[tilespmem:$0x1F780] =	vst v63  }
0xb7: {  	_ =	swait.ge [sflag:s13], $0x2800  }
0xb8: {  	s22 =	sadd.s32 $0xA0, s22;
	[sflag:s13] =	ssyncset.done $0x0  }
0xb9: {  	s14 =	sadd.s32 $0xFFFFFFB0, s22;
	[sflag:s13] =	ssyncadd.s32 $0xFFFFD800  }
0xba: {  	[tilespmem:s17], [sflag:$0x2] =	stream.indirect.gather [hbm4b:s15+s16], $0x80, s14, s16, $0xb8;
	[tilespmem:$0x1F780] =	vst v63  }
0xbb: {  	_ =	swait.ge [sflag:s18], $0x2800  }
0xbc: {  	s29 =	sshra.s32 s24, $0x2;
	[sflag:s18] =	ssyncset.done $0x0  }
0xbd: {  	s24 =	sadd.s32 $0x2780, s29;
	[sflag:s18] =	ssyncadd.s32 $0xFFFFD800  }
0xbe: {  	[spmem:s1] =	stream.indirect.scatter.add.f32 [tilespmem:s7], [sflag:$0x3], $0x80, s24, s16, $0xb8;
	[tilespmem:$0x1F780] =	vst v63  }
0xbf: {  	_ =	swait.ge [sflag:s13], $0x2800  }
0xc0: {  	[sflag:s13] =	ssyncset.done $0x0  }
0xc1: {  	[sflag:s13] =	ssyncadd.s32 $0xFFFFD800  }
0xc2: {  	[tilespmem:s7], [sflag:$0x1] =	stream.indirect.gather [hbm4b:s15+s16], $0x80, s22, s16, $0xb8;
	[tilespmem:$0x1F780] =	vst v63  }
0xc3: {  	_ =	swait.ge [sflag:s19], $0x2800  }
0xc4: {  	[sflag:s19] =	ssyncset.done $0x0  }
0xc5: {  	s14 =	sadd.s32 $0x2800, s29;
	[sflag:s19] =	ssyncadd.s32 $0xFFFFD800  }
0xc6: {  	[spmem:s1] =	stream.indirect.scatter.add.f32 [tilespmem:s17], [sflag:$0x3], $0x80, s14, s16, $0xb8;
	[tilespmem:$0x1F780] =	vst v63  }
0xc7: {  	_ =	swait.ge [sflag:s13], $0x2800  }
0xc8: {  	[sflag:s13] =	ssyncset.done $0x0  }
0xc9: {  	[sflag:s13] =	ssyncadd.s32 $0xFFFFD800  }
0xca: {  	_ =	swait.ge [sflag:s18], $0x2800  }
0xcb: {  	[sflag:s18] =	ssyncset.done $0x0  }
0xcc: {  	s26 =	simm.s32 $0x6580;
	[sflag:s18] =	ssyncadd.s32 $0xFFFFD800  }
0xcd: {  	[spmem:s1] =	stream.indirect.scatter.add.f32 [tilespmem:s7], [sflag:$0x3], $0x80, s26, s16, $0xb8;
	[tilespmem:$0x1F780] =	vst v63  }
0xce: {  	_ =	swait.ge [sflag:s13], $0x2800  }
0xcf: {  	[sflag:s13] =	ssyncset.done $0x0  }
0xd0: {  	[sflag:s13] =	ssyncadd.s32 $0xFFFFD800  }
0xd1: {  	[bflag:$0x0] =	sbarrier.arrive $0xFFFF  }
0xd2: {  	[tilespmem:s7], [sflag:$0x3] =	stream.linear.gather [spmem:s2], $0x2800, $0x38;
	[tilespmem:$0x1F780] =	vst v63  }
0xd3: {  	_ =	swait.ge [sflag:s13], $0x2800  }
0xd4: {  	[sflag:s13] =	ssyncset.done $0x0  }
0xd5: {  	s29 =	rddreg [dreg:$0x3];
	[sflag:s13] =	ssyncadd.s32 $0xFFFFD800  }
0xd6: {  	[hbm4b:s29+s11] =	stream.linear.scatter [tilespmem:s7], [sflag:$0x3], $0x2800, $0x38;
	[tilespmem:$0x1F780] =	vst v63  }
0xd7: {  	_ =	swait.ge [sflag:s13], $0x2800  }
0xd8: {  	[sflag:s13] =	ssyncset.done $0x0  }
0xd9: {  	[sflag:s13] =	ssyncadd.s32 $0xFFFFD800  }
0xda: {  	[tilespmem:s7], [sflag:$0x3] =	stream.linear.gather [spmem:s21], $0x2800, $0x38;
	[tilespmem:$0x1F780] =	vst v63  }
0xdb: {  	_ =	swait.ge [sflag:s13], $0x2800  }
0xdc: {  	[sflag:s13] =	ssyncset.done $0x0  }
0xdd: {  	s22 =	rddreg [dreg:$0x4];
	[sflag:s13] =	ssyncadd.s32 $0xFFFFD800  }
0xde: {  	[hbm4b:s22+s11] =	stream.linear.scatter [tilespmem:s7], [sflag:$0x3], $0x2800, $0x38;
	[tilespmem:$0x1F780] =	vst v63  }
0xdf: {  	_ =	swait.ge [sflag:s13], $0x2800  }
0xe0: {  	[sflag:s13] =	ssyncset.done $0x0  }
0xe1: {  	[sflag:s13] =	ssyncadd.s32 $0xFFFFD800  }
0xe2: {  	[tilespmem:s7], [sflag:$0x3] =	stream.linear.gather [spmem:s23], $0x2800, $0x38;
	[tilespmem:$0x1F780] =	vst v63  }
0xe3: {  	_ =	swait.ge [sflag:s13], $0x2800  }
0xe4: {  	[sflag:s13] =	ssyncset.done $0x0  }
0xe5: {  	s24 =	rddreg [dreg:$0x5];
	[sflag:s13] =	ssyncadd.s32 $0xFFFFD800  }
0xe6: {  	[hbm4b:s24+s11] =	stream.linear.scatter [tilespmem:s7], [sflag:$0x3], $0x2800, $0x38;
	[tilespmem:$0x1F780] =	vst v63  }
0xe7: {  	_ =	swait.ge [sflag:s13], $0x2800  }
0xe8: {  	[sflag:s13] =	ssyncset.done $0x0  }
0xe9: {  	[sflag:s13] =	ssyncadd.s32 $0xFFFFD800  }
0xea: {  	[tilespmem:s7], [sflag:$0x3] =	stream.linear.gather [spmem:s25], $0x2800, $0x38;
	[tilespmem:$0x1F780] =	vst v63  }
0xeb: {  	_ =	swait.ge [sflag:s13], $0x2800  }
0xec: {  	[sflag:s13] =	ssyncset.done $0x0  }
0xed: {  	s26 =	rddreg [dreg:$0x6];
	[sflag:s13] =	ssyncadd.s32 $0xFFFFD800  }
0xee: {  	[hbm4b:s26+s11] =	stream.linear.scatter [tilespmem:s7], [sflag:$0x3], $0x2800, $0x38;
	[tilespmem:$0x1F780] =	vst v63  }
0xef: {  	_ =	swait.ge [sflag:s13], $0x2800  }
0xf0: {  	[sflag:s13] =	ssyncset.done $0x0  }
0xf1: {  	[sflag:s13] =	ssyncadd.s32 $0xFFFFD800  }
0xf2: {  	[tilespmem:s7], [sflag:$0x3] =	stream.linear.gather [spmem:s28], $0x2800, $0x38;
	[tilespmem:$0x1F780] =	vst v63  }
0xf3: {  	_ =	swait.ge [sflag:s13], $0x2800  }
0xf4: {  	[sflag:s13] =	ssyncset.done $0x0  }
0xf5: {  	s29 =	rddreg [dreg:$0x8];
	[sflag:s13] =	ssyncadd.s32 $0xFFFFD800  }
0xf6: {  	[hbm4b:s29+s11] =	stream.linear.scatter [tilespmem:s7], [sflag:$0x3], $0x2800, $0x38;
	[tilespmem:$0x1F780] =	vst v63  }
0xf7: {  	_ =	swait.ge [sflag:s13], $0x2800  }
0xf8: {  	[sflag:s13] =	ssyncset.done $0x0  }
0xf9: {  	[sflag:s13] =	ssyncadd.s32 $0xFFFFD800  }
0xfa: {  	[tilespmem:s7], [sflag:$0x3] =	stream.linear.gather [spmem:s30], $0x2800, $0x38;
	[tilespmem:$0x1F780] =	vst v63  }
0xfb: {  	_ =	swait.ge [sflag:s13], $0x2800  }
0xfc: {  	[sflag:s13] =	ssyncset.done $0x0  }
0xfd: {  	s22 =	rddreg [dreg:$0x9];
	[sflag:s13] =	ssyncadd.s32 $0xFFFFD800  }
0xfe: {  	[hbm4b:s22+s11] =	stream.linear.scatter [tilespmem:s7], [sflag:$0x3], $0x2800, $0x38;
	[tilespmem:$0x1F780] =	vst v63  }
0xff: {  	_ =	swait.ge [sflag:s13], $0x2800  }
0x100: {  	[sflag:s13] =	ssyncset.done $0x0  }
0x101: {  	[sflag:s13] =	ssyncadd.s32 $0xFFFFD800  }
0x102: {  	[tilespmem:s7], [sflag:$0x3] =	stream.linear.gather [spmem:s12], $0x2800, $0x38;
	[tilespmem:$0x1F780] =	vst v63  }
0x103: {  	_ =	swait.ge [sflag:s13], $0x2800  }
0x104: {  	[sflag:s13] =	ssyncset.done $0x0  }
0x105: {  	s24 =	rddreg [dreg:$0xa];
	[sflag:s13] =	ssyncadd.s32 $0xFFFFD800  }
0x106: {  	[hbm4b:s24+s11] =	stream.linear.scatter [tilespmem:s7], [sflag:$0x3], $0x2800, $0x38;
	[tilespmem:$0x1F780] =	vst v63  }
0x107: {  	_ =	swait.ge [sflag:s13], $0x2800  }
0x108: {  	[sflag:s13] =	ssyncset.done $0x0  }
0x109: {  	s26 =	rddreg [dreg:$0x7];
	[sflag:s13] =	ssyncadd.s32 $0xFFFFD800  }
0x10a: {  	[tilespmem:s7], [sflag:$0x3] =	stream.linear.gather [spmem:s26], $0x2800, $0x38;
	[tilespmem:$0x1F780] =	vst v63  }
0x10b: {  	s20 =	sadd.s32 $0x1, s20;
	_ =	swait.ge [sflag:s13], $0x2800  }
0x10c: {  	p1 =	sne.s32 s20, s3;
	[sflag:s13] =	ssyncset.done $0x0  }
.Ltmp1:
0x10d: {  	s29 =	rddreg [dreg:$0xb];
	[sflag:s13] =	ssyncadd.s32 $0xFFFFD800;
	(pc) =	sbr.rel @p1 .LBB2_1-.Ltmp1, $4  }
0x10e: {  	[hbm4b:s29+s11] =	stream.linear.scatter [tilespmem:s7], [sflag:$0x3], $0x2800, $0x38;
	[tilespmem:$0x1F780] =	vst v63  }
0x10f: {  	_ =	swait.ge [sflag:s13], $0x2800  }
0x110: {  	[sflag:s13] =	ssyncset.done $0x0  }
0x111: {  	[sflag:s13] =	ssyncadd.s32 $0xFFFFD800  }
0x112: {  	_ =	sfence.sel $0x180000  }
0x113: {  	[bflag:$0x0] =	sbarrier.arrive $0xFFFF  }
0x114: {  	_ =	strace $0x90000050  }
0x115: {  	s0 =	stileid.u32;
	[bflag:$0x2] =	sbarrier.arrive $0xFFFF  }
0x116: {  	p0 =	sne.s32 s0, $0x0;
	s0 =	rddreg [dreg:$0x2]  }
0x117: {  	s0 =	sadd.s32 @!p0 $0x100000, s0  }
0x118: {  	[sflag:s0] =	ssyncadd.tile.s32 @!p0 $0x1;
	_ =	shalt  }
.Lfunc_end2:
_tile_overlayer_lowered:
.L_overlay_start_2:
0x119: {  	(tag) =	ssettag $0x2  }
0x11a: {  	s0 =	rddreg [dreg:$0x0];
	s2 =	stileid.u32  }
0x11b: {  	s1 =	rddreg [dreg:$0x1];
	p0 =	sne.s32 s2, $0x0  }
0x11c: {  	s3 =	rddreg [dreg:$0x2];
	[bflag:$0x3] =	sbarrier.arrive $0xFFFF;
	s2 =	simm.s32 @!p0 $0x1C03  }
0x11d: {  	[timem:s3], [sflag:s2] =	dma.local @!p0 [hbm:s0], s1  }
0x11e: {  	s0 =	simm.s32 @!p0 $0x3  }
0x11f: {  	_ =	swait.ge @!p0 [sflag:s0], s1  }
0x120: {  	s1 =	ssub.s32 @!p0 $0x0, s1;
	[sflag:s0] =	ssyncset.done @!p0 $0x0  }
0x121: {  	[sflag:s0] =	ssyncadd.s32 @!p0 s1  }
0x122: {  	[bflag:$0x3] =	sbarrier.arrive $0xFFFF  }
0x123: {  	_ =	shalt  }

</sc_bundles>
